<compile_context>
chip_gen: v7x
topology: tpu7x:2x2x1
jax: 0.10.2.dev20260603
libtpu: 0.0.44.dev20260713+nightly
codegen_flags: <defaults>
</compile_context>

<pallas_src>
import functools
import jax
import jax.numpy as jnp
from jax import lax
from jax.experimental import pallas as pl
from jax.experimental.pallas import tpu as pltpu
from jax.experimental.pallas import tpu_sc as plsc

N = 10000
E = 320000
D = 64
NC = 2
NS = 16
NW = NC * NS
CH = 128
EPW = E // NW
NFULL = EPW // CH
TAIL = EPW - NFULL * CH
NB = 4
NPAIR = NFULL // (2 * NB)
NREM = NFULL - 2 * NPAIR * NB

BNE = 2048
BN = 2000
NBLK = N // BN

_mesh = lambda: plsc.VectorSubcoreMesh(core_axis_name="c", subcore_axis_name="s")


def _sc_deg(edge_index):
    @functools.partial(
        pl.kernel,
        out_type=jax.ShapeDtypeStruct((NW, N), jnp.float32),
        mesh=_mesh(),
        compiler_params=pltpu.CompilerParams(needs_layout_passes=False, use_tc_tiling_on_sc=False),
        scratch_types=[
            pltpu.VMEM((N,), jnp.float32),
            pltpu.VMEM((EPW,), jnp.int32),
            pltpu.SemaphoreType.DMA,
        ],
    )
    def k(ei_hbm, pdeg_hbm, deg_v, idx_v, sem):
        c = lax.axis_index("c")
        s = lax.axis_index("s")
        wid = s * NC + c
        zeros = jnp.zeros((16,), jnp.float32)
        ones = jnp.ones((16,), jnp.float32)

        icp = pltpu.async_copy(ei_hbm.at[1].at[pl.ds(wid * EPW, EPW)], idx_v, sem)

        def zero_body(i, carry):
            deg_v[pl.ds(i * 16, 16)] = zeros
            return carry

        lax.fori_loop(0, N // 16, zero_body, 0)
        icp.wait()

        def h_body(i, carry):
            for j in range(25):
                idx = idx_v[pl.ds((i * 25 + j) * 16, 16)]
                plsc.addupdate_scatter(deg_v, [idx], ones)
            return carry

        lax.fori_loop(0, EPW // (25 * 16), h_body, 0)

        pltpu.sync_copy(deg_v, pdeg_hbm.at[wid])

    return k(edge_index)


def _sc_scatter(hwp, edge_index):
    @functools.partial(
        pl.kernel,
        out_type=jax.ShapeDtypeStruct((NC * N, D), jnp.float32),
        mesh=_mesh(),
        compiler_params=pltpu.CompilerParams(needs_layout_passes=False, use_tc_tiling_on_sc=False),
        scratch_types=[
            pltpu.VMEM((EPW,), jnp.int32),
            pltpu.VMEM((EPW,), jnp.int32),
            pltpu.VMEM((2 * NB, CH, D), jnp.float32),
            pltpu.VMEM_SHARED((N, D), jnp.float32),
            pltpu.SemaphoreType.DMA,
            pltpu.SemaphoreType.DMA,
            pltpu.SemaphoreType.DMA,
        ],
    )
    def k(hwp_hbm, ei_hbm, out_hbm, sidx_v, didx_v, rows_v, acc_sh,
          gsem, ssem0, ssem1):
        c = lax.axis_index("c")
        s = lax.axis_index("s")
        wid = s * NC + c
        zeros = jnp.zeros((16,), jnp.float32)

        ebase = wid * EPW
        icp0 = pltpu.async_copy(ei_hbm.at[0].at[pl.ds(ebase, EPW)], sidx_v, gsem)
        icp1 = pltpu.async_copy(ei_hbm.at[1].at[pl.ds(ebase, EPW)], didx_v, gsem)

        def zero_body(i, carry):
            for j in range(D // 16):
                rows_v[0, i, pl.ds(j * 16, 16)] = zeros
            return carry

        lax.fori_loop(0, CH, zero_body, 0)
        for t in range(5):
            cid = s + NS * t
            base = pl.multiple_of(cid * CH, CH)

            @pl.when(cid < N // CH)
            def _():
                pltpu.sync_copy(rows_v.at[0], acc_sh.at[pl.ds(base, CH)])

            @pl.when(cid == N // CH)
            def _():
                pltpu.sync_copy(rows_v.at[0].at[pl.ds(0, N % CH)],
                                acc_sh.at[pl.ds((N // CH) * CH, N % CH)])

        icp0.wait()
        icp1.wait()
        plsc.subcore_barrier()

        dummy = hwp_hbm.at[pl.ds(0, CH)]

        def fire_gathers(g, s0, nb=NB):
            gb = g * (NB * CH)
            for b in range(nb):
                pltpu.async_copy(
                    hwp_hbm.at[sidx_v.at[pl.ds(gb + b * CH, CH)]],
                    rows_v.at[s0 + b], gsem)

        def drain(sem_, s0, nb=NB):
            for b in range(nb):
                pltpu.make_async_copy(dummy, rows_v.at[s0 + b], sem_).wait()

        def fire_adds(g, s0, sem_, nb=NB):
            gb = g * (NB * CH)
            for b in range(nb):
                pltpu.async_copy(
                    rows_v.at[s0 + b],
                    acc_sh.at[didx_v.at[pl.ds(gb + b * CH, CH)]],
                    sem_, add=True)

        fire_gathers(0, 0)

        def p_body(kk, carry):
            g0 = 2 * kk
            drain(gsem, 0)
            fire_adds(g0, 0, ssem0)

            @pl.when(kk > 0)
            def _():
                drain(ssem1, NB)

            fire_gathers(g0 + 1, NB)
            drain(gsem, NB)
            fire_adds(g0 + 1, NB, ssem1)
            drain(ssem0, 0)

            @pl.when(kk < NPAIR - 1)
            def _():
                fire_gathers(g0 + 2, 0)

            return carry

        lax.fori_loop(0, NPAIR, p_body, 0)
        ge = 2 * NPAIR
        fire_gathers(ge, 0)
        drain(gsem, 0)
        fire_adds(ge, 0, ssem0)
        drain(ssem1, NB)
        fire_gathers(ge + 1, NB, NREM - NB)
        drain(gsem, NB, NREM - NB)
        fire_adds(ge + 1, NB, ssem1, NREM - NB)
        drain(ssem0, 0)
        drain(ssem1, NB, NREM - NB)

        tb = NFULL * CH
        pltpu.async_copy(hwp_hbm.at[sidx_v.at[pl.ds(tb, TAIL)]],
                         rows_v.at[0].at[pl.ds(0, TAIL)], gsem).wait()
        pltpu.sync_copy(rows_v.at[0].at[pl.ds(0, TAIL)],
                        acc_sh.at[didx_v.at[pl.ds(tb, TAIL)]], add=True)

        plsc.subcore_barrier()

        for t in range(5):
            cid = s + NS * t
            base = pl.multiple_of(cid * CH, CH)

            @pl.when(cid < N // CH)
            def _():
                pltpu.sync_copy(acc_sh.at[pl.ds(base, CH)],
                                out_hbm.at[pl.ds(c * N + base, CH)])

            @pl.when(cid == N // CH)
            def _():
                tail = N % CH
                t0 = (N // CH) * CH
                pltpu.sync_copy(acc_sh.at[pl.ds(t0, tail)],
                                out_hbm.at[pl.ds(c * N + t0, tail)])

    return k(hwp, edge_index)


def _lrelu(v):
    return jnp.where(v >= 0, v, 0.01 * v)


def _dinv_of(pdeg_blk):
    deg = jnp.sum(pdeg_blk, axis=0) + 1.0
    return lax.rsqrt(deg)[:, None]


def _dot(a, b):
    return jnp.dot(a, b, preferred_element_type=jnp.float32)


def _tc_encoder(x, W1, b1, W2, b2, g1W, pdeg):
    def body(x_r, w1_r, b1_r, w2_r, b2_r, g1w_r, pdeg_r, out_r, dinv_r):
        h = _lrelu(_dot(x_r[...], w1_r[...]) + b1_r[...])
        h = _lrelu(_dot(h, w2_r[...]) + b2_r[...])
        dinv = _dinv_of(pdeg_r[...])
        out_r[...] = _dot(h, g1w_r[...]) * dinv
        dinv_r[...] = dinv

    full = lambda shape: pl.BlockSpec(shape, lambda i: (0,) * len(shape))
    return pl.pallas_call(
        body,
        grid=(pl.cdiv(N, BNE),),
        in_specs=[
            pl.BlockSpec((BNE, 128), lambda i: (i, 0)),
            full((128, 128)),
            full((1, 128)),
            full((128, D)),
            full((1, D)),
            full((D, D)),
            pl.BlockSpec((NW, BNE), lambda i: (0, i)),
        ],
        out_specs=[pl.BlockSpec((BNE, D), lambda i: (i, 0)),
                   pl.BlockSpec((BNE, 1), lambda i: (i, 0))],
        out_shape=[jax.ShapeDtypeStruct((N, D), jnp.float32),
                   jax.ShapeDtypeStruct((N, 1), jnp.float32)],
    )(x, W1, b1, W2, b2, g1W, pdeg)


def _tc_combine(part, hwp, dinv, gW, gb):
    def body(p0_r, p1_r, hwp_r, dinv_r, gw_r, gb_r, out_r):
        dinv = dinv_r[...]
        h = _lrelu((p0_r[...] + p1_r[...] + hwp_r[...]) * dinv + gb_r[...])
        out_r[...] = _dot(h, gw_r[...]) * dinv

    full = lambda shape: pl.BlockSpec(shape, lambda i: (0,) * len(shape))
    blk = pl.BlockSpec((BN, D), lambda i: (i, 0))
    return pl.pallas_call(
        body,
        grid=(NBLK,),
        in_specs=[pl.BlockSpec((BN, D), lambda i: (i, 0)),
                  pl.BlockSpec((BN, D), lambda i: (i + NBLK, 0)),
                  blk,
                  pl.BlockSpec((BN, 1), lambda i: (i, 0)),
                  full((D, D)), full((1, D))],
        out_specs=pl.BlockSpec((BN, D), lambda i: (i, 0)),
        out_shape=jax.ShapeDtypeStruct((N, D), jnp.float32),
    )(part, part, hwp, dinv, gW, gb)


def _tc_final(part, hwp, dinv, gb, cW, cb):
    def body(p0_r, p1_r, hwp_r, dinv_r, gb_r, cw_r, cb_r, h_r, log_r):
        dinv = dinv_r[...]
        h = _lrelu((p0_r[...] + p1_r[...] + hwp_r[...]) * dinv + gb_r[...])
        h_r[...] = h
        log_r[...] = _dot(h, cw_r[...]) + cb_r[...]

    full = lambda shape: pl.BlockSpec(shape, lambda i: (0,) * len(shape))
    return pl.pallas_call(
        body,
        grid=(NBLK,),
        in_specs=[pl.BlockSpec((BN, D), lambda i: (i, 0)),
                  pl.BlockSpec((BN, D), lambda i: (i + NBLK, 0)),
                  pl.BlockSpec((BN, D), lambda i: (i, 0)),
                  pl.BlockSpec((BN, 1), lambda i: (i, 0)),
                  full((1, D)), full((D, 2)), full((1, 2))],
        out_specs=[pl.BlockSpec((BN, D), lambda i: (i, 0)),
                   pl.BlockSpec((BN, 2), lambda i: (i, 0))],
        out_shape=[jax.ShapeDtypeStruct((N, D), jnp.float32),
                   jax.ShapeDtypeStruct((N, 2), jnp.float32)],
    )(part, part, hwp, dinv, gb, cW, cb)


def kernel(x, edge_index, W1, b1, W2, b2, g1W, g1b, g2W, g2b, cW, cb):
    pdeg = _sc_deg(edge_index)
    hw1p, dinv = _tc_encoder(x, W1, b1.reshape(1, -1), W2, b2.reshape(1, -1),
                             g1W, pdeg)
    part1 = _sc_scatter(hw1p, edge_index)
    hw2p = _tc_combine(part1, hw1p, dinv, g2W, g1b.reshape(1, -1))
    part2 = _sc_scatter(hw2p, edge_index)
    h, logits = _tc_final(part2, hw2p, dinv, g2b.reshape(1, -1),
                          cW, cb.reshape(1, -1))
    return (logits, h)

# --- scband reference (transcript-rebuilt; emitter-appended) ---
"""Pipeline reference for scband-entropy-evaluator-87832081203327 (READ-ONLY COPY).

The authoritative reference and input builder live on the scoring server;
editing this copy changes nothing except your own understanding.
"""

import jax, jax.numpy as jnp
import numpy as np

N = 10000
E = 320000
D_IN = 128
D_H = 128
D_OUT = 64
C = 2


def setup_inputs(seed: int = 0) -> dict:
    key = jax.random.key(seed)
    ks = jax.random.split(key, 12)
    x = jax.random.normal(ks[0], (N, D_IN), dtype=jnp.float32)
    edge_index = jax.random.randint(ks[1], (2, E), 0, N, dtype=jnp.int32)
    W1 = jax.random.normal(ks[2], (D_IN, D_H), dtype=jnp.float32) * 0.05
    b1 = jnp.zeros((D_H,), dtype=jnp.float32)
    W2 = jax.random.normal(ks[3], (D_H, D_OUT), dtype=jnp.float32) * 0.05
    b2 = jnp.zeros((D_OUT,), dtype=jnp.float32)
    g1W = jax.random.normal(ks[4], (D_OUT, D_OUT), dtype=jnp.float32) * 0.05
    g1b = jnp.zeros((D_OUT,), dtype=jnp.float32)
    g2W = jax.random.normal(ks[5], (D_OUT, D_OUT), dtype=jnp.float32) * 0.05
    g2b = jnp.zeros((D_OUT,), dtype=jnp.float32)
    cW = jax.random.normal(ks[6], (D_OUT, C), dtype=jnp.float32) * 0.05
    cb = jnp.zeros((C,), dtype=jnp.float32)
    return {"x": x, "edge_index": edge_index, "W1": W1, "b1": b1, "W2": W2, "b2": b2,
            "g1W": g1W, "g1b": g1b, "g2W": g2W, "g2b": g2b, "cW": cW, "cb": cb}


def _lrelu(v):
    return jnp.where(v >= 0, v, 0.01 * v)


def _gcn_conv(h, W, b, src, dst):
    # PyG GCNConv: add self-loops, symmetric normalization, linear transform, scatter-add, bias
    loop = jnp.arange(N, dtype=src.dtype)
    s = jnp.concatenate([src, loop])
    d = jnp.concatenate([dst, loop])
    deg = jnp.zeros((N,), dtype=jnp.float32).at[d].add(1.0)
    dinv = 1.0 / jnp.sqrt(deg)
    norm = (dinv[s] * dinv[d])[:, None]
    hw = h @ W
    out = jnp.zeros((N, hw.shape[1]), dtype=jnp.float32).at[d].add(hw[s] * norm)
    return out + b


def reference(x, edge_index, W1, b1, W2, b2, g1W, g1b, g2W, g2b, cW, cb):
    src, dst = edge_index[0], edge_index[1]
    # encoder (dropout is identity in eval mode)
    h = _lrelu(x @ W1 + b1)
    h = _lrelu(h @ W2 + b2)
    # two GCN layers with leaky relu
    h = _lrelu(_gcn_conv(h, g1W, g1b, src, dst))
    h = _lrelu(_gcn_conv(h, g2W, g2b, src, dst))
    logits = h @ cW + cb
    return (logits, h)

if __name__ == "__main__":
    import jax
    _d = setup_inputs()
    print(jax.jit(kernel)(*tuple(_d.values())))

</pallas_src>

<mosaic_0001>
#map = affine_map<(d0, d1) -> (0, 0)>
module attributes {stable_mosaic.version = 14 : i64} {
  func.func @k(%arg0: i32, %arg1: i32, %arg2: memref<10000x64xf32, #tpu.memory_space<hbm>>, %arg3: memref<2x320000xi32, #tpu.memory_space<hbm>>, %arg4: memref<20000x64xf32, #tpu.memory_space<hbm>>, %arg5: memref<10000xi32, #tpu.memory_space<vmem>>, %arg6: memref<10000xi32, #tpu.memory_space<vmem>>, %arg7: memref<8x128x64xf32, #tpu.memory_space<vmem>>, %arg8: memref<10000x64xf32, #tpu.memory_space<vmem_shared>>, %arg9: memref<!tpu.dma_semaphore, #tpu.memory_space<semaphore_mem>>, %arg10: memref<!tpu.dma_semaphore, #tpu.memory_space<semaphore_mem>>, %arg11: memref<!tpu.dma_semaphore, #tpu.memory_space<semaphore_mem>>) attributes {dimension_semantics = [#tpu.dimension_semantics<core_parallel>, #tpu.dimension_semantics<subcore_parallel>], iteration_bounds = array<i64: 2, 16>, scalar_prefetch = 0 : i64, scratch_operands = 7 : i64, tpu.core_type = #tpu.core_type<sc_vector_subcore>, window_params = [{transform_indices = #map}, {transform_indices = #map}, {transform_indices = #map}]} {
    %mul3A = arith.constant 2 : i32
    %mul3A_0 = arith.muli %arg1, %mul3A : i32
    %add3A = arith.addi %mul3A_0, %arg0 : i32
    %broadcast_in_dim3A = arith.constant 0.000000e+00 : f32
    %broadcast_in_dim3A_1 = vector.broadcast %broadcast_in_dim3A : f32 to vector<16xf32>
    %mul3A_2 = arith.constant 10000 : i32
    %mul3A_3 = arith.muli %add3A, %mul3A_2 : i32
    %dma_start3A = arith.constant 0 : i32
    %dma_start3A_4 = arith.constant 0 : i32
    %dma_start3A_5 = tpu.memref_slice %arg3[%dma_start3A, %dma_start3A_4] : memref<2x320000xi32, #tpu.memory_space<hbm>> -> memref<1x320000xi32, #tpu.memory_space<hbm>>
    %dma_start3A_6 = tpu.memref_squeeze %dma_start3A_5 : memref<1x320000xi32, #tpu.memory_space<hbm>> -> memref<320000xi32, #tpu.memory_space<hbm>>
    %dma_start3A_7 = tpu.memref_slice %dma_start3A_6[%mul3A_3] : memref<320000xi32, #tpu.memory_space<hbm>> -> memref<10000xi32, #tpu.memory_space<hbm>>
    %dma_start3A_8 = arith.constant 0 : i32
    %dma_start3A_9 = tpu.memref_slice %arg3[%dma_start3A, %dma_start3A_8] : memref<2x320000xi32, #tpu.memory_space<hbm>> -> memref<1x320000xi32, #tpu.memory_space<hbm>>
    %dma_start3A_10 = tpu.memref_squeeze %dma_start3A_9 : memref<1x320000xi32, #tpu.memory_space<hbm>> -> memref<320000xi32, #tpu.memory_space<hbm>>
    %dma_start3A_11 = tpu.memref_slice %dma_start3A_10[%mul3A_3] : memref<320000xi32, #tpu.memory_space<hbm>> -> memref<10000xi32, #tpu.memory_space<hbm>>
    tpu.enqueue_dma source(%dma_start3A_11 : memref<10000xi32, #tpu.memory_space<hbm>>) target(%arg5 : memref<10000xi32, #tpu.memory_space<vmem>>) target_semaphore(%arg9 : memref<!tpu.dma_semaphore, #tpu.memory_space<semaphore_mem>>)
    %dma_start3A_12 = arith.constant 1 : i32
    %dma_start3A_13 = arith.constant 0 : i32
    %dma_start3A_14 = tpu.memref_slice %arg3[%dma_start3A_12, %dma_start3A_13] : memref<2x320000xi32, #tpu.memory_space<hbm>> -> memref<1x320000xi32, #tpu.memory_space<hbm>>
    %dma_start3A_15 = tpu.memref_squeeze %dma_start3A_14 : memref<1x320000xi32, #tpu.memory_space<hbm>> -> memref<320000xi32, #tpu.memory_space<hbm>>
    %dma_start3A_16 = tpu.memref_slice %dma_start3A_15[%mul3A_3] : memref<320000xi32, #tpu.memory_space<hbm>> -> memref<10000xi32, #tpu.memory_space<hbm>>
    %dma_start3A_17 = arith.constant 0 : i32
    %dma_start3A_18 = tpu.memref_slice %arg3[%dma_start3A_12, %dma_start3A_17] : memref<2x320000xi32, #tpu.memory_space<hbm>> -> memref<1x320000xi32, #tpu.memory_space<hbm>>
    %dma_start3A_19 = tpu.memref_squeeze %dma_start3A_18 : memref<1x320000xi32, #tpu.memory_space<hbm>> -> memref<320000xi32, #tpu.memory_space<hbm>>
    %dma_start3A_20 = tpu.memref_slice %dma_start3A_19[%mul3A_3] : memref<320000xi32, #tpu.memory_space<hbm>> -> memref<10000xi32, #tpu.memory_space<hbm>>
    tpu.enqueue_dma source(%dma_start3A_20 : memref<10000xi32, #tpu.memory_space<hbm>>) target(%arg6 : memref<10000xi32, #tpu.memory_space<vmem>>) target_semaphore(%arg9 : memref<!tpu.dma_semaphore, #tpu.memory_space<semaphore_mem>>)
    %scan3A = arith.constant 0 : i32
    %scan3A_21 = arith.constant 0 : i32
    %scan3A_22 = arith.constant 128 : i32
    %scan3A_23 = arith.addi %scan3A_21, %scan3A_22 : i32
    %scan3A_24 = arith.constant 1 : i32
    scf.for %scan3A_621 = %scan3A_21 to %scan3A_23 step %scan3A_24  : i32 {
      %swap3A = arith.constant 0 : i32
      %swap3A_622 = arith.index_cast %swap3A : i32 to index
      %swap3A_623 = arith.index_cast %scan3A_621 : i32 to index
      %swap3A_624 = arith.constant 0 : index
      %swap3A_625 = tpu.vector_load %arg7[%swap3A_622, %swap3A_623, %swap3A_624] {strides = array<i32>} : memref<8x128x64xf32, #tpu.memory_space<vmem>>, vector<16xf32>,
      tpu.vector_store %arg7[%swap3A_622, %swap3A_623, %swap3A_624], %broadcast_in_dim3A_1 {strides = array<i32>} : memref<8x128x64xf32, #tpu.memory_space<vmem>>, vector<16xf32>,
      %swap3A_626 = arith.constant 0 : i32
      %swap3A_627 = arith.index_cast %swap3A_626 : i32 to index
      %swap3A_628 = arith.index_cast %scan3A_621 : i32 to index
      %swap3A_629 = arith.constant 16 : index
      %swap3A_630 = tpu.vector_load %arg7[%swap3A_627, %swap3A_628, %swap3A_629] {strides = array<i32>} : memref<8x128x64xf32, #tpu.memory_space<vmem>>, vector<16xf32>,
      tpu.vector_store %arg7[%swap3A_627, %swap3A_628, %swap3A_629], %broadcast_in_dim3A_1 {strides = array<i32>} : memref<8x128x64xf32, #tpu.memory_space<vmem>>, vector<16xf32>,
      %swap3A_631 = arith.constant 0 : i32
      %swap3A_632 = arith.index_cast %swap3A_631 : i32 to index
      %swap3A_633 = arith.index_cast %scan3A_621 : i32 to index
      %swap3A_634 = arith.constant 32 : index
      %swap3A_635 = tpu.vector_load %arg7[%swap3A_632, %swap3A_633, %swap3A_634] {strides = array<i32>} : memref<8x128x64xf32, #tpu.memory_space<vmem>>, vector<16xf32>,
      tpu.vector_store %arg7[%swap3A_632, %swap3A_633, %swap3A_634], %broadcast_in_dim3A_1 {strides = array<i32>} : memref<8x128x64xf32, #tpu.memory_space<vmem>>, vector<16xf32>,
      %swap3A_636 = arith.constant 0 : i32
      %swap3A_637 = arith.index_cast %swap3A_636 : i32 to index
      %swap3A_638 = arith.index_cast %scan3A_621 : i32 to index
      %swap3A_639 = arith.constant 48 : index
      %swap3A_640 = tpu.vector_load %arg7[%swap3A_637, %swap3A_638, %swap3A_639] {strides = array<i32>} : memref<8x128x64xf32, #tpu.memory_space<vmem>>, vector<16xf32>,
      tpu.vector_store %arg7[%swap3A_637, %swap3A_638, %swap3A_639], %broadcast_in_dim3A_1 {strides = array<i32>} : memref<8x128x64xf32, #tpu.memory_space<vmem>>, vector<16xf32>,
    }
    %scan3A_25 = arith.constant 128 : i32
    %add3A_26 = arith.constant 0 : i32
    %add3A_27 = arith.addi %arg1, %add3A_26 : i32
    %mul3A_28 = arith.constant 128 : i32
    %mul3A_29 = arith.muli %add3A_27, %mul3A_28 : i32
    %multiple_of3A = tpu.assume_multiple %mul3A_29, 128 : i32
    %lt3A = arith.constant 78 : i32
    %lt3A_30 = arith.cmpi slt, %add3A_27, %lt3A : i32
    %convert_element_type3A = arith.extui %lt3A_30 : i1 to i32
    %cond3A = arith.constant 0 : i32
    %cond3A_31 = arith.cmpi ne, %convert_element_type3A, %cond3A : i32
    scf.if %cond3A_31 {
      %run_scoped3A_621 = arith.constant 0 : i32
      "tpu.region"() ({
        %run_scoped3A_622 = tpu.sem_alloc : memref<!tpu.dma_semaphore, #tpu.memory_space<semaphore_mem>>
        %dma_start3A_623 = arith.constant 0 : i32
        %dma_start3A_624 = arith.constant 0 : i32
        %dma_start3A_625 = tpu.memref_slice %arg7[%run_scoped3A_621, %dma_start3A_623, %dma_start3A_624] : memref<8x128x64xf32, #tpu.memory_space<vmem>> -> memref<1x128x64xf32, #tpu.memory_space<vmem>>
        %dma_start3A_626 = tpu.memref_squeeze %dma_start3A_625 : memref<1x128x64xf32, #tpu.memory_space<vmem>> -> memref<128x64xf32, #tpu.memory_space<vmem>>
        %dma_start3A_627 = arith.constant 0 : i32
        %dma_start3A_628 = tpu.memref_slice %arg8[%multiple_of3A, %dma_start3A_627] : memref<10000x64xf32, #tpu.memory_space<vmem_shared>> -> memref<128x64xf32, #tpu.memory_space<vmem_shared>>
        %dma_start3A_629 = arith.constant 0 : i32
        %dma_start3A_630 = tpu.memref_slice %arg8[%multiple_of3A, %dma_start3A_629] : memref<10000x64xf32, #tpu.memory_space<vmem_shared>> -> memref<128x64xf32, #tpu.memory_space<vmem_shared>>
        %dma_start3A_631 = arith.constant 0 : i32
        %dma_start3A_632 = arith.constant 0 : i32
        %dma_start3A_633 = tpu.memref_slice %arg7[%run_scoped3A_621, %dma_start3A_631, %dma_start3A_632] : memref<8x128x64xf32, #tpu.memory_space<vmem>> -> memref<1x128x64xf32, #tpu.memory_space<vmem>>
        %dma_start3A_634 = tpu.memref_squeeze %dma_start3A_633 : memref<1x128x64xf32, #tpu.memory_space<vmem>> -> memref<128x64xf32, #tpu.memory_space<vmem>>
        tpu.enqueue_dma source(%dma_start3A_634 : memref<128x64xf32, #tpu.memory_space<vmem>>) target(%dma_start3A_630 : memref<128x64xf32, #tpu.memory_space<vmem_shared>>) target_semaphore(%run_scoped3A_622 : memref<!tpu.dma_semaphore, #tpu.memory_space<semaphore_mem>>)
        %dma_wait3A_635 = arith.constant 0 : i32
        %dma_wait3A_636 = arith.constant 0 : i32
        %dma_wait3A_637 = tpu.memref_slice %arg7[%run_scoped3A_621, %dma_wait3A_635, %dma_wait3A_636] : memref<8x128x64xf32, #tpu.memory_space<vmem>> -> memref<1x128x64xf32, #tpu.memory_space<vmem>>
        %dma_wait3A_638 = tpu.memref_squeeze %dma_wait3A_637 : memref<1x128x64xf32, #tpu.memory_space<vmem>> -> memref<128x64xf32, #tpu.memory_space<vmem>>
        %dma_wait3A_639 = arith.constant 0 : i32
        %dma_wait3A_640 = tpu.memref_slice %arg8[%multiple_of3A, %dma_wait3A_639] : memref<10000x64xf32, #tpu.memory_space<vmem_shared>> -> memref<128x64xf32, #tpu.memory_space<vmem_shared>>
        %dma_wait3A_641 = arith.constant 0 : i32
        %dma_wait3A_642 = tpu.memref_slice %arg8[%multiple_of3A, %dma_wait3A_641] : memref<10000x64xf32, #tpu.memory_space<vmem_shared>> -> memref<128x64xf32, #tpu.memory_space<vmem_shared>>
        %dma_wait3A_643 = arith.constant 0 : i32
        %dma_wait3A_644 = arith.constant 0 : i32
        %dma_wait3A_645 = tpu.memref_slice %arg7[%run_scoped3A_621, %dma_wait3A_643, %dma_wait3A_644] : memref<8x128x64xf32, #tpu.memory_space<vmem>> -> memref<1x128x64xf32, #tpu.memory_space<vmem>>
        %dma_wait3A_646 = tpu.memref_squeeze %dma_wait3A_645 : memref<1x128x64xf32, #tpu.memory_space<vmem>> -> memref<128x64xf32, #tpu.memory_space<vmem>>
        tpu.wait_dma2 semaphore(%run_scoped3A_622 : memref<!tpu.dma_semaphore, #tpu.memory_space<semaphore_mem>>) src(%dma_wait3A_646 : memref<128x64xf32, #tpu.memory_space<vmem>>) dst(%dma_wait3A_642 : memref<128x64xf32, #tpu.memory_space<vmem_shared>>)
        tpu.yield
      }) : () -> ()
    } else {
    }
    %eq3A = arith.constant 78 : i32
    %eq3A_32 = arith.cmpi eq, %add3A_27, %eq3A : i32
    %convert_element_type3A_33 = arith.extui %eq3A_32 : i1 to i32
    %cond3A_34 = arith.constant 0 : i32
    %cond3A_35 = arith.cmpi ne, %convert_element_type3A_33, %cond3A_34 : i32
    scf.if %cond3A_35 {
      %run_scoped3A_621 = arith.constant 0 : i32
      "tpu.region"() ({
        %run_scoped3A_622 = tpu.sem_alloc : memref<!tpu.dma_semaphore, #tpu.memory_space<semaphore_mem>>
        %dma_start3A_623 = arith.constant 0 : i32
        %dma_start3A_624 = arith.constant 0 : i32
        %dma_start3A_625 = tpu.memref_slice %arg7[%run_scoped3A_621, %dma_start3A_623, %dma_start3A_624] : memref<8x128x64xf32, #tpu.memory_space<vmem>> -> memref<1x128x64xf32, #tpu.memory_space<vmem>>
        %dma_start3A_626 = tpu.memref_squeeze %dma_start3A_625 : memref<1x128x64xf32, #tpu.memory_space<vmem>> -> memref<128x64xf32, #tpu.memory_space<vmem>>
        %dma_start3A_627 = arith.constant 0 : i32
        %dma_start3A_628 = arith.constant 0 : i32
        %dma_start3A_629 = tpu.memref_slice %dma_start3A_626[%dma_start3A_627, %dma_start3A_628] : memref<128x64xf32, #tpu.memory_space<vmem>> -> memref<16x64xf32, #tpu.memory_space<vmem>>
        %dma_start3A_630 = arith.constant 9984 : i32
        %dma_start3A_631 = arith.constant 0 : i32
        %dma_start3A_632 = tpu.memref_slice %arg8[%dma_start3A_630, %dma_start3A_631] : memref<10000x64xf32, #tpu.memory_space<vmem_shared>> -> memref<16x64xf32, #tpu.memory_space<vmem_shared>>
        %dma_start3A_633 = arith.constant 9984 : i32
        %dma_start3A_634 = arith.constant 0 : i32
        %dma_start3A_635 = tpu.memref_slice %arg8[%dma_start3A_633, %dma_start3A_634] : memref<10000x64xf32, #tpu.memory_space<vmem_shared>> -> memref<16x64xf32, #tpu.memory_space<vmem_shared>>
        %dma_start3A_636 = arith.constant 0 : i32
        %dma_start3A_637 = arith.constant 0 : i32
        %dma_start3A_638 = tpu.memref_slice %arg7[%run_scoped3A_621, %dma_start3A_636, %dma_start3A_637] : memref<8x128x64xf32, #tpu.memory_space<vmem>> -> memref<1x128x64xf32, #tpu.memory_space<vmem>>
        %dma_start3A_639 = tpu.memref_squeeze %dma_start3A_638 : memref<1x128x64xf32, #tpu.memory_space<vmem>> -> memref<128x64xf32, #tpu.memory_space<vmem>>
        %dma_start3A_640 = arith.constant 0 : i32
        %dma_start3A_641 = arith.constant 0 : i32
        %dma_start3A_642 = tpu.memref_slice %dma_start3A_639[%dma_start3A_640, %dma_start3A_641] : memref<128x64xf32, #tpu.memory_space<vmem>> -> memref<16x64xf32, #tpu.memory_space<vmem>>
        tpu.enqueue_dma source(%dma_start3A_642 : memref<16x64xf32, #tpu.memory_space<vmem>>) target(%dma_start3A_635 : memref<16x64xf32, #tpu.memory_space<vmem_shared>>) target_semaphore(%run_scoped3A_622 : memref<!tpu.dma_semaphore, #tpu.memory_space<semaphore_mem>>)
        %dma_wait3A_643 = arith.constant 0 : i32
        %dma_wait3A_644 = arith.constant 0 : i32
        %dma_wait3A_645 = tpu.memref_slice %arg7[%run_scoped3A_621, %dma_wait3A_643, %dma_wait3A_644] : memref<8x128x64xf32, #tpu.memory_space<vmem>> -> memref<1x128x64xf32, #tpu.memory_space<vmem>>
        %dma_wait3A_646 = tpu.memref_squeeze %dma_wait3A_645 : memref<1x128x64xf32, #tpu.memory_space<vmem>> -> memref<128x64xf32, #tpu.memory_space<vmem>>
        %dma_wait3A_647 = arith.constant 0 : i32
        %dma_wait3A_648 = arith.constant 0 : i32
        %dma_wait3A_649 = tpu.memref_slice %dma_wait3A_646[%dma_wait3A_647, %dma_wait3A_648] : memref<128x64xf32, #tpu.memory_space<vmem>> -> memref<16x64xf32, #tpu.memory_space<vmem>>
        %dma_wait3A_650 = arith.constant 9984 : i32
        %dma_wait3A_651 = arith.constant 0 : i32
        %dma_wait3A_652 = tpu.memref_slice %arg8[%dma_wait3A_650, %dma_wait3A_651] : memref<10000x64xf32, #tpu.memory_space<vmem_shared>> -> memref<16x64xf32, #tpu.memory_space<vmem_shared>>
        %dma_wait3A_653 = arith.constant 9984 : i32
        %dma_wait3A_654 = arith.constant 0 : i32
        %dma_wait3A_655 = tpu.memref_slice %arg8[%dma_wait3A_653, %dma_wait3A_654] : memref<10000x64xf32, #tpu.memory_space<vmem_shared>> -> memref<16x64xf32, #tpu.memory_space<vmem_shared>>
        %dma_wait3A_656 = arith.constant 0 : i32
        %dma_wait3A_657 = arith.constant 0 : i32
        %dma_wait3A_658 = tpu.memref_slice %arg7[%run_scoped3A_621, %dma_wait3A_656, %dma_wait3A_657] : memref<8x128x64xf32, #tpu.memory_space<vmem>> -> memref<1x128x64xf32, #tpu.memory_space<vmem>>
        %dma_wait3A_659 = tpu.memref_squeeze %dma_wait3A_658 : memref<1x128x64xf32, #tpu.memory_space<vmem>> -> memref<128x64xf32, #tpu.memory_space<vmem>>
        %dma_wait3A_660 = arith.constant 0 : i32
        %dma_wait3A_661 = arith.constant 0 : i32
        %dma_wait3A_662 = tpu.memref_slice %dma_wait3A_659[%dma_wait3A_660, %dma_wait3A_661] : memref<128x64xf32, #tpu.memory_space<vmem>> -> memref<16x64xf32, #tpu.memory_space<vmem>>
        tpu.wait_dma2 semaphore(%run_scoped3A_622 : memref<!tpu.dma_semaphore, #tpu.memory_space<semaphore_mem>>) src(%dma_wait3A_662 : memref<16x64xf32, #tpu.memory_space<vmem>>) dst(%dma_wait3A_655 : memref<16x64xf32, #tpu.memory_space<vmem_shared>>)
        tpu.yield
      }) : () -> ()
    } else {
    }
    %add3A_36 = arith.constant 16 : i32
    %add3A_37 = arith.addi %arg1, %add3A_36 : i32
    %mul3A_38 = arith.constant 128 : i32
    %mul3A_39 = arith.muli %add3A_37, %mul3A_38 : i32
    %multiple_of3A_40 = tpu.assume_multiple %mul3A_39, 128 : i32
    %lt3A_41 = arith.constant 78 : i32
    %lt3A_42 = arith.cmpi slt, %add3A_37, %lt3A_41 : i32
    %convert_element_type3A_43 = arith.extui %lt3A_42 : i1 to i32
    %cond3A_44 = arith.constant 0 : i32
    %cond3A_45 = arith.cmpi ne, %convert_element_type3A_43, %cond3A_44 : i32
    scf.if %cond3A_45 {
      %run_scoped3A_621 = arith.constant 0 : i32
      "tpu.region"() ({
        %run_scoped3A_622 = tpu.sem_alloc : memref<!tpu.dma_semaphore, #tpu.memory_space<semaphore_mem>>
        %dma_start3A_623 = arith.constant 0 : i32
        %dma_start3A_624 = arith.constant 0 : i32
        %dma_start3A_625 = tpu.memref_slice %arg7[%run_scoped3A_621, %dma_start3A_623, %dma_start3A_624] : memref<8x128x64xf32, #tpu.memory_space<vmem>> -> memref<1x128x64xf32, #tpu.memory_space<vmem>>
        %dma_start3A_626 = tpu.memref_squeeze %dma_start3A_625 : memref<1x128x64xf32, #tpu.memory_space<vmem>> -> memref<128x64xf32, #tpu.memory_space<vmem>>
        %dma_start3A_627 = arith.constant 0 : i32
        %dma_start3A_628 = tpu.memref_slice %arg8[%multiple_of3A_40, %dma_start3A_627] : memref<10000x64xf32, #tpu.memory_space<vmem_shared>> -> memref<128x64xf32, #tpu.memory_space<vmem_shared>>
        %dma_start3A_629 = arith.constant 0 : i32
        %dma_start3A_630 = tpu.memref_slice %arg8[%multiple_of3A_40, %dma_start3A_629] : memref<10000x64xf32, #tpu.memory_space<vmem_shared>> -> memref<128x64xf32, #tpu.memory_space<vmem_shared>>
        %dma_start3A_631 = arith.constant 0 : i32
        %dma_start3A_632 = arith.constant 0 : i32
        %dma_start3A_633 = tpu.memref_slice %arg7[%run_scoped3A_621, %dma_start3A_631, %dma_start3A_632] : memref<8x128x64xf32, #tpu.memory_space<vmem>> -> memref<1x128x64xf32, #tpu.memory_space<vmem>>
        %dma_start3A_634 = tpu.memref_squeeze %dma_start3A_633 : memref<1x128x64xf32, #tpu.memory_space<vmem>> -> memref<128x64xf32, #tpu.memory_space<vmem>>
        tpu.enqueue_dma source(%dma_start3A_634 : memref<128x64xf32, #tpu.memory_space<vmem>>) target(%dma_start3A_630 : memref<128x64xf32, #tpu.memory_space<vmem_shared>>) target_semaphore(%run_scoped3A_622 : memref<!tpu.dma_semaphore, #tpu.memory_space<semaphore_mem>>)
        %dma_wait3A_635 = arith.constant 0 : i32
        %dma_wait3A_636 = arith.constant 0 : i32
        %dma_wait3A_637 = tpu.memref_slice %arg7[%run_scoped3A_621, %dma_wait3A_635, %dma_wait3A_636] : memref<8x128x64xf32, #tpu.memory_space<vmem>> -> memref<1x128x64xf32, #tpu.memory_space<vmem>>
        %dma_wait3A_638 = tpu.memref_squeeze %dma_wait3A_637 : memref<1x128x64xf32, #tpu.memory_space<vmem>> -> memref<128x64xf32, #tpu.memory_space<vmem>>
        %dma_wait3A_639 = arith.constant 0 : i32
        %dma_wait3A_640 = tpu.memref_slice %arg8[%multiple_of3A_40, %dma_wait3A_639] : memref<10000x64xf32, #tpu.memory_space<vmem_shared>> -> memref<128x64xf32, #tpu.memory_space<vmem_shared>>
        %dma_wait3A_641 = arith.constant 0 : i32
        %dma_wait3A_642 = tpu.memref_slice %arg8[%multiple_of3A_40, %dma_wait3A_641] : memref<10000x64xf32, #tpu.memory_space<vmem_shared>> -> memref<128x64xf32, #tpu.memory_space<vmem_shared>>
        %dma_wait3A_643 = arith.constant 0 : i32
        %dma_wait3A_644 = arith.constant 0 : i32
        %dma_wait3A_645 = tpu.memref_slice %arg7[%run_scoped3A_621, %dma_wait3A_643, %dma_wait3A_644] : memref<8x128x64xf32, #tpu.memory_space<vmem>> -> memref<1x128x64xf32, #tpu.memory_space<vmem>>
        %dma_wait3A_646 = tpu.memref_squeeze %dma_wait3A_645 : memref<1x128x64xf32, #tpu.memory_space<vmem>> -> memref<128x64xf32, #tpu.memory_space<vmem>>
        tpu.wait_dma2 semaphore(%run_scoped3A_622 : memref<!tpu.dma_semaphore, #tpu.memory_space<semaphore_mem>>) src(%dma_wait3A_646 : memref<128x64xf32, #tpu.memory_space<vmem>>) dst(%dma_wait3A_642 : memref<128x64xf32, #tpu.memory_space<vmem_shared>>)
        tpu.yield
      }) : () -> ()
    } else {
    }
    %eq3A_46 = arith.constant 78 : i32
    %eq3A_47 = arith.cmpi eq, %add3A_37, %eq3A_46 : i32
    %convert_element_type3A_48 = arith.extui %eq3A_47 : i1 to i32
    %cond3A_49 = arith.constant 0 : i32
    %cond3A_50 = arith.cmpi ne, %convert_element_type3A_48, %cond3A_49 : i32
    scf.if %cond3A_50 {
      %run_scoped3A_621 = arith.constant 0 : i32
      "tpu.region"() ({
        %run_scoped3A_622 = tpu.sem_alloc : memref<!tpu.dma_semaphore, #tpu.memory_space<semaphore_mem>>
        %dma_start3A_623 = arith.constant 0 : i32
        %dma_start3A_624 = arith.constant 0 : i32
        %dma_start3A_625 = tpu.memref_slice %arg7[%run_scoped3A_621, %dma_start3A_623, %dma_start3A_624] : memref<8x128x64xf32, #tpu.memory_space<vmem>> -> memref<1x128x64xf32, #tpu.memory_space<vmem>>
        %dma_start3A_626 = tpu.memref_squeeze %dma_start3A_625 : memref<1x128x64xf32, #tpu.memory_space<vmem>> -> memref<128x64xf32, #tpu.memory_space<vmem>>
        %dma_start3A_627 = arith.constant 0 : i32
        %dma_start3A_628 = arith.constant 0 : i32
        %dma_start3A_629 = tpu.memref_slice %dma_start3A_626[%dma_start3A_627, %dma_start3A_628] : memref<128x64xf32, #tpu.memory_space<vmem>> -> memref<16x64xf32, #tpu.memory_space<vmem>>
        %dma_start3A_630 = arith.constant 9984 : i32
        %dma_start3A_631 = arith.constant 0 : i32
        %dma_start3A_632 = tpu.memref_slice %arg8[%dma_start3A_630, %dma_start3A_631] : memref<10000x64xf32, #tpu.memory_space<vmem_shared>> -> memref<16x64xf32, #tpu.memory_space<vmem_shared>>
        %dma_start3A_633 = arith.constant 9984 : i32
        %dma_start3A_634 = arith.constant 0 : i32
        %dma_start3A_635 = tpu.memref_slice %arg8[%dma_start3A_633, %dma_start3A_634] : memref<10000x64xf32, #tpu.memory_space<vmem_shared>> -> memref<16x64xf32, #tpu.memory_space<vmem_shared>>
        %dma_start3A_636 = arith.constant 0 : i32
        %dma_start3A_637 = arith.constant 0 : i32
        %dma_start3A_638 = tpu.memref_slice %arg7[%run_scoped3A_621, %dma_start3A_636, %dma_start3A_637] : memref<8x128x64xf32, #tpu.memory_space<vmem>> -> memref<1x128x64xf32, #tpu.memory_space<vmem>>
        %dma_start3A_639 = tpu.memref_squeeze %dma_start3A_638 : memref<1x128x64xf32, #tpu.memory_space<vmem>> -> memref<128x64xf32, #tpu.memory_space<vmem>>
        %dma_start3A_640 = arith.constant 0 : i32
        %dma_start3A_641 = arith.constant 0 : i32
        %dma_start3A_642 = tpu.memref_slice %dma_start3A_639[%dma_start3A_640, %dma_start3A_641] : memref<128x64xf32, #tpu.memory_space<vmem>> -> memref<16x64xf32, #tpu.memory_space<vmem>>
        tpu.enqueue_dma source(%dma_start3A_642 : memref<16x64xf32, #tpu.memory_space<vmem>>) target(%dma_start3A_635 : memref<16x64xf32, #tpu.memory_space<vmem_shared>>) target_semaphore(%run_scoped3A_622 : memref<!tpu.dma_semaphore, #tpu.memory_space<semaphore_mem>>)
        %dma_wait3A_643 = arith.constant 0 : i32
        %dma_wait3A_644 = arith.constant 0 : i32
        %dma_wait3A_645 = tpu.memref_slice %arg7[%run_scoped3A_621, %dma_wait3A_643, %dma_wait3A_644] : memref<8x128x64xf32, #tpu.memory_space<vmem>> -> memref<1x128x64xf32, #tpu.memory_space<vmem>>
        %dma_wait3A_646 = tpu.memref_squeeze %dma_wait3A_645 : memref<1x128x64xf32, #tpu.memory_space<vmem>> -> memref<128x64xf32, #tpu.memory_space<vmem>>
        %dma_wait3A_647 = arith.constant 0 : i32
        %dma_wait3A_648 = arith.constant 0 : i32
        %dma_wait3A_649 = tpu.memref_slice %dma_wait3A_646[%dma_wait3A_647, %dma_wait3A_648] : memref<128x64xf32, #tpu.memory_space<vmem>> -> memref<16x64xf32, #tpu.memory_space<vmem>>
        %dma_wait3A_650 = arith.constant 9984 : i32
        %dma_wait3A_651 = arith.constant 0 : i32
        %dma_wait3A_652 = tpu.memref_slice %arg8[%dma_wait3A_650, %dma_wait3A_651] : memref<10000x64xf32, #tpu.memory_space<vmem_shared>> -> memref<16x64xf32, #tpu.memory_space<vmem_shared>>
        %dma_wait3A_653 = arith.constant 9984 : i32
        %dma_wait3A_654 = arith.constant 0 : i32
        %dma_wait3A_655 = tpu.memref_slice %arg8[%dma_wait3A_653, %dma_wait3A_654] : memref<10000x64xf32, #tpu.memory_space<vmem_shared>> -> memref<16x64xf32, #tpu.memory_space<vmem_shared>>
        %dma_wait3A_656 = arith.constant 0 : i32
        %dma_wait3A_657 = arith.constant 0 : i32
        %dma_wait3A_658 = tpu.memref_slice %arg7[%run_scoped3A_621, %dma_wait3A_656, %dma_wait3A_657] : memref<8x128x64xf32, #tpu.memory_space<vmem>> -> memref<1x128x64xf32, #tpu.memory_space<vmem>>
        %dma_wait3A_659 = tpu.memref_squeeze %dma_wait3A_658 : memref<1x128x64xf32, #tpu.memory_space<vmem>> -> memref<128x64xf32, #tpu.memory_space<vmem>>
        %dma_wait3A_660 = arith.constant 0 : i32
        %dma_wait3A_661 = arith.constant 0 : i32
        %dma_wait3A_662 = tpu.memref_slice %dma_wait3A_659[%dma_wait3A_660, %dma_wait3A_661] : memref<128x64xf32, #tpu.memory_space<vmem>> -> memref<16x64xf32, #tpu.memory_space<vmem>>
        tpu.wait_dma2 semaphore(%run_scoped3A_622 : memref<!tpu.dma_semaphore, #tpu.memory_space<semaphore_mem>>) src(%dma_wait3A_662 : memref<16x64xf32, #tpu.memory_space<vmem>>) dst(%dma_wait3A_655 : memref<16x64xf32, #tpu.memory_space<vmem_shared>>)
        tpu.yield
      }) : () -> ()
    } else {
    }
    %add3A_51 = arith.constant 32 : i32
    %add3A_52 = arith.addi %arg1, %add3A_51 : i32
    %mul3A_53 = arith.constant 128 : i32
    %mul3A_54 = arith.muli %add3A_52, %mul3A_53 : i32
    %multiple_of3A_55 = tpu.assume_multiple %mul3A_54, 128 : i32
    %lt3A_56 = arith.constant 78 : i32
    %lt3A_57 = arith.cmpi slt, %add3A_52, %lt3A_56 : i32
    %convert_element_type3A_58 = arith.extui %lt3A_57 : i1 to i32
    %cond3A_59 = arith.constant 0 : i32
    %cond3A_60 = arith.cmpi ne, %convert_element_type3A_58, %cond3A_59 : i32
    scf.if %cond3A_60 {
      %run_scoped3A_621 = arith.constant 0 : i32
      "tpu.region"() ({
        %run_scoped3A_622 = tpu.sem_alloc : memref<!tpu.dma_semaphore, #tpu.memory_space<semaphore_mem>>
        %dma_start3A_623 = arith.constant 0 : i32
        %dma_start3A_624 = arith.constant 0 : i32
        %dma_start3A_625 = tpu.memref_slice %arg7[%run_scoped3A_621, %dma_start3A_623, %dma_start3A_624] : memref<8x128x64xf32, #tpu.memory_space<vmem>> -> memref<1x128x64xf32, #tpu.memory_space<vmem>>
        %dma_start3A_626 = tpu.memref_squeeze %dma_start3A_625 : memref<1x128x64xf32, #tpu.memory_space<vmem>> -> memref<128x64xf32, #tpu.memory_space<vmem>>
        %dma_start3A_627 = arith.constant 0 : i32
        %dma_start3A_628 = tpu.memref_slice %arg8[%multiple_of3A_55, %dma_start3A_627] : memref<10000x64xf32, #tpu.memory_space<vmem_shared>> -> memref<128x64xf32, #tpu.memory_space<vmem_shared>>
        %dma_start3A_629 = arith.constant 0 : i32
        %dma_start3A_630 = tpu.memref_slice %arg8[%multiple_of3A_55, %dma_start3A_629] : memref<10000x64xf32, #tpu.memory_space<vmem_shared>> -> memref<128x64xf32, #tpu.memory_space<vmem_shared>>
        %dma_start3A_631 = arith.constant 0 : i32
        %dma_start3A_632 = arith.constant 0 : i32
        %dma_start3A_633 = tpu.memref_slice %arg7[%run_scoped3A_621, %dma_start3A_631, %dma_start3A_632] : memref<8x128x64xf32, #tpu.memory_space<vmem>> -> memref<1x128x64xf32, #tpu.memory_space<vmem>>
        %dma_start3A_634 = tpu.memref_squeeze %dma_start3A_633 : memref<1x128x64xf32, #tpu.memory_space<vmem>> -> memref<128x64xf32, #tpu.memory_space<vmem>>
        tpu.enqueue_dma source(%dma_start3A_634 : memref<128x64xf32, #tpu.memory_space<vmem>>) target(%dma_start3A_630 : memref<128x64xf32, #tpu.memory_space<vmem_shared>>) target_semaphore(%run_scoped3A_622 : memref<!tpu.dma_semaphore, #tpu.memory_space<semaphore_mem>>)
        %dma_wait3A_635 = arith.constant 0 : i32
        %dma_wait3A_636 = arith.constant 0 : i32
        %dma_wait3A_637 = tpu.memref_slice %arg7[%run_scoped3A_621, %dma_wait3A_635, %dma_wait3A_636] : memref<8x128x64xf32, #tpu.memory_space<vmem>> -> memref<1x128x64xf32, #tpu.memory_space<vmem>>
        %dma_wait3A_638 = tpu.memref_squeeze %dma_wait3A_637 : memref<1x128x64xf32, #tpu.memory_space<vmem>> -> memref<128x64xf32, #tpu.memory_space<vmem>>
        %dma_wait3A_639 = arith.constant 0 : i32
        %dma_wait3A_640 = tpu.memref_slice %arg8[%multiple_of3A_55, %dma_wait3A_639] : memref<10000x64xf32, #tpu.memory_space<vmem_shared>> -> memref<128x64xf32, #tpu.memory_space<vmem_shared>>
        %dma_wait3A_641 = arith.constant 0 : i32
        %dma_wait3A_642 = tpu.memref_slice %arg8[%multiple_of3A_55, %dma_wait3A_641] : memref<10000x64xf32, #tpu.memory_space<vmem_shared>> -> memref<128x64xf32, #tpu.memory_space<vmem_shared>>
        %dma_wait3A_643 = arith.constant 0 : i32
        %dma_wait3A_644 = arith.constant 0 : i32
        %dma_wait3A_645 = tpu.memref_slice %arg7[%run_scoped3A_621, %dma_wait3A_643, %dma_wait3A_644] : memref<8x128x64xf32, #tpu.memory_space<vmem>> -> memref<1x128x64xf32, #tpu.memory_space<vmem>>
        %dma_wait3A_646 = tpu.memref_squeeze %dma_wait3A_645 : memref<1x128x64xf32, #tpu.memory_space<vmem>> -> memref<128x64xf32, #tpu.memory_space<vmem>>
        tpu.wait_dma2 semaphore(%run_scoped3A_622 : memref<!tpu.dma_semaphore, #tpu.memory_space<semaphore_mem>>) src(%dma_wait3A_646 : memref<128x64xf32, #tpu.memory_space<vmem>>) dst(%dma_wait3A_642 : memref<128x64xf32, #tpu.memory_space<vmem_shared>>)
        tpu.yield
      }) : () -> ()
    } else {
    }
    %eq3A_61 = arith.constant 78 : i32
    %eq3A_62 = arith.cmpi eq, %add3A_52, %eq3A_61 : i32
    %convert_element_type3A_63 = arith.extui %eq3A_62 : i1 to i32
    %cond3A_64 = arith.constant 0 : i32
    %cond3A_65 = arith.cmpi ne, %convert_element_type3A_63, %cond3A_64 : i32
    scf.if %cond3A_65 {
      %run_scoped3A_621 = arith.constant 0 : i32
      "tpu.region"() ({
        %run_scoped3A_622 = tpu.sem_alloc : memref<!tpu.dma_semaphore, #tpu.memory_space<semaphore_mem>>
        %dma_start3A_623 = arith.constant 0 : i32
        %dma_start3A_624 = arith.constant 0 : i32
        %dma_start3A_625 = tpu.memref_slice %arg7[%run_scoped3A_621, %dma_start3A_623, %dma_start3A_624] : memref<8x128x64xf32, #tpu.memory_space<vmem>> -> memref<1x128x64xf32, #tpu.memory_space<vmem>>
        %dma_start3A_626 = tpu.memref_squeeze %dma_start3A_625 : memref<1x128x64xf32, #tpu.memory_space<vmem>> -> memref<128x64xf32, #tpu.memory_space<vmem>>
        %dma_start3A_627 = arith.constant 0 : i32
        %dma_start3A_628 = arith.constant 0 : i32
        %dma_start3A_629 = tpu.memref_slice %dma_start3A_626[%dma_start3A_627, %dma_start3A_628] : memref<128x64xf32, #tpu.memory_space<vmem>> -> memref<16x64xf32, #tpu.memory_space<vmem>>
        %dma_start3A_630 = arith.constant 9984 : i32
        %dma_start3A_631 = arith.constant 0 : i32
        %dma_start3A_632 = tpu.memref_slice %arg8[%dma_start3A_630, %dma_start3A_631] : memref<10000x64xf32, #tpu.memory_space<vmem_shared>> -> memref<16x64xf32, #tpu.memory_space<vmem_shared>>
        %dma_start3A_633 = arith.constant 9984 : i32
        %dma_start3A_634 = arith.constant 0 : i32
        %dma_start3A_635 = tpu.memref_slice %arg8[%dma_start3A_633, %dma_start3A_634] : memref<10000x64xf32, #tpu.memory_space<vmem_shared>> -> memref<16x64xf32, #tpu.memory_space<vmem_shared>>
        %dma_start3A_636 = arith.constant 0 : i32
        %dma_start3A_637 = arith.constant 0 : i32
        %dma_start3A_638 = tpu.memref_slice %arg7[%run_scoped3A_621, %dma_start3A_636, %dma_start3A_637] : memref<8x128x64xf32, #tpu.memory_space<vmem>> -> memref<1x128x64xf32, #tpu.memory_space<vmem>>
        %dma_start3A_639 = tpu.memref_squeeze %dma_start3A_638 : memref<1x128x64xf32, #tpu.memory_space<vmem>> -> memref<128x64xf32, #tpu.memory_space<vmem>>
        %dma_start3A_640 = arith.constant 0 : i32
        %dma_start3A_641 = arith.constant 0 : i32
        %dma_start3A_642 = tpu.memref_slice %dma_start3A_639[%dma_start3A_640, %dma_start3A_641] : memref<128x64xf32, #tpu.memory_space<vmem>> -> memref<16x64xf32, #tpu.memory_space<vmem>>
        tpu.enqueue_dma source(%dma_start3A_642 : memref<16x64xf32, #tpu.memory_space<vmem>>) target(%dma_start3A_635 : memref<16x64xf32, #tpu.memory_space<vmem_shared>>) target_semaphore(%run_scoped3A_622 : memref<!tpu.dma_semaphore, #tpu.memory_space<semaphore_mem>>)
        %dma_wait3A_643 = arith.constant 0 : i32
        %dma_wait3A_644 = arith.constant 0 : i32
        %dma_wait3A_645 = tpu.memref_slice %arg7[%run_scoped3A_621, %dma_wait3A_643, %dma_wait3A_644] : memref<8x128x64xf32, #tpu.memory_space<vmem>> -> memref<1x128x64xf32, #tpu.memory_space<vmem>>
        %dma_wait3A_646 = tpu.memref_squeeze %dma_wait3A_645 : memref<1x128x64xf32, #tpu.memory_space<vmem>> -> memref<128x64xf32, #tpu.memory_space<vmem>>
        %dma_wait3A_647 = arith.constant 0 : i32
        %dma_wait3A_648 = arith.constant 0 : i32
        %dma_wait3A_649 = tpu.memref_slice %dma_wait3A_646[%dma_wait3A_647, %dma_wait3A_648] : memref<128x64xf32, #tpu.memory_space<vmem>> -> memref<16x64xf32, #tpu.memory_space<vmem>>
        %dma_wait3A_650 = arith.constant 9984 : i32
        %dma_wait3A_651 = arith.constant 0 : i32
        %dma_wait3A_652 = tpu.memref_slice %arg8[%dma_wait3A_650, %dma_wait3A_651] : memref<10000x64xf32, #tpu.memory_space<vmem_shared>> -> memref<16x64xf32, #tpu.memory_space<vmem_shared>>
        %dma_wait3A_653 = arith.constant 9984 : i32
        %dma_wait3A_654 = arith.constant 0 : i32
        %dma_wait3A_655 = tpu.memref_slice %arg8[%dma_wait3A_653, %dma_wait3A_654] : memref<10000x64xf32, #tpu.memory_space<vmem_shared>> -> memref<16x64xf32, #tpu.memory_space<vmem_shared>>
        %dma_wait3A_656 = arith.constant 0 : i32
        %dma_wait3A_657 = arith.constant 0 : i32
        %dma_wait3A_658 = tpu.memref_slice %arg7[%run_scoped3A_621, %dma_wait3A_656, %dma_wait3A_657] : memref<8x128x64xf32, #tpu.memory_space<vmem>> -> memref<1x128x64xf32, #tpu.memory_space<vmem>>
        %dma_wait3A_659 = tpu.memref_squeeze %dma_wait3A_658 : memref<1x128x64xf32, #tpu.memory_space<vmem>> -> memref<128x64xf32, #tpu.memory_space<vmem>>
        %dma_wait3A_660 = arith.constant 0 : i32
        %dma_wait3A_661 = arith.constant 0 : i32
        %dma_wait3A_662 = tpu.memref_slice %dma_wait3A_659[%dma_wait3A_660, %dma_wait3A_661] : memref<128x64xf32, #tpu.memory_space<vmem>> -> memref<16x64xf32, #tpu.memory_space<vmem>>
        tpu.wait_dma2 semaphore(%run_scoped3A_622 : memref<!tpu.dma_semaphore, #tpu.memory_space<semaphore_mem>>) src(%dma_wait3A_662 : memref<16x64xf32, #tpu.memory_space<vmem>>) dst(%dma_wait3A_655 : memref<16x64xf32, #tpu.memory_space<vmem_shared>>)
        tpu.yield
      }) : () -> ()
    } else {
    }
    %add3A_66 = arith.constant 48 : i32
    %add3A_67 = arith.addi %arg1, %add3A_66 : i32
    %mul3A_68 = arith.constant 128 : i32
    %mul3A_69 = arith.muli %add3A_67, %mul3A_68 : i32
    %multiple_of3A_70 = tpu.assume_multiple %mul3A_69, 128 : i32
    %lt3A_71 = arith.constant 78 : i32
    %lt3A_72 = arith.cmpi slt, %add3A_67, %lt3A_71 : i32
    %convert_element_type3A_73 = arith.extui %lt3A_72 : i1 to i32
    %cond3A_74 = arith.constant 0 : i32
    %cond3A_75 = arith.cmpi ne, %convert_element_type3A_73, %cond3A_74 : i32
    scf.if %cond3A_75 {
      %run_scoped3A_621 = arith.constant 0 : i32
      "tpu.region"() ({
        %run_scoped3A_622 = tpu.sem_alloc : memref<!tpu.dma_semaphore, #tpu.memory_space<semaphore_mem>>
        %dma_start3A_623 = arith.constant 0 : i32
        %dma_start3A_624 = arith.constant 0 : i32
        %dma_start3A_625 = tpu.memref_slice %arg7[%run_scoped3A_621, %dma_start3A_623, %dma_start3A_624] : memref<8x128x64xf32, #tpu.memory_space<vmem>> -> memref<1x128x64xf32, #tpu.memory_space<vmem>>
        %dma_start3A_626 = tpu.memref_squeeze %dma_start3A_625 : memref<1x128x64xf32, #tpu.memory_space<vmem>> -> memref<128x64xf32, #tpu.memory_space<vmem>>
        %dma_start3A_627 = arith.constant 0 : i32
        %dma_start3A_628 = tpu.memref_slice %arg8[%multiple_of3A_70, %dma_start3A_627] : memref<10000x64xf32, #tpu.memory_space<vmem_shared>> -> memref<128x64xf32, #tpu.memory_space<vmem_shared>>
        %dma_start3A_629 = arith.constant 0 : i32
        %dma_start3A_630 = tpu.memref_slice %arg8[%multiple_of3A_70, %dma_start3A_629] : memref<10000x64xf32, #tpu.memory_space<vmem_shared>> -> memref<128x64xf32, #tpu.memory_space<vmem_shared>>
        %dma_start3A_631 = arith.constant 0 : i32
        %dma_start3A_632 = arith.constant 0 : i32
        %dma_start3A_633 = tpu.memref_slice %arg7[%run_scoped3A_621, %dma_start3A_631, %dma_start3A_632] : memref<8x128x64xf32, #tpu.memory_space<vmem>> -> memref<1x128x64xf32, #tpu.memory_space<vmem>>
        %dma_start3A_634 = tpu.memref_squeeze %dma_start3A_633 : memref<1x128x64xf32, #tpu.memory_space<vmem>> -> memref<128x64xf32, #tpu.memory_space<vmem>>
        tpu.enqueue_dma source(%dma_start3A_634 : memref<128x64xf32, #tpu.memory_space<vmem>>) target(%dma_start3A_630 : memref<128x64xf32, #tpu.memory_space<vmem_shared>>) target_semaphore(%run_scoped3A_622 : memref<!tpu.dma_semaphore, #tpu.memory_space<semaphore_mem>>)
        %dma_wait3A_635 = arith.constant 0 : i32
        %dma_wait3A_636 = arith.constant 0 : i32
        %dma_wait3A_637 = tpu.memref_slice %arg7[%run_scoped3A_621, %dma_wait3A_635, %dma_wait3A_636] : memref<8x128x64xf32, #tpu.memory_space<vmem>> -> memref<1x128x64xf32, #tpu.memory_space<vmem>>
        %dma_wait3A_638 = tpu.memref_squeeze %dma_wait3A_637 : memref<1x128x64xf32, #tpu.memory_space<vmem>> -> memref<128x64xf32, #tpu.memory_space<vmem>>
        %dma_wait3A_639 = arith.constant 0 : i32
        %dma_wait3A_640 = tpu.memref_slice %arg8[%multiple_of3A_70, %dma_wait3A_639] : memref<10000x64xf32, #tpu.memory_space<vmem_shared>> -> memref<128x64xf32, #tpu.memory_space<vmem_shared>>
        %dma_wait3A_641 = arith.constant 0 : i32
        %dma_wait3A_642 = tpu.memref_slice %arg8[%multiple_of3A_70, %dma_wait3A_641] : memref<10000x64xf32, #tpu.memory_space<vmem_shared>> -> memref<128x64xf32, #tpu.memory_space<vmem_shared>>
        %dma_wait3A_643 = arith.constant 0 : i32
        %dma_wait3A_644 = arith.constant 0 : i32
        %dma_wait3A_645 = tpu.memref_slice %arg7[%run_scoped3A_621, %dma_wait3A_643, %dma_wait3A_644] : memref<8x128x64xf32, #tpu.memory_space<vmem>> -> memref<1x128x64xf32, #tpu.memory_space<vmem>>
        %dma_wait3A_646 = tpu.memref_squeeze %dma_wait3A_645 : memref<1x128x64xf32, #tpu.memory_space<vmem>> -> memref<128x64xf32, #tpu.memory_space<vmem>>
        tpu.wait_dma2 semaphore(%run_scoped3A_622 : memref<!tpu.dma_semaphore, #tpu.memory_space<semaphore_mem>>) src(%dma_wait3A_646 : memref<128x64xf32, #tpu.memory_space<vmem>>) dst(%dma_wait3A_642 : memref<128x64xf32, #tpu.memory_space<vmem_shared>>)
        tpu.yield
      }) : () -> ()
    } else {
    }
    %eq3A_76 = arith.constant 78 : i32
    %eq3A_77 = arith.cmpi eq, %add3A_67, %eq3A_76 : i32
    %convert_element_type3A_78 = arith.extui %eq3A_77 : i1 to i32
    %cond3A_79 = arith.constant 0 : i32
    %cond3A_80 = arith.cmpi ne, %convert_element_type3A_78, %cond3A_79 : i32
    scf.if %cond3A_80 {
      %run_scoped3A_621 = arith.constant 0 : i32
      "tpu.region"() ({
        %run_scoped3A_622 = tpu.sem_alloc : memref<!tpu.dma_semaphore, #tpu.memory_space<semaphore_mem>>
        %dma_start3A_623 = arith.constant 0 : i32
        %dma_start3A_624 = arith.constant 0 : i32
        %dma_start3A_625 = tpu.memref_slice %arg7[%run_scoped3A_621, %dma_start3A_623, %dma_start3A_624] : memref<8x128x64xf32, #tpu.memory_space<vmem>> -> memref<1x128x64xf32, #tpu.memory_space<vmem>>
        %dma_start3A_626 = tpu.memref_squeeze %dma_start3A_625 : memref<1x128x64xf32, #tpu.memory_space<vmem>> -> memref<128x64xf32, #tpu.memory_space<vmem>>
        %dma_start3A_627 = arith.constant 0 : i32
        %dma_start3A_628 = arith.constant 0 : i32
        %dma_start3A_629 = tpu.memref_slice %dma_start3A_626[%dma_start3A_627, %dma_start3A_628] : memref<128x64xf32, #tpu.memory_space<vmem>> -> memref<16x64xf32, #tpu.memory_space<vmem>>
        %dma_start3A_630 = arith.constant 9984 : i32
        %dma_start3A_631 = arith.constant 0 : i32
        %dma_start3A_632 = tpu.memref_slice %arg8[%dma_start3A_630, %dma_start3A_631] : memref<10000x64xf32, #tpu.memory_space<vmem_shared>> -> memref<16x64xf32, #tpu.memory_space<vmem_shared>>
        %dma_start3A_633 = arith.constant 9984 : i32
        %dma_start3A_634 = arith.constant 0 : i32
        %dma_start3A_635 = tpu.memref_slice %arg8[%dma_start3A_633, %dma_start3A_634] : memref<10000x64xf32, #tpu.memory_space<vmem_shared>> -> memref<16x64xf32, #tpu.memory_space<vmem_shared>>
        %dma_start3A_636 = arith.constant 0 : i32
        %dma_start3A_637 = arith.constant 0 : i32
        %dma_start3A_638 = tpu.memref_slice %arg7[%run_scoped3A_621, %dma_start3A_636, %dma_start3A_637] : memref<8x128x64xf32, #tpu.memory_space<vmem>> -> memref<1x128x64xf32, #tpu.memory_space<vmem>>
        %dma_start3A_639 = tpu.memref_squeeze %dma_start3A_638 : memref<1x128x64xf32, #tpu.memory_space<vmem>> -> memref<128x64xf32, #tpu.memory_space<vmem>>
        %dma_start3A_640 = arith.constant 0 : i32
        %dma_start3A_641 = arith.constant 0 : i32
        %dma_start3A_642 = tpu.memref_slice %dma_start3A_639[%dma_start3A_640, %dma_start3A_641] : memref<128x64xf32, #tpu.memory_space<vmem>> -> memref<16x64xf32, #tpu.memory_space<vmem>>
        tpu.enqueue_dma source(%dma_start3A_642 : memref<16x64xf32, #tpu.memory_space<vmem>>) target(%dma_start3A_635 : memref<16x64xf32, #tpu.memory_space<vmem_shared>>) target_semaphore(%run_scoped3A_622 : memref<!tpu.dma_semaphore, #tpu.memory_space<semaphore_mem>>)
        %dma_wait3A_643 = arith.constant 0 : i32
        %dma_wait3A_644 = arith.constant 0 : i32
        %dma_wait3A_645 = tpu.memref_slice %arg7[%run_scoped3A_621, %dma_wait3A_643, %dma_wait3A_644] : memref<8x128x64xf32, #tpu.memory_space<vmem>> -> memref<1x128x64xf32, #tpu.memory_space<vmem>>
        %dma_wait3A_646 = tpu.memref_squeeze %dma_wait3A_645 : memref<1x128x64xf32, #tpu.memory_space<vmem>> -> memref<128x64xf32, #tpu.memory_space<vmem>>
        %dma_wait3A_647 = arith.constant 0 : i32
        %dma_wait3A_648 = arith.constant 0 : i32
        %dma_wait3A_649 = tpu.memref_slice %dma_wait3A_646[%dma_wait3A_647, %dma_wait3A_648] : memref<128x64xf32, #tpu.memory_space<vmem>> -> memref<16x64xf32, #tpu.memory_space<vmem>>
        %dma_wait3A_650 = arith.constant 9984 : i32
        %dma_wait3A_651 = arith.constant 0 : i32
        %dma_wait3A_652 = tpu.memref_slice %arg8[%dma_wait3A_650, %dma_wait3A_651] : memref<10000x64xf32, #tpu.memory_space<vmem_shared>> -> memref<16x64xf32, #tpu.memory_space<vmem_shared>>
        %dma_wait3A_653 = arith.constant 9984 : i32
        %dma_wait3A_654 = arith.constant 0 : i32
        %dma_wait3A_655 = tpu.memref_slice %arg8[%dma_wait3A_653, %dma_wait3A_654] : memref<10000x64xf32, #tpu.memory_space<vmem_shared>> -> memref<16x64xf32, #tpu.memory_space<vmem_shared>>
        %dma_wait3A_656 = arith.constant 0 : i32
        %dma_wait3A_657 = arith.constant 0 : i32
        %dma_wait3A_658 = tpu.memref_slice %arg7[%run_scoped3A_621, %dma_wait3A_656, %dma_wait3A_657] : memref<8x128x64xf32, #tpu.memory_space<vmem>> -> memref<1x128x64xf32, #tpu.memory_space<vmem>>
        %dma_wait3A_659 = tpu.memref_squeeze %dma_wait3A_658 : memref<1x128x64xf32, #tpu.memory_space<vmem>> -> memref<128x64xf32, #tpu.memory_space<vmem>>
        %dma_wait3A_660 = arith.constant 0 : i32
        %dma_wait3A_661 = arith.constant 0 : i32
        %dma_wait3A_662 = tpu.memref_slice %dma_wait3A_659[%dma_wait3A_660, %dma_wait3A_661] : memref<128x64xf32, #tpu.memory_space<vmem>> -> memref<16x64xf32, #tpu.memory_space<vmem>>
        tpu.wait_dma2 semaphore(%run_scoped3A_622 : memref<!tpu.dma_semaphore, #tpu.memory_space<semaphore_mem>>) src(%dma_wait3A_662 : memref<16x64xf32, #tpu.memory_space<vmem>>) dst(%dma_wait3A_655 : memref<16x64xf32, #tpu.memory_space<vmem_shared>>)
        tpu.yield
      }) : () -> ()
    } else {
    }
    %add3A_81 = arith.constant 64 : i32
    %add3A_82 = arith.addi %arg1, %add3A_81 : i32
    %mul3A_83 = arith.constant 128 : i32
    %mul3A_84 = arith.muli %add3A_82, %mul3A_83 : i32
    %multiple_of3A_85 = tpu.assume_multiple %mul3A_84, 128 : i32
    %lt3A_86 = arith.constant 78 : i32
    %lt3A_87 = arith.cmpi slt, %add3A_82, %lt3A_86 : i32
    %convert_element_type3A_88 = arith.extui %lt3A_87 : i1 to i32
    %cond3A_89 = arith.constant 0 : i32
    %cond3A_90 = arith.cmpi ne, %convert_element_type3A_88, %cond3A_89 : i32
    scf.if %cond3A_90 {
      %run_scoped3A_621 = arith.constant 0 : i32
      "tpu.region"() ({
        %run_scoped3A_622 = tpu.sem_alloc : memref<!tpu.dma_semaphore, #tpu.memory_space<semaphore_mem>>
        %dma_start3A_623 = arith.constant 0 : i32
        %dma_start3A_624 = arith.constant 0 : i32
        %dma_start3A_625 = tpu.memref_slice %arg7[%run_scoped3A_621, %dma_start3A_623, %dma_start3A_624] : memref<8x128x64xf32, #tpu.memory_space<vmem>> -> memref<1x128x64xf32, #tpu.memory_space<vmem>>
        %dma_start3A_626 = tpu.memref_squeeze %dma_start3A_625 : memref<1x128x64xf32, #tpu.memory_space<vmem>> -> memref<128x64xf32, #tpu.memory_space<vmem>>
        %dma_start3A_627 = arith.constant 0 : i32
        %dma_start3A_628 = tpu.memref_slice %arg8[%multiple_of3A_85, %dma_start3A_627] : memref<10000x64xf32, #tpu.memory_space<vmem_shared>> -> memref<128x64xf32, #tpu.memory_space<vmem_shared>>
        %dma_start3A_629 = arith.constant 0 : i32
        %dma_start3A_630 = tpu.memref_slice %arg8[%multiple_of3A_85, %dma_start3A_629] : memref<10000x64xf32, #tpu.memory_space<vmem_shared>> -> memref<128x64xf32, #tpu.memory_space<vmem_shared>>
        %dma_start3A_631 = arith.constant 0 : i32
        %dma_start3A_632 = arith.constant 0 : i32
        %dma_start3A_633 = tpu.memref_slice %arg7[%run_scoped3A_621, %dma_start3A_631, %dma_start3A_632] : memref<8x128x64xf32, #tpu.memory_space<vmem>> -> memref<1x128x64xf32, #tpu.memory_space<vmem>>
        %dma_start3A_634 = tpu.memref_squeeze %dma_start3A_633 : memref<1x128x64xf32, #tpu.memory_space<vmem>> -> memref<128x64xf32, #tpu.memory_space<vmem>>
        tpu.enqueue_dma source(%dma_start3A_634 : memref<128x64xf32, #tpu.memory_space<vmem>>) target(%dma_start3A_630 : memref<128x64xf32, #tpu.memory_space<vmem_shared>>) target_semaphore(%run_scoped3A_622 : memref<!tpu.dma_semaphore, #tpu.memory_space<semaphore_mem>>)
        %dma_wait3A_635 = arith.constant 0 : i32
        %dma_wait3A_636 = arith.constant 0 : i32
        %dma_wait3A_637 = tpu.memref_slice %arg7[%run_scoped3A_621, %dma_wait3A_635, %dma_wait3A_636] : memref<8x128x64xf32, #tpu.memory_space<vmem>> -> memref<1x128x64xf32, #tpu.memory_space<vmem>>
        %dma_wait3A_638 = tpu.memref_squeeze %dma_wait3A_637 : memref<1x128x64xf32, #tpu.memory_space<vmem>> -> memref<128x64xf32, #tpu.memory_space<vmem>>
        %dma_wait3A_639 = arith.constant 0 : i32
        %dma_wait3A_640 = tpu.memref_slice %arg8[%multiple_of3A_85, %dma_wait3A_639] : memref<10000x64xf32, #tpu.memory_space<vmem_shared>> -> memref<128x64xf32, #tpu.memory_space<vmem_shared>>
        %dma_wait3A_641 = arith.constant 0 : i32
        %dma_wait3A_642 = tpu.memref_slice %arg8[%multiple_of3A_85, %dma_wait3A_641] : memref<10000x64xf32, #tpu.memory_space<vmem_shared>> -> memref<128x64xf32, #tpu.memory_space<vmem_shared>>
        %dma_wait3A_643 = arith.constant 0 : i32
        %dma_wait3A_644 = arith.constant 0 : i32
        %dma_wait3A_645 = tpu.memref_slice %arg7[%run_scoped3A_621, %dma_wait3A_643, %dma_wait3A_644] : memref<8x128x64xf32, #tpu.memory_space<vmem>> -> memref<1x128x64xf32, #tpu.memory_space<vmem>>
        %dma_wait3A_646 = tpu.memref_squeeze %dma_wait3A_645 : memref<1x128x64xf32, #tpu.memory_space<vmem>> -> memref<128x64xf32, #tpu.memory_space<vmem>>
        tpu.wait_dma2 semaphore(%run_scoped3A_622 : memref<!tpu.dma_semaphore, #tpu.memory_space<semaphore_mem>>) src(%dma_wait3A_646 : memref<128x64xf32, #tpu.memory_space<vmem>>) dst(%dma_wait3A_642 : memref<128x64xf32, #tpu.memory_space<vmem_shared>>)
        tpu.yield
      }) : () -> ()
    } else {
    }
    %eq3A_91 = arith.constant 78 : i32
    %eq3A_92 = arith.cmpi eq, %add3A_82, %eq3A_91 : i32
    %convert_element_type3A_93 = arith.extui %eq3A_92 : i1 to i32
    %cond3A_94 = arith.constant 0 : i32
    %cond3A_95 = arith.cmpi ne, %convert_element_type3A_93, %cond3A_94 : i32
    scf.if %cond3A_95 {
      %run_scoped3A_621 = arith.constant 0 : i32
      "tpu.region"() ({
        %run_scoped3A_622 = tpu.sem_alloc : memref<!tpu.dma_semaphore, #tpu.memory_space<semaphore_mem>>
        %dma_start3A_623 = arith.constant 0 : i32
        %dma_start3A_624 = arith.constant 0 : i32
        %dma_start3A_625 = tpu.memref_slice %arg7[%run_scoped3A_621, %dma_start3A_623, %dma_start3A_624] : memref<8x128x64xf32, #tpu.memory_space<vmem>> -> memref<1x128x64xf32, #tpu.memory_space<vmem>>
        %dma_start3A_626 = tpu.memref_squeeze %dma_start3A_625 : memref<1x128x64xf32, #tpu.memory_space<vmem>> -> memref<128x64xf32, #tpu.memory_space<vmem>>
        %dma_start3A_627 = arith.constant 0 : i32
        %dma_start3A_628 = arith.constant 0 : i32
        %dma_start3A_629 = tpu.memref_slice %dma_start3A_626[%dma_start3A_627, %dma_start3A_628] : memref<128x64xf32, #tpu.memory_space<vmem>> -> memref<16x64xf32, #tpu.memory_space<vmem>>
        %dma_start3A_630 = arith.constant 9984 : i32
        %dma_start3A_631 = arith.constant 0 : i32
        %dma_start3A_632 = tpu.memref_slice %arg8[%dma_start3A_630, %dma_start3A_631] : memref<10000x64xf32, #tpu.memory_space<vmem_shared>> -> memref<16x64xf32, #tpu.memory_space<vmem_shared>>
        %dma_start3A_633 = arith.constant 9984 : i32
        %dma_start3A_634 = arith.constant 0 : i32
        %dma_start3A_635 = tpu.memref_slice %arg8[%dma_start3A_633, %dma_start3A_634] : memref<10000x64xf32, #tpu.memory_space<vmem_shared>> -> memref<16x64xf32, #tpu.memory_space<vmem_shared>>
        %dma_start3A_636 = arith.constant 0 : i32
        %dma_start3A_637 = arith.constant 0 : i32
        %dma_start3A_638 = tpu.memref_slice %arg7[%run_scoped3A_621, %dma_start3A_636, %dma_start3A_637] : memref<8x128x64xf32, #tpu.memory_space<vmem>> -> memref<1x128x64xf32, #tpu.memory_space<vmem>>
        %dma_start3A_639 = tpu.memref_squeeze %dma_start3A_638 : memref<1x128x64xf32, #tpu.memory_space<vmem>> -> memref<128x64xf32, #tpu.memory_space<vmem>>
        %dma_start3A_640 = arith.constant 0 : i32
        %dma_start3A_641 = arith.constant 0 : i32
        %dma_start3A_642 = tpu.memref_slice %dma_start3A_639[%dma_start3A_640, %dma_start3A_641] : memref<128x64xf32, #tpu.memory_space<vmem>> -> memref<16x64xf32, #tpu.memory_space<vmem>>
        tpu.enqueue_dma source(%dma_start3A_642 : memref<16x64xf32, #tpu.memory_space<vmem>>) target(%dma_start3A_635 : memref<16x64xf32, #tpu.memory_space<vmem_shared>>) target_semaphore(%run_scoped3A_622 : memref<!tpu.dma_semaphore, #tpu.memory_space<semaphore_mem>>)
        %dma_wait3A_643 = arith.constant 0 : i32
        %dma_wait3A_644 = arith.constant 0 : i32
        %dma_wait3A_645 = tpu.memref_slice %arg7[%run_scoped3A_621, %dma_wait3A_643, %dma_wait3A_644] : memref<8x128x64xf32, #tpu.memory_space<vmem>> -> memref<1x128x64xf32, #tpu.memory_space<vmem>>
        %dma_wait3A_646 = tpu.memref_squeeze %dma_wait3A_645 : memref<1x128x64xf32, #tpu.memory_space<vmem>> -> memref<128x64xf32, #tpu.memory_space<vmem>>
        %dma_wait3A_647 = arith.constant 0 : i32
        %dma_wait3A_648 = arith.constant 0 : i32
        %dma_wait3A_649 = tpu.memref_slice %dma_wait3A_646[%dma_wait3A_647, %dma_wait3A_648] : memref<128x64xf32, #tpu.memory_space<vmem>> -> memref<16x64xf32, #tpu.memory_space<vmem>>
        %dma_wait3A_650 = arith.constant 9984 : i32
        %dma_wait3A_651 = arith.constant 0 : i32
        %dma_wait3A_652 = tpu.memref_slice %arg8[%dma_wait3A_650, %dma_wait3A_651] : memref<10000x64xf32, #tpu.memory_space<vmem_shared>> -> memref<16x64xf32, #tpu.memory_space<vmem_shared>>
        %dma_wait3A_653 = arith.constant 9984 : i32
        %dma_wait3A_654 = arith.constant 0 : i32
        %dma_wait3A_655 = tpu.memref_slice %arg8[%dma_wait3A_653, %dma_wait3A_654] : memref<10000x64xf32, #tpu.memory_space<vmem_shared>> -> memref<16x64xf32, #tpu.memory_space<vmem_shared>>
        %dma_wait3A_656 = arith.constant 0 : i32
        %dma_wait3A_657 = arith.constant 0 : i32
        %dma_wait3A_658 = tpu.memref_slice %arg7[%run_scoped3A_621, %dma_wait3A_656, %dma_wait3A_657] : memref<8x128x64xf32, #tpu.memory_space<vmem>> -> memref<1x128x64xf32, #tpu.memory_space<vmem>>
        %dma_wait3A_659 = tpu.memref_squeeze %dma_wait3A_658 : memref<1x128x64xf32, #tpu.memory_space<vmem>> -> memref<128x64xf32, #tpu.memory_space<vmem>>
        %dma_wait3A_660 = arith.constant 0 : i32
        %dma_wait3A_661 = arith.constant 0 : i32
        %dma_wait3A_662 = tpu.memref_slice %dma_wait3A_659[%dma_wait3A_660, %dma_wait3A_661] : memref<128x64xf32, #tpu.memory_space<vmem>> -> memref<16x64xf32, #tpu.memory_space<vmem>>
        tpu.wait_dma2 semaphore(%run_scoped3A_622 : memref<!tpu.dma_semaphore, #tpu.memory_space<semaphore_mem>>) src(%dma_wait3A_662 : memref<16x64xf32, #tpu.memory_space<vmem>>) dst(%dma_wait3A_655 : memref<16x64xf32, #tpu.memory_space<vmem_shared>>)
        tpu.yield
      }) : () -> ()
    } else {
    }
    %dma_wait3A = arith.constant 0 : i32
    %dma_wait3A_96 = arith.constant 0 : i32
    %dma_wait3A_97 = tpu.memref_slice %arg3[%dma_wait3A, %dma_wait3A_96] : memref<2x320000xi32, #tpu.memory_space<hbm>> -> memref<1x320000xi32, #tpu.memory_space<hbm>>
    %dma_wait3A_98 = tpu.memref_squeeze %dma_wait3A_97 : memref<1x320000xi32, #tpu.memory_space<hbm>> -> memref<320000xi32, #tpu.memory_space<hbm>>
    %dma_wait3A_99 = tpu.memref_slice %dma_wait3A_98[%mul3A_3] : memref<320000xi32, #tpu.memory_space<hbm>> -> memref<10000xi32, #tpu.memory_space<hbm>>
    %dma_wait3A_100 = arith.constant 0 : i32
    %dma_wait3A_101 = tpu.memref_slice %arg3[%dma_wait3A, %dma_wait3A_100] : memref<2x320000xi32, #tpu.memory_space<hbm>> -> memref<1x320000xi32, #tpu.memory_space<hbm>>
    %dma_wait3A_102 = tpu.memref_squeeze %dma_wait3A_101 : memref<1x320000xi32, #tpu.memory_space<hbm>> -> memref<320000xi32, #tpu.memory_space<hbm>>
    %dma_wait3A_103 = tpu.memref_slice %dma_wait3A_102[%mul3A_3] : memref<320000xi32, #tpu.memory_space<hbm>> -> memref<10000xi32, #tpu.memory_space<hbm>>
    tpu.wait_dma2 semaphore(%arg9 : memref<!tpu.dma_semaphore, #tpu.memory_space<semaphore_mem>>) src(%dma_wait3A_103 : memref<10000xi32, #tpu.memory_space<hbm>>) dst(%arg5 : memref<10000xi32, #tpu.memory_space<vmem>>)
    %dma_wait3A_104 = arith.constant 1 : i32
    %dma_wait3A_105 = arith.constant 0 : i32
    %dma_wait3A_106 = tpu.memref_slice %arg3[%dma_wait3A_104, %dma_wait3A_105] : memref<2x320000xi32, #tpu.memory_space<hbm>> -> memref<1x320000xi32, #tpu.memory_space<hbm>>
    %dma_wait3A_107 = tpu.memref_squeeze %dma_wait3A_106 : memref<1x320000xi32, #tpu.memory_space<hbm>> -> memref<320000xi32, #tpu.memory_space<hbm>>
    %dma_wait3A_108 = tpu.memref_slice %dma_wait3A_107[%mul3A_3] : memref<320000xi32, #tpu.memory_space<hbm>> -> memref<10000xi32, #tpu.memory_space<hbm>>
    %dma_wait3A_109 = arith.constant 0 : i32
    %dma_wait3A_110 = tpu.memref_slice %arg3[%dma_wait3A_104, %dma_wait3A_109] : memref<2x320000xi32, #tpu.memory_space<hbm>> -> memref<1x320000xi32, #tpu.memory_space<hbm>>
    %dma_wait3A_111 = tpu.memref_squeeze %dma_wait3A_110 : memref<1x320000xi32, #tpu.memory_space<hbm>> -> memref<320000xi32, #tpu.memory_space<hbm>>
    %dma_wait3A_112 = tpu.memref_slice %dma_wait3A_111[%mul3A_3] : memref<320000xi32, #tpu.memory_space<hbm>> -> memref<10000xi32, #tpu.memory_space<hbm>>
    tpu.wait_dma2 semaphore(%arg9 : memref<!tpu.dma_semaphore, #tpu.memory_space<semaphore_mem>>) src(%dma_wait3A_112 : memref<10000xi32, #tpu.memory_space<hbm>>) dst(%arg6 : memref<10000xi32, #tpu.memory_space<vmem>>)
    %barrier3A = arith.constant 0 : index
    tpu.barrier barrier_id(%barrier3A)
    %dma_start3A_113 = arith.constant 0 : i32
    %dma_start3A_114 = arith.constant 0 : i32
    %dma_start3A_115 = arith.constant 0 : i32
    %dma_start3A_116 = tpu.memref_slice %arg7[%dma_start3A_113, %dma_start3A_114, %dma_start3A_115] : memref<8x128x64xf32, #tpu.memory_space<vmem>> -> memref<1x128x64xf32, #tpu.memory_space<vmem>>
    %dma_start3A_117 = tpu.memref_squeeze %dma_start3A_116 : memref<1x128x64xf32, #tpu.memory_space<vmem>> -> memref<128x64xf32, #tpu.memory_space<vmem>>
    %dma_start3A_118 = arith.constant 0 : i32
    %dma_start3A_119 = tpu.memref_slice %arg5[%dma_start3A_118] : memref<10000xi32, #tpu.memory_space<vmem>> -> memref<128xi32, #tpu.memory_space<vmem>>
    %dma_start3A_120 = arith.constant 0 : i32
    %dma_start3A_121 = arith.constant 0 : i32
    %dma_start3A_122 = tpu.memref_slice %arg2[%dma_start3A_120, %dma_start3A_121] : memref<10000x64xf32, #tpu.memory_space<hbm>> -> memref<10000x64xf32, #tpu.memory_space<hbm>>
    tpu.enqueue_indirect_dma source(%dma_start3A_122 : memref<10000x64xf32, #tpu.memory_space<hbm>>) target(%dma_start3A_117 : memref<128x64xf32, #tpu.memory_space<vmem>>) offsets(%dma_start3A_119 : memref<128xi32, #tpu.memory_space<vmem>>) semaphore(%arg9 : memref<!tpu.dma_semaphore, #tpu.memory_space<semaphore_mem>>)
    %dma_start3A_123 = arith.constant 1 : i32
    %dma_start3A_124 = arith.constant 0 : i32
    %dma_start3A_125 = arith.constant 0 : i32
    %dma_start3A_126 = tpu.memref_slice %arg7[%dma_start3A_123, %dma_start3A_124, %dma_start3A_125] : memref<8x128x64xf32, #tpu.memory_space<vmem>> -> memref<1x128x64xf32, #tpu.memory_space<vmem>>
    %dma_start3A_127 = tpu.memref_squeeze %dma_start3A_126 : memref<1x128x64xf32, #tpu.memory_space<vmem>> -> memref<128x64xf32, #tpu.memory_space<vmem>>
    %dma_start3A_128 = arith.constant 128 : i32
    %dma_start3A_129 = tpu.memref_slice %arg5[%dma_start3A_128] : memref<10000xi32, #tpu.memory_space<vmem>> -> memref<128xi32, #tpu.memory_space<vmem>>
    %dma_start3A_130 = arith.constant 0 : i32
    %dma_start3A_131 = arith.constant 0 : i32
    %dma_start3A_132 = tpu.memref_slice %arg2[%dma_start3A_130, %dma_start3A_131] : memref<10000x64xf32, #tpu.memory_space<hbm>> -> memref<10000x64xf32, #tpu.memory_space<hbm>>
    tpu.enqueue_indirect_dma source(%dma_start3A_132 : memref<10000x64xf32, #tpu.memory_space<hbm>>) target(%dma_start3A_127 : memref<128x64xf32, #tpu.memory_space<vmem>>) offsets(%dma_start3A_129 : memref<128xi32, #tpu.memory_space<vmem>>) semaphore(%arg9 : memref<!tpu.dma_semaphore, #tpu.memory_space<semaphore_mem>>)
    %dma_start3A_133 = arith.constant 2 : i32
    %dma_start3A_134 = arith.constant 0 : i32
    %dma_start3A_135 = arith.constant 0 : i32
    %dma_start3A_136 = tpu.memref_slice %arg7[%dma_start3A_133, %dma_start3A_134, %dma_start3A_135] : memref<8x128x64xf32, #tpu.memory_space<vmem>> -> memref<1x128x64xf32, #tpu.memory_space<vmem>>
    %dma_start3A_137 = tpu.memref_squeeze %dma_start3A_136 : memref<1x128x64xf32, #tpu.memory_space<vmem>> -> memref<128x64xf32, #tpu.memory_space<vmem>>
    %dma_start3A_138 = arith.constant 256 : i32
    %dma_start3A_139 = tpu.memref_slice %arg5[%dma_start3A_138] : memref<10000xi32, #tpu.memory_space<vmem>> -> memref<128xi32, #tpu.memory_space<vmem>>
    %dma_start3A_140 = arith.constant 0 : i32
    %dma_start3A_141 = arith.constant 0 : i32
    %dma_start3A_142 = tpu.memref_slice %arg2[%dma_start3A_140, %dma_start3A_141] : memref<10000x64xf32, #tpu.memory_space<hbm>> -> memref<10000x64xf32, #tpu.memory_space<hbm>>
    tpu.enqueue_indirect_dma source(%dma_start3A_142 : memref<10000x64xf32, #tpu.memory_space<hbm>>) target(%dma_start3A_137 : memref<128x64xf32, #tpu.memory_space<vmem>>) offsets(%dma_start3A_139 : memref<128xi32, #tpu.memory_space<vmem>>) semaphore(%arg9 : memref<!tpu.dma_semaphore, #tpu.memory_space<semaphore_mem>>)
    %dma_start3A_143 = arith.constant 3 : i32
    %dma_start3A_144 = arith.constant 0 : i32
    %dma_start3A_145 = arith.constant 0 : i32
    %dma_start3A_146 = tpu.memref_slice %arg7[%dma_start3A_143, %dma_start3A_144, %dma_start3A_145] : memref<8x128x64xf32, #tpu.memory_space<vmem>> -> memref<1x128x64xf32, #tpu.memory_space<vmem>>
    %dma_start3A_147 = tpu.memref_squeeze %dma_start3A_146 : memref<1x128x64xf32, #tpu.memory_space<vmem>> -> memref<128x64xf32, #tpu.memory_space<vmem>>
    %dma_start3A_148 = arith.constant 384 : i32
    %dma_start3A_149 = tpu.memref_slice %arg5[%dma_start3A_148] : memref<10000xi32, #tpu.memory_space<vmem>> -> memref<128xi32, #tpu.memory_space<vmem>>
    %dma_start3A_150 = arith.constant 0 : i32
    %dma_start3A_151 = arith.constant 0 : i32
    %dma_start3A_152 = tpu.memref_slice %arg2[%dma_start3A_150, %dma_start3A_151] : memref<10000x64xf32, #tpu.memory_space<hbm>> -> memref<10000x64xf32, #tpu.memory_space<hbm>>
    tpu.enqueue_indirect_dma source(%dma_start3A_152 : memref<10000x64xf32, #tpu.memory_space<hbm>>) target(%dma_start3A_147 : memref<128x64xf32, #tpu.memory_space<vmem>>) offsets(%dma_start3A_149 : memref<128xi32, #tpu.memory_space<vmem>>) semaphore(%arg9 : memref<!tpu.dma_semaphore, #tpu.memory_space<semaphore_mem>>)
    %scan3A_153 = arith.constant 0 : i32
    %scan3A_154 = arith.constant 0 : i32
    %scan3A_155 = arith.constant 9 : i32
    %scan3A_156 = arith.addi %scan3A_154, %scan3A_155 : i32
    %scan3A_157 = arith.constant 1 : i32
    scf.for %scan3A_621 = %scan3A_154 to %scan3A_156 step %scan3A_157  : i32 {
      %mul3A_622 = arith.constant 2 : i32
      %mul3A_623 = arith.muli %mul3A_622, %scan3A_621 : i32
      %dma_wait3A_624 = arith.constant 0 : i32
      %dma_wait3A_625 = arith.constant 0 : i32
      %dma_wait3A_626 = arith.constant 0 : i32
      %dma_wait3A_627 = tpu.memref_slice %arg7[%dma_wait3A_624, %dma_wait3A_625, %dma_wait3A_626] : memref<8x128x64xf32, #tpu.memory_space<vmem>> -> memref<1x128x64xf32, #tpu.memory_space<vmem>>
      %dma_wait3A_628 = tpu.memref_squeeze %dma_wait3A_627 : memref<1x128x64xf32, #tpu.memory_space<vmem>> -> memref<128x64xf32, #tpu.memory_space<vmem>>
      %dma_wait3A_629 = arith.constant 0 : i32
      %dma_wait3A_630 = arith.constant 0 : i32
      %dma_wait3A_631 = tpu.memref_slice %arg2[%dma_wait3A_629, %dma_wait3A_630] : memref<10000x64xf32, #tpu.memory_space<hbm>> -> memref<128x64xf32, #tpu.memory_space<hbm>>
      %dma_wait3A_632 = arith.constant 0 : i32
      %dma_wait3A_633 = arith.constant 0 : i32
      %dma_wait3A_634 = tpu.memref_slice %arg7[%dma_wait3A_624, %dma_wait3A_632, %dma_wait3A_633] : memref<8x128x64xf32, #tpu.memory_space<vmem>> -> memref<1x128x64xf32, #tpu.memory_space<vmem>>
      %dma_wait3A_635 = tpu.memref_squeeze %dma_wait3A_634 : memref<1x128x64xf32, #tpu.memory_space<vmem>> -> memref<128x64xf32, #tpu.memory_space<vmem>>
      %dma_wait3A_636 = arith.constant 0 : i32
      %dma_wait3A_637 = arith.constant 0 : i32
      %dma_wait3A_638 = tpu.memref_slice %arg2[%dma_wait3A_636, %dma_wait3A_637] : memref<10000x64xf32, #tpu.memory_space<hbm>> -> memref<128x64xf32, #tpu.memory_space<hbm>>
      tpu.wait_dma2 semaphore(%arg9 : memref<!tpu.dma_semaphore, #tpu.memory_space<semaphore_mem>>) src(%dma_wait3A_638 : memref<128x64xf32, #tpu.memory_space<hbm>>) dst(%dma_wait3A_635 : memref<128x64xf32, #tpu.memory_space<vmem>>)
      %dma_wait3A_639 = arith.constant 1 : i32
      %dma_wait3A_640 = arith.constant 0 : i32
      %dma_wait3A_641 = arith.constant 0 : i32
      %dma_wait3A_642 = tpu.memref_slice %arg7[%dma_wait3A_639, %dma_wait3A_640, %dma_wait3A_641] : memref<8x128x64xf32, #tpu.memory_space<vmem>> -> memref<1x128x64xf32, #tpu.memory_space<vmem>>
      %dma_wait3A_643 = tpu.memref_squeeze %dma_wait3A_642 : memref<1x128x64xf32, #tpu.memory_space<vmem>> -> memref<128x64xf32, #tpu.memory_space<vmem>>
      %dma_wait3A_644 = arith.constant 0 : i32
      %dma_wait3A_645 = arith.constant 0 : i32
      %dma_wait3A_646 = tpu.memref_slice %arg2[%dma_wait3A_644, %dma_wait3A_645] : memref<10000x64xf32, #tpu.memory_space<hbm>> -> memref<128x64xf32, #tpu.memory_space<hbm>>
      %dma_wait3A_647 = arith.constant 0 : i32
      %dma_wait3A_648 = arith.constant 0 : i32
      %dma_wait3A_649 = tpu.memref_slice %arg7[%dma_wait3A_639, %dma_wait3A_647, %dma_wait3A_648] : memref<8x128x64xf32, #tpu.memory_space<vmem>> -> memref<1x128x64xf32, #tpu.memory_space<vmem>>
      %dma_wait3A_650 = tpu.memref_squeeze %dma_wait3A_649 : memref<1x128x64xf32, #tpu.memory_space<vmem>> -> memref<128x64xf32, #tpu.memory_space<vmem>>
      %dma_wait3A_651 = arith.constant 0 : i32
      %dma_wait3A_652 = arith.constant 0 : i32
      %dma_wait3A_653 = tpu.memref_slice %arg2[%dma_wait3A_651, %dma_wait3A_652] : memref<10000x64xf32, #tpu.memory_space<hbm>> -> memref<128x64xf32, #tpu.memory_space<hbm>>
      tpu.wait_dma2 semaphore(%arg9 : memref<!tpu.dma_semaphore, #tpu.memory_space<semaphore_mem>>) src(%dma_wait3A_653 : memref<128x64xf32, #tpu.memory_space<hbm>>) dst(%dma_wait3A_650 : memref<128x64xf32, #tpu.memory_space<vmem>>)
      %dma_wait3A_654 = arith.constant 2 : i32
      %dma_wait3A_655 = arith.constant 0 : i32
      %dma_wait3A_656 = arith.constant 0 : i32
      %dma_wait3A_657 = tpu.memref_slice %arg7[%dma_wait3A_654, %dma_wait3A_655, %dma_wait3A_656] : memref<8x128x64xf32, #tpu.memory_space<vmem>> -> memref<1x128x64xf32, #tpu.memory_space<vmem>>
      %dma_wait3A_658 = tpu.memref_squeeze %dma_wait3A_657 : memref<1x128x64xf32, #tpu.memory_space<vmem>> -> memref<128x64xf32, #tpu.memory_space<vmem>>
      %dma_wait3A_659 = arith.constant 0 : i32
      %dma_wait3A_660 = arith.constant 0 : i32
      %dma_wait3A_661 = tpu.memref_slice %arg2[%dma_wait3A_659, %dma_wait3A_660] : memref<10000x64xf32, #tpu.memory_space<hbm>> -> memref<128x64xf32, #tpu.memory_space<hbm>>
      %dma_wait3A_662 = arith.constant 0 : i32
      %dma_wait3A_663 = arith.constant 0 : i32
      %dma_wait3A_664 = tpu.memref_slice %arg7[%dma_wait3A_654, %dma_wait3A_662, %dma_wait3A_663] : memref<8x128x64xf32, #tpu.memory_space<vmem>> -> memref<1x128x64xf32, #tpu.memory_space<vmem>>
      %dma_wait3A_665 = tpu.memref_squeeze %dma_wait3A_664 : memref<1x128x64xf32, #tpu.memory_space<vmem>> -> memref<128x64xf32, #tpu.memory_space<vmem>>
      %dma_wait3A_666 = arith.constant 0 : i32
      %dma_wait3A_667 = arith.constant 0 : i32
      %dma_wait3A_668 = tpu.memref_slice %arg2[%dma_wait3A_666, %dma_wait3A_667] : memref<10000x64xf32, #tpu.memory_space<hbm>> -> memref<128x64xf32, #tpu.memory_space<hbm>>
      tpu.wait_dma2 semaphore(%arg9 : memref<!tpu.dma_semaphore, #tpu.memory_space<semaphore_mem>>) src(%dma_wait3A_668 : memref<128x64xf32, #tpu.memory_space<hbm>>) dst(%dma_wait3A_665 : memref<128x64xf32, #tpu.memory_space<vmem>>)
      %dma_wait3A_669 = arith.constant 3 : i32
      %dma_wait3A_670 = arith.constant 0 : i32
      %dma_wait3A_671 = arith.constant 0 : i32
      %dma_wait3A_672 = tpu.memref_slice %arg7[%dma_wait3A_669, %dma_wait3A_670, %dma_wait3A_671] : memref<8x128x64xf32, #tpu.memory_space<vmem>> -> memref<1x128x64xf32, #tpu.memory_space<vmem>>
      %dma_wait3A_673 = tpu.memref_squeeze %dma_wait3A_672 : memref<1x128x64xf32, #tpu.memory_space<vmem>> -> memref<128x64xf32, #tpu.memory_space<vmem>>
      %dma_wait3A_674 = arith.constant 0 : i32
      %dma_wait3A_675 = arith.constant 0 : i32
      %dma_wait3A_676 = tpu.memref_slice %arg2[%dma_wait3A_674, %dma_wait3A_675] : memref<10000x64xf32, #tpu.memory_space<hbm>> -> memref<128x64xf32, #tpu.memory_space<hbm>>
      %dma_wait3A_677 = arith.constant 0 : i32
      %dma_wait3A_678 = arith.constant 0 : i32
      %dma_wait3A_679 = tpu.memref_slice %arg7[%dma_wait3A_669, %dma_wait3A_677, %dma_wait3A_678] : memref<8x128x64xf32, #tpu.memory_space<vmem>> -> memref<1x128x64xf32, #tpu.memory_space<vmem>>
      %dma_wait3A_680 = tpu.memref_squeeze %dma_wait3A_679 : memref<1x128x64xf32, #tpu.memory_space<vmem>> -> memref<128x64xf32, #tpu.memory_space<vmem>>
      %dma_wait3A_681 = arith.constant 0 : i32
      %dma_wait3A_682 = arith.constant 0 : i32
      %dma_wait3A_683 = tpu.memref_slice %arg2[%dma_wait3A_681, %dma_wait3A_682] : memref<10000x64xf32, #tpu.memory_space<hbm>> -> memref<128x64xf32, #tpu.memory_space<hbm>>
      tpu.wait_dma2 semaphore(%arg9 : memref<!tpu.dma_semaphore, #tpu.memory_space<semaphore_mem>>) src(%dma_wait3A_683 : memref<128x64xf32, #tpu.memory_space<hbm>>) dst(%dma_wait3A_680 : memref<128x64xf32, #tpu.memory_space<vmem>>)
      %mul3A_684 = arith.constant 512 : i32
      %mul3A_685 = arith.muli %mul3A_623, %mul3A_684 : i32
      %add3A_686 = arith.constant 0 : i32
      %add3A_687 = arith.addi %mul3A_685, %add3A_686 : i32
      %dma_start3A_688 = arith.constant 0 : i32
      %dma_start3A_689 = arith.constant 0 : i32
      %dma_start3A_690 = arith.constant 0 : i32
      %dma_start3A_691 = tpu.memref_slice %arg7[%dma_start3A_688, %dma_start3A_689, %dma_start3A_690] : memref<8x128x64xf32, #tpu.memory_space<vmem>> -> memref<1x128x64xf32, #tpu.memory_space<vmem>>
      %dma_start3A_692 = tpu.memref_squeeze %dma_start3A_691 : memref<1x128x64xf32, #tpu.memory_space<vmem>> -> memref<128x64xf32, #tpu.memory_space<vmem>>
      %dma_start3A_693 = tpu.memref_slice %arg6[%add3A_687] : memref<10000xi32, #tpu.memory_space<vmem>> -> memref<128xi32, #tpu.memory_space<vmem>>
      %dma_start3A_694 = arith.constant 0 : i32
      %dma_start3A_695 = arith.constant 0 : i32
      %dma_start3A_696 = tpu.memref_slice %arg8[%dma_start3A_694, %dma_start3A_695] : memref<10000x64xf32, #tpu.memory_space<vmem_shared>> -> memref<10000x64xf32, #tpu.memory_space<vmem_shared>>
      tpu.enqueue_indirect_dma source(%dma_start3A_692 : memref<128x64xf32, #tpu.memory_space<vmem>>) target(%dma_start3A_696 : memref<10000x64xf32, #tpu.memory_space<vmem_shared>>) offsets(%dma_start3A_693 : memref<128xi32, #tpu.memory_space<vmem>>) semaphore(%arg10 : memref<!tpu.dma_semaphore, #tpu.memory_space<semaphore_mem>>) {add = true}
      %add3A_697 = arith.constant 128 : i32
      %add3A_698 = arith.addi %mul3A_685, %add3A_697 : i32
      %dma_start3A_699 = arith.constant 1 : i32
      %dma_start3A_700 = arith.constant 0 : i32
      %dma_start3A_701 = arith.constant 0 : i32
      %dma_start3A_702 = tpu.memref_slice %arg7[%dma_start3A_699, %dma_start3A_700, %dma_start3A_701] : memref<8x128x64xf32, #tpu.memory_space<vmem>> -> memref<1x128x64xf32, #tpu.memory_space<vmem>>
      %dma_start3A_703 = tpu.memref_squeeze %dma_start3A_702 : memref<1x128x64xf32, #tpu.memory_space<vmem>> -> memref<128x64xf32, #tpu.memory_space<vmem>>
      %dma_start3A_704 = tpu.memref_slice %arg6[%add3A_698] : memref<10000xi32, #tpu.memory_space<vmem>> -> memref<128xi32, #tpu.memory_space<vmem>>
      %dma_start3A_705 = arith.constant 0 : i32
      %dma_start3A_706 = arith.constant 0 : i32
      %dma_start3A_707 = tpu.memref_slice %arg8[%dma_start3A_705, %dma_start3A_706] : memref<10000x64xf32, #tpu.memory_space<vmem_shared>> -> memref<10000x64xf32, #tpu.memory_space<vmem_shared>>
      tpu.enqueue_indirect_dma source(%dma_start3A_703 : memref<128x64xf32, #tpu.memory_space<vmem>>) target(%dma_start3A_707 : memref<10000x64xf32, #tpu.memory_space<vmem_shared>>) offsets(%dma_start3A_704 : memref<128xi32, #tpu.memory_space<vmem>>) semaphore(%arg10 : memref<!tpu.dma_semaphore, #tpu.memory_space<semaphore_mem>>) {add = true}
      %add3A_708 = arith.constant 256 : i32
      %add3A_709 = arith.addi %mul3A_685, %add3A_708 : i32
      %dma_start3A_710 = arith.constant 2 : i32
      %dma_start3A_711 = arith.constant 0 : i32
      %dma_start3A_712 = arith.constant 0 : i32
      %dma_start3A_713 = tpu.memref_slice %arg7[%dma_start3A_710, %dma_start3A_711, %dma_start3A_712] : memref<8x128x64xf32, #tpu.memory_space<vmem>> -> memref<1x128x64xf32, #tpu.memory_space<vmem>>
      %dma_start3A_714 = tpu.memref_squeeze %dma_start3A_713 : memref<1x128x64xf32, #tpu.memory_space<vmem>> -> memref<128x64xf32, #tpu.memory_space<vmem>>
      %dma_start3A_715 = tpu.memref_slice %arg6[%add3A_709] : memref<10000xi32, #tpu.memory_space<vmem>> -> memref<128xi32, #tpu.memory_space<vmem>>
      %dma_start3A_716 = arith.constant 0 : i32
      %dma_start3A_717 = arith.constant 0 : i32
      %dma_start3A_718 = tpu.memref_slice %arg8[%dma_start3A_716, %dma_start3A_717] : memref<10000x64xf32, #tpu.memory_space<vmem_shared>> -> memref<10000x64xf32, #tpu.memory_space<vmem_shared>>
      tpu.enqueue_indirect_dma source(%dma_start3A_714 : memref<128x64xf32, #tpu.memory_space<vmem>>) target(%dma_start3A_718 : memref<10000x64xf32, #tpu.memory_space<vmem_shared>>) offsets(%dma_start3A_715 : memref<128xi32, #tpu.memory_space<vmem>>) semaphore(%arg10 : memref<!tpu.dma_semaphore, #tpu.memory_space<semaphore_mem>>) {add = true}
      %add3A_719 = arith.constant 384 : i32
      %add3A_720 = arith.addi %mul3A_685, %add3A_719 : i32
      %dma_start3A_721 = arith.constant 3 : i32
      %dma_start3A_722 = arith.constant 0 : i32
      %dma_start3A_723 = arith.constant 0 : i32
      %dma_start3A_724 = tpu.memref_slice %arg7[%dma_start3A_721, %dma_start3A_722, %dma_start3A_723] : memref<8x128x64xf32, #tpu.memory_space<vmem>> -> memref<1x128x64xf32, #tpu.memory_space<vmem>>
      %dma_start3A_725 = tpu.memref_squeeze %dma_start3A_724 : memref<1x128x64xf32, #tpu.memory_space<vmem>> -> memref<128x64xf32, #tpu.memory_space<vmem>>
      %dma_start3A_726 = tpu.memref_slice %arg6[%add3A_720] : memref<10000xi32, #tpu.memory_space<vmem>> -> memref<128xi32, #tpu.memory_space<vmem>>
      %dma_start3A_727 = arith.constant 0 : i32
      %dma_start3A_728 = arith.constant 0 : i32
      %dma_start3A_729 = tpu.memref_slice %arg8[%dma_start3A_727, %dma_start3A_728] : memref<10000x64xf32, #tpu.memory_space<vmem_shared>> -> memref<10000x64xf32, #tpu.memory_space<vmem_shared>>
      tpu.enqueue_indirect_dma source(%dma_start3A_725 : memref<128x64xf32, #tpu.memory_space<vmem>>) target(%dma_start3A_729 : memref<10000x64xf32, #tpu.memory_space<vmem_shared>>) offsets(%dma_start3A_726 : memref<128xi32, #tpu.memory_space<vmem>>) semaphore(%arg10 : memref<!tpu.dma_semaphore, #tpu.memory_space<semaphore_mem>>) {add = true}
      %gt3A = arith.constant 0 : i32
      %gt3A_730 = arith.cmpi sgt, %scan3A_621, %gt3A : i32
      %convert_element_type3A_731 = arith.extui %gt3A_730 : i1 to i32
      %cond3A_732 = arith.constant 0 : i32
      %cond3A_733 = arith.cmpi ne, %convert_element_type3A_731, %cond3A_732 : i32
      scf.if %cond3A_733 {
        %dma_wait3A_955 = arith.constant 4 : i32
        %dma_wait3A_956 = arith.constant 0 : i32
        %dma_wait3A_957 = arith.constant 0 : i32
        %dma_wait3A_958 = tpu.memref_slice %arg7[%dma_wait3A_955, %dma_wait3A_956, %dma_wait3A_957] : memref<8x128x64xf32, #tpu.memory_space<vmem>> -> memref<1x128x64xf32, #tpu.memory_space<vmem>>
        %dma_wait3A_959 = tpu.memref_squeeze %dma_wait3A_958 : memref<1x128x64xf32, #tpu.memory_space<vmem>> -> memref<128x64xf32, #tpu.memory_space<vmem>>
        %dma_wait3A_960 = arith.constant 0 : i32
        %dma_wait3A_961 = arith.constant 0 : i32
        %dma_wait3A_962 = tpu.memref_slice %arg2[%dma_wait3A_960, %dma_wait3A_961] : memref<10000x64xf32, #tpu.memory_space<hbm>> -> memref<128x64xf32, #tpu.memory_space<hbm>>
        %dma_wait3A_963 = arith.constant 0 : i32
        %dma_wait3A_964 = arith.constant 0 : i32
        %dma_wait3A_965 = tpu.memref_slice %arg7[%dma_wait3A_955, %dma_wait3A_963, %dma_wait3A_964] : memref<8x128x64xf32, #tpu.memory_space<vmem>> -> memref<1x128x64xf32, #tpu.memory_space<vmem>>
        %dma_wait3A_966 = tpu.memref_squeeze %dma_wait3A_965 : memref<1x128x64xf32, #tpu.memory_space<vmem>> -> memref<128x64xf32, #tpu.memory_space<vmem>>
        %dma_wait3A_967 = arith.constant 0 : i32
        %dma_wait3A_968 = arith.constant 0 : i32
        %dma_wait3A_969 = tpu.memref_slice %arg2[%dma_wait3A_967, %dma_wait3A_968] : memref<10000x64xf32, #tpu.memory_space<hbm>> -> memref<128x64xf32, #tpu.memory_space<hbm>>
        tpu.wait_dma2 semaphore(%arg11 : memref<!tpu.dma_semaphore, #tpu.memory_space<semaphore_mem>>) src(%dma_wait3A_969 : memref<128x64xf32, #tpu.memory_space<hbm>>) dst(%dma_wait3A_966 : memref<128x64xf32, #tpu.memory_space<vmem>>)
        %dma_wait3A_970 = arith.constant 5 : i32
        %dma_wait3A_971 = arith.constant 0 : i32
        %dma_wait3A_972 = arith.constant 0 : i32
        %dma_wait3A_973 = tpu.memref_slice %arg7[%dma_wait3A_970, %dma_wait3A_971, %dma_wait3A_972] : memref<8x128x64xf32, #tpu.memory_space<vmem>> -> memref<1x128x64xf32, #tpu.memory_space<vmem>>
        %dma_wait3A_974 = tpu.memref_squeeze %dma_wait3A_973 : memref<1x128x64xf32, #tpu.memory_space<vmem>> -> memref<128x64xf32, #tpu.memory_space<vmem>>
        %dma_wait3A_975 = arith.constant 0 : i32
        %dma_wait3A_976 = arith.constant 0 : i32
        %dma_wait3A_977 = tpu.memref_slice %arg2[%dma_wait3A_975, %dma_wait3A_976] : memref<10000x64xf32, #tpu.memory_space<hbm>> -> memref<128x64xf32, #tpu.memory_space<hbm>>
        %dma_wait3A_978 = arith.constant 0 : i32
        %dma_wait3A_979 = arith.constant 0 : i32
        %dma_wait3A_980 = tpu.memref_slice %arg7[%dma_wait3A_970, %dma_wait3A_978, %dma_wait3A_979] : memref<8x128x64xf32, #tpu.memory_space<vmem>> -> memref<1x128x64xf32, #tpu.memory_space<vmem>>
        %dma_wait3A_981 = tpu.memref_squeeze %dma_wait3A_980 : memref<1x128x64xf32, #tpu.memory_space<vmem>> -> memref<128x64xf32, #tpu.memory_space<vmem>>
        %dma_wait3A_982 = arith.constant 0 : i32
        %dma_wait3A_983 = arith.constant 0 : i32
        %dma_wait3A_984 = tpu.memref_slice %arg2[%dma_wait3A_982, %dma_wait3A_983] : memref<10000x64xf32, #tpu.memory_space<hbm>> -> memref<128x64xf32, #tpu.memory_space<hbm>>
        tpu.wait_dma2 semaphore(%arg11 : memref<!tpu.dma_semaphore, #tpu.memory_space<semaphore_mem>>) src(%dma_wait3A_984 : memref<128x64xf32, #tpu.memory_space<hbm>>) dst(%dma_wait3A_981 : memref<128x64xf32, #tpu.memory_space<vmem>>)
        %dma_wait3A_985 = arith.constant 6 : i32
        %dma_wait3A_986 = arith.constant 0 : i32
        %dma_wait3A_987 = arith.constant 0 : i32
        %dma_wait3A_988 = tpu.memref_slice %arg7[%dma_wait3A_985, %dma_wait3A_986, %dma_wait3A_987] : memref<8x128x64xf32, #tpu.memory_space<vmem>> -> memref<1x128x64xf32, #tpu.memory_space<vmem>>
        %dma_wait3A_989 = tpu.memref_squeeze %dma_wait3A_988 : memref<1x128x64xf32, #tpu.memory_space<vmem>> -> memref<128x64xf32, #tpu.memory_space<vmem>>
        %dma_wait3A_990 = arith.constant 0 : i32
        %dma_wait3A_991 = arith.constant 0 : i32
        %dma_wait3A_992 = tpu.memref_slice %arg2[%dma_wait3A_990, %dma_wait3A_991] : memref<10000x64xf32, #tpu.memory_space<hbm>> -> memref<128x64xf32, #tpu.memory_space<hbm>>
        %dma_wait3A_993 = arith.constant 0 : i32
        %dma_wait3A_994 = arith.constant 0 : i32
        %dma_wait3A_995 = tpu.memref_slice %arg7[%dma_wait3A_985, %dma_wait3A_993, %dma_wait3A_994] : memref<8x128x64xf32, #tpu.memory_space<vmem>> -> memref<1x128x64xf32, #tpu.memory_space<vmem>>
        %dma_wait3A_996 = tpu.memref_squeeze %dma_wait3A_995 : memref<1x128x64xf32, #tpu.memory_space<vmem>> -> memref<128x64xf32, #tpu.memory_space<vmem>>
        %dma_wait3A_997 = arith.constant 0 : i32
        %dma_wait3A_998 = arith.constant 0 : i32
        %dma_wait3A_999 = tpu.memref_slice %arg2[%dma_wait3A_997, %dma_wait3A_998] : memref<10000x64xf32, #tpu.memory_space<hbm>> -> memref<128x64xf32, #tpu.memory_space<hbm>>
        tpu.wait_dma2 semaphore(%arg11 : memref<!tpu.dma_semaphore, #tpu.memory_space<semaphore_mem>>) src(%dma_wait3A_999 : memref<128x64xf32, #tpu.memory_space<hbm>>) dst(%dma_wait3A_996 : memref<128x64xf32, #tpu.memory_space<vmem>>)
        %dma_wait3A_1000 = arith.constant 7 : i32
        %dma_wait3A_1001 = arith.constant 0 : i32
        %dma_wait3A_1002 = arith.constant 0 : i32
        %dma_wait3A_1003 = tpu.memref_slice %arg7[%dma_wait3A_1000, %dma_wait3A_1001, %dma_wait3A_1002] : memref<8x128x64xf32, #tpu.memory_space<vmem>> -> memref<1x128x64xf32, #tpu.memory_space<vmem>>
        %dma_wait3A_1004 = tpu.memref_squeeze %dma_wait3A_1003 : memref<1x128x64xf32, #tpu.memory_space<vmem>> -> memref<128x64xf32, #tpu.memory_space<vmem>>
        %dma_wait3A_1005 = arith.constant 0 : i32
        %dma_wait3A_1006 = arith.constant 0 : i32
        %dma_wait3A_1007 = tpu.memref_slice %arg2[%dma_wait3A_1005, %dma_wait3A_1006] : memref<10000x64xf32, #tpu.memory_space<hbm>> -> memref<128x64xf32, #tpu.memory_space<hbm>>
        %dma_wait3A_1008 = arith.constant 0 : i32
        %dma_wait3A_1009 = arith.constant 0 : i32
        %dma_wait3A_1010 = tpu.memref_slice %arg7[%dma_wait3A_1000, %dma_wait3A_1008, %dma_wait3A_1009] : memref<8x128x64xf32, #tpu.memory_space<vmem>> -> memref<1x128x64xf32, #tpu.memory_space<vmem>>
        %dma_wait3A_1011 = tpu.memref_squeeze %dma_wait3A_1010 : memref<1x128x64xf32, #tpu.memory_space<vmem>> -> memref<128x64xf32, #tpu.memory_space<vmem>>
        %dma_wait3A_1012 = arith.constant 0 : i32
        %dma_wait3A_1013 = arith.constant 0 : i32
        %dma_wait3A_1014 = tpu.memref_slice %arg2[%dma_wait3A_1012, %dma_wait3A_1013] : memref<10000x64xf32, #tpu.memory_space<hbm>> -> memref<128x64xf32, #tpu.memory_space<hbm>>
        tpu.wait_dma2 semaphore(%arg11 : memref<!tpu.dma_semaphore, #tpu.memory_space<semaphore_mem>>) src(%dma_wait3A_1014 : memref<128x64xf32, #tpu.memory_space<hbm>>) dst(%dma_wait3A_1011 : memref<128x64xf32, #tpu.memory_space<vmem>>)
      } else {
      }
      %add3A_734 = arith.constant 1 : i32
      %add3A_735 = arith.addi %mul3A_623, %add3A_734 : i32
      %mul3A_736 = arith.constant 512 : i32
      %mul3A_737 = arith.muli %add3A_735, %mul3A_736 : i32
      %add3A_738 = arith.constant 0 : i32
      %add3A_739 = arith.addi %mul3A_737, %add3A_738 : i32
      %dma_start3A_740 = arith.constant 4 : i32
      %dma_start3A_741 = arith.constant 0 : i32
      %dma_start3A_742 = arith.constant 0 : i32
      %dma_start3A_743 = tpu.memref_slice %arg7[%dma_start3A_740, %dma_start3A_741, %dma_start3A_742] : memref<8x128x64xf32, #tpu.memory_space<vmem>> -> memref<1x128x64xf32, #tpu.memory_space<vmem>>
      %dma_start3A_744 = tpu.memref_squeeze %dma_start3A_743 : memref<1x128x64xf32, #tpu.memory_space<vmem>> -> memref<128x64xf32, #tpu.memory_space<vmem>>
      %dma_start3A_745 = tpu.memref_slice %arg5[%add3A_739] : memref<10000xi32, #tpu.memory_space<vmem>> -> memref<128xi32, #tpu.memory_space<vmem>>
      %dma_start3A_746 = arith.constant 0 : i32
      %dma_start3A_747 = arith.constant 0 : i32
      %dma_start3A_748 = tpu.memref_slice %arg2[%dma_start3A_746, %dma_start3A_747] : memref<10000x64xf32, #tpu.memory_space<hbm>> -> memref<10000x64xf32, #tpu.memory_space<hbm>>
      tpu.enqueue_indirect_dma source(%dma_start3A_748 : memref<10000x64xf32, #tpu.memory_space<hbm>>) target(%dma_start3A_744 : memref<128x64xf32, #tpu.memory_space<vmem>>) offsets(%dma_start3A_745 : memref<128xi32, #tpu.memory_space<vmem>>) semaphore(%arg9 : memref<!tpu.dma_semaphore, #tpu.memory_space<semaphore_mem>>)
      %add3A_749 = arith.constant 128 : i32
      %add3A_750 = arith.addi %mul3A_737, %add3A_749 : i32
      %dma_start3A_751 = arith.constant 5 : i32
      %dma_start3A_752 = arith.constant 0 : i32
      %dma_start3A_753 = arith.constant 0 : i32
      %dma_start3A_754 = tpu.memref_slice %arg7[%dma_start3A_751, %dma_start3A_752, %dma_start3A_753] : memref<8x128x64xf32, #tpu.memory_space<vmem>> -> memref<1x128x64xf32, #tpu.memory_space<vmem>>
      %dma_start3A_755 = tpu.memref_squeeze %dma_start3A_754 : memref<1x128x64xf32, #tpu.memory_space<vmem>> -> memref<128x64xf32, #tpu.memory_space<vmem>>
      %dma_start3A_756 = tpu.memref_slice %arg5[%add3A_750] : memref<10000xi32, #tpu.memory_space<vmem>> -> memref<128xi32, #tpu.memory_space<vmem>>
      %dma_start3A_757 = arith.constant 0 : i32
      %dma_start3A_758 = arith.constant 0 : i32
      %dma_start3A_759 = tpu.memref_slice %arg2[%dma_start3A_757, %dma_start3A_758] : memref<10000x64xf32, #tpu.memory_space<hbm>> -> memref<10000x64xf32, #tpu.memory_space<hbm>>
      tpu.enqueue_indirect_dma source(%dma_start3A_759 : memref<10000x64xf32, #tpu.memory_space<hbm>>) target(%dma_start3A_755 : memref<128x64xf32, #tpu.memory_space<vmem>>) offsets(%dma_start3A_756 : memref<128xi32, #tpu.memory_space<vmem>>) semaphore(%arg9 : memref<!tpu.dma_semaphore, #tpu.memory_space<semaphore_mem>>)
      %add3A_760 = arith.constant 256 : i32
      %add3A_761 = arith.addi %mul3A_737, %add3A_760 : i32
      %dma_start3A_762 = arith.constant 6 : i32
      %dma_start3A_763 = arith.constant 0 : i32
      %dma_start3A_764 = arith.constant 0 : i32
      %dma_start3A_765 = tpu.memref_slice %arg7[%dma_start3A_762, %dma_start3A_763, %dma_start3A_764] : memref<8x128x64xf32, #tpu.memory_space<vmem>> -> memref<1x128x64xf32, #tpu.memory_space<vmem>>
      %dma_start3A_766 = tpu.memref_squeeze %dma_start3A_765 : memref<1x128x64xf32, #tpu.memory_space<vmem>> -> memref<128x64xf32, #tpu.memory_space<vmem>>
      %dma_start3A_767 = tpu.memref_slice %arg5[%add3A_761] : memref<10000xi32, #tpu.memory_space<vmem>> -> memref<128xi32, #tpu.memory_space<vmem>>
      %dma_start3A_768 = arith.constant 0 : i32
      %dma_start3A_769 = arith.constant 0 : i32
      %dma_start3A_770 = tpu.memref_slice %arg2[%dma_start3A_768, %dma_start3A_769] : memref<10000x64xf32, #tpu.memory_space<hbm>> -> memref<10000x64xf32, #tpu.memory_space<hbm>>
      tpu.enqueue_indirect_dma source(%dma_start3A_770 : memref<10000x64xf32, #tpu.memory_space<hbm>>) target(%dma_start3A_766 : memref<128x64xf32, #tpu.memory_space<vmem>>) offsets(%dma_start3A_767 : memref<128xi32, #tpu.memory_space<vmem>>) semaphore(%arg9 : memref<!tpu.dma_semaphore, #tpu.memory_space<semaphore_mem>>)
      %add3A_771 = arith.constant 384 : i32
      %add3A_772 = arith.addi %mul3A_737, %add3A_771 : i32
      %dma_start3A_773 = arith.constant 7 : i32
      %dma_start3A_774 = arith.constant 0 : i32
      %dma_start3A_775 = arith.constant 0 : i32
      %dma_start3A_776 = tpu.memref_slice %arg7[%dma_start3A_773, %dma_start3A_774, %dma_start3A_775] : memref<8x128x64xf32, #tpu.memory_space<vmem>> -> memref<1x128x64xf32, #tpu.memory_space<vmem>>
      %dma_start3A_777 = tpu.memref_squeeze %dma_start3A_776 : memref<1x128x64xf32, #tpu.memory_space<vmem>> -> memref<128x64xf32, #tpu.memory_space<vmem>>
      %dma_start3A_778 = tpu.memref_slice %arg5[%add3A_772] : memref<10000xi32, #tpu.memory_space<vmem>> -> memref<128xi32, #tpu.memory_space<vmem>>
      %dma_start3A_779 = arith.constant 0 : i32
      %dma_start3A_780 = arith.constant 0 : i32
      %dma_start3A_781 = tpu.memref_slice %arg2[%dma_start3A_779, %dma_start3A_780] : memref<10000x64xf32, #tpu.memory_space<hbm>> -> memref<10000x64xf32, #tpu.memory_space<hbm>>
      tpu.enqueue_indirect_dma source(%dma_start3A_781 : memref<10000x64xf32, #tpu.memory_space<hbm>>) target(%dma_start3A_777 : memref<128x64xf32, #tpu.memory_space<vmem>>) offsets(%dma_start3A_778 : memref<128xi32, #tpu.memory_space<vmem>>) semaphore(%arg9 : memref<!tpu.dma_semaphore, #tpu.memory_space<semaphore_mem>>)
      %dma_wait3A_782 = arith.constant 4 : i32
      %dma_wait3A_783 = arith.constant 0 : i32
      %dma_wait3A_784 = arith.constant 0 : i32
      %dma_wait3A_785 = tpu.memref_slice %arg7[%dma_wait3A_782, %dma_wait3A_783, %dma_wait3A_784] : memref<8x128x64xf32, #tpu.memory_space<vmem>> -> memref<1x128x64xf32, #tpu.memory_space<vmem>>
      %dma_wait3A_786 = tpu.memref_squeeze %dma_wait3A_785 : memref<1x128x64xf32, #tpu.memory_space<vmem>> -> memref<128x64xf32, #tpu.memory_space<vmem>>
      %dma_wait3A_787 = arith.constant 0 : i32
      %dma_wait3A_788 = arith.constant 0 : i32
      %dma_wait3A_789 = tpu.memref_slice %arg2[%dma_wait3A_787, %dma_wait3A_788] : memref<10000x64xf32, #tpu.memory_space<hbm>> -> memref<128x64xf32, #tpu.memory_space<hbm>>
      %dma_wait3A_790 = arith.constant 0 : i32
      %dma_wait3A_791 = arith.constant 0 : i32
      %dma_wait3A_792 = tpu.memref_slice %arg7[%dma_wait3A_782, %dma_wait3A_790, %dma_wait3A_791] : memref<8x128x64xf32, #tpu.memory_space<vmem>> -> memref<1x128x64xf32, #tpu.memory_space<vmem>>
      %dma_wait3A_793 = tpu.memref_squeeze %dma_wait3A_792 : memref<1x128x64xf32, #tpu.memory_space<vmem>> -> memref<128x64xf32, #tpu.memory_space<vmem>>
      %dma_wait3A_794 = arith.constant 0 : i32
      %dma_wait3A_795 = arith.constant 0 : i32
      %dma_wait3A_796 = tpu.memref_slice %arg2[%dma_wait3A_794, %dma_wait3A_795] : memref<10000x64xf32, #tpu.memory_space<hbm>> -> memref<128x64xf32, #tpu.memory_space<hbm>>
      tpu.wait_dma2 semaphore(%arg9 : memref<!tpu.dma_semaphore, #tpu.memory_space<semaphore_mem>>) src(%dma_wait3A_796 : memref<128x64xf32, #tpu.memory_space<hbm>>) dst(%dma_wait3A_793 : memref<128x64xf32, #tpu.memory_space<vmem>>)
      %dma_wait3A_797 = arith.constant 5 : i32
      %dma_wait3A_798 = arith.constant 0 : i32
      %dma_wait3A_799 = arith.constant 0 : i32
      %dma_wait3A_800 = tpu.memref_slice %arg7[%dma_wait3A_797, %dma_wait3A_798, %dma_wait3A_799] : memref<8x128x64xf32, #tpu.memory_space<vmem>> -> memref<1x128x64xf32, #tpu.memory_space<vmem>>
      %dma_wait3A_801 = tpu.memref_squeeze %dma_wait3A_800 : memref<1x128x64xf32, #tpu.memory_space<vmem>> -> memref<128x64xf32, #tpu.memory_space<vmem>>
      %dma_wait3A_802 = arith.constant 0 : i32
      %dma_wait3A_803 = arith.constant 0 : i32
      %dma_wait3A_804 = tpu.memref_slice %arg2[%dma_wait3A_802, %dma_wait3A_803] : memref<10000x64xf32, #tpu.memory_space<hbm>> -> memref<128x64xf32, #tpu.memory_space<hbm>>
      %dma_wait3A_805 = arith.constant 0 : i32
      %dma_wait3A_806 = arith.constant 0 : i32
      %dma_wait3A_807 = tpu.memref_slice %arg7[%dma_wait3A_797, %dma_wait3A_805, %dma_wait3A_806] : memref<8x128x64xf32, #tpu.memory_space<vmem>> -> memref<1x128x64xf32, #tpu.memory_space<vmem>>
      %dma_wait3A_808 = tpu.memref_squeeze %dma_wait3A_807 : memref<1x128x64xf32, #tpu.memory_space<vmem>> -> memref<128x64xf32, #tpu.memory_space<vmem>>
      %dma_wait3A_809 = arith.constant 0 : i32
      %dma_wait3A_810 = arith.constant 0 : i32
      %dma_wait3A_811 = tpu.memref_slice %arg2[%dma_wait3A_809, %dma_wait3A_810] : memref<10000x64xf32, #tpu.memory_space<hbm>> -> memref<128x64xf32, #tpu.memory_space<hbm>>
      tpu.wait_dma2 semaphore(%arg9 : memref<!tpu.dma_semaphore, #tpu.memory_space<semaphore_mem>>) src(%dma_wait3A_811 : memref<128x64xf32, #tpu.memory_space<hbm>>) dst(%dma_wait3A_808 : memref<128x64xf32, #tpu.memory_space<vmem>>)
      %dma_wait3A_812 = arith.constant 6 : i32
      %dma_wait3A_813 = arith.constant 0 : i32
      %dma_wait3A_814 = arith.constant 0 : i32
      %dma_wait3A_815 = tpu.memref_slice %arg7[%dma_wait3A_812, %dma_wait3A_813, %dma_wait3A_814] : memref<8x128x64xf32, #tpu.memory_space<vmem>> -> memref<1x128x64xf32, #tpu.memory_space<vmem>>
      %dma_wait3A_816 = tpu.memref_squeeze %dma_wait3A_815 : memref<1x128x64xf32, #tpu.memory_space<vmem>> -> memref<128x64xf32, #tpu.memory_space<vmem>>
      %dma_wait3A_817 = arith.constant 0 : i32
      %dma_wait3A_818 = arith.constant 0 : i32
      %dma_wait3A_819 = tpu.memref_slice %arg2[%dma_wait3A_817, %dma_wait3A_818] : memref<10000x64xf32, #tpu.memory_space<hbm>> -> memref<128x64xf32, #tpu.memory_space<hbm>>
      %dma_wait3A_820 = arith.constant 0 : i32
      %dma_wait3A_821 = arith.constant 0 : i32
      %dma_wait3A_822 = tpu.memref_slice %arg7[%dma_wait3A_812, %dma_wait3A_820, %dma_wait3A_821] : memref<8x128x64xf32, #tpu.memory_space<vmem>> -> memref<1x128x64xf32, #tpu.memory_space<vmem>>
      %dma_wait3A_823 = tpu.memref_squeeze %dma_wait3A_822 : memref<1x128x64xf32, #tpu.memory_space<vmem>> -> memref<128x64xf32, #tpu.memory_space<vmem>>
      %dma_wait3A_824 = arith.constant 0 : i32
      %dma_wait3A_825 = arith.constant 0 : i32
      %dma_wait3A_826 = tpu.memref_slice %arg2[%dma_wait3A_824, %dma_wait3A_825] : memref<10000x64xf32, #tpu.memory_space<hbm>> -> memref<128x64xf32, #tpu.memory_space<hbm>>
      tpu.wait_dma2 semaphore(%arg9 : memref<!tpu.dma_semaphore, #tpu.memory_space<semaphore_mem>>) src(%dma_wait3A_826 : memref<128x64xf32, #tpu.memory_space<hbm>>) dst(%dma_wait3A_823 : memref<128x64xf32, #tpu.memory_space<vmem>>)
      %dma_wait3A_827 = arith.constant 7 : i32
      %dma_wait3A_828 = arith.constant 0 : i32
      %dma_wait3A_829 = arith.constant 0 : i32
      %dma_wait3A_830 = tpu.memref_slice %arg7[%dma_wait3A_827, %dma_wait3A_828, %dma_wait3A_829] : memref<8x128x64xf32, #tpu.memory_space<vmem>> -> memref<1x128x64xf32, #tpu.memory_space<vmem>>
      %dma_wait3A_831 = tpu.memref_squeeze %dma_wait3A_830 : memref<1x128x64xf32, #tpu.memory_space<vmem>> -> memref<128x64xf32, #tpu.memory_space<vmem>>
      %dma_wait3A_832 = arith.constant 0 : i32
      %dma_wait3A_833 = arith.constant 0 : i32
      %dma_wait3A_834 = tpu.memref_slice %arg2[%dma_wait3A_832, %dma_wait3A_833] : memref<10000x64xf32, #tpu.memory_space<hbm>> -> memref<128x64xf32, #tpu.memory_space<hbm>>
      %dma_wait3A_835 = arith.constant 0 : i32
      %dma_wait3A_836 = arith.constant 0 : i32
      %dma_wait3A_837 = tpu.memref_slice %arg7[%dma_wait3A_827, %dma_wait3A_835, %dma_wait3A_836] : memref<8x128x64xf32, #tpu.memory_space<vmem>> -> memref<1x128x64xf32, #tpu.memory_space<vmem>>
      %dma_wait3A_838 = tpu.memref_squeeze %dma_wait3A_837 : memref<1x128x64xf32, #tpu.memory_space<vmem>> -> memref<128x64xf32, #tpu.memory_space<vmem>>
      %dma_wait3A_839 = arith.constant 0 : i32
      %dma_wait3A_840 = arith.constant 0 : i32
      %dma_wait3A_841 = tpu.memref_slice %arg2[%dma_wait3A_839, %dma_wait3A_840] : memref<10000x64xf32, #tpu.memory_space<hbm>> -> memref<128x64xf32, #tpu.memory_space<hbm>>
      tpu.wait_dma2 semaphore(%arg9 : memref<!tpu.dma_semaphore, #tpu.memory_space<semaphore_mem>>) src(%dma_wait3A_841 : memref<128x64xf32, #tpu.memory_space<hbm>>) dst(%dma_wait3A_838 : memref<128x64xf32, #tpu.memory_space<vmem>>)
      %add3A_842 = arith.constant 1 : i32
      %add3A_843 = arith.addi %mul3A_623, %add3A_842 : i32
      %mul3A_844 = arith.constant 512 : i32
      %mul3A_845 = arith.muli %add3A_843, %mul3A_844 : i32
      %add3A_846 = arith.constant 0 : i32
      %add3A_847 = arith.addi %mul3A_845, %add3A_846 : i32
      %dma_start3A_848 = arith.constant 4 : i32
      %dma_start3A_849 = arith.constant 0 : i32
      %dma_start3A_850 = arith.constant 0 : i32
      %dma_start3A_851 = tpu.memref_slice %arg7[%dma_start3A_848, %dma_start3A_849, %dma_start3A_850] : memref<8x128x64xf32, #tpu.memory_space<vmem>> -> memref<1x128x64xf32, #tpu.memory_space<vmem>>
      %dma_start3A_852 = tpu.memref_squeeze %dma_start3A_851 : memref<1x128x64xf32, #tpu.memory_space<vmem>> -> memref<128x64xf32, #tpu.memory_space<vmem>>
      %dma_start3A_853 = tpu.memref_slice %arg6[%add3A_847] : memref<10000xi32, #tpu.memory_space<vmem>> -> memref<128xi32, #tpu.memory_space<vmem>>
      %dma_start3A_854 = arith.constant 0 : i32
      %dma_start3A_855 = arith.constant 0 : i32
      %dma_start3A_856 = tpu.memref_slice %arg8[%dma_start3A_854, %dma_start3A_855] : memref<10000x64xf32, #tpu.memory_space<vmem_shared>> -> memref<10000x64xf32, #tpu.memory_space<vmem_shared>>
      tpu.enqueue_indirect_dma source(%dma_start3A_852 : memref<128x64xf32, #tpu.memory_space<vmem>>) target(%dma_start3A_856 : memref<10000x64xf32, #tpu.memory_space<vmem_shared>>) offsets(%dma_start3A_853 : memref<128xi32, #tpu.memory_space<vmem>>) semaphore(%arg11 : memref<!tpu.dma_semaphore, #tpu.memory_space<semaphore_mem>>) {add = true}
      %add3A_857 = arith.constant 128 : i32
      %add3A_858 = arith.addi %mul3A_845, %add3A_857 : i32
      %dma_start3A_859 = arith.constant 5 : i32
      %dma_start3A_860 = arith.constant 0 : i32
      %dma_start3A_861 = arith.constant 0 : i32
      %dma_start3A_862 = tpu.memref_slice %arg7[%dma_start3A_859, %dma_start3A_860, %dma_start3A_861] : memref<8x128x64xf32, #tpu.memory_space<vmem>> -> memref<1x128x64xf32, #tpu.memory_space<vmem>>
      %dma_start3A_863 = tpu.memref_squeeze %dma_start3A_862 : memref<1x128x64xf32, #tpu.memory_space<vmem>> -> memref<128x64xf32, #tpu.memory_space<vmem>>
      %dma_start3A_864 = tpu.memref_slice %arg6[%add3A_858] : memref<10000xi32, #tpu.memory_space<vmem>> -> memref<128xi32, #tpu.memory_space<vmem>>
      %dma_start3A_865 = arith.constant 0 : i32
      %dma_start3A_866 = arith.constant 0 : i32
      %dma_start3A_867 = tpu.memref_slice %arg8[%dma_start3A_865, %dma_start3A_866] : memref<10000x64xf32, #tpu.memory_space<vmem_shared>> -> memref<10000x64xf32, #tpu.memory_space<vmem_shared>>
      tpu.enqueue_indirect_dma source(%dma_start3A_863 : memref<128x64xf32, #tpu.memory_space<vmem>>) target(%dma_start3A_867 : memref<10000x64xf32, #tpu.memory_space<vmem_shared>>) offsets(%dma_start3A_864 : memref<128xi32, #tpu.memory_space<vmem>>) semaphore(%arg11 : memref<!tpu.dma_semaphore, #tpu.memory_space<semaphore_mem>>) {add = true}
      %add3A_868 = arith.constant 256 : i32
      %add3A_869 = arith.addi %mul3A_845, %add3A_868 : i32
      %dma_start3A_870 = arith.constant 6 : i32
      %dma_start3A_871 = arith.constant 0 : i32
      %dma_start3A_872 = arith.constant 0 : i32
      %dma_start3A_873 = tpu.memref_slice %arg7[%dma_start3A_870, %dma_start3A_871, %dma_start3A_872] : memref<8x128x64xf32, #tpu.memory_space<vmem>> -> memref<1x128x64xf32, #tpu.memory_space<vmem>>
      %dma_start3A_874 = tpu.memref_squeeze %dma_start3A_873 : memref<1x128x64xf32, #tpu.memory_space<vmem>> -> memref<128x64xf32, #tpu.memory_space<vmem>>
      %dma_start3A_875 = tpu.memref_slice %arg6[%add3A_869] : memref<10000xi32, #tpu.memory_space<vmem>> -> memref<128xi32, #tpu.memory_space<vmem>>
      %dma_start3A_876 = arith.constant 0 : i32
      %dma_start3A_877 = arith.constant 0 : i32
      %dma_start3A_878 = tpu.memref_slice %arg8[%dma_start3A_876, %dma_start3A_877] : memref<10000x64xf32, #tpu.memory_space<vmem_shared>> -> memref<10000x64xf32, #tpu.memory_space<vmem_shared>>
      tpu.enqueue_indirect_dma source(%dma_start3A_874 : memref<128x64xf32, #tpu.memory_space<vmem>>) target(%dma_start3A_878 : memref<10000x64xf32, #tpu.memory_space<vmem_shared>>) offsets(%dma_start3A_875 : memref<128xi32, #tpu.memory_space<vmem>>) semaphore(%arg11 : memref<!tpu.dma_semaphore, #tpu.memory_space<semaphore_mem>>) {add = true}
      %add3A_879 = arith.constant 384 : i32
      %add3A_880 = arith.addi %mul3A_845, %add3A_879 : i32
      %dma_start3A_881 = arith.constant 7 : i32
      %dma_start3A_882 = arith.constant 0 : i32
      %dma_start3A_883 = arith.constant 0 : i32
      %dma_start3A_884 = tpu.memref_slice %arg7[%dma_start3A_881, %dma_start3A_882, %dma_start3A_883] : memref<8x128x64xf32, #tpu.memory_space<vmem>> -> memref<1x128x64xf32, #tpu.memory_space<vmem>>
      %dma_start3A_885 = tpu.memref_squeeze %dma_start3A_884 : memref<1x128x64xf32, #tpu.memory_space<vmem>> -> memref<128x64xf32, #tpu.memory_space<vmem>>
      %dma_start3A_886 = tpu.memref_slice %arg6[%add3A_880] : memref<10000xi32, #tpu.memory_space<vmem>> -> memref<128xi32, #tpu.memory_space<vmem>>
      %dma_start3A_887 = arith.constant 0 : i32
      %dma_start3A_888 = arith.constant 0 : i32
      %dma_start3A_889 = tpu.memref_slice %arg8[%dma_start3A_887, %dma_start3A_888] : memref<10000x64xf32, #tpu.memory_space<vmem_shared>> -> memref<10000x64xf32, #tpu.memory_space<vmem_shared>>
      tpu.enqueue_indirect_dma source(%dma_start3A_885 : memref<128x64xf32, #tpu.memory_space<vmem>>) target(%dma_start3A_889 : memref<10000x64xf32, #tpu.memory_space<vmem_shared>>) offsets(%dma_start3A_886 : memref<128xi32, #tpu.memory_space<vmem>>) semaphore(%arg11 : memref<!tpu.dma_semaphore, #tpu.memory_space<semaphore_mem>>) {add = true}
      %dma_wait3A_890 = arith.constant 0 : i32
      %dma_wait3A_891 = arith.constant 0 : i32
      %dma_wait3A_892 = arith.constant 0 : i32
      %dma_wait3A_893 = tpu.memref_slice %arg7[%dma_wait3A_890, %dma_wait3A_891, %dma_wait3A_892] : memref<8x128x64xf32, #tpu.memory_space<vmem>> -> memref<1x128x64xf32, #tpu.memory_space<vmem>>
      %dma_wait3A_894 = tpu.memref_squeeze %dma_wait3A_893 : memref<1x128x64xf32, #tpu.memory_space<vmem>> -> memref<128x64xf32, #tpu.memory_space<vmem>>
      %dma_wait3A_895 = arith.constant 0 : i32
      %dma_wait3A_896 = arith.constant 0 : i32
      %dma_wait3A_897 = tpu.memref_slice %arg2[%dma_wait3A_895, %dma_wait3A_896] : memref<10000x64xf32, #tpu.memory_space<hbm>> -> memref<128x64xf32, #tpu.memory_space<hbm>>
      %dma_wait3A_898 = arith.constant 0 : i32
      %dma_wait3A_899 = arith.constant 0 : i32
      %dma_wait3A_900 = tpu.memref_slice %arg7[%dma_wait3A_890, %dma_wait3A_898, %dma_wait3A_899] : memref<8x128x64xf32, #tpu.memory_space<vmem>> -> memref<1x128x64xf32, #tpu.memory_space<vmem>>
      %dma_wait3A_901 = tpu.memref_squeeze %dma_wait3A_900 : memref<1x128x64xf32, #tpu.memory_space<vmem>> -> memref<128x64xf32, #tpu.memory_space<vmem>>
      %dma_wait3A_902 = arith.constant 0 : i32
      %dma_wait3A_903 = arith.constant 0 : i32
      %dma_wait3A_904 = tpu.memref_slice %arg2[%dma_wait3A_902, %dma_wait3A_903] : memref<10000x64xf32, #tpu.memory_space<hbm>> -> memref<128x64xf32, #tpu.memory_space<hbm>>
      tpu.wait_dma2 semaphore(%arg10 : memref<!tpu.dma_semaphore, #tpu.memory_space<semaphore_mem>>) src(%dma_wait3A_904 : memref<128x64xf32, #tpu.memory_space<hbm>>) dst(%dma_wait3A_901 : memref<128x64xf32, #tpu.memory_space<vmem>>)
      %dma_wait3A_905 = arith.constant 1 : i32
      %dma_wait3A_906 = arith.constant 0 : i32
      %dma_wait3A_907 = arith.constant 0 : i32
      %dma_wait3A_908 = tpu.memref_slice %arg7[%dma_wait3A_905, %dma_wait3A_906, %dma_wait3A_907] : memref<8x128x64xf32, #tpu.memory_space<vmem>> -> memref<1x128x64xf32, #tpu.memory_space<vmem>>
      %dma_wait3A_909 = tpu.memref_squeeze %dma_wait3A_908 : memref<1x128x64xf32, #tpu.memory_space<vmem>> -> memref<128x64xf32, #tpu.memory_space<vmem>>
      %dma_wait3A_910 = arith.constant 0 : i32
      %dma_wait3A_911 = arith.constant 0 : i32
      %dma_wait3A_912 = tpu.memref_slice %arg2[%dma_wait3A_910, %dma_wait3A_911] : memref<10000x64xf32, #tpu.memory_space<hbm>> -> memref<128x64xf32, #tpu.memory_space<hbm>>
      %dma_wait3A_913 = arith.constant 0 : i32
      %dma_wait3A_914 = arith.constant 0 : i32
      %dma_wait3A_915 = tpu.memref_slice %arg7[%dma_wait3A_905, %dma_wait3A_913, %dma_wait3A_914] : memref<8x128x64xf32, #tpu.memory_space<vmem>> -> memref<1x128x64xf32, #tpu.memory_space<vmem>>
      %dma_wait3A_916 = tpu.memref_squeeze %dma_wait3A_915 : memref<1x128x64xf32, #tpu.memory_space<vmem>> -> memref<128x64xf32, #tpu.memory_space<vmem>>
      %dma_wait3A_917 = arith.constant 0 : i32
      %dma_wait3A_918 = arith.constant 0 : i32
      %dma_wait3A_919 = tpu.memref_slice %arg2[%dma_wait3A_917, %dma_wait3A_918] : memref<10000x64xf32, #tpu.memory_space<hbm>> -> memref<128x64xf32, #tpu.memory_space<hbm>>
      tpu.wait_dma2 semaphore(%arg10 : memref<!tpu.dma_semaphore, #tpu.memory_space<semaphore_mem>>) src(%dma_wait3A_919 : memref<128x64xf32, #tpu.memory_space<hbm>>) dst(%dma_wait3A_916 : memref<128x64xf32, #tpu.memory_space<vmem>>)
      %dma_wait3A_920 = arith.constant 2 : i32
      %dma_wait3A_921 = arith.constant 0 : i32
      %dma_wait3A_922 = arith.constant 0 : i32
      %dma_wait3A_923 = tpu.memref_slice %arg7[%dma_wait3A_920, %dma_wait3A_921, %dma_wait3A_922] : memref<8x128x64xf32, #tpu.memory_space<vmem>> -> memref<1x128x64xf32, #tpu.memory_space<vmem>>
      %dma_wait3A_924 = tpu.memref_squeeze %dma_wait3A_923 : memref<1x128x64xf32, #tpu.memory_space<vmem>> -> memref<128x64xf32, #tpu.memory_space<vmem>>
      %dma_wait3A_925 = arith.constant 0 : i32
      %dma_wait3A_926 = arith.constant 0 : i32
      %dma_wait3A_927 = tpu.memref_slice %arg2[%dma_wait3A_925, %dma_wait3A_926] : memref<10000x64xf32, #tpu.memory_space<hbm>> -> memref<128x64xf32, #tpu.memory_space<hbm>>
      %dma_wait3A_928 = arith.constant 0 : i32
      %dma_wait3A_929 = arith.constant 0 : i32
      %dma_wait3A_930 = tpu.memref_slice %arg7[%dma_wait3A_920, %dma_wait3A_928, %dma_wait3A_929] : memref<8x128x64xf32, #tpu.memory_space<vmem>> -> memref<1x128x64xf32, #tpu.memory_space<vmem>>
      %dma_wait3A_931 = tpu.memref_squeeze %dma_wait3A_930 : memref<1x128x64xf32, #tpu.memory_space<vmem>> -> memref<128x64xf32, #tpu.memory_space<vmem>>
      %dma_wait3A_932 = arith.constant 0 : i32
      %dma_wait3A_933 = arith.constant 0 : i32
      %dma_wait3A_934 = tpu.memref_slice %arg2[%dma_wait3A_932, %dma_wait3A_933] : memref<10000x64xf32, #tpu.memory_space<hbm>> -> memref<128x64xf32, #tpu.memory_space<hbm>>
      tpu.wait_dma2 semaphore(%arg10 : memref<!tpu.dma_semaphore, #tpu.memory_space<semaphore_mem>>) src(%dma_wait3A_934 : memref<128x64xf32, #tpu.memory_space<hbm>>) dst(%dma_wait3A_931 : memref<128x64xf32, #tpu.memory_space<vmem>>)
      %dma_wait3A_935 = arith.constant 3 : i32
      %dma_wait3A_936 = arith.constant 0 : i32
      %dma_wait3A_937 = arith.constant 0 : i32
      %dma_wait3A_938 = tpu.memref_slice %arg7[%dma_wait3A_935, %dma_wait3A_936, %dma_wait3A_937] : memref<8x128x64xf32, #tpu.memory_space<vmem>> -> memref<1x128x64xf32, #tpu.memory_space<vmem>>
      %dma_wait3A_939 = tpu.memref_squeeze %dma_wait3A_938 : memref<1x128x64xf32, #tpu.memory_space<vmem>> -> memref<128x64xf32, #tpu.memory_space<vmem>>
      %dma_wait3A_940 = arith.constant 0 : i32
      %dma_wait3A_941 = arith.constant 0 : i32
      %dma_wait3A_942 = tpu.memref_slice %arg2[%dma_wait3A_940, %dma_wait3A_941] : memref<10000x64xf32, #tpu.memory_space<hbm>> -> memref<128x64xf32, #tpu.memory_space<hbm>>
      %dma_wait3A_943 = arith.constant 0 : i32
      %dma_wait3A_944 = arith.constant 0 : i32
      %dma_wait3A_945 = tpu.memref_slice %arg7[%dma_wait3A_935, %dma_wait3A_943, %dma_wait3A_944] : memref<8x128x64xf32, #tpu.memory_space<vmem>> -> memref<1x128x64xf32, #tpu.memory_space<vmem>>
      %dma_wait3A_946 = tpu.memref_squeeze %dma_wait3A_945 : memref<1x128x64xf32, #tpu.memory_space<vmem>> -> memref<128x64xf32, #tpu.memory_space<vmem>>
      %dma_wait3A_947 = arith.constant 0 : i32
      %dma_wait3A_948 = arith.constant 0 : i32
      %dma_wait3A_949 = tpu.memref_slice %arg2[%dma_wait3A_947, %dma_wait3A_948] : memref<10000x64xf32, #tpu.memory_space<hbm>> -> memref<128x64xf32, #tpu.memory_space<hbm>>
      tpu.wait_dma2 semaphore(%arg10 : memref<!tpu.dma_semaphore, #tpu.memory_space<semaphore_mem>>) src(%dma_wait3A_949 : memref<128x64xf32, #tpu.memory_space<hbm>>) dst(%dma_wait3A_946 : memref<128x64xf32, #tpu.memory_space<vmem>>)
      %lt3A_950 = arith.constant 8 : i32
      %lt3A_951 = arith.cmpi slt, %scan3A_621, %lt3A_950 : i32
      %convert_element_type3A_952 = arith.extui %lt3A_951 : i1 to i32
      %cond3A_953 = arith.constant 0 : i32
      %cond3A_954 = arith.cmpi ne, %convert_element_type3A_952, %cond3A_953 : i32
      scf.if %cond3A_954 {
        %add3A_955 = arith.constant 2 : i32
        %add3A_956 = arith.addi %mul3A_623, %add3A_955 : i32
        %mul3A_957 = arith.constant 512 : i32
        %mul3A_958 = arith.muli %add3A_956, %mul3A_957 : i32
        %add3A_959 = arith.constant 0 : i32
        %add3A_960 = arith.addi %mul3A_958, %add3A_959 : i32
        %dma_start3A_961 = arith.constant 0 : i32
        %dma_start3A_962 = arith.constant 0 : i32
        %dma_start3A_963 = arith.constant 0 : i32
        %dma_start3A_964 = tpu.memref_slice %arg7[%dma_start3A_961, %dma_start3A_962, %dma_start3A_963] : memref<8x128x64xf32, #tpu.memory_space<vmem>> -> memref<1x128x64xf32, #tpu.memory_space<vmem>>
        %dma_start3A_965 = tpu.memref_squeeze %dma_start3A_964 : memref<1x128x64xf32, #tpu.memory_space<vmem>> -> memref<128x64xf32, #tpu.memory_space<vmem>>
        %dma_start3A_966 = tpu.memref_slice %arg5[%add3A_960] : memref<10000xi32, #tpu.memory_space<vmem>> -> memref<128xi32, #tpu.memory_space<vmem>>
        %dma_start3A_967 = arith.constant 0 : i32
        %dma_start3A_968 = arith.constant 0 : i32
        %dma_start3A_969 = tpu.memref_slice %arg2[%dma_start3A_967, %dma_start3A_968] : memref<10000x64xf32, #tpu.memory_space<hbm>> -> memref<10000x64xf32, #tpu.memory_space<hbm>>
        tpu.enqueue_indirect_dma source(%dma_start3A_969 : memref<10000x64xf32, #tpu.memory_space<hbm>>) target(%dma_start3A_965 : memref<128x64xf32, #tpu.memory_space<vmem>>) offsets(%dma_start3A_966 : memref<128xi32, #tpu.memory_space<vmem>>) semaphore(%arg9 : memref<!tpu.dma_semaphore, #tpu.memory_space<semaphore_mem>>)
        %add3A_970 = arith.constant 128 : i32
        %add3A_971 = arith.addi %mul3A_958, %add3A_970 : i32
        %dma_start3A_972 = arith.constant 1 : i32
        %dma_start3A_973 = arith.constant 0 : i32
        %dma_start3A_974 = arith.constant 0 : i32
        %dma_start3A_975 = tpu.memref_slice %arg7[%dma_start3A_972, %dma_start3A_973, %dma_start3A_974] : memref<8x128x64xf32, #tpu.memory_space<vmem>> -> memref<1x128x64xf32, #tpu.memory_space<vmem>>
        %dma_start3A_976 = tpu.memref_squeeze %dma_start3A_975 : memref<1x128x64xf32, #tpu.memory_space<vmem>> -> memref<128x64xf32, #tpu.memory_space<vmem>>
        %dma_start3A_977 = tpu.memref_slice %arg5[%add3A_971] : memref<10000xi32, #tpu.memory_space<vmem>> -> memref<128xi32, #tpu.memory_space<vmem>>
        %dma_start3A_978 = arith.constant 0 : i32
        %dma_start3A_979 = arith.constant 0 : i32
        %dma_start3A_980 = tpu.memref_slice %arg2[%dma_start3A_978, %dma_start3A_979] : memref<10000x64xf32, #tpu.memory_space<hbm>> -> memref<10000x64xf32, #tpu.memory_space<hbm>>
        tpu.enqueue_indirect_dma source(%dma_start3A_980 : memref<10000x64xf32, #tpu.memory_space<hbm>>) target(%dma_start3A_976 : memref<128x64xf32, #tpu.memory_space<vmem>>) offsets(%dma_start3A_977 : memref<128xi32, #tpu.memory_space<vmem>>) semaphore(%arg9 : memref<!tpu.dma_semaphore, #tpu.memory_space<semaphore_mem>>)
        %add3A_981 = arith.constant 256 : i32
        %add3A_982 = arith.addi %mul3A_958, %add3A_981 : i32
        %dma_start3A_983 = arith.constant 2 : i32
        %dma_start3A_984 = arith.constant 0 : i32
        %dma_start3A_985 = arith.constant 0 : i32
        %dma_start3A_986 = tpu.memref_slice %arg7[%dma_start3A_983, %dma_start3A_984, %dma_start3A_985] : memref<8x128x64xf32, #tpu.memory_space<vmem>> -> memref<1x128x64xf32, #tpu.memory_space<vmem>>
        %dma_start3A_987 = tpu.memref_squeeze %dma_start3A_986 : memref<1x128x64xf32, #tpu.memory_space<vmem>> -> memref<128x64xf32, #tpu.memory_space<vmem>>
        %dma_start3A_988 = tpu.memref_slice %arg5[%add3A_982] : memref<10000xi32, #tpu.memory_space<vmem>> -> memref<128xi32, #tpu.memory_space<vmem>>
        %dma_start3A_989 = arith.constant 0 : i32
        %dma_start3A_990 = arith.constant 0 : i32
        %dma_start3A_991 = tpu.memref_slice %arg2[%dma_start3A_989, %dma_start3A_990] : memref<10000x64xf32, #tpu.memory_space<hbm>> -> memref<10000x64xf32, #tpu.memory_space<hbm>>
        tpu.enqueue_indirect_dma source(%dma_start3A_991 : memref<10000x64xf32, #tpu.memory_space<hbm>>) target(%dma_start3A_987 : memref<128x64xf32, #tpu.memory_space<vmem>>) offsets(%dma_start3A_988 : memref<128xi32, #tpu.memory_space<vmem>>) semaphore(%arg9 : memref<!tpu.dma_semaphore, #tpu.memory_space<semaphore_mem>>)
        %add3A_992 = arith.constant 384 : i32
        %add3A_993 = arith.addi %mul3A_958, %add3A_992 : i32
        %dma_start3A_994 = arith.constant 3 : i32
        %dma_start3A_995 = arith.constant 0 : i32
        %dma_start3A_996 = arith.constant 0 : i32
        %dma_start3A_997 = tpu.memref_slice %arg7[%dma_start3A_994, %dma_start3A_995, %dma_start3A_996] : memref<8x128x64xf32, #tpu.memory_space<vmem>> -> memref<1x128x64xf32, #tpu.memory_space<vmem>>
        %dma_start3A_998 = tpu.memref_squeeze %dma_start3A_997 : memref<1x128x64xf32, #tpu.memory_space<vmem>> -> memref<128x64xf32, #tpu.memory_space<vmem>>
        %dma_start3A_999 = tpu.memref_slice %arg5[%add3A_993] : memref<10000xi32, #tpu.memory_space<vmem>> -> memref<128xi32, #tpu.memory_space<vmem>>
        %dma_start3A_1000 = arith.constant 0 : i32
        %dma_start3A_1001 = arith.constant 0 : i32
        %dma_start3A_1002 = tpu.memref_slice %arg2[%dma_start3A_1000, %dma_start3A_1001] : memref<10000x64xf32, #tpu.memory_space<hbm>> -> memref<10000x64xf32, #tpu.memory_space<hbm>>
        tpu.enqueue_indirect_dma source(%dma_start3A_1002 : memref<10000x64xf32, #tpu.memory_space<hbm>>) target(%dma_start3A_998 : memref<128x64xf32, #tpu.memory_space<vmem>>) offsets(%dma_start3A_999 : memref<128xi32, #tpu.memory_space<vmem>>) semaphore(%arg9 : memref<!tpu.dma_semaphore, #tpu.memory_space<semaphore_mem>>)
      } else {
      }
    }
    %scan3A_158 = arith.constant 9 : i32
    %dma_start3A_159 = arith.constant 0 : i32
    %dma_start3A_160 = arith.constant 0 : i32
    %dma_start3A_161 = arith.constant 0 : i32
    %dma_start3A_162 = tpu.memref_slice %arg7[%dma_start3A_159, %dma_start3A_160, %dma_start3A_161] : memref<8x128x64xf32, #tpu.memory_space<vmem>> -> memref<1x128x64xf32, #tpu.memory_space<vmem>>
    %dma_start3A_163 = tpu.memref_squeeze %dma_start3A_162 : memref<1x128x64xf32, #tpu.memory_space<vmem>> -> memref<128x64xf32, #tpu.memory_space<vmem>>
    %dma_start3A_164 = arith.constant 9216 : i32
    %dma_start3A_165 = tpu.memref_slice %arg5[%dma_start3A_164] : memref<10000xi32, #tpu.memory_space<vmem>> -> memref<128xi32, #tpu.memory_space<vmem>>
    %dma_start3A_166 = arith.constant 0 : i32
    %dma_start3A_167 = arith.constant 0 : i32
    %dma_start3A_168 = tpu.memref_slice %arg2[%dma_start3A_166, %dma_start3A_167] : memref<10000x64xf32, #tpu.memory_space<hbm>> -> memref<10000x64xf32, #tpu.memory_space<hbm>>
    tpu.enqueue_indirect_dma source(%dma_start3A_168 : memref<10000x64xf32, #tpu.memory_space<hbm>>) target(%dma_start3A_163 : memref<128x64xf32, #tpu.memory_space<vmem>>) offsets(%dma_start3A_165 : memref<128xi32, #tpu.memory_space<vmem>>) semaphore(%arg9 : memref<!tpu.dma_semaphore, #tpu.memory_space<semaphore_mem>>)
    %dma_start3A_169 = arith.constant 1 : i32
    %dma_start3A_170 = arith.constant 0 : i32
    %dma_start3A_171 = arith.constant 0 : i32
    %dma_start3A_172 = tpu.memref_slice %arg7[%dma_start3A_169, %dma_start3A_170, %dma_start3A_171] : memref<8x128x64xf32, #tpu.memory_space<vmem>> -> memref<1x128x64xf32, #tpu.memory_space<vmem>>
    %dma_start3A_173 = tpu.memref_squeeze %dma_start3A_172 : memref<1x128x64xf32, #tpu.memory_space<vmem>> -> memref<128x64xf32, #tpu.memory_space<vmem>>
    %dma_start3A_174 = arith.constant 9344 : i32
    %dma_start3A_175 = tpu.memref_slice %arg5[%dma_start3A_174] : memref<10000xi32, #tpu.memory_space<vmem>> -> memref<128xi32, #tpu.memory_space<vmem>>
    %dma_start3A_176 = arith.constant 0 : i32
    %dma_start3A_177 = arith.constant 0 : i32
    %dma_start3A_178 = tpu.memref_slice %arg2[%dma_start3A_176, %dma_start3A_177] : memref<10000x64xf32, #tpu.memory_space<hbm>> -> memref<10000x64xf32, #tpu.memory_space<hbm>>
    tpu.enqueue_indirect_dma source(%dma_start3A_178 : memref<10000x64xf32, #tpu.memory_space<hbm>>) target(%dma_start3A_173 : memref<128x64xf32, #tpu.memory_space<vmem>>) offsets(%dma_start3A_175 : memref<128xi32, #tpu.memory_space<vmem>>) semaphore(%arg9 : memref<!tpu.dma_semaphore, #tpu.memory_space<semaphore_mem>>)
    %dma_start3A_179 = arith.constant 2 : i32
    %dma_start3A_180 = arith.constant 0 : i32
    %dma_start3A_181 = arith.constant 0 : i32
    %dma_start3A_182 = tpu.memref_slice %arg7[%dma_start3A_179, %dma_start3A_180, %dma_start3A_181] : memref<8x128x64xf32, #tpu.memory_space<vmem>> -> memref<1x128x64xf32, #tpu.memory_space<vmem>>
    %dma_start3A_183 = tpu.memref_squeeze %dma_start3A_182 : memref<1x128x64xf32, #tpu.memory_space<vmem>> -> memref<128x64xf32, #tpu.memory_space<vmem>>
    %dma_start3A_184 = arith.constant 9472 : i32
    %dma_start3A_185 = tpu.memref_slice %arg5[%dma_start3A_184] : memref<10000xi32, #tpu.memory_space<vmem>> -> memref<128xi32, #tpu.memory_space<vmem>>
    %dma_start3A_186 = arith.constant 0 : i32
    %dma_start3A_187 = arith.constant 0 : i32
    %dma_start3A_188 = tpu.memref_slice %arg2[%dma_start3A_186, %dma_start3A_187] : memref<10000x64xf32, #tpu.memory_space<hbm>> -> memref<10000x64xf32, #tpu.memory_space<hbm>>
    tpu.enqueue_indirect_dma source(%dma_start3A_188 : memref<10000x64xf32, #tpu.memory_space<hbm>>) target(%dma_start3A_183 : memref<128x64xf32, #tpu.memory_space<vmem>>) offsets(%dma_start3A_185 : memref<128xi32, #tpu.memory_space<vmem>>) semaphore(%arg9 : memref<!tpu.dma_semaphore, #tpu.memory_space<semaphore_mem>>)
    %dma_start3A_189 = arith.constant 3 : i32
    %dma_start3A_190 = arith.constant 0 : i32
    %dma_start3A_191 = arith.constant 0 : i32
    %dma_start3A_192 = tpu.memref_slice %arg7[%dma_start3A_189, %dma_start3A_190, %dma_start3A_191] : memref<8x128x64xf32, #tpu.memory_space<vmem>> -> memref<1x128x64xf32, #tpu.memory_space<vmem>>
    %dma_start3A_193 = tpu.memref_squeeze %dma_start3A_192 : memref<1x128x64xf32, #tpu.memory_space<vmem>> -> memref<128x64xf32, #tpu.memory_space<vmem>>
    %dma_start3A_194 = arith.constant 9600 : i32
    %dma_start3A_195 = tpu.memref_slice %arg5[%dma_start3A_194] : memref<10000xi32, #tpu.memory_space<vmem>> -> memref<128xi32, #tpu.memory_space<vmem>>
    %dma_start3A_196 = arith.constant 0 : i32
    %dma_start3A_197 = arith.constant 0 : i32
    %dma_start3A_198 = tpu.memref_slice %arg2[%dma_start3A_196, %dma_start3A_197] : memref<10000x64xf32, #tpu.memory_space<hbm>> -> memref<10000x64xf32, #tpu.memory_space<hbm>>
    tpu.enqueue_indirect_dma source(%dma_start3A_198 : memref<10000x64xf32, #tpu.memory_space<hbm>>) target(%dma_start3A_193 : memref<128x64xf32, #tpu.memory_space<vmem>>) offsets(%dma_start3A_195 : memref<128xi32, #tpu.memory_space<vmem>>) semaphore(%arg9 : memref<!tpu.dma_semaphore, #tpu.memory_space<semaphore_mem>>)
    %dma_wait3A_199 = arith.constant 0 : i32
    %dma_wait3A_200 = arith.constant 0 : i32
    %dma_wait3A_201 = arith.constant 0 : i32
    %dma_wait3A_202 = tpu.memref_slice %arg7[%dma_wait3A_199, %dma_wait3A_200, %dma_wait3A_201] : memref<8x128x64xf32, #tpu.memory_space<vmem>> -> memref<1x128x64xf32, #tpu.memory_space<vmem>>
    %dma_wait3A_203 = tpu.memref_squeeze %dma_wait3A_202 : memref<1x128x64xf32, #tpu.memory_space<vmem>> -> memref<128x64xf32, #tpu.memory_space<vmem>>
    %dma_wait3A_204 = arith.constant 0 : i32
    %dma_wait3A_205 = arith.constant 0 : i32
    %dma_wait3A_206 = tpu.memref_slice %arg2[%dma_wait3A_204, %dma_wait3A_205] : memref<10000x64xf32, #tpu.memory_space<hbm>> -> memref<128x64xf32, #tpu.memory_space<hbm>>
    %dma_wait3A_207 = arith.constant 0 : i32
    %dma_wait3A_208 = arith.constant 0 : i32
    %dma_wait3A_209 = tpu.memref_slice %arg7[%dma_wait3A_199, %dma_wait3A_207, %dma_wait3A_208] : memref<8x128x64xf32, #tpu.memory_space<vmem>> -> memref<1x128x64xf32, #tpu.memory_space<vmem>>
    %dma_wait3A_210 = tpu.memref_squeeze %dma_wait3A_209 : memref<1x128x64xf32, #tpu.memory_space<vmem>> -> memref<128x64xf32, #tpu.memory_space<vmem>>
    %dma_wait3A_211 = arith.constant 0 : i32
    %dma_wait3A_212 = arith.constant 0 : i32
    %dma_wait3A_213 = tpu.memref_slice %arg2[%dma_wait3A_211, %dma_wait3A_212] : memref<10000x64xf32, #tpu.memory_space<hbm>> -> memref<128x64xf32, #tpu.memory_space<hbm>>
    tpu.wait_dma2 semaphore(%arg9 : memref<!tpu.dma_semaphore, #tpu.memory_space<semaphore_mem>>) src(%dma_wait3A_213 : memref<128x64xf32, #tpu.memory_space<hbm>>) dst(%dma_wait3A_210 : memref<128x64xf32, #tpu.memory_space<vmem>>)
    %dma_wait3A_214 = arith.constant 1 : i32
    %dma_wait3A_215 = arith.constant 0 : i32
    %dma_wait3A_216 = arith.constant 0 : i32
    %dma_wait3A_217 = tpu.memref_slice %arg7[%dma_wait3A_214, %dma_wait3A_215, %dma_wait3A_216] : memref<8x128x64xf32, #tpu.memory_space<vmem>> -> memref<1x128x64xf32, #tpu.memory_space<vmem>>
    %dma_wait3A_218 = tpu.memref_squeeze %dma_wait3A_217 : memref<1x128x64xf32, #tpu.memory_space<vmem>> -> memref<128x64xf32, #tpu.memory_space<vmem>>
    %dma_wait3A_219 = arith.constant 0 : i32
    %dma_wait3A_220 = arith.constant 0 : i32
    %dma_wait3A_221 = tpu.memref_slice %arg2[%dma_wait3A_219, %dma_wait3A_220] : memref<10000x64xf32, #tpu.memory_space<hbm>> -> memref<128x64xf32, #tpu.memory_space<hbm>>
    %dma_wait3A_222 = arith.constant 0 : i32
    %dma_wait3A_223 = arith.constant 0 : i32
    %dma_wait3A_224 = tpu.memref_slice %arg7[%dma_wait3A_214, %dma_wait3A_222, %dma_wait3A_223] : memref<8x128x64xf32, #tpu.memory_space<vmem>> -> memref<1x128x64xf32, #tpu.memory_space<vmem>>
    %dma_wait3A_225 = tpu.memref_squeeze %dma_wait3A_224 : memref<1x128x64xf32, #tpu.memory_space<vmem>> -> memref<128x64xf32, #tpu.memory_space<vmem>>
    %dma_wait3A_226 = arith.constant 0 : i32
    %dma_wait3A_227 = arith.constant 0 : i32
    %dma_wait3A_228 = tpu.memref_slice %arg2[%dma_wait3A_226, %dma_wait3A_227] : memref<10000x64xf32, #tpu.memory_space<hbm>> -> memref<128x64xf32, #tpu.memory_space<hbm>>
    tpu.wait_dma2 semaphore(%arg9 : memref<!tpu.dma_semaphore, #tpu.memory_space<semaphore_mem>>) src(%dma_wait3A_228 : memref<128x64xf32, #tpu.memory_space<hbm>>) dst(%dma_wait3A_225 : memref<128x64xf32, #tpu.memory_space<vmem>>)
    %dma_wait3A_229 = arith.constant 2 : i32
    %dma_wait3A_230 = arith.constant 0 : i32
    %dma_wait3A_231 = arith.constant 0 : i32
    %dma_wait3A_232 = tpu.memref_slice %arg7[%dma_wait3A_229, %dma_wait3A_230, %dma_wait3A_231] : memref<8x128x64xf32, #tpu.memory_space<vmem>> -> memref<1x128x64xf32, #tpu.memory_space<vmem>>
    %dma_wait3A_233 = tpu.memref_squeeze %dma_wait3A_232 : memref<1x128x64xf32, #tpu.memory_space<vmem>> -> memref<128x64xf32, #tpu.memory_space<vmem>>
    %dma_wait3A_234 = arith.constant 0 : i32
    %dma_wait3A_235 = arith.constant 0 : i32
    %dma_wait3A_236 = tpu.memref_slice %arg2[%dma_wait3A_234, %dma_wait3A_235] : memref<10000x64xf32, #tpu.memory_space<hbm>> -> memref<128x64xf32, #tpu.memory_space<hbm>>
    %dma_wait3A_237 = arith.constant 0 : i32
    %dma_wait3A_238 = arith.constant 0 : i32
    %dma_wait3A_239 = tpu.memref_slice %arg7[%dma_wait3A_229, %dma_wait3A_237, %dma_wait3A_238] : memref<8x128x64xf32, #tpu.memory_space<vmem>> -> memref<1x128x64xf32, #tpu.memory_space<vmem>>
    %dma_wait3A_240 = tpu.memref_squeeze %dma_wait3A_239 : memref<1x128x64xf32, #tpu.memory_space<vmem>> -> memref<128x64xf32, #tpu.memory_space<vmem>>
    %dma_wait3A_241 = arith.constant 0 : i32
    %dma_wait3A_242 = arith.constant 0 : i32
    %dma_wait3A_243 = tpu.memref_slice %arg2[%dma_wait3A_241, %dma_wait3A_242] : memref<10000x64xf32, #tpu.memory_space<hbm>> -> memref<128x64xf32, #tpu.memory_space<hbm>>
    tpu.wait_dma2 semaphore(%arg9 : memref<!tpu.dma_semaphore, #tpu.memory_space<semaphore_mem>>) src(%dma_wait3A_243 : memref<128x64xf32, #tpu.memory_space<hbm>>) dst(%dma_wait3A_240 : memref<128x64xf32, #tpu.memory_space<vmem>>)
    %dma_wait3A_244 = arith.constant 3 : i32
    %dma_wait3A_245 = arith.constant 0 : i32
    %dma_wait3A_246 = arith.constant 0 : i32
    %dma_wait3A_247 = tpu.memref_slice %arg7[%dma_wait3A_244, %dma_wait3A_245, %dma_wait3A_246] : memref<8x128x64xf32, #tpu.memory_space<vmem>> -> memref<1x128x64xf32, #tpu.memory_space<vmem>>
    %dma_wait3A_248 = tpu.memref_squeeze %dma_wait3A_247 : memref<1x128x64xf32, #tpu.memory_space<vmem>> -> memref<128x64xf32, #tpu.memory_space<vmem>>
    %dma_wait3A_249 = arith.constant 0 : i32
    %dma_wait3A_250 = arith.constant 0 : i32
    %dma_wait3A_251 = tpu.memref_slice %arg2[%dma_wait3A_249, %dma_wait3A_250] : memref<10000x64xf32, #tpu.memory_space<hbm>> -> memref<128x64xf32, #tpu.memory_space<hbm>>
    %dma_wait3A_252 = arith.constant 0 : i32
    %dma_wait3A_253 = arith.constant 0 : i32
    %dma_wait3A_254 = tpu.memref_slice %arg7[%dma_wait3A_244, %dma_wait3A_252, %dma_wait3A_253] : memref<8x128x64xf32, #tpu.memory_space<vmem>> -> memref<1x128x64xf32, #tpu.memory_space<vmem>>
    %dma_wait3A_255 = tpu.memref_squeeze %dma_wait3A_254 : memref<1x128x64xf32, #tpu.memory_space<vmem>> -> memref<128x64xf32, #tpu.memory_space<vmem>>
    %dma_wait3A_256 = arith.constant 0 : i32
    %dma_wait3A_257 = arith.constant 0 : i32
    %dma_wait3A_258 = tpu.memref_slice %arg2[%dma_wait3A_256, %dma_wait3A_257] : memref<10000x64xf32, #tpu.memory_space<hbm>> -> memref<128x64xf32, #tpu.memory_space<hbm>>
    tpu.wait_dma2 semaphore(%arg9 : memref<!tpu.dma_semaphore, #tpu.memory_space<semaphore_mem>>) src(%dma_wait3A_258 : memref<128x64xf32, #tpu.memory_space<hbm>>) dst(%dma_wait3A_255 : memref<128x64xf32, #tpu.memory_space<vmem>>)
    %dma_start3A_259 = arith.constant 0 : i32
    %dma_start3A_260 = arith.constant 0 : i32
    %dma_start3A_261 = arith.constant 0 : i32
    %dma_start3A_262 = tpu.memref_slice %arg7[%dma_start3A_259, %dma_start3A_260, %dma_start3A_261] : memref<8x128x64xf32, #tpu.memory_space<vmem>> -> memref<1x128x64xf32, #tpu.memory_space<vmem>>
    %dma_start3A_263 = tpu.memref_squeeze %dma_start3A_262 : memref<1x128x64xf32, #tpu.memory_space<vmem>> -> memref<128x64xf32, #tpu.memory_space<vmem>>
    %dma_start3A_264 = arith.constant 9216 : i32
    %dma_start3A_265 = tpu.memref_slice %arg6[%dma_start3A_264] : memref<10000xi32, #tpu.memory_space<vmem>> -> memref<128xi32, #tpu.memory_space<vmem>>
    %dma_start3A_266 = arith.constant 0 : i32
    %dma_start3A_267 = arith.constant 0 : i32
    %dma_start3A_268 = tpu.memref_slice %arg8[%dma_start3A_266, %dma_start3A_267] : memref<10000x64xf32, #tpu.memory_space<vmem_shared>> -> memref<10000x64xf32, #tpu.memory_space<vmem_shared>>
    tpu.enqueue_indirect_dma source(%dma_start3A_263 : memref<128x64xf32, #tpu.memory_space<vmem>>) target(%dma_start3A_268 : memref<10000x64xf32, #tpu.memory_space<vmem_shared>>) offsets(%dma_start3A_265 : memref<128xi32, #tpu.memory_space<vmem>>) semaphore(%arg10 : memref<!tpu.dma_semaphore, #tpu.memory_space<semaphore_mem>>) {add = true}
    %dma_start3A_269 = arith.constant 1 : i32
    %dma_start3A_270 = arith.constant 0 : i32
    %dma_start3A_271 = arith.constant 0 : i32
    %dma_start3A_272 = tpu.memref_slice %arg7[%dma_start3A_269, %dma_start3A_270, %dma_start3A_271] : memref<8x128x64xf32, #tpu.memory_space<vmem>> -> memref<1x128x64xf32, #tpu.memory_space<vmem>>
    %dma_start3A_273 = tpu.memref_squeeze %dma_start3A_272 : memref<1x128x64xf32, #tpu.memory_space<vmem>> -> memref<128x64xf32, #tpu.memory_space<vmem>>
    %dma_start3A_274 = arith.constant 9344 : i32
    %dma_start3A_275 = tpu.memref_slice %arg6[%dma_start3A_274] : memref<10000xi32, #tpu.memory_space<vmem>> -> memref<128xi32, #tpu.memory_space<vmem>>
    %dma_start3A_276 = arith.constant 0 : i32
    %dma_start3A_277 = arith.constant 0 : i32
    %dma_start3A_278 = tpu.memref_slice %arg8[%dma_start3A_276, %dma_start3A_277] : memref<10000x64xf32, #tpu.memory_space<vmem_shared>> -> memref<10000x64xf32, #tpu.memory_space<vmem_shared>>
    tpu.enqueue_indirect_dma source(%dma_start3A_273 : memref<128x64xf32, #tpu.memory_space<vmem>>) target(%dma_start3A_278 : memref<10000x64xf32, #tpu.memory_space<vmem_shared>>) offsets(%dma_start3A_275 : memref<128xi32, #tpu.memory_space<vmem>>) semaphore(%arg10 : memref<!tpu.dma_semaphore, #tpu.memory_space<semaphore_mem>>) {add = true}
    %dma_start3A_279 = arith.constant 2 : i32
    %dma_start3A_280 = arith.constant 0 : i32
    %dma_start3A_281 = arith.constant 0 : i32
    %dma_start3A_282 = tpu.memref_slice %arg7[%dma_start3A_279, %dma_start3A_280, %dma_start3A_281] : memref<8x128x64xf32, #tpu.memory_space<vmem>> -> memref<1x128x64xf32, #tpu.memory_space<vmem>>
    %dma_start3A_283 = tpu.memref_squeeze %dma_start3A_282 : memref<1x128x64xf32, #tpu.memory_space<vmem>> -> memref<128x64xf32, #tpu.memory_space<vmem>>
    %dma_start3A_284 = arith.constant 9472 : i32
    %dma_start3A_285 = tpu.memref_slice %arg6[%dma_start3A_284] : memref<10000xi32, #tpu.memory_space<vmem>> -> memref<128xi32, #tpu.memory_space<vmem>>
    %dma_start3A_286 = arith.constant 0 : i32
    %dma_start3A_287 = arith.constant 0 : i32
    %dma_start3A_288 = tpu.memref_slice %arg8[%dma_start3A_286, %dma_start3A_287] : memref<10000x64xf32, #tpu.memory_space<vmem_shared>> -> memref<10000x64xf32, #tpu.memory_space<vmem_shared>>
    tpu.enqueue_indirect_dma source(%dma_start3A_283 : memref<128x64xf32, #tpu.memory_space<vmem>>) target(%dma_start3A_288 : memref<10000x64xf32, #tpu.memory_space<vmem_shared>>) offsets(%dma_start3A_285 : memref<128xi32, #tpu.memory_space<vmem>>) semaphore(%arg10 : memref<!tpu.dma_semaphore, #tpu.memory_space<semaphore_mem>>) {add = true}
    %dma_start3A_289 = arith.constant 3 : i32
    %dma_start3A_290 = arith.constant 0 : i32
    %dma_start3A_291 = arith.constant 0 : i32
    %dma_start3A_292 = tpu.memref_slice %arg7[%dma_start3A_289, %dma_start3A_290, %dma_start3A_291] : memref<8x128x64xf32, #tpu.memory_space<vmem>> -> memref<1x128x64xf32, #tpu.memory_space<vmem>>
    %dma_start3A_293 = tpu.memref_squeeze %dma_start3A_292 : memref<1x128x64xf32, #tpu.memory_space<vmem>> -> memref<128x64xf32, #tpu.memory_space<vmem>>
    %dma_start3A_294 = arith.constant 9600 : i32
    %dma_start3A_295 = tpu.memref_slice %arg6[%dma_start3A_294] : memref<10000xi32, #tpu.memory_space<vmem>> -> memref<128xi32, #tpu.memory_space<vmem>>
    %dma_start3A_296 = arith.constant 0 : i32
    %dma_start3A_297 = arith.constant 0 : i32
    %dma_start3A_298 = tpu.memref_slice %arg8[%dma_start3A_296, %dma_start3A_297] : memref<10000x64xf32, #tpu.memory_space<vmem_shared>> -> memref<10000x64xf32, #tpu.memory_space<vmem_shared>>
    tpu.enqueue_indirect_dma source(%dma_start3A_293 : memref<128x64xf32, #tpu.memory_space<vmem>>) target(%dma_start3A_298 : memref<10000x64xf32, #tpu.memory_space<vmem_shared>>) offsets(%dma_start3A_295 : memref<128xi32, #tpu.memory_space<vmem>>) semaphore(%arg10 : memref<!tpu.dma_semaphore, #tpu.memory_space<semaphore_mem>>) {add = true}
    %dma_wait3A_299 = arith.constant 4 : i32
    %dma_wait3A_300 = arith.constant 0 : i32
    %dma_wait3A_301 = arith.constant 0 : i32
    %dma_wait3A_302 = tpu.memref_slice %arg7[%dma_wait3A_299, %dma_wait3A_300, %dma_wait3A_301] : memref<8x128x64xf32, #tpu.memory_space<vmem>> -> memref<1x128x64xf32, #tpu.memory_space<vmem>>
    %dma_wait3A_303 = tpu.memref_squeeze %dma_wait3A_302 : memref<1x128x64xf32, #tpu.memory_space<vmem>> -> memref<128x64xf32, #tpu.memory_space<vmem>>
    %dma_wait3A_304 = arith.constant 0 : i32
    %dma_wait3A_305 = arith.constant 0 : i32
    %dma_wait3A_306 = tpu.memref_slice %arg2[%dma_wait3A_304, %dma_wait3A_305] : memref<10000x64xf32, #tpu.memory_space<hbm>> -> memref<128x64xf32, #tpu.memory_space<hbm>>
    %dma_wait3A_307 = arith.constant 0 : i32
    %dma_wait3A_308 = arith.constant 0 : i32
    %dma_wait3A_309 = tpu.memref_slice %arg7[%dma_wait3A_299, %dma_wait3A_307, %dma_wait3A_308] : memref<8x128x64xf32, #tpu.memory_space<vmem>> -> memref<1x128x64xf32, #tpu.memory_space<vmem>>
    %dma_wait3A_310 = tpu.memref_squeeze %dma_wait3A_309 : memref<1x128x64xf32, #tpu.memory_space<vmem>> -> memref<128x64xf32, #tpu.memory_space<vmem>>
    %dma_wait3A_311 = arith.constant 0 : i32
    %dma_wait3A_312 = arith.constant 0 : i32
    %dma_wait3A_313 = tpu.memref_slice %arg2[%dma_wait3A_311, %dma_wait3A_312] : memref<10000x64xf32, #tpu.memory_space<hbm>> -> memref<128x64xf32, #tpu.memory_space<hbm>>
    tpu.wait_dma2 semaphore(%arg11 : memref<!tpu.dma_semaphore, #tpu.memory_space<semaphore_mem>>) src(%dma_wait3A_313 : memref<128x64xf32, #tpu.memory_space<hbm>>) dst(%dma_wait3A_310 : memref<128x64xf32, #tpu.memory_space<vmem>>)
    %dma_wait3A_314 = arith.constant 5 : i32
    %dma_wait3A_315 = arith.constant 0 : i32
    %dma_wait3A_316 = arith.constant 0 : i32
    %dma_wait3A_317 = tpu.memref_slice %arg7[%dma_wait3A_314, %dma_wait3A_315, %dma_wait3A_316] : memref<8x128x64xf32, #tpu.memory_space<vmem>> -> memref<1x128x64xf32, #tpu.memory_space<vmem>>
    %dma_wait3A_318 = tpu.memref_squeeze %dma_wait3A_317 : memref<1x128x64xf32, #tpu.memory_space<vmem>> -> memref<128x64xf32, #tpu.memory_space<vmem>>
    %dma_wait3A_319 = arith.constant 0 : i32
    %dma_wait3A_320 = arith.constant 0 : i32
    %dma_wait3A_321 = tpu.memref_slice %arg2[%dma_wait3A_319, %dma_wait3A_320] : memref<10000x64xf32, #tpu.memory_space<hbm>> -> memref<128x64xf32, #tpu.memory_space<hbm>>
    %dma_wait3A_322 = arith.constant 0 : i32
    %dma_wait3A_323 = arith.constant 0 : i32
    %dma_wait3A_324 = tpu.memref_slice %arg7[%dma_wait3A_314, %dma_wait3A_322, %dma_wait3A_323] : memref<8x128x64xf32, #tpu.memory_space<vmem>> -> memref<1x128x64xf32, #tpu.memory_space<vmem>>
    %dma_wait3A_325 = tpu.memref_squeeze %dma_wait3A_324 : memref<1x128x64xf32, #tpu.memory_space<vmem>> -> memref<128x64xf32, #tpu.memory_space<vmem>>
    %dma_wait3A_326 = arith.constant 0 : i32
    %dma_wait3A_327 = arith.constant 0 : i32
    %dma_wait3A_328 = tpu.memref_slice %arg2[%dma_wait3A_326, %dma_wait3A_327] : memref<10000x64xf32, #tpu.memory_space<hbm>> -> memref<128x64xf32, #tpu.memory_space<hbm>>
    tpu.wait_dma2 semaphore(%arg11 : memref<!tpu.dma_semaphore, #tpu.memory_space<semaphore_mem>>) src(%dma_wait3A_328 : memref<128x64xf32, #tpu.memory_space<hbm>>) dst(%dma_wait3A_325 : memref<128x64xf32, #tpu.memory_space<vmem>>)
    %dma_wait3A_329 = arith.constant 6 : i32
    %dma_wait3A_330 = arith.constant 0 : i32
    %dma_wait3A_331 = arith.constant 0 : i32
    %dma_wait3A_332 = tpu.memref_slice %arg7[%dma_wait3A_329, %dma_wait3A_330, %dma_wait3A_331] : memref<8x128x64xf32, #tpu.memory_space<vmem>> -> memref<1x128x64xf32, #tpu.memory_space<vmem>>
    %dma_wait3A_333 = tpu.memref_squeeze %dma_wait3A_332 : memref<1x128x64xf32, #tpu.memory_space<vmem>> -> memref<128x64xf32, #tpu.memory_space<vmem>>
    %dma_wait3A_334 = arith.constant 0 : i32
    %dma_wait3A_335 = arith.constant 0 : i32
    %dma_wait3A_336 = tpu.memref_slice %arg2[%dma_wait3A_334, %dma_wait3A_335] : memref<10000x64xf32, #tpu.memory_space<hbm>> -> memref<128x64xf32, #tpu.memory_space<hbm>>
    %dma_wait3A_337 = arith.constant 0 : i32
    %dma_wait3A_338 = arith.constant 0 : i32
    %dma_wait3A_339 = tpu.memref_slice %arg7[%dma_wait3A_329, %dma_wait3A_337, %dma_wait3A_338] : memref<8x128x64xf32, #tpu.memory_space<vmem>> -> memref<1x128x64xf32, #tpu.memory_space<vmem>>
    %dma_wait3A_340 = tpu.memref_squeeze %dma_wait3A_339 : memref<1x128x64xf32, #tpu.memory_space<vmem>> -> memref<128x64xf32, #tpu.memory_space<vmem>>
    %dma_wait3A_341 = arith.constant 0 : i32
    %dma_wait3A_342 = arith.constant 0 : i32
    %dma_wait3A_343 = tpu.memref_slice %arg2[%dma_wait3A_341, %dma_wait3A_342] : memref<10000x64xf32, #tpu.memory_space<hbm>> -> memref<128x64xf32, #tpu.memory_space<hbm>>
    tpu.wait_dma2 semaphore(%arg11 : memref<!tpu.dma_semaphore, #tpu.memory_space<semaphore_mem>>) src(%dma_wait3A_343 : memref<128x64xf32, #tpu.memory_space<hbm>>) dst(%dma_wait3A_340 : memref<128x64xf32, #tpu.memory_space<vmem>>)
    %dma_wait3A_344 = arith.constant 7 : i32
    %dma_wait3A_345 = arith.constant 0 : i32
    %dma_wait3A_346 = arith.constant 0 : i32
    %dma_wait3A_347 = tpu.memref_slice %arg7[%dma_wait3A_344, %dma_wait3A_345, %dma_wait3A_346] : memref<8x128x64xf32, #tpu.memory_space<vmem>> -> memref<1x128x64xf32, #tpu.memory_space<vmem>>
    %dma_wait3A_348 = tpu.memref_squeeze %dma_wait3A_347 : memref<1x128x64xf32, #tpu.memory_space<vmem>> -> memref<128x64xf32, #tpu.memory_space<vmem>>
    %dma_wait3A_349 = arith.constant 0 : i32
    %dma_wait3A_350 = arith.constant 0 : i32
    %dma_wait3A_351 = tpu.memref_slice %arg2[%dma_wait3A_349, %dma_wait3A_350] : memref<10000x64xf32, #tpu.memory_space<hbm>> -> memref<128x64xf32, #tpu.memory_space<hbm>>
    %dma_wait3A_352 = arith.constant 0 : i32
    %dma_wait3A_353 = arith.constant 0 : i32
    %dma_wait3A_354 = tpu.memref_slice %arg7[%dma_wait3A_344, %dma_wait3A_352, %dma_wait3A_353] : memref<8x128x64xf32, #tpu.memory_space<vmem>> -> memref<1x128x64xf32, #tpu.memory_space<vmem>>
    %dma_wait3A_355 = tpu.memref_squeeze %dma_wait3A_354 : memref<1x128x64xf32, #tpu.memory_space<vmem>> -> memref<128x64xf32, #tpu.memory_space<vmem>>
    %dma_wait3A_356 = arith.constant 0 : i32
    %dma_wait3A_357 = arith.constant 0 : i32
    %dma_wait3A_358 = tpu.memref_slice %arg2[%dma_wait3A_356, %dma_wait3A_357] : memref<10000x64xf32, #tpu.memory_space<hbm>> -> memref<128x64xf32, #tpu.memory_space<hbm>>
    tpu.wait_dma2 semaphore(%arg11 : memref<!tpu.dma_semaphore, #tpu.memory_space<semaphore_mem>>) src(%dma_wait3A_358 : memref<128x64xf32, #tpu.memory_space<hbm>>) dst(%dma_wait3A_355 : memref<128x64xf32, #tpu.memory_space<vmem>>)
    %dma_start3A_359 = arith.constant 4 : i32
    %dma_start3A_360 = arith.constant 0 : i32
    %dma_start3A_361 = arith.constant 0 : i32
    %dma_start3A_362 = tpu.memref_slice %arg7[%dma_start3A_359, %dma_start3A_360, %dma_start3A_361] : memref<8x128x64xf32, #tpu.memory_space<vmem>> -> memref<1x128x64xf32, #tpu.memory_space<vmem>>
    %dma_start3A_363 = tpu.memref_squeeze %dma_start3A_362 : memref<1x128x64xf32, #tpu.memory_space<vmem>> -> memref<128x64xf32, #tpu.memory_space<vmem>>
    %dma_start3A_364 = arith.constant 9728 : i32
    %dma_start3A_365 = tpu.memref_slice %arg5[%dma_start3A_364] : memref<10000xi32, #tpu.memory_space<vmem>> -> memref<128xi32, #tpu.memory_space<vmem>>
    %dma_start3A_366 = arith.constant 0 : i32
    %dma_start3A_367 = arith.constant 0 : i32
    %dma_start3A_368 = tpu.memref_slice %arg2[%dma_start3A_366, %dma_start3A_367] : memref<10000x64xf32, #tpu.memory_space<hbm>> -> memref<10000x64xf32, #tpu.memory_space<hbm>>
    tpu.enqueue_indirect_dma source(%dma_start3A_368 : memref<10000x64xf32, #tpu.memory_space<hbm>>) target(%dma_start3A_363 : memref<128x64xf32, #tpu.memory_space<vmem>>) offsets(%dma_start3A_365 : memref<128xi32, #tpu.memory_space<vmem>>) semaphore(%arg9 : memref<!tpu.dma_semaphore, #tpu.memory_space<semaphore_mem>>)
    %dma_start3A_369 = arith.constant 5 : i32
    %dma_start3A_370 = arith.constant 0 : i32
    %dma_start3A_371 = arith.constant 0 : i32
    %dma_start3A_372 = tpu.memref_slice %arg7[%dma_start3A_369, %dma_start3A_370, %dma_start3A_371] : memref<8x128x64xf32, #tpu.memory_space<vmem>> -> memref<1x128x64xf32, #tpu.memory_space<vmem>>
    %dma_start3A_373 = tpu.memref_squeeze %dma_start3A_372 : memref<1x128x64xf32, #tpu.memory_space<vmem>> -> memref<128x64xf32, #tpu.memory_space<vmem>>
    %dma_start3A_374 = arith.constant 9856 : i32
    %dma_start3A_375 = tpu.memref_slice %arg5[%dma_start3A_374] : memref<10000xi32, #tpu.memory_space<vmem>> -> memref<128xi32, #tpu.memory_space<vmem>>
    %dma_start3A_376 = arith.constant 0 : i32
    %dma_start3A_377 = arith.constant 0 : i32
    %dma_start3A_378 = tpu.memref_slice %arg2[%dma_start3A_376, %dma_start3A_377] : memref<10000x64xf32, #tpu.memory_space<hbm>> -> memref<10000x64xf32, #tpu.memory_space<hbm>>
    tpu.enqueue_indirect_dma source(%dma_start3A_378 : memref<10000x64xf32, #tpu.memory_space<hbm>>) target(%dma_start3A_373 : memref<128x64xf32, #tpu.memory_space<vmem>>) offsets(%dma_start3A_375 : memref<128xi32, #tpu.memory_space<vmem>>) semaphore(%arg9 : memref<!tpu.dma_semaphore, #tpu.memory_space<semaphore_mem>>)
    %dma_wait3A_379 = arith.constant 4 : i32
    %dma_wait3A_380 = arith.constant 0 : i32
    %dma_wait3A_381 = arith.constant 0 : i32
    %dma_wait3A_382 = tpu.memref_slice %arg7[%dma_wait3A_379, %dma_wait3A_380, %dma_wait3A_381] : memref<8x128x64xf32, #tpu.memory_space<vmem>> -> memref<1x128x64xf32, #tpu.memory_space<vmem>>
    %dma_wait3A_383 = tpu.memref_squeeze %dma_wait3A_382 : memref<1x128x64xf32, #tpu.memory_space<vmem>> -> memref<128x64xf32, #tpu.memory_space<vmem>>
    %dma_wait3A_384 = arith.constant 0 : i32
    %dma_wait3A_385 = arith.constant 0 : i32
    %dma_wait3A_386 = tpu.memref_slice %arg2[%dma_wait3A_384, %dma_wait3A_385] : memref<10000x64xf32, #tpu.memory_space<hbm>> -> memref<128x64xf32, #tpu.memory_space<hbm>>
    %dma_wait3A_387 = arith.constant 0 : i32
    %dma_wait3A_388 = arith.constant 0 : i32
    %dma_wait3A_389 = tpu.memref_slice %arg7[%dma_wait3A_379, %dma_wait3A_387, %dma_wait3A_388] : memref<8x128x64xf32, #tpu.memory_space<vmem>> -> memref<1x128x64xf32, #tpu.memory_space<vmem>>
    %dma_wait3A_390 = tpu.memref_squeeze %dma_wait3A_389 : memref<1x128x64xf32, #tpu.memory_space<vmem>> -> memref<128x64xf32, #tpu.memory_space<vmem>>
    %dma_wait3A_391 = arith.constant 0 : i32
    %dma_wait3A_392 = arith.constant 0 : i32
    %dma_wait3A_393 = tpu.memref_slice %arg2[%dma_wait3A_391, %dma_wait3A_392] : memref<10000x64xf32, #tpu.memory_space<hbm>> -> memref<128x64xf32, #tpu.memory_space<hbm>>
    tpu.wait_dma2 semaphore(%arg9 : memref<!tpu.dma_semaphore, #tpu.memory_space<semaphore_mem>>) src(%dma_wait3A_393 : memref<128x64xf32, #tpu.memory_space<hbm>>) dst(%dma_wait3A_390 : memref<128x64xf32, #tpu.memory_space<vmem>>)
    %dma_wait3A_394 = arith.constant 5 : i32
    %dma_wait3A_395 = arith.constant 0 : i32
    %dma_wait3A_396 = arith.constant 0 : i32
    %dma_wait3A_397 = tpu.memref_slice %arg7[%dma_wait3A_394, %dma_wait3A_395, %dma_wait3A_396] : memref<8x128x64xf32, #tpu.memory_space<vmem>> -> memref<1x128x64xf32, #tpu.memory_space<vmem>>
    %dma_wait3A_398 = tpu.memref_squeeze %dma_wait3A_397 : memref<1x128x64xf32, #tpu.memory_space<vmem>> -> memref<128x64xf32, #tpu.memory_space<vmem>>
    %dma_wait3A_399 = arith.constant 0 : i32
    %dma_wait3A_400 = arith.constant 0 : i32
    %dma_wait3A_401 = tpu.memref_slice %arg2[%dma_wait3A_399, %dma_wait3A_400] : memref<10000x64xf32, #tpu.memory_space<hbm>> -> memref<128x64xf32, #tpu.memory_space<hbm>>
    %dma_wait3A_402 = arith.constant 0 : i32
    %dma_wait3A_403 = arith.constant 0 : i32
    %dma_wait3A_404 = tpu.memref_slice %arg7[%dma_wait3A_394, %dma_wait3A_402, %dma_wait3A_403] : memref<8x128x64xf32, #tpu.memory_space<vmem>> -> memref<1x128x64xf32, #tpu.memory_space<vmem>>
    %dma_wait3A_405 = tpu.memref_squeeze %dma_wait3A_404 : memref<1x128x64xf32, #tpu.memory_space<vmem>> -> memref<128x64xf32, #tpu.memory_space<vmem>>
    %dma_wait3A_406 = arith.constant 0 : i32
    %dma_wait3A_407 = arith.constant 0 : i32
    %dma_wait3A_408 = tpu.memref_slice %arg2[%dma_wait3A_406, %dma_wait3A_407] : memref<10000x64xf32, #tpu.memory_space<hbm>> -> memref<128x64xf32, #tpu.memory_space<hbm>>
    tpu.wait_dma2 semaphore(%arg9 : memref<!tpu.dma_semaphore, #tpu.memory_space<semaphore_mem>>) src(%dma_wait3A_408 : memref<128x64xf32, #tpu.memory_space<hbm>>) dst(%dma_wait3A_405 : memref<128x64xf32, #tpu.memory_space<vmem>>)
    %dma_start3A_409 = arith.constant 4 : i32
    %dma_start3A_410 = arith.constant 0 : i32
    %dma_start3A_411 = arith.constant 0 : i32
    %dma_start3A_412 = tpu.memref_slice %arg7[%dma_start3A_409, %dma_start3A_410, %dma_start3A_411] : memref<8x128x64xf32, #tpu.memory_space<vmem>> -> memref<1x128x64xf32, #tpu.memory_space<vmem>>
    %dma_start3A_413 = tpu.memref_squeeze %dma_start3A_412 : memref<1x128x64xf32, #tpu.memory_space<vmem>> -> memref<128x64xf32, #tpu.memory_space<vmem>>
    %dma_start3A_414 = arith.constant 9728 : i32
    %dma_start3A_415 = tpu.memref_slice %arg6[%dma_start3A_414] : memref<10000xi32, #tpu.memory_space<vmem>> -> memref<128xi32, #tpu.memory_space<vmem>>
    %dma_start3A_416 = arith.constant 0 : i32
    %dma_start3A_417 = arith.constant 0 : i32
    %dma_start3A_418 = tpu.memref_slice %arg8[%dma_start3A_416, %dma_start3A_417] : memref<10000x64xf32, #tpu.memory_space<vmem_shared>> -> memref<10000x64xf32, #tpu.memory_space<vmem_shared>>
    tpu.enqueue_indirect_dma source(%dma_start3A_413 : memref<128x64xf32, #tpu.memory_space<vmem>>) target(%dma_start3A_418 : memref<10000x64xf32, #tpu.memory_space<vmem_shared>>) offsets(%dma_start3A_415 : memref<128xi32, #tpu.memory_space<vmem>>) semaphore(%arg11 : memref<!tpu.dma_semaphore, #tpu.memory_space<semaphore_mem>>) {add = true}
    %dma_start3A_419 = arith.constant 5 : i32
    %dma_start3A_420 = arith.constant 0 : i32
    %dma_start3A_421 = arith.constant 0 : i32
    %dma_start3A_422 = tpu.memref_slice %arg7[%dma_start3A_419, %dma_start3A_420, %dma_start3A_421] : memref<8x128x64xf32, #tpu.memory_space<vmem>> -> memref<1x128x64xf32, #tpu.memory_space<vmem>>
    %dma_start3A_423 = tpu.memref_squeeze %dma_start3A_422 : memref<1x128x64xf32, #tpu.memory_space<vmem>> -> memref<128x64xf32, #tpu.memory_space<vmem>>
    %dma_start3A_424 = arith.constant 9856 : i32
    %dma_start3A_425 = tpu.memref_slice %arg6[%dma_start3A_424] : memref<10000xi32, #tpu.memory_space<vmem>> -> memref<128xi32, #tpu.memory_space<vmem>>
    %dma_start3A_426 = arith.constant 0 : i32
    %dma_start3A_427 = arith.constant 0 : i32
    %dma_start3A_428 = tpu.memref_slice %arg8[%dma_start3A_426, %dma_start3A_427] : memref<10000x64xf32, #tpu.memory_space<vmem_shared>> -> memref<10000x64xf32, #tpu.memory_space<vmem_shared>>
    tpu.enqueue_indirect_dma source(%dma_start3A_423 : memref<128x64xf32, #tpu.memory_space<vmem>>) target(%dma_start3A_428 : memref<10000x64xf32, #tpu.memory_space<vmem_shared>>) offsets(%dma_start3A_425 : memref<128xi32, #tpu.memory_space<vmem>>) semaphore(%arg11 : memref<!tpu.dma_semaphore, #tpu.memory_space<semaphore_mem>>) {add = true}
    %dma_wait3A_429 = arith.constant 0 : i32
    %dma_wait3A_430 = arith.constant 0 : i32
    %dma_wait3A_431 = arith.constant 0 : i32
    %dma_wait3A_432 = tpu.memref_slice %arg7[%dma_wait3A_429, %dma_wait3A_430, %dma_wait3A_431] : memref<8x128x64xf32, #tpu.memory_space<vmem>> -> memref<1x128x64xf32, #tpu.memory_space<vmem>>
    %dma_wait3A_433 = tpu.memref_squeeze %dma_wait3A_432 : memref<1x128x64xf32, #tpu.memory_space<vmem>> -> memref<128x64xf32, #tpu.memory_space<vmem>>
    %dma_wait3A_434 = arith.constant 0 : i32
    %dma_wait3A_435 = arith.constant 0 : i32
    %dma_wait3A_436 = tpu.memref_slice %arg2[%dma_wait3A_434, %dma_wait3A_435] : memref<10000x64xf32, #tpu.memory_space<hbm>> -> memref<128x64xf32, #tpu.memory_space<hbm>>
    %dma_wait3A_437 = arith.constant 0 : i32
    %dma_wait3A_438 = arith.constant 0 : i32
    %dma_wait3A_439 = tpu.memref_slice %arg7[%dma_wait3A_429, %dma_wait3A_437, %dma_wait3A_438] : memref<8x128x64xf32, #tpu.memory_space<vmem>> -> memref<1x128x64xf32, #tpu.memory_space<vmem>>
    %dma_wait3A_440 = tpu.memref_squeeze %dma_wait3A_439 : memref<1x128x64xf32, #tpu.memory_space<vmem>> -> memref<128x64xf32, #tpu.memory_space<vmem>>
    %dma_wait3A_441 = arith.constant 0 : i32
    %dma_wait3A_442 = arith.constant 0 : i32
    %dma_wait3A_443 = tpu.memref_slice %arg2[%dma_wait3A_441, %dma_wait3A_442] : memref<10000x64xf32, #tpu.memory_space<hbm>> -> memref<128x64xf32, #tpu.memory_space<hbm>>
    tpu.wait_dma2 semaphore(%arg10 : memref<!tpu.dma_semaphore, #tpu.memory_space<semaphore_mem>>) src(%dma_wait3A_443 : memref<128x64xf32, #tpu.memory_space<hbm>>) dst(%dma_wait3A_440 : memref<128x64xf32, #tpu.memory_space<vmem>>)
    %dma_wait3A_444 = arith.constant 1 : i32
    %dma_wait3A_445 = arith.constant 0 : i32
    %dma_wait3A_446 = arith.constant 0 : i32
    %dma_wait3A_447 = tpu.memref_slice %arg7[%dma_wait3A_444, %dma_wait3A_445, %dma_wait3A_446] : memref<8x128x64xf32, #tpu.memory_space<vmem>> -> memref<1x128x64xf32, #tpu.memory_space<vmem>>
    %dma_wait3A_448 = tpu.memref_squeeze %dma_wait3A_447 : memref<1x128x64xf32, #tpu.memory_space<vmem>> -> memref<128x64xf32, #tpu.memory_space<vmem>>
    %dma_wait3A_449 = arith.constant 0 : i32
    %dma_wait3A_450 = arith.constant 0 : i32
    %dma_wait3A_451 = tpu.memref_slice %arg2[%dma_wait3A_449, %dma_wait3A_450] : memref<10000x64xf32, #tpu.memory_space<hbm>> -> memref<128x64xf32, #tpu.memory_space<hbm>>
    %dma_wait3A_452 = arith.constant 0 : i32
    %dma_wait3A_453 = arith.constant 0 : i32
    %dma_wait3A_454 = tpu.memref_slice %arg7[%dma_wait3A_444, %dma_wait3A_452, %dma_wait3A_453] : memref<8x128x64xf32, #tpu.memory_space<vmem>> -> memref<1x128x64xf32, #tpu.memory_space<vmem>>
    %dma_wait3A_455 = tpu.memref_squeeze %dma_wait3A_454 : memref<1x128x64xf32, #tpu.memory_space<vmem>> -> memref<128x64xf32, #tpu.memory_space<vmem>>
    %dma_wait3A_456 = arith.constant 0 : i32
    %dma_wait3A_457 = arith.constant 0 : i32
    %dma_wait3A_458 = tpu.memref_slice %arg2[%dma_wait3A_456, %dma_wait3A_457] : memref<10000x64xf32, #tpu.memory_space<hbm>> -> memref<128x64xf32, #tpu.memory_space<hbm>>
    tpu.wait_dma2 semaphore(%arg10 : memref<!tpu.dma_semaphore, #tpu.memory_space<semaphore_mem>>) src(%dma_wait3A_458 : memref<128x64xf32, #tpu.memory_space<hbm>>) dst(%dma_wait3A_455 : memref<128x64xf32, #tpu.memory_space<vmem>>)
    %dma_wait3A_459 = arith.constant 2 : i32
    %dma_wait3A_460 = arith.constant 0 : i32
    %dma_wait3A_461 = arith.constant 0 : i32
    %dma_wait3A_462 = tpu.memref_slice %arg7[%dma_wait3A_459, %dma_wait3A_460, %dma_wait3A_461] : memref<8x128x64xf32, #tpu.memory_space<vmem>> -> memref<1x128x64xf32, #tpu.memory_space<vmem>>
    %dma_wait3A_463 = tpu.memref_squeeze %dma_wait3A_462 : memref<1x128x64xf32, #tpu.memory_space<vmem>> -> memref<128x64xf32, #tpu.memory_space<vmem>>
    %dma_wait3A_464 = arith.constant 0 : i32
    %dma_wait3A_465 = arith.constant 0 : i32
    %dma_wait3A_466 = tpu.memref_slice %arg2[%dma_wait3A_464, %dma_wait3A_465] : memref<10000x64xf32, #tpu.memory_space<hbm>> -> memref<128x64xf32, #tpu.memory_space<hbm>>
    %dma_wait3A_467 = arith.constant 0 : i32
    %dma_wait3A_468 = arith.constant 0 : i32
    %dma_wait3A_469 = tpu.memref_slice %arg7[%dma_wait3A_459, %dma_wait3A_467, %dma_wait3A_468] : memref<8x128x64xf32, #tpu.memory_space<vmem>> -> memref<1x128x64xf32, #tpu.memory_space<vmem>>
    %dma_wait3A_470 = tpu.memref_squeeze %dma_wait3A_469 : memref<1x128x64xf32, #tpu.memory_space<vmem>> -> memref<128x64xf32, #tpu.memory_space<vmem>>
    %dma_wait3A_471 = arith.constant 0 : i32
    %dma_wait3A_472 = arith.constant 0 : i32
    %dma_wait3A_473 = tpu.memref_slice %arg2[%dma_wait3A_471, %dma_wait3A_472] : memref<10000x64xf32, #tpu.memory_space<hbm>> -> memref<128x64xf32, #tpu.memory_space<hbm>>
    tpu.wait_dma2 semaphore(%arg10 : memref<!tpu.dma_semaphore, #tpu.memory_space<semaphore_mem>>) src(%dma_wait3A_473 : memref<128x64xf32, #tpu.memory_space<hbm>>) dst(%dma_wait3A_470 : memref<128x64xf32, #tpu.memory_space<vmem>>)
    %dma_wait3A_474 = arith.constant 3 : i32
    %dma_wait3A_475 = arith.constant 0 : i32
    %dma_wait3A_476 = arith.constant 0 : i32
    %dma_wait3A_477 = tpu.memref_slice %arg7[%dma_wait3A_474, %dma_wait3A_475, %dma_wait3A_476] : memref<8x128x64xf32, #tpu.memory_space<vmem>> -> memref<1x128x64xf32, #tpu.memory_space<vmem>>
    %dma_wait3A_478 = tpu.memref_squeeze %dma_wait3A_477 : memref<1x128x64xf32, #tpu.memory_space<vmem>> -> memref<128x64xf32, #tpu.memory_space<vmem>>
    %dma_wait3A_479 = arith.constant 0 : i32
    %dma_wait3A_480 = arith.constant 0 : i32
    %dma_wait3A_481 = tpu.memref_slice %arg2[%dma_wait3A_479, %dma_wait3A_480] : memref<10000x64xf32, #tpu.memory_space<hbm>> -> memref<128x64xf32, #tpu.memory_space<hbm>>
    %dma_wait3A_482 = arith.constant 0 : i32
    %dma_wait3A_483 = arith.constant 0 : i32
    %dma_wait3A_484 = tpu.memref_slice %arg7[%dma_wait3A_474, %dma_wait3A_482, %dma_wait3A_483] : memref<8x128x64xf32, #tpu.memory_space<vmem>> -> memref<1x128x64xf32, #tpu.memory_space<vmem>>
    %dma_wait3A_485 = tpu.memref_squeeze %dma_wait3A_484 : memref<1x128x64xf32, #tpu.memory_space<vmem>> -> memref<128x64xf32, #tpu.memory_space<vmem>>
    %dma_wait3A_486 = arith.constant 0 : i32
    %dma_wait3A_487 = arith.constant 0 : i32
    %dma_wait3A_488 = tpu.memref_slice %arg2[%dma_wait3A_486, %dma_wait3A_487] : memref<10000x64xf32, #tpu.memory_space<hbm>> -> memref<128x64xf32, #tpu.memory_space<hbm>>
    tpu.wait_dma2 semaphore(%arg10 : memref<!tpu.dma_semaphore, #tpu.memory_space<semaphore_mem>>) src(%dma_wait3A_488 : memref<128x64xf32, #tpu.memory_space<hbm>>) dst(%dma_wait3A_485 : memref<128x64xf32, #tpu.memory_space<vmem>>)
    %dma_wait3A_489 = arith.constant 4 : i32
    %dma_wait3A_490 = arith.constant 0 : i32
    %dma_wait3A_491 = arith.constant 0 : i32
    %dma_wait3A_492 = tpu.memref_slice %arg7[%dma_wait3A_489, %dma_wait3A_490, %dma_wait3A_491] : memref<8x128x64xf32, #tpu.memory_space<vmem>> -> memref<1x128x64xf32, #tpu.memory_space<vmem>>
    %dma_wait3A_493 = tpu.memref_squeeze %dma_wait3A_492 : memref<1x128x64xf32, #tpu.memory_space<vmem>> -> memref<128x64xf32, #tpu.memory_space<vmem>>
    %dma_wait3A_494 = arith.constant 0 : i32
    %dma_wait3A_495 = arith.constant 0 : i32
    %dma_wait3A_496 = tpu.memref_slice %arg2[%dma_wait3A_494, %dma_wait3A_495] : memref<10000x64xf32, #tpu.memory_space<hbm>> -> memref<128x64xf32, #tpu.memory_space<hbm>>
    %dma_wait3A_497 = arith.constant 0 : i32
    %dma_wait3A_498 = arith.constant 0 : i32
    %dma_wait3A_499 = tpu.memref_slice %arg7[%dma_wait3A_489, %dma_wait3A_497, %dma_wait3A_498] : memref<8x128x64xf32, #tpu.memory_space<vmem>> -> memref<1x128x64xf32, #tpu.memory_space<vmem>>
    %dma_wait3A_500 = tpu.memref_squeeze %dma_wait3A_499 : memref<1x128x64xf32, #tpu.memory_space<vmem>> -> memref<128x64xf32, #tpu.memory_space<vmem>>
    %dma_wait3A_501 = arith.constant 0 : i32
    %dma_wait3A_502 = arith.constant 0 : i32
    %dma_wait3A_503 = tpu.memref_slice %arg2[%dma_wait3A_501, %dma_wait3A_502] : memref<10000x64xf32, #tpu.memory_space<hbm>> -> memref<128x64xf32, #tpu.memory_space<hbm>>
    tpu.wait_dma2 semaphore(%arg11 : memref<!tpu.dma_semaphore, #tpu.memory_space<semaphore_mem>>) src(%dma_wait3A_503 : memref<128x64xf32, #tpu.memory_space<hbm>>) dst(%dma_wait3A_500 : memref<128x64xf32, #tpu.memory_space<vmem>>)
    %dma_wait3A_504 = arith.constant 5 : i32
    %dma_wait3A_505 = arith.constant 0 : i32
    %dma_wait3A_506 = arith.constant 0 : i32
    %dma_wait3A_507 = tpu.memref_slice %arg7[%dma_wait3A_504, %dma_wait3A_505, %dma_wait3A_506] : memref<8x128x64xf32, #tpu.memory_space<vmem>> -> memref<1x128x64xf32, #tpu.memory_space<vmem>>
    %dma_wait3A_508 = tpu.memref_squeeze %dma_wait3A_507 : memref<1x128x64xf32, #tpu.memory_space<vmem>> -> memref<128x64xf32, #tpu.memory_space<vmem>>
    %dma_wait3A_509 = arith.constant 0 : i32
    %dma_wait3A_510 = arith.constant 0 : i32
    %dma_wait3A_511 = tpu.memref_slice %arg2[%dma_wait3A_509, %dma_wait3A_510] : memref<10000x64xf32, #tpu.memory_space<hbm>> -> memref<128x64xf32, #tpu.memory_space<hbm>>
    %dma_wait3A_512 = arith.constant 0 : i32
    %dma_wait3A_513 = arith.constant 0 : i32
    %dma_wait3A_514 = tpu.memref_slice %arg7[%dma_wait3A_504, %dma_wait3A_512, %dma_wait3A_513] : memref<8x128x64xf32, #tpu.memory_space<vmem>> -> memref<1x128x64xf32, #tpu.memory_space<vmem>>
    %dma_wait3A_515 = tpu.memref_squeeze %dma_wait3A_514 : memref<1x128x64xf32, #tpu.memory_space<vmem>> -> memref<128x64xf32, #tpu.memory_space<vmem>>
    %dma_wait3A_516 = arith.constant 0 : i32
    %dma_wait3A_517 = arith.constant 0 : i32
    %dma_wait3A_518 = tpu.memref_slice %arg2[%dma_wait3A_516, %dma_wait3A_517] : memref<10000x64xf32, #tpu.memory_space<hbm>> -> memref<128x64xf32, #tpu.memory_space<hbm>>
    tpu.wait_dma2 semaphore(%arg11 : memref<!tpu.dma_semaphore, #tpu.memory_space<semaphore_mem>>) src(%dma_wait3A_518 : memref<128x64xf32, #tpu.memory_space<hbm>>) dst(%dma_wait3A_515 : memref<128x64xf32, #tpu.memory_space<vmem>>)
    %dma_start3A_519 = arith.constant 0 : i32
    %dma_start3A_520 = arith.constant 0 : i32
    %dma_start3A_521 = arith.constant 0 : i32
    %dma_start3A_522 = tpu.memref_slice %arg7[%dma_start3A_519, %dma_start3A_520, %dma_start3A_521] : memref<8x128x64xf32, #tpu.memory_space<vmem>> -> memref<1x128x64xf32, #tpu.memory_space<vmem>>
    %dma_start3A_523 = tpu.memref_squeeze %dma_start3A_522 : memref<1x128x64xf32, #tpu.memory_space<vmem>> -> memref<128x64xf32, #tpu.memory_space<vmem>>
    %dma_start3A_524 = arith.constant 0 : i32
    %dma_start3A_525 = arith.constant 0 : i32
    %dma_start3A_526 = tpu.memref_slice %dma_start3A_523[%dma_start3A_524, %dma_start3A_525] : memref<128x64xf32, #tpu.memory_space<vmem>> -> memref<16x64xf32, #tpu.memory_space<vmem>>
    %dma_start3A_527 = arith.constant 9984 : i32
    %dma_start3A_528 = tpu.memref_slice %arg5[%dma_start3A_527] : memref<10000xi32, #tpu.memory_space<vmem>> -> memref<16xi32, #tpu.memory_space<vmem>>
    %dma_start3A_529 = arith.constant 0 : i32
    %dma_start3A_530 = arith.constant 0 : i32
    %dma_start3A_531 = tpu.memref_slice %arg2[%dma_start3A_529, %dma_start3A_530] : memref<10000x64xf32, #tpu.memory_space<hbm>> -> memref<10000x64xf32, #tpu.memory_space<hbm>>
    tpu.enqueue_indirect_dma source(%dma_start3A_531 : memref<10000x64xf32, #tpu.memory_space<hbm>>) target(%dma_start3A_526 : memref<16x64xf32, #tpu.memory_space<vmem>>) offsets(%dma_start3A_528 : memref<16xi32, #tpu.memory_space<vmem>>) semaphore(%arg9 : memref<!tpu.dma_semaphore, #tpu.memory_space<semaphore_mem>>)
    %dma_wait3A_532 = arith.constant 0 : i32
    %dma_wait3A_533 = arith.constant 0 : i32
    %dma_wait3A_534 = arith.constant 0 : i32
    %dma_wait3A_535 = tpu.memref_slice %arg7[%dma_wait3A_532, %dma_wait3A_533, %dma_wait3A_534] : memref<8x128x64xf32, #tpu.memory_space<vmem>> -> memref<1x128x64xf32, #tpu.memory_space<vmem>>
    %dma_wait3A_536 = tpu.memref_squeeze %dma_wait3A_535 : memref<1x128x64xf32, #tpu.memory_space<vmem>> -> memref<128x64xf32, #tpu.memory_space<vmem>>
    %dma_wait3A_537 = arith.constant 0 : i32
    %dma_wait3A_538 = arith.constant 0 : i32
    %dma_wait3A_539 = tpu.memref_slice %dma_wait3A_536[%dma_wait3A_537, %dma_wait3A_538] : memref<128x64xf32, #tpu.memory_space<vmem>> -> memref<16x64xf32, #tpu.memory_space<vmem>>
    %dma_wait3A_540 = arith.constant 9984 : i32
    %dma_wait3A_541 = tpu.memref_slice %arg5[%dma_wait3A_540] : memref<10000xi32, #tpu.memory_space<vmem>> -> memref<16xi32, #tpu.memory_space<vmem>>
    %dma_wait3A_542 = arith.constant 0 : i32
    %dma_wait3A_543 = arith.constant 0 : i32
    %dma_wait3A_544 = tpu.memref_slice %arg2[%dma_wait3A_542, %dma_wait3A_543] : memref<10000x64xf32, #tpu.memory_space<hbm>> -> memref<10000x64xf32, #tpu.memory_space<hbm>>
    tpu.wait_indirect_dma semaphore(%arg9 : memref<!tpu.dma_semaphore, #tpu.memory_space<semaphore_mem>>) src(%dma_wait3A_544 : memref<10000x64xf32, #tpu.memory_space<hbm>>) dst(%dma_wait3A_539 : memref<16x64xf32, #tpu.memory_space<vmem>>)
    %run_scoped3A = arith.constant 0 : i32
    "tpu.region"() ({
      %run_scoped3A_621 = tpu.sem_alloc : memref<!tpu.dma_semaphore, #tpu.memory_space<semaphore_mem>>
      %dma_start3A_622 = arith.constant 0 : i32
      %dma_start3A_623 = arith.constant 0 : i32
      %dma_start3A_624 = tpu.memref_slice %arg7[%run_scoped3A, %dma_start3A_622, %dma_start3A_623] : memref<8x128x64xf32, #tpu.memory_space<vmem>> -> memref<1x128x64xf32, #tpu.memory_space<vmem>>
      %dma_start3A_625 = tpu.memref_squeeze %dma_start3A_624 : memref<1x128x64xf32, #tpu.memory_space<vmem>> -> memref<128x64xf32, #tpu.memory_space<vmem>>
      %dma_start3A_626 = arith.constant 0 : i32
      %dma_start3A_627 = arith.constant 0 : i32
      %dma_start3A_628 = tpu.memref_slice %dma_start3A_625[%dma_start3A_626, %dma_start3A_627] : memref<128x64xf32, #tpu.memory_space<vmem>> -> memref<16x64xf32, #tpu.memory_space<vmem>>
      %dma_start3A_629 = arith.constant 9984 : i32
      %dma_start3A_630 = tpu.memref_slice %arg6[%dma_start3A_629] : memref<10000xi32, #tpu.memory_space<vmem>> -> memref<16xi32, #tpu.memory_space<vmem>>
      %dma_start3A_631 = arith.constant 0 : i32
      %dma_start3A_632 = arith.constant 0 : i32
      %dma_start3A_633 = tpu.memref_slice %arg8[%dma_start3A_631, %dma_start3A_632] : memref<10000x64xf32, #tpu.memory_space<vmem_shared>> -> memref<10000x64xf32, #tpu.memory_space<vmem_shared>>
      tpu.enqueue_indirect_dma source(%dma_start3A_628 : memref<16x64xf32, #tpu.memory_space<vmem>>) target(%dma_start3A_633 : memref<10000x64xf32, #tpu.memory_space<vmem_shared>>) offsets(%dma_start3A_630 : memref<16xi32, #tpu.memory_space<vmem>>) semaphore(%run_scoped3A_621 : memref<!tpu.dma_semaphore, #tpu.memory_space<semaphore_mem>>) {add = true}
      %dma_wait3A_634 = arith.constant 0 : i32
      %dma_wait3A_635 = arith.constant 0 : i32
      %dma_wait3A_636 = tpu.memref_slice %arg7[%run_scoped3A, %dma_wait3A_634, %dma_wait3A_635] : memref<8x128x64xf32, #tpu.memory_space<vmem>> -> memref<1x128x64xf32, #tpu.memory_space<vmem>>
      %dma_wait3A_637 = tpu.memref_squeeze %dma_wait3A_636 : memref<1x128x64xf32, #tpu.memory_space<vmem>> -> memref<128x64xf32, #tpu.memory_space<vmem>>
      %dma_wait3A_638 = arith.constant 0 : i32
      %dma_wait3A_639 = arith.constant 0 : i32
      %dma_wait3A_640 = tpu.memref_slice %dma_wait3A_637[%dma_wait3A_638, %dma_wait3A_639] : memref<128x64xf32, #tpu.memory_space<vmem>> -> memref<16x64xf32, #tpu.memory_space<vmem>>
      %dma_wait3A_641 = arith.constant 9984 : i32
      %dma_wait3A_642 = tpu.memref_slice %arg6[%dma_wait3A_641] : memref<10000xi32, #tpu.memory_space<vmem>> -> memref<16xi32, #tpu.memory_space<vmem>>
      %dma_wait3A_643 = arith.constant 0 : i32
      %dma_wait3A_644 = arith.constant 0 : i32
      %dma_wait3A_645 = tpu.memref_slice %arg8[%dma_wait3A_643, %dma_wait3A_644] : memref<10000x64xf32, #tpu.memory_space<vmem_shared>> -> memref<10000x64xf32, #tpu.memory_space<vmem_shared>>
      tpu.wait_indirect_dma semaphore(%run_scoped3A_621 : memref<!tpu.dma_semaphore, #tpu.memory_space<semaphore_mem>>) src(%dma_wait3A_640 : memref<16x64xf32, #tpu.memory_space<vmem>>) dst(%dma_wait3A_645 : memref<10000x64xf32, #tpu.memory_space<vmem_shared>>)
      tpu.yield
    }) : () -> ()
    %barrier3A_545 = arith.constant 0 : index
    tpu.barrier barrier_id(%barrier3A_545)
    %add3A_546 = arith.constant 0 : i32
    %add3A_547 = arith.addi %arg1, %add3A_546 : i32
    %mul3A_548 = arith.constant 128 : i32
    %mul3A_549 = arith.muli %add3A_547, %mul3A_548 : i32
    %multiple_of3A_550 = tpu.assume_multiple %mul3A_549, 128 : i32
    %lt3A_551 = arith.constant 78 : i32
    %lt3A_552 = arith.cmpi slt, %add3A_547, %lt3A_551 : i32
    %convert_element_type3A_553 = arith.extui %lt3A_552 : i1 to i32
    %cond3A_554 = arith.constant 0 : i32
    %cond3A_555 = arith.cmpi ne, %convert_element_type3A_553, %cond3A_554 : i32
    scf.if %cond3A_555 {
      %mul3A_621 = arith.constant 10000 : i32
      %mul3A_622 = arith.muli %arg0, %mul3A_621 : i32
      %add3A_623 = arith.addi %mul3A_622, %multiple_of3A_550 : i32
      "tpu.region"() ({
        %run_scoped3A_624 = tpu.sem_alloc : memref<!tpu.dma_semaphore, #tpu.memory_space<semaphore_mem>>
        %dma_start3A_625 = arith.constant 0 : i32
        %dma_start3A_626 = tpu.memref_slice %arg4[%add3A_623, %dma_start3A_625] : memref<20000x64xf32, #tpu.memory_space<hbm>> -> memref<128x64xf32, #tpu.memory_space<hbm>>
        %dma_start3A_627 = arith.constant 0 : i32
        %dma_start3A_628 = tpu.memref_slice %arg8[%multiple_of3A_550, %dma_start3A_627] : memref<10000x64xf32, #tpu.memory_space<vmem_shared>> -> memref<128x64xf32, #tpu.memory_space<vmem_shared>>
        tpu.enqueue_dma source(%dma_start3A_628 : memref<128x64xf32, #tpu.memory_space<vmem_shared>>) target(%dma_start3A_626 : memref<128x64xf32, #tpu.memory_space<hbm>>) target_semaphore(%run_scoped3A_624 : memref<!tpu.dma_semaphore, #tpu.memory_space<semaphore_mem>>)
        %dma_wait3A_629 = arith.constant 0 : i32
        %dma_wait3A_630 = tpu.memref_slice %arg4[%add3A_623, %dma_wait3A_629] : memref<20000x64xf32, #tpu.memory_space<hbm>> -> memref<128x64xf32, #tpu.memory_space<hbm>>
        %dma_wait3A_631 = arith.constant 0 : i32
        %dma_wait3A_632 = tpu.memref_slice %arg8[%multiple_of3A_550, %dma_wait3A_631] : memref<10000x64xf32, #tpu.memory_space<vmem_shared>> -> memref<128x64xf32, #tpu.memory_space<vmem_shared>>
        tpu.wait_dma2 semaphore(%run_scoped3A_624 : memref<!tpu.dma_semaphore, #tpu.memory_space<semaphore_mem>>) src(%dma_wait3A_632 : memref<128x64xf32, #tpu.memory_space<vmem_shared>>) dst(%dma_wait3A_630 : memref<128x64xf32, #tpu.memory_space<hbm>>)
        tpu.yield
      }) : () -> ()
    } else {
    }
    %eq3A_556 = arith.constant 78 : i32
    %eq3A_557 = arith.cmpi eq, %add3A_547, %eq3A_556 : i32
    %convert_element_type3A_558 = arith.extui %eq3A_557 : i1 to i32
    %cond3A_559 = arith.constant 0 : i32
    %cond3A_560 = arith.cmpi ne, %convert_element_type3A_558, %cond3A_559 : i32
    scf.if %cond3A_560 {
      %mul3A_621 = arith.constant 10000 : i32
      %mul3A_622 = arith.muli %arg0, %mul3A_621 : i32
      %add3A_623 = arith.constant 9984 : i32
      %add3A_624 = arith.addi %mul3A_622, %add3A_623 : i32
      "tpu.region"() ({
        %run_scoped3A_625 = tpu.sem_alloc : memref<!tpu.dma_semaphore, #tpu.memory_space<semaphore_mem>>
        %dma_start3A_626 = arith.constant 0 : i32
        %dma_start3A_627 = tpu.memref_slice %arg4[%add3A_624, %dma_start3A_626] : memref<20000x64xf32, #tpu.memory_space<hbm>> -> memref<16x64xf32, #tpu.memory_space<hbm>>
        %dma_start3A_628 = arith.constant 9984 : i32
        %dma_start3A_629 = arith.constant 0 : i32
        %dma_start3A_630 = tpu.memref_slice %arg8[%dma_start3A_628, %dma_start3A_629] : memref<10000x64xf32, #tpu.memory_space<vmem_shared>> -> memref<16x64xf32, #tpu.memory_space<vmem_shared>>
        tpu.enqueue_dma source(%dma_start3A_630 : memref<16x64xf32, #tpu.memory_space<vmem_shared>>) target(%dma_start3A_627 : memref<16x64xf32, #tpu.memory_space<hbm>>) target_semaphore(%run_scoped3A_625 : memref<!tpu.dma_semaphore, #tpu.memory_space<semaphore_mem>>)
        %dma_wait3A_631 = arith.constant 0 : i32
        %dma_wait3A_632 = tpu.memref_slice %arg4[%add3A_624, %dma_wait3A_631] : memref<20000x64xf32, #tpu.memory_space<hbm>> -> memref<16x64xf32, #tpu.memory_space<hbm>>
        %dma_wait3A_633 = arith.constant 9984 : i32
        %dma_wait3A_634 = arith.constant 0 : i32
        %dma_wait3A_635 = tpu.memref_slice %arg8[%dma_wait3A_633, %dma_wait3A_634] : memref<10000x64xf32, #tpu.memory_space<vmem_shared>> -> memref<16x64xf32, #tpu.memory_space<vmem_shared>>
        tpu.wait_dma2 semaphore(%run_scoped3A_625 : memref<!tpu.dma_semaphore, #tpu.memory_space<semaphore_mem>>) src(%dma_wait3A_635 : memref<16x64xf32, #tpu.memory_space<vmem_shared>>) dst(%dma_wait3A_632 : memref<16x64xf32, #tpu.memory_space<hbm>>)
        tpu.yield
      }) : () -> ()
    } else {
    }
    %add3A_561 = arith.constant 16 : i32
    %add3A_562 = arith.addi %arg1, %add3A_561 : i32
    %mul3A_563 = arith.constant 128 : i32
    %mul3A_564 = arith.muli %add3A_562, %mul3A_563 : i32
    %multiple_of3A_565 = tpu.assume_multiple %mul3A_564, 128 : i32
    %lt3A_566 = arith.constant 78 : i32
    %lt3A_567 = arith.cmpi slt, %add3A_562, %lt3A_566 : i32
    %convert_element_type3A_568 = arith.extui %lt3A_567 : i1 to i32
    %cond3A_569 = arith.constant 0 : i32
    %cond3A_570 = arith.cmpi ne, %convert_element_type3A_568, %cond3A_569 : i32
    scf.if %cond3A_570 {
      %mul3A_621 = arith.constant 10000 : i32
      %mul3A_622 = arith.muli %arg0, %mul3A_621 : i32
      %add3A_623 = arith.addi %mul3A_622, %multiple_of3A_565 : i32
      "tpu.region"() ({
        %run_scoped3A_624 = tpu.sem_alloc : memref<!tpu.dma_semaphore, #tpu.memory_space<semaphore_mem>>
        %dma_start3A_625 = arith.constant 0 : i32
        %dma_start3A_626 = tpu.memref_slice %arg4[%add3A_623, %dma_start3A_625] : memref<20000x64xf32, #tpu.memory_space<hbm>> -> memref<128x64xf32, #tpu.memory_space<hbm>>
        %dma_start3A_627 = arith.constant 0 : i32
        %dma_start3A_628 = tpu.memref_slice %arg8[%multiple_of3A_565, %dma_start3A_627] : memref<10000x64xf32, #tpu.memory_space<vmem_shared>> -> memref<128x64xf32, #tpu.memory_space<vmem_shared>>
        tpu.enqueue_dma source(%dma_start3A_628 : memref<128x64xf32, #tpu.memory_space<vmem_shared>>) target(%dma_start3A_626 : memref<128x64xf32, #tpu.memory_space<hbm>>) target_semaphore(%run_scoped3A_624 : memref<!tpu.dma_semaphore, #tpu.memory_space<semaphore_mem>>)
        %dma_wait3A_629 = arith.constant 0 : i32
        %dma_wait3A_630 = tpu.memref_slice %arg4[%add3A_623, %dma_wait3A_629] : memref<20000x64xf32, #tpu.memory_space<hbm>> -> memref<128x64xf32, #tpu.memory_space<hbm>>
        %dma_wait3A_631 = arith.constant 0 : i32
        %dma_wait3A_632 = tpu.memref_slice %arg8[%multiple_of3A_565, %dma_wait3A_631] : memref<10000x64xf32, #tpu.memory_space<vmem_shared>> -> memref<128x64xf32, #tpu.memory_space<vmem_shared>>
        tpu.wait_dma2 semaphore(%run_scoped3A_624 : memref<!tpu.dma_semaphore, #tpu.memory_space<semaphore_mem>>) src(%dma_wait3A_632 : memref<128x64xf32, #tpu.memory_space<vmem_shared>>) dst(%dma_wait3A_630 : memref<128x64xf32, #tpu.memory_space<hbm>>)
        tpu.yield
      }) : () -> ()
    } else {
    }
    %eq3A_571 = arith.constant 78 : i32
    %eq3A_572 = arith.cmpi eq, %add3A_562, %eq3A_571 : i32
    %convert_element_type3A_573 = arith.extui %eq3A_572 : i1 to i32
    %cond3A_574 = arith.constant 0 : i32
    %cond3A_575 = arith.cmpi ne, %convert_element_type3A_573, %cond3A_574 : i32
    scf.if %cond3A_575 {
      %mul3A_621 = arith.constant 10000 : i32
      %mul3A_622 = arith.muli %arg0, %mul3A_621 : i32
      %add3A_623 = arith.constant 9984 : i32
      %add3A_624 = arith.addi %mul3A_622, %add3A_623 : i32
      "tpu.region"() ({
        %run_scoped3A_625 = tpu.sem_alloc : memref<!tpu.dma_semaphore, #tpu.memory_space<semaphore_mem>>
        %dma_start3A_626 = arith.constant 0 : i32
        %dma_start3A_627 = tpu.memref_slice %arg4[%add3A_624, %dma_start3A_626] : memref<20000x64xf32, #tpu.memory_space<hbm>> -> memref<16x64xf32, #tpu.memory_space<hbm>>
        %dma_start3A_628 = arith.constant 9984 : i32
        %dma_start3A_629 = arith.constant 0 : i32
        %dma_start3A_630 = tpu.memref_slice %arg8[%dma_start3A_628, %dma_start3A_629] : memref<10000x64xf32, #tpu.memory_space<vmem_shared>> -> memref<16x64xf32, #tpu.memory_space<vmem_shared>>
        tpu.enqueue_dma source(%dma_start3A_630 : memref<16x64xf32, #tpu.memory_space<vmem_shared>>) target(%dma_start3A_627 : memref<16x64xf32, #tpu.memory_space<hbm>>) target_semaphore(%run_scoped3A_625 : memref<!tpu.dma_semaphore, #tpu.memory_space<semaphore_mem>>)
        %dma_wait3A_631 = arith.constant 0 : i32
        %dma_wait3A_632 = tpu.memref_slice %arg4[%add3A_624, %dma_wait3A_631] : memref<20000x64xf32, #tpu.memory_space<hbm>> -> memref<16x64xf32, #tpu.memory_space<hbm>>
        %dma_wait3A_633 = arith.constant 9984 : i32
        %dma_wait3A_634 = arith.constant 0 : i32
        %dma_wait3A_635 = tpu.memref_slice %arg8[%dma_wait3A_633, %dma_wait3A_634] : memref<10000x64xf32, #tpu.memory_space<vmem_shared>> -> memref<16x64xf32, #tpu.memory_space<vmem_shared>>
        tpu.wait_dma2 semaphore(%run_scoped3A_625 : memref<!tpu.dma_semaphore, #tpu.memory_space<semaphore_mem>>) src(%dma_wait3A_635 : memref<16x64xf32, #tpu.memory_space<vmem_shared>>) dst(%dma_wait3A_632 : memref<16x64xf32, #tpu.memory_space<hbm>>)
        tpu.yield
      }) : () -> ()
    } else {
    }
    %add3A_576 = arith.constant 32 : i32
    %add3A_577 = arith.addi %arg1, %add3A_576 : i32
    %mul3A_578 = arith.constant 128 : i32
    %mul3A_579 = arith.muli %add3A_577, %mul3A_578 : i32
    %multiple_of3A_580 = tpu.assume_multiple %mul3A_579, 128 : i32
    %lt3A_581 = arith.constant 78 : i32
    %lt3A_582 = arith.cmpi slt, %add3A_577, %lt3A_581 : i32
    %convert_element_type3A_583 = arith.extui %lt3A_582 : i1 to i32
    %cond3A_584 = arith.constant 0 : i32
    %cond3A_585 = arith.cmpi ne, %convert_element_type3A_583, %cond3A_584 : i32
    scf.if %cond3A_585 {
      %mul3A_621 = arith.constant 10000 : i32
      %mul3A_622 = arith.muli %arg0, %mul3A_621 : i32
      %add3A_623 = arith.addi %mul3A_622, %multiple_of3A_580 : i32
      "tpu.region"() ({
        %run_scoped3A_624 = tpu.sem_alloc : memref<!tpu.dma_semaphore, #tpu.memory_space<semaphore_mem>>
        %dma_start3A_625 = arith.constant 0 : i32
        %dma_start3A_626 = tpu.memref_slice %arg4[%add3A_623, %dma_start3A_625] : memref<20000x64xf32, #tpu.memory_space<hbm>> -> memref<128x64xf32, #tpu.memory_space<hbm>>
        %dma_start3A_627 = arith.constant 0 : i32
        %dma_start3A_628 = tpu.memref_slice %arg8[%multiple_of3A_580, %dma_start3A_627] : memref<10000x64xf32, #tpu.memory_space<vmem_shared>> -> memref<128x64xf32, #tpu.memory_space<vmem_shared>>
        tpu.enqueue_dma source(%dma_start3A_628 : memref<128x64xf32, #tpu.memory_space<vmem_shared>>) target(%dma_start3A_626 : memref<128x64xf32, #tpu.memory_space<hbm>>) target_semaphore(%run_scoped3A_624 : memref<!tpu.dma_semaphore, #tpu.memory_space<semaphore_mem>>)
        %dma_wait3A_629 = arith.constant 0 : i32
        %dma_wait3A_630 = tpu.memref_slice %arg4[%add3A_623, %dma_wait3A_629] : memref<20000x64xf32, #tpu.memory_space<hbm>> -> memref<128x64xf32, #tpu.memory_space<hbm>>
        %dma_wait3A_631 = arith.constant 0 : i32
        %dma_wait3A_632 = tpu.memref_slice %arg8[%multiple_of3A_580, %dma_wait3A_631] : memref<10000x64xf32, #tpu.memory_space<vmem_shared>> -> memref<128x64xf32, #tpu.memory_space<vmem_shared>>
        tpu.wait_dma2 semaphore(%run_scoped3A_624 : memref<!tpu.dma_semaphore, #tpu.memory_space<semaphore_mem>>) src(%dma_wait3A_632 : memref<128x64xf32, #tpu.memory_space<vmem_shared>>) dst(%dma_wait3A_630 : memref<128x64xf32, #tpu.memory_space<hbm>>)
        tpu.yield
      }) : () -> ()
    } else {
    }
    %eq3A_586 = arith.constant 78 : i32
    %eq3A_587 = arith.cmpi eq, %add3A_577, %eq3A_586 : i32
    %convert_element_type3A_588 = arith.extui %eq3A_587 : i1 to i32
    %cond3A_589 = arith.constant 0 : i32
    %cond3A_590 = arith.cmpi ne, %convert_element_type3A_588, %cond3A_589 : i32
    scf.if %cond3A_590 {
      %mul3A_621 = arith.constant 10000 : i32
      %mul3A_622 = arith.muli %arg0, %mul3A_621 : i32
      %add3A_623 = arith.constant 9984 : i32
      %add3A_624 = arith.addi %mul3A_622, %add3A_623 : i32
      "tpu.region"() ({
        %run_scoped3A_625 = tpu.sem_alloc : memref<!tpu.dma_semaphore, #tpu.memory_space<semaphore_mem>>
        %dma_start3A_626 = arith.constant 0 : i32
        %dma_start3A_627 = tpu.memref_slice %arg4[%add3A_624, %dma_start3A_626] : memref<20000x64xf32, #tpu.memory_space<hbm>> -> memref<16x64xf32, #tpu.memory_space<hbm>>
        %dma_start3A_628 = arith.constant 9984 : i32
        %dma_start3A_629 = arith.constant 0 : i32
        %dma_start3A_630 = tpu.memref_slice %arg8[%dma_start3A_628, %dma_start3A_629] : memref<10000x64xf32, #tpu.memory_space<vmem_shared>> -> memref<16x64xf32, #tpu.memory_space<vmem_shared>>
        tpu.enqueue_dma source(%dma_start3A_630 : memref<16x64xf32, #tpu.memory_space<vmem_shared>>) target(%dma_start3A_627 : memref<16x64xf32, #tpu.memory_space<hbm>>) target_semaphore(%run_scoped3A_625 : memref<!tpu.dma_semaphore, #tpu.memory_space<semaphore_mem>>)
        %dma_wait3A_631 = arith.constant 0 : i32
        %dma_wait3A_632 = tpu.memref_slice %arg4[%add3A_624, %dma_wait3A_631] : memref<20000x64xf32, #tpu.memory_space<hbm>> -> memref<16x64xf32, #tpu.memory_space<hbm>>
        %dma_wait3A_633 = arith.constant 9984 : i32
        %dma_wait3A_634 = arith.constant 0 : i32
        %dma_wait3A_635 = tpu.memref_slice %arg8[%dma_wait3A_633, %dma_wait3A_634] : memref<10000x64xf32, #tpu.memory_space<vmem_shared>> -> memref<16x64xf32, #tpu.memory_space<vmem_shared>>
        tpu.wait_dma2 semaphore(%run_scoped3A_625 : memref<!tpu.dma_semaphore, #tpu.memory_space<semaphore_mem>>) src(%dma_wait3A_635 : memref<16x64xf32, #tpu.memory_space<vmem_shared>>) dst(%dma_wait3A_632 : memref<16x64xf32, #tpu.memory_space<hbm>>)
        tpu.yield
      }) : () -> ()
    } else {
    }
    %add3A_591 = arith.constant 48 : i32
    %add3A_592 = arith.addi %arg1, %add3A_591 : i32
    %mul3A_593 = arith.constant 128 : i32
    %mul3A_594 = arith.muli %add3A_592, %mul3A_593 : i32
    %multiple_of3A_595 = tpu.assume_multiple %mul3A_594, 128 : i32
    %lt3A_596 = arith.constant 78 : i32
    %lt3A_597 = arith.cmpi slt, %add3A_592, %lt3A_596 : i32
    %convert_element_type3A_598 = arith.extui %lt3A_597 : i1 to i32
    %cond3A_599 = arith.constant 0 : i32
    %cond3A_600 = arith.cmpi ne, %convert_element_type3A_598, %cond3A_599 : i32
    scf.if %cond3A_600 {
      %mul3A_621 = arith.constant 10000 : i32
      %mul3A_622 = arith.muli %arg0, %mul3A_621 : i32
      %add3A_623 = arith.addi %mul3A_622, %multiple_of3A_595 : i32
      "tpu.region"() ({
        %run_scoped3A_624 = tpu.sem_alloc : memref<!tpu.dma_semaphore, #tpu.memory_space<semaphore_mem>>
        %dma_start3A_625 = arith.constant 0 : i32
        %dma_start3A_626 = tpu.memref_slice %arg4[%add3A_623, %dma_start3A_625] : memref<20000x64xf32, #tpu.memory_space<hbm>> -> memref<128x64xf32, #tpu.memory_space<hbm>>
        %dma_start3A_627 = arith.constant 0 : i32
        %dma_start3A_628 = tpu.memref_slice %arg8[%multiple_of3A_595, %dma_start3A_627] : memref<10000x64xf32, #tpu.memory_space<vmem_shared>> -> memref<128x64xf32, #tpu.memory_space<vmem_shared>>
        tpu.enqueue_dma source(%dma_start3A_628 : memref<128x64xf32, #tpu.memory_space<vmem_shared>>) target(%dma_start3A_626 : memref<128x64xf32, #tpu.memory_space<hbm>>) target_semaphore(%run_scoped3A_624 : memref<!tpu.dma_semaphore, #tpu.memory_space<semaphore_mem>>)
        %dma_wait3A_629 = arith.constant 0 : i32
        %dma_wait3A_630 = tpu.memref_slice %arg4[%add3A_623, %dma_wait3A_629] : memref<20000x64xf32, #tpu.memory_space<hbm>> -> memref<128x64xf32, #tpu.memory_space<hbm>>
        %dma_wait3A_631 = arith.constant 0 : i32
        %dma_wait3A_632 = tpu.memref_slice %arg8[%multiple_of3A_595, %dma_wait3A_631] : memref<10000x64xf32, #tpu.memory_space<vmem_shared>> -> memref<128x64xf32, #tpu.memory_space<vmem_shared>>
        tpu.wait_dma2 semaphore(%run_scoped3A_624 : memref<!tpu.dma_semaphore, #tpu.memory_space<semaphore_mem>>) src(%dma_wait3A_632 : memref<128x64xf32, #tpu.memory_space<vmem_shared>>) dst(%dma_wait3A_630 : memref<128x64xf32, #tpu.memory_space<hbm>>)
        tpu.yield
      }) : () -> ()
    } else {
    }
    %eq3A_601 = arith.constant 78 : i32
    %eq3A_602 = arith.cmpi eq, %add3A_592, %eq3A_601 : i32
    %convert_element_type3A_603 = arith.extui %eq3A_602 : i1 to i32
    %cond3A_604 = arith.constant 0 : i32
    %cond3A_605 = arith.cmpi ne, %convert_element_type3A_603, %cond3A_604 : i32
    scf.if %cond3A_605 {
      %mul3A_621 = arith.constant 10000 : i32
      %mul3A_622 = arith.muli %arg0, %mul3A_621 : i32
      %add3A_623 = arith.constant 9984 : i32
      %add3A_624 = arith.addi %mul3A_622, %add3A_623 : i32
      "tpu.region"() ({
        %run_scoped3A_625 = tpu.sem_alloc : memref<!tpu.dma_semaphore, #tpu.memory_space<semaphore_mem>>
        %dma_start3A_626 = arith.constant 0 : i32
        %dma_start3A_627 = tpu.memref_slice %arg4[%add3A_624, %dma_start3A_626] : memref<20000x64xf32, #tpu.memory_space<hbm>> -> memref<16x64xf32, #tpu.memory_space<hbm>>
        %dma_start3A_628 = arith.constant 9984 : i32
        %dma_start3A_629 = arith.constant 0 : i32
        %dma_start3A_630 = tpu.memref_slice %arg8[%dma_start3A_628, %dma_start3A_629] : memref<10000x64xf32, #tpu.memory_space<vmem_shared>> -> memref<16x64xf32, #tpu.memory_space<vmem_shared>>
        tpu.enqueue_dma source(%dma_start3A_630 : memref<16x64xf32, #tpu.memory_space<vmem_shared>>) target(%dma_start3A_627 : memref<16x64xf32, #tpu.memory_space<hbm>>) target_semaphore(%run_scoped3A_625 : memref<!tpu.dma_semaphore, #tpu.memory_space<semaphore_mem>>)
        %dma_wait3A_631 = arith.constant 0 : i32
        %dma_wait3A_632 = tpu.memref_slice %arg4[%add3A_624, %dma_wait3A_631] : memref<20000x64xf32, #tpu.memory_space<hbm>> -> memref<16x64xf32, #tpu.memory_space<hbm>>
        %dma_wait3A_633 = arith.constant 9984 : i32
        %dma_wait3A_634 = arith.constant 0 : i32
        %dma_wait3A_635 = tpu.memref_slice %arg8[%dma_wait3A_633, %dma_wait3A_634] : memref<10000x64xf32, #tpu.memory_space<vmem_shared>> -> memref<16x64xf32, #tpu.memory_space<vmem_shared>>
        tpu.wait_dma2 semaphore(%run_scoped3A_625 : memref<!tpu.dma_semaphore, #tpu.memory_space<semaphore_mem>>) src(%dma_wait3A_635 : memref<16x64xf32, #tpu.memory_space<vmem_shared>>) dst(%dma_wait3A_632 : memref<16x64xf32, #tpu.memory_space<hbm>>)
        tpu.yield
      }) : () -> ()
    } else {
    }
    %add3A_606 = arith.constant 64 : i32
    %add3A_607 = arith.addi %arg1, %add3A_606 : i32
    %mul3A_608 = arith.constant 128 : i32
    %mul3A_609 = arith.muli %add3A_607, %mul3A_608 : i32
    %multiple_of3A_610 = tpu.assume_multiple %mul3A_609, 128 : i32
    %lt3A_611 = arith.constant 78 : i32
    %lt3A_612 = arith.cmpi slt, %add3A_607, %lt3A_611 : i32
    %convert_element_type3A_613 = arith.extui %lt3A_612 : i1 to i32
    %cond3A_614 = arith.constant 0 : i32
    %cond3A_615 = arith.cmpi ne, %convert_element_type3A_613, %cond3A_614 : i32
    scf.if %cond3A_615 {
      %mul3A_621 = arith.constant 10000 : i32
      %mul3A_622 = arith.muli %arg0, %mul3A_621 : i32
      %add3A_623 = arith.addi %mul3A_622, %multiple_of3A_610 : i32
      "tpu.region"() ({
        %run_scoped3A_624 = tpu.sem_alloc : memref<!tpu.dma_semaphore, #tpu.memory_space<semaphore_mem>>
        %dma_start3A_625 = arith.constant 0 : i32
        %dma_start3A_626 = tpu.memref_slice %arg4[%add3A_623, %dma_start3A_625] : memref<20000x64xf32, #tpu.memory_space<hbm>> -> memref<128x64xf32, #tpu.memory_space<hbm>>
        %dma_start3A_627 = arith.constant 0 : i32
        %dma_start3A_628 = tpu.memref_slice %arg8[%multiple_of3A_610, %dma_start3A_627] : memref<10000x64xf32, #tpu.memory_space<vmem_shared>> -> memref<128x64xf32, #tpu.memory_space<vmem_shared>>
        tpu.enqueue_dma source(%dma_start3A_628 : memref<128x64xf32, #tpu.memory_space<vmem_shared>>) target(%dma_start3A_626 : memref<128x64xf32, #tpu.memory_space<hbm>>) target_semaphore(%run_scoped3A_624 : memref<!tpu.dma_semaphore, #tpu.memory_space<semaphore_mem>>)
        %dma_wait3A_629 = arith.constant 0 : i32
        %dma_wait3A_630 = tpu.memref_slice %arg4[%add3A_623, %dma_wait3A_629] : memref<20000x64xf32, #tpu.memory_space<hbm>> -> memref<128x64xf32, #tpu.memory_space<hbm>>
        %dma_wait3A_631 = arith.constant 0 : i32
        %dma_wait3A_632 = tpu.memref_slice %arg8[%multiple_of3A_610, %dma_wait3A_631] : memref<10000x64xf32, #tpu.memory_space<vmem_shared>> -> memref<128x64xf32, #tpu.memory_space<vmem_shared>>
        tpu.wait_dma2 semaphore(%run_scoped3A_624 : memref<!tpu.dma_semaphore, #tpu.memory_space<semaphore_mem>>) src(%dma_wait3A_632 : memref<128x64xf32, #tpu.memory_space<vmem_shared>>) dst(%dma_wait3A_630 : memref<128x64xf32, #tpu.memory_space<hbm>>)
        tpu.yield
      }) : () -> ()
    } else {
    }
    %eq3A_616 = arith.constant 78 : i32
    %eq3A_617 = arith.cmpi eq, %add3A_607, %eq3A_616 : i32
    %convert_element_type3A_618 = arith.extui %eq3A_617 : i1 to i32
    %cond3A_619 = arith.constant 0 : i32
    %cond3A_620 = arith.cmpi ne, %convert_element_type3A_618, %cond3A_619 : i32
    scf.if %cond3A_620 {
      %mul3A_621 = arith.constant 10000 : i32
      %mul3A_622 = arith.muli %arg0, %mul3A_621 : i32
      %add3A_623 = arith.constant 9984 : i32
      %add3A_624 = arith.addi %mul3A_622, %add3A_623 : i32
      "tpu.region"() ({
        %run_scoped3A_625 = tpu.sem_alloc : memref<!tpu.dma_semaphore, #tpu.memory_space<semaphore_mem>>
        %dma_start3A_626 = arith.constant 0 : i32
        %dma_start3A_627 = tpu.memref_slice %arg4[%add3A_624, %dma_start3A_626] : memref<20000x64xf32, #tpu.memory_space<hbm>> -> memref<16x64xf32, #tpu.memory_space<hbm>>
        %dma_start3A_628 = arith.constant 9984 : i32
        %dma_start3A_629 = arith.constant 0 : i32
        %dma_start3A_630 = tpu.memref_slice %arg8[%dma_start3A_628, %dma_start3A_629] : memref<10000x64xf32, #tpu.memory_space<vmem_shared>> -> memref<16x64xf32, #tpu.memory_space<vmem_shared>>
        tpu.enqueue_dma source(%dma_start3A_630 : memref<16x64xf32, #tpu.memory_space<vmem_shared>>) target(%dma_start3A_627 : memref<16x64xf32, #tpu.memory_space<hbm>>) target_semaphore(%run_scoped3A_625 : memref<!tpu.dma_semaphore, #tpu.memory_space<semaphore_mem>>)
        %dma_wait3A_631 = arith.constant 0 : i32
        %dma_wait3A_632 = tpu.memref_slice %arg4[%add3A_624, %dma_wait3A_631] : memref<20000x64xf32, #tpu.memory_space<hbm>> -> memref<16x64xf32, #tpu.memory_space<hbm>>
        %dma_wait3A_633 = arith.constant 9984 : i32
        %dma_wait3A_634 = arith.constant 0 : i32
        %dma_wait3A_635 = tpu.memref_slice %arg8[%dma_wait3A_633, %dma_wait3A_634] : memref<10000x64xf32, #tpu.memory_space<vmem_shared>> -> memref<16x64xf32, #tpu.memory_space<vmem_shared>>
        tpu.wait_dma2 semaphore(%run_scoped3A_625 : memref<!tpu.dma_semaphore, #tpu.memory_space<semaphore_mem>>) src(%dma_wait3A_635 : memref<16x64xf32, #tpu.memory_space<vmem_shared>>) dst(%dma_wait3A_632 : memref<16x64xf32, #tpu.memory_space<hbm>>)
        tpu.yield
      }) : () -> ()
    } else {
    }
    return
  }
}

#map = affine_map<(d0, d1) -> (0, 0)>
module attributes {stable_mosaic.version = 14 : i64} {
  func.func @k(%arg0: i32, %arg1: i32, %arg2: memref<2x320000xi32, #tpu.memory_space<hbm>>, %arg3: memref<32x10000xf32, #tpu.memory_space<hbm>>, %arg4: memref<10000xf32, #tpu.memory_space<vmem>>, %arg5: memref<10000xi32, #tpu.memory_space<vmem>>, %arg6: memref<!tpu.dma_semaphore, #tpu.memory_space<semaphore_mem>>) attributes {dimension_semantics = [#tpu.dimension_semantics<core_parallel>, #tpu.dimension_semantics<subcore_parallel>], iteration_bounds = array<i64: 2, 16>, scalar_prefetch = 0 : i64, scratch_operands = 3 : i64, tpu.core_type = #tpu.core_type<sc_vector_subcore>, window_params = [{transform_indices = #map}, {transform_indices = #map}]} {
    %mul3A = arith.constant 2 : i32
    %mul3A_0 = arith.muli %arg1, %mul3A : i32
    %add3A = arith.addi %mul3A_0, %arg0 : i32
    %broadcast_in_dim3A = arith.constant 0.000000e+00 : f32
    %broadcast_in_dim3A_1 = vector.broadcast %broadcast_in_dim3A : f32 to vector<16xf32>
    %broadcast_in_dim3A_2 = arith.constant 1.000000e+00 : f32
    %broadcast_in_dim3A_3 = vector.broadcast %broadcast_in_dim3A_2 : f32 to vector<16xf32>
    %mul3A_4 = arith.constant 10000 : i32
    %mul3A_5 = arith.muli %add3A, %mul3A_4 : i32
    %dma_start3A = arith.constant 1 : i32
    %dma_start3A_6 = arith.constant 0 : i32
    %dma_start3A_7 = tpu.memref_slice %arg2[%dma_start3A, %dma_start3A_6] : memref<2x320000xi32, #tpu.memory_space<hbm>> -> memref<1x320000xi32, #tpu.memory_space<hbm>>
    %dma_start3A_8 = tpu.memref_squeeze %dma_start3A_7 : memref<1x320000xi32, #tpu.memory_space<hbm>> -> memref<320000xi32, #tpu.memory_space<hbm>>
    %dma_start3A_9 = tpu.memref_slice %dma_start3A_8[%mul3A_5] : memref<320000xi32, #tpu.memory_space<hbm>> -> memref<10000xi32, #tpu.memory_space<hbm>>
    %dma_start3A_10 = arith.constant 0 : i32
    %dma_start3A_11 = tpu.memref_slice %arg2[%dma_start3A, %dma_start3A_10] : memref<2x320000xi32, #tpu.memory_space<hbm>> -> memref<1x320000xi32, #tpu.memory_space<hbm>>
    %dma_start3A_12 = tpu.memref_squeeze %dma_start3A_11 : memref<1x320000xi32, #tpu.memory_space<hbm>> -> memref<320000xi32, #tpu.memory_space<hbm>>
    %dma_start3A_13 = tpu.memref_slice %dma_start3A_12[%mul3A_5] : memref<320000xi32, #tpu.memory_space<hbm>> -> memref<10000xi32, #tpu.memory_space<hbm>>
    tpu.enqueue_dma source(%dma_start3A_13 : memref<10000xi32, #tpu.memory_space<hbm>>) target(%arg5 : memref<10000xi32, #tpu.memory_space<vmem>>) target_semaphore(%arg6 : memref<!tpu.dma_semaphore, #tpu.memory_space<semaphore_mem>>)
    %scan3A = arith.constant 0 : i32
    %scan3A_14 = arith.constant 0 : i32
    %scan3A_15 = arith.constant 625 : i32
    %scan3A_16 = arith.addi %scan3A_14, %scan3A_15 : i32
    %scan3A_17 = arith.constant 1 : i32
    scf.for %scan3A_33 = %scan3A_14 to %scan3A_16 step %scan3A_17  : i32 {
      %mul3A_34 = arith.constant 16 : i32
      %mul3A_35 = arith.muli %scan3A_33, %mul3A_34 : i32
      %swap3A = arith.index_cast %mul3A_35 : i32 to index
      %swap3A_36 = tpu.vector_load %arg4[%swap3A] {strides = array<i32>} : memref<10000xf32, #tpu.memory_space<vmem>>, vector<16xf32>,
      tpu.vector_store %arg4[%swap3A], %broadcast_in_dim3A_1 {strides = array<i32>} : memref<10000xf32, #tpu.memory_space<vmem>>, vector<16xf32>,
    }
    %scan3A_18 = arith.constant 625 : i32
    %dma_wait3A = arith.constant 1 : i32
    %dma_wait3A_19 = arith.constant 0 : i32
    %dma_wait3A_20 = tpu.memref_slice %arg2[%dma_wait3A, %dma_wait3A_19] : memref<2x320000xi32, #tpu.memory_space<hbm>> -> memref<1x320000xi32, #tpu.memory_space<hbm>>
    %dma_wait3A_21 = tpu.memref_squeeze %dma_wait3A_20 : memref<1x320000xi32, #tpu.memory_space<hbm>> -> memref<320000xi32, #tpu.memory_space<hbm>>
    %dma_wait3A_22 = tpu.memref_slice %dma_wait3A_21[%mul3A_5] : memref<320000xi32, #tpu.memory_space<hbm>> -> memref<10000xi32, #tpu.memory_space<hbm>>
    %dma_wait3A_23 = arith.constant 0 : i32
    %dma_wait3A_24 = tpu.memref_slice %arg2[%dma_wait3A, %dma_wait3A_23] : memref<2x320000xi32, #tpu.memory_space<hbm>> -> memref<1x320000xi32, #tpu.memory_space<hbm>>
    %dma_wait3A_25 = tpu.memref_squeeze %dma_wait3A_24 : memref<1x320000xi32, #tpu.memory_space<hbm>> -> memref<320000xi32, #tpu.memory_space<hbm>>
    %dma_wait3A_26 = tpu.memref_slice %dma_wait3A_25[%mul3A_5] : memref<320000xi32, #tpu.memory_space<hbm>> -> memref<10000xi32, #tpu.memory_space<hbm>>
    tpu.wait_dma2 semaphore(%arg6 : memref<!tpu.dma_semaphore, #tpu.memory_space<semaphore_mem>>) src(%dma_wait3A_26 : memref<10000xi32, #tpu.memory_space<hbm>>) dst(%arg5 : memref<10000xi32, #tpu.memory_space<vmem>>)
    %scan3A_27 = arith.constant 0 : i32
    %scan3A_28 = arith.constant 0 : i32
    %scan3A_29 = arith.constant 25 : i32
    %scan3A_30 = arith.addi %scan3A_28, %scan3A_29 : i32
    %scan3A_31 = arith.constant 1 : i32
    scf.for %scan3A_33 = %scan3A_28 to %scan3A_30 step %scan3A_31  : i32 {
      %mul3A_34 = arith.constant 25 : i32
      %mul3A_35 = arith.muli %scan3A_33, %mul3A_34 : i32
      %add3A_36 = arith.constant 0 : i32
      %add3A_37 = arith.addi %mul3A_35, %add3A_36 : i32
      %mul3A_38 = arith.constant 16 : i32
      %mul3A_39 = arith.muli %add3A_37, %mul3A_38 : i32
      %get3A = arith.index_cast %mul3A_39 : i32 to index
      %get3A_40 = tpu.vector_load %arg5[%get3A] {strides = array<i32>} : memref<10000xi32, #tpu.memory_space<vmem>>, vector<16xi32>,
      tpu.vector_store_idx %arg4[%get3A_40], %broadcast_in_dim3A_3 {add = true} : memref<10000xf32, #tpu.memory_space<vmem>>[vector<16xi32>], vector<16xf32>,
      %mul3A_41 = arith.constant 25 : i32
      %mul3A_42 = arith.muli %scan3A_33, %mul3A_41 : i32
      %add3A_43 = arith.constant 1 : i32
      %add3A_44 = arith.addi %mul3A_42, %add3A_43 : i32
      %mul3A_45 = arith.constant 16 : i32
      %mul3A_46 = arith.muli %add3A_44, %mul3A_45 : i32
      %get3A_47 = arith.index_cast %mul3A_46 : i32 to index
      %get3A_48 = tpu.vector_load %arg5[%get3A_47] {strides = array<i32>} : memref<10000xi32, #tpu.memory_space<vmem>>, vector<16xi32>,
      tpu.vector_store_idx %arg4[%get3A_48], %broadcast_in_dim3A_3 {add = true} : memref<10000xf32, #tpu.memory_space<vmem>>[vector<16xi32>], vector<16xf32>,
      %mul3A_49 = arith.constant 25 : i32
      %mul3A_50 = arith.muli %scan3A_33, %mul3A_49 : i32
      %add3A_51 = arith.constant 2 : i32
      %add3A_52 = arith.addi %mul3A_50, %add3A_51 : i32
      %mul3A_53 = arith.constant 16 : i32
      %mul3A_54 = arith.muli %add3A_52, %mul3A_53 : i32
      %get3A_55 = arith.index_cast %mul3A_54 : i32 to index
      %get3A_56 = tpu.vector_load %arg5[%get3A_55] {strides = array<i32>} : memref<10000xi32, #tpu.memory_space<vmem>>, vector<16xi32>,
      tpu.vector_store_idx %arg4[%get3A_56], %broadcast_in_dim3A_3 {add = true} : memref<10000xf32, #tpu.memory_space<vmem>>[vector<16xi32>], vector<16xf32>,
      %mul3A_57 = arith.constant 25 : i32
      %mul3A_58 = arith.muli %scan3A_33, %mul3A_57 : i32
      %add3A_59 = arith.constant 3 : i32
      %add3A_60 = arith.addi %mul3A_58, %add3A_59 : i32
      %mul3A_61 = arith.constant 16 : i32
      %mul3A_62 = arith.muli %add3A_60, %mul3A_61 : i32
      %get3A_63 = arith.index_cast %mul3A_62 : i32 to index
      %get3A_64 = tpu.vector_load %arg5[%get3A_63] {strides = array<i32>} : memref<10000xi32, #tpu.memory_space<vmem>>, vector<16xi32>,
      tpu.vector_store_idx %arg4[%get3A_64], %broadcast_in_dim3A_3 {add = true} : memref<10000xf32, #tpu.memory_space<vmem>>[vector<16xi32>], vector<16xf32>,
      %mul3A_65 = arith.constant 25 : i32
      %mul3A_66 = arith.muli %scan3A_33, %mul3A_65 : i32
      %add3A_67 = arith.constant 4 : i32
      %add3A_68 = arith.addi %mul3A_66, %add3A_67 : i32
      %mul3A_69 = arith.constant 16 : i32
      %mul3A_70 = arith.muli %add3A_68, %mul3A_69 : i32
      %get3A_71 = arith.index_cast %mul3A_70 : i32 to index
      %get3A_72 = tpu.vector_load %arg5[%get3A_71] {strides = array<i32>} : memref<10000xi32, #tpu.memory_space<vmem>>, vector<16xi32>,
      tpu.vector_store_idx %arg4[%get3A_72], %broadcast_in_dim3A_3 {add = true} : memref<10000xf32, #tpu.memory_space<vmem>>[vector<16xi32>], vector<16xf32>,
      %mul3A_73 = arith.constant 25 : i32
      %mul3A_74 = arith.muli %scan3A_33, %mul3A_73 : i32
      %add3A_75 = arith.constant 5 : i32
      %add3A_76 = arith.addi %mul3A_74, %add3A_75 : i32
      %mul3A_77 = arith.constant 16 : i32
      %mul3A_78 = arith.muli %add3A_76, %mul3A_77 : i32
      %get3A_79 = arith.index_cast %mul3A_78 : i32 to index
      %get3A_80 = tpu.vector_load %arg5[%get3A_79] {strides = array<i32>} : memref<10000xi32, #tpu.memory_space<vmem>>, vector<16xi32>,
      tpu.vector_store_idx %arg4[%get3A_80], %broadcast_in_dim3A_3 {add = true} : memref<10000xf32, #tpu.memory_space<vmem>>[vector<16xi32>], vector<16xf32>,
      %mul3A_81 = arith.constant 25 : i32
      %mul3A_82 = arith.muli %scan3A_33, %mul3A_81 : i32
      %add3A_83 = arith.constant 6 : i32
      %add3A_84 = arith.addi %mul3A_82, %add3A_83 : i32
      %mul3A_85 = arith.constant 16 : i32
      %mul3A_86 = arith.muli %add3A_84, %mul3A_85 : i32
      %get3A_87 = arith.index_cast %mul3A_86 : i32 to index
      %get3A_88 = tpu.vector_load %arg5[%get3A_87] {strides = array<i32>} : memref<10000xi32, #tpu.memory_space<vmem>>, vector<16xi32>,
      tpu.vector_store_idx %arg4[%get3A_88], %broadcast_in_dim3A_3 {add = true} : memref<10000xf32, #tpu.memory_space<vmem>>[vector<16xi32>], vector<16xf32>,
      %mul3A_89 = arith.constant 25 : i32
      %mul3A_90 = arith.muli %scan3A_33, %mul3A_89 : i32
      %add3A_91 = arith.constant 7 : i32
      %add3A_92 = arith.addi %mul3A_90, %add3A_91 : i32
      %mul3A_93 = arith.constant 16 : i32
      %mul3A_94 = arith.muli %add3A_92, %mul3A_93 : i32
      %get3A_95 = arith.index_cast %mul3A_94 : i32 to index
      %get3A_96 = tpu.vector_load %arg5[%get3A_95] {strides = array<i32>} : memref<10000xi32, #tpu.memory_space<vmem>>, vector<16xi32>,
      tpu.vector_store_idx %arg4[%get3A_96], %broadcast_in_dim3A_3 {add = true} : memref<10000xf32, #tpu.memory_space<vmem>>[vector<16xi32>], vector<16xf32>,
      %mul3A_97 = arith.constant 25 : i32
      %mul3A_98 = arith.muli %scan3A_33, %mul3A_97 : i32
      %add3A_99 = arith.constant 8 : i32
      %add3A_100 = arith.addi %mul3A_98, %add3A_99 : i32
      %mul3A_101 = arith.constant 16 : i32
      %mul3A_102 = arith.muli %add3A_100, %mul3A_101 : i32
      %get3A_103 = arith.index_cast %mul3A_102 : i32 to index
      %get3A_104 = tpu.vector_load %arg5[%get3A_103] {strides = array<i32>} : memref<10000xi32, #tpu.memory_space<vmem>>, vector<16xi32>,
      tpu.vector_store_idx %arg4[%get3A_104], %broadcast_in_dim3A_3 {add = true} : memref<10000xf32, #tpu.memory_space<vmem>>[vector<16xi32>], vector<16xf32>,
      %mul3A_105 = arith.constant 25 : i32
      %mul3A_106 = arith.muli %scan3A_33, %mul3A_105 : i32
      %add3A_107 = arith.constant 9 : i32
      %add3A_108 = arith.addi %mul3A_106, %add3A_107 : i32
      %mul3A_109 = arith.constant 16 : i32
      %mul3A_110 = arith.muli %add3A_108, %mul3A_109 : i32
      %get3A_111 = arith.index_cast %mul3A_110 : i32 to index
      %get3A_112 = tpu.vector_load %arg5[%get3A_111] {strides = array<i32>} : memref<10000xi32, #tpu.memory_space<vmem>>, vector<16xi32>,
      tpu.vector_store_idx %arg4[%get3A_112], %broadcast_in_dim3A_3 {add = true} : memref<10000xf32, #tpu.memory_space<vmem>>[vector<16xi32>], vector<16xf32>,
      %mul3A_113 = arith.constant 25 : i32
      %mul3A_114 = arith.muli %scan3A_33, %mul3A_113 : i32
      %add3A_115 = arith.constant 10 : i32
      %add3A_116 = arith.addi %mul3A_114, %add3A_115 : i32
      %mul3A_117 = arith.constant 16 : i32
      %mul3A_118 = arith.muli %add3A_116, %mul3A_117 : i32
      %get3A_119 = arith.index_cast %mul3A_118 : i32 to index
      %get3A_120 = tpu.vector_load %arg5[%get3A_119] {strides = array<i32>} : memref<10000xi32, #tpu.memory_space<vmem>>, vector<16xi32>,
      tpu.vector_store_idx %arg4[%get3A_120], %broadcast_in_dim3A_3 {add = true} : memref<10000xf32, #tpu.memory_space<vmem>>[vector<16xi32>], vector<16xf32>,
      %mul3A_121 = arith.constant 25 : i32
      %mul3A_122 = arith.muli %scan3A_33, %mul3A_121 : i32
      %add3A_123 = arith.constant 11 : i32
      %add3A_124 = arith.addi %mul3A_122, %add3A_123 : i32
      %mul3A_125 = arith.constant 16 : i32
      %mul3A_126 = arith.muli %add3A_124, %mul3A_125 : i32
      %get3A_127 = arith.index_cast %mul3A_126 : i32 to index
      %get3A_128 = tpu.vector_load %arg5[%get3A_127] {strides = array<i32>} : memref<10000xi32, #tpu.memory_space<vmem>>, vector<16xi32>,
      tpu.vector_store_idx %arg4[%get3A_128], %broadcast_in_dim3A_3 {add = true} : memref<10000xf32, #tpu.memory_space<vmem>>[vector<16xi32>], vector<16xf32>,
      %mul3A_129 = arith.constant 25 : i32
      %mul3A_130 = arith.muli %scan3A_33, %mul3A_129 : i32
      %add3A_131 = arith.constant 12 : i32
      %add3A_132 = arith.addi %mul3A_130, %add3A_131 : i32
      %mul3A_133 = arith.constant 16 : i32
      %mul3A_134 = arith.muli %add3A_132, %mul3A_133 : i32
      %get3A_135 = arith.index_cast %mul3A_134 : i32 to index
      %get3A_136 = tpu.vector_load %arg5[%get3A_135] {strides = array<i32>} : memref<10000xi32, #tpu.memory_space<vmem>>, vector<16xi32>,
      tpu.vector_store_idx %arg4[%get3A_136], %broadcast_in_dim3A_3 {add = true} : memref<10000xf32, #tpu.memory_space<vmem>>[vector<16xi32>], vector<16xf32>,
      %mul3A_137 = arith.constant 25 : i32
      %mul3A_138 = arith.muli %scan3A_33, %mul3A_137 : i32
      %add3A_139 = arith.constant 13 : i32
      %add3A_140 = arith.addi %mul3A_138, %add3A_139 : i32
      %mul3A_141 = arith.constant 16 : i32
      %mul3A_142 = arith.muli %add3A_140, %mul3A_141 : i32
      %get3A_143 = arith.index_cast %mul3A_142 : i32 to index
      %get3A_144 = tpu.vector_load %arg5[%get3A_143] {strides = array<i32>} : memref<10000xi32, #tpu.memory_space<vmem>>, vector<16xi32>,
      tpu.vector_store_idx %arg4[%get3A_144], %broadcast_in_dim3A_3 {add = true} : memref<10000xf32, #tpu.memory_space<vmem>>[vector<16xi32>], vector<16xf32>,
      %mul3A_145 = arith.constant 25 : i32
      %mul3A_146 = arith.muli %scan3A_33, %mul3A_145 : i32
      %add3A_147 = arith.constant 14 : i32
      %add3A_148 = arith.addi %mul3A_146, %add3A_147 : i32
      %mul3A_149 = arith.constant 16 : i32
      %mul3A_150 = arith.muli %add3A_148, %mul3A_149 : i32
      %get3A_151 = arith.index_cast %mul3A_150 : i32 to index
      %get3A_152 = tpu.vector_load %arg5[%get3A_151] {strides = array<i32>} : memref<10000xi32, #tpu.memory_space<vmem>>, vector<16xi32>,
      tpu.vector_store_idx %arg4[%get3A_152], %broadcast_in_dim3A_3 {add = true} : memref<10000xf32, #tpu.memory_space<vmem>>[vector<16xi32>], vector<16xf32>,
      %mul3A_153 = arith.constant 25 : i32
      %mul3A_154 = arith.muli %scan3A_33, %mul3A_153 : i32
      %add3A_155 = arith.constant 15 : i32
      %add3A_156 = arith.addi %mul3A_154, %add3A_155 : i32
      %mul3A_157 = arith.constant 16 : i32
      %mul3A_158 = arith.muli %add3A_156, %mul3A_157 : i32
      %get3A_159 = arith.index_cast %mul3A_158 : i32 to index
      %get3A_160 = tpu.vector_load %arg5[%get3A_159] {strides = array<i32>} : memref<10000xi32, #tpu.memory_space<vmem>>, vector<16xi32>,
      tpu.vector_store_idx %arg4[%get3A_160], %broadcast_in_dim3A_3 {add = true} : memref<10000xf32, #tpu.memory_space<vmem>>[vector<16xi32>], vector<16xf32>,
      %mul3A_161 = arith.constant 25 : i32
      %mul3A_162 = arith.muli %scan3A_33, %mul3A_161 : i32
      %add3A_163 = arith.constant 16 : i32
      %add3A_164 = arith.addi %mul3A_162, %add3A_163 : i32
      %mul3A_165 = arith.constant 16 : i32
      %mul3A_166 = arith.muli %add3A_164, %mul3A_165 : i32
      %get3A_167 = arith.index_cast %mul3A_166 : i32 to index
      %get3A_168 = tpu.vector_load %arg5[%get3A_167] {strides = array<i32>} : memref<10000xi32, #tpu.memory_space<vmem>>, vector<16xi32>,
      tpu.vector_store_idx %arg4[%get3A_168], %broadcast_in_dim3A_3 {add = true} : memref<10000xf32, #tpu.memory_space<vmem>>[vector<16xi32>], vector<16xf32>,
      %mul3A_169 = arith.constant 25 : i32
      %mul3A_170 = arith.muli %scan3A_33, %mul3A_169 : i32
      %add3A_171 = arith.constant 17 : i32
      %add3A_172 = arith.addi %mul3A_170, %add3A_171 : i32
      %mul3A_173 = arith.constant 16 : i32
      %mul3A_174 = arith.muli %add3A_172, %mul3A_173 : i32
      %get3A_175 = arith.index_cast %mul3A_174 : i32 to index
      %get3A_176 = tpu.vector_load %arg5[%get3A_175] {strides = array<i32>} : memref<10000xi32, #tpu.memory_space<vmem>>, vector<16xi32>,
      tpu.vector_store_idx %arg4[%get3A_176], %broadcast_in_dim3A_3 {add = true} : memref<10000xf32, #tpu.memory_space<vmem>>[vector<16xi32>], vector<16xf32>,
      %mul3A_177 = arith.constant 25 : i32
      %mul3A_178 = arith.muli %scan3A_33, %mul3A_177 : i32
      %add3A_179 = arith.constant 18 : i32
      %add3A_180 = arith.addi %mul3A_178, %add3A_179 : i32
      %mul3A_181 = arith.constant 16 : i32
      %mul3A_182 = arith.muli %add3A_180, %mul3A_181 : i32
      %get3A_183 = arith.index_cast %mul3A_182 : i32 to index
      %get3A_184 = tpu.vector_load %arg5[%get3A_183] {strides = array<i32>} : memref<10000xi32, #tpu.memory_space<vmem>>, vector<16xi32>,
      tpu.vector_store_idx %arg4[%get3A_184], %broadcast_in_dim3A_3 {add = true} : memref<10000xf32, #tpu.memory_space<vmem>>[vector<16xi32>], vector<16xf32>,
      %mul3A_185 = arith.constant 25 : i32
      %mul3A_186 = arith.muli %scan3A_33, %mul3A_185 : i32
      %add3A_187 = arith.constant 19 : i32
      %add3A_188 = arith.addi %mul3A_186, %add3A_187 : i32
      %mul3A_189 = arith.constant 16 : i32
      %mul3A_190 = arith.muli %add3A_188, %mul3A_189 : i32
      %get3A_191 = arith.index_cast %mul3A_190 : i32 to index
      %get3A_192 = tpu.vector_load %arg5[%get3A_191] {strides = array<i32>} : memref<10000xi32, #tpu.memory_space<vmem>>, vector<16xi32>,
      tpu.vector_store_idx %arg4[%get3A_192], %broadcast_in_dim3A_3 {add = true} : memref<10000xf32, #tpu.memory_space<vmem>>[vector<16xi32>], vector<16xf32>,
      %mul3A_193 = arith.constant 25 : i32
      %mul3A_194 = arith.muli %scan3A_33, %mul3A_193 : i32
      %add3A_195 = arith.constant 20 : i32
      %add3A_196 = arith.addi %mul3A_194, %add3A_195 : i32
      %mul3A_197 = arith.constant 16 : i32
      %mul3A_198 = arith.muli %add3A_196, %mul3A_197 : i32
      %get3A_199 = arith.index_cast %mul3A_198 : i32 to index
      %get3A_200 = tpu.vector_load %arg5[%get3A_199] {strides = array<i32>} : memref<10000xi32, #tpu.memory_space<vmem>>, vector<16xi32>,
      tpu.vector_store_idx %arg4[%get3A_200], %broadcast_in_dim3A_3 {add = true} : memref<10000xf32, #tpu.memory_space<vmem>>[vector<16xi32>], vector<16xf32>,
      %mul3A_201 = arith.constant 25 : i32
      %mul3A_202 = arith.muli %scan3A_33, %mul3A_201 : i32
      %add3A_203 = arith.constant 21 : i32
      %add3A_204 = arith.addi %mul3A_202, %add3A_203 : i32
      %mul3A_205 = arith.constant 16 : i32
      %mul3A_206 = arith.muli %add3A_204, %mul3A_205 : i32
      %get3A_207 = arith.index_cast %mul3A_206 : i32 to index
      %get3A_208 = tpu.vector_load %arg5[%get3A_207] {strides = array<i32>} : memref<10000xi32, #tpu.memory_space<vmem>>, vector<16xi32>,
      tpu.vector_store_idx %arg4[%get3A_208], %broadcast_in_dim3A_3 {add = true} : memref<10000xf32, #tpu.memory_space<vmem>>[vector<16xi32>], vector<16xf32>,
      %mul3A_209 = arith.constant 25 : i32
      %mul3A_210 = arith.muli %scan3A_33, %mul3A_209 : i32
      %add3A_211 = arith.constant 22 : i32
      %add3A_212 = arith.addi %mul3A_210, %add3A_211 : i32
      %mul3A_213 = arith.constant 16 : i32
      %mul3A_214 = arith.muli %add3A_212, %mul3A_213 : i32
      %get3A_215 = arith.index_cast %mul3A_214 : i32 to index
      %get3A_216 = tpu.vector_load %arg5[%get3A_215] {strides = array<i32>} : memref<10000xi32, #tpu.memory_space<vmem>>, vector<16xi32>,
      tpu.vector_store_idx %arg4[%get3A_216], %broadcast_in_dim3A_3 {add = true} : memref<10000xf32, #tpu.memory_space<vmem>>[vector<16xi32>], vector<16xf32>,
      %mul3A_217 = arith.constant 25 : i32
      %mul3A_218 = arith.muli %scan3A_33, %mul3A_217 : i32
      %add3A_219 = arith.constant 23 : i32
      %add3A_220 = arith.addi %mul3A_218, %add3A_219 : i32
      %mul3A_221 = arith.constant 16 : i32
      %mul3A_222 = arith.muli %add3A_220, %mul3A_221 : i32
      %get3A_223 = arith.index_cast %mul3A_222 : i32 to index
      %get3A_224 = tpu.vector_load %arg5[%get3A_223] {strides = array<i32>} : memref<10000xi32, #tpu.memory_space<vmem>>, vector<16xi32>,
      tpu.vector_store_idx %arg4[%get3A_224], %broadcast_in_dim3A_3 {add = true} : memref<10000xf32, #tpu.memory_space<vmem>>[vector<16xi32>], vector<16xf32>,
      %mul3A_225 = arith.constant 25 : i32
      %mul3A_226 = arith.muli %scan3A_33, %mul3A_225 : i32
      %add3A_227 = arith.constant 24 : i32
      %add3A_228 = arith.addi %mul3A_226, %add3A_227 : i32
      %mul3A_229 = arith.constant 16 : i32
      %mul3A_230 = arith.muli %add3A_228, %mul3A_229 : i32
      %get3A_231 = arith.index_cast %mul3A_230 : i32 to index
      %get3A_232 = tpu.vector_load %arg5[%get3A_231] {strides = array<i32>} : memref<10000xi32, #tpu.memory_space<vmem>>, vector<16xi32>,
      tpu.vector_store_idx %arg4[%get3A_232], %broadcast_in_dim3A_3 {add = true} : memref<10000xf32, #tpu.memory_space<vmem>>[vector<16xi32>], vector<16xf32>,
    }
    %scan3A_32 = arith.constant 25 : i32
    "tpu.region"() ({
      %run_scoped3A = tpu.sem_alloc : memref<!tpu.dma_semaphore, #tpu.memory_space<semaphore_mem>>
      %dma_start3A_33 = arith.constant 0 : i32
      %dma_start3A_34 = tpu.memref_slice %arg3[%add3A, %dma_start3A_33] : memref<32x10000xf32, #tpu.memory_space<hbm>> -> memref<1x10000xf32, #tpu.memory_space<hbm>>
      %dma_start3A_35 = tpu.memref_squeeze %dma_start3A_34 : memref<1x10000xf32, #tpu.memory_space<hbm>> -> memref<10000xf32, #tpu.memory_space<hbm>>
      %dma_start3A_36 = arith.constant 0 : i32
      %dma_start3A_37 = tpu.memref_slice %arg3[%add3A, %dma_start3A_36] : memref<32x10000xf32, #tpu.memory_space<hbm>> -> memref<1x10000xf32, #tpu.memory_space<hbm>>
      %dma_start3A_38 = tpu.memref_squeeze %dma_start3A_37 : memref<1x10000xf32, #tpu.memory_space<hbm>> -> memref<10000xf32, #tpu.memory_space<hbm>>
      tpu.enqueue_dma source(%arg4 : memref<10000xf32, #tpu.memory_space<vmem>>) target(%dma_start3A_38 : memref<10000xf32, #tpu.memory_space<hbm>>) target_semaphore(%run_scoped3A : memref<!tpu.dma_semaphore, #tpu.memory_space<semaphore_mem>>)
      %dma_wait3A_39 = arith.constant 0 : i32
      %dma_wait3A_40 = tpu.memref_slice %arg3[%add3A, %dma_wait3A_39] : memref<32x10000xf32, #tpu.memory_space<hbm>> -> memref<1x10000xf32, #tpu.memory_space<hbm>>
      %dma_wait3A_41 = tpu.memref_squeeze %dma_wait3A_40 : memref<1x10000xf32, #tpu.memory_space<hbm>> -> memref<10000xf32, #tpu.memory_space<hbm>>
      %dma_wait3A_42 = arith.constant 0 : i32
      %dma_wait3A_43 = tpu.memref_slice %arg3[%add3A, %dma_wait3A_42] : memref<32x10000xf32, #tpu.memory_space<hbm>> -> memref<1x10000xf32, #tpu.memory_space<hbm>>
      %dma_wait3A_44 = tpu.memref_squeeze %dma_wait3A_43 : memref<1x10000xf32, #tpu.memory_space<hbm>> -> memref<10000xf32, #tpu.memory_space<hbm>>
      tpu.wait_dma2 semaphore(%run_scoped3A : memref<!tpu.dma_semaphore, #tpu.memory_space<semaphore_mem>>) src(%arg4 : memref<10000xf32, #tpu.memory_space<vmem>>) dst(%dma_wait3A_44 : memref<10000xf32, #tpu.memory_space<hbm>>)
      tpu.yield
    }) : () -> ()
    return
  }
}

#map = affine_map<(d0, d1) -> (0, 0)>
module attributes {stable_mosaic.version = 14 : i64} {
  func.func @k(%arg0: i32, %arg1: i32, %arg2: memref<10000x64xf32, #tpu.memory_space<hbm>>, %arg3: memref<2x320000xi32, #tpu.memory_space<hbm>>, %arg4: memref<20000x64xf32, #tpu.memory_space<hbm>>, %arg5: memref<10000xi32, #tpu.memory_space<vmem>>, %arg6: memref<10000xi32, #tpu.memory_space<vmem>>, %arg7: memref<8x128x64xf32, #tpu.memory_space<vmem>>, %arg8: memref<10000x64xf32, #tpu.memory_space<vmem_shared>>, %arg9: memref<!tpu.dma_semaphore, #tpu.memory_space<semaphore_mem>>, %arg10: memref<!tpu.dma_semaphore, #tpu.memory_space<semaphore_mem>>, %arg11: memref<!tpu.dma_semaphore, #tpu.memory_space<semaphore_mem>>) attributes {dimension_semantics = [#tpu.dimension_semantics<core_parallel>, #tpu.dimension_semantics<subcore_parallel>], iteration_bounds = array<i64: 2, 16>, scalar_prefetch = 0 : i64, scratch_operands = 7 : i64, tpu.core_type = #tpu.core_type<sc_vector_subcore>, window_params = [{transform_indices = #map}, {transform_indices = #map}, {transform_indices = #map}]} {
    %mul3A = arith.constant 2 : i32
    %mul3A_0 = arith.muli %arg1, %mul3A : i32
    %add3A = arith.addi %mul3A_0, %arg0 : i32
    %broadcast_in_dim3A = arith.constant 0.000000e+00 : f32
    %broadcast_in_dim3A_1 = vector.broadcast %broadcast_in_dim3A : f32 to vector<16xf32>
    %mul3A_2 = arith.constant 10000 : i32
    %mul3A_3 = arith.muli %add3A, %mul3A_2 : i32
    %dma_start3A = arith.constant 0 : i32
    %dma_start3A_4 = arith.constant 0 : i32
    %dma_start3A_5 = tpu.memref_slice %arg3[%dma_start3A, %dma_start3A_4] : memref<2x320000xi32, #tpu.memory_space<hbm>> -> memref<1x320000xi32, #tpu.memory_space<hbm>>
    %dma_start3A_6 = tpu.memref_squeeze %dma_start3A_5 : memref<1x320000xi32, #tpu.memory_space<hbm>> -> memref<320000xi32, #tpu.memory_space<hbm>>
    %dma_start3A_7 = tpu.memref_slice %dma_start3A_6[%mul3A_3] : memref<320000xi32, #tpu.memory_space<hbm>> -> memref<10000xi32, #tpu.memory_space<hbm>>
    %dma_start3A_8 = arith.constant 0 : i32
    %dma_start3A_9 = tpu.memref_slice %arg3[%dma_start3A, %dma_start3A_8] : memref<2x320000xi32, #tpu.memory_space<hbm>> -> memref<1x320000xi32, #tpu.memory_space<hbm>>
    %dma_start3A_10 = tpu.memref_squeeze %dma_start3A_9 : memref<1x320000xi32, #tpu.memory_space<hbm>> -> memref<320000xi32, #tpu.memory_space<hbm>>
    %dma_start3A_11 = tpu.memref_slice %dma_start3A_10[%mul3A_3] : memref<320000xi32, #tpu.memory_space<hbm>> -> memref<10000xi32, #tpu.memory_space<hbm>>
    tpu.enqueue_dma source(%dma_start3A_11 : memref<10000xi32, #tpu.memory_space<hbm>>) target(%arg5 : memref<10000xi32, #tpu.memory_space<vmem>>) target_semaphore(%arg9 : memref<!tpu.dma_semaphore, #tpu.memory_space<semaphore_mem>>)
    %dma_start3A_12 = arith.constant 1 : i32
    %dma_start3A_13 = arith.constant 0 : i32
    %dma_start3A_14 = tpu.memref_slice %arg3[%dma_start3A_12, %dma_start3A_13] : memref<2x320000xi32, #tpu.memory_space<hbm>> -> memref<1x320000xi32, #tpu.memory_space<hbm>>
    %dma_start3A_15 = tpu.memref_squeeze %dma_start3A_14 : memref<1x320000xi32, #tpu.memory_space<hbm>> -> memref<320000xi32, #tpu.memory_space<hbm>>
    %dma_start3A_16 = tpu.memref_slice %dma_start3A_15[%mul3A_3] : memref<320000xi32, #tpu.memory_space<hbm>> -> memref<10000xi32, #tpu.memory_space<hbm>>
    %dma_start3A_17 = arith.constant 0 : i32
    %dma_start3A_18 = tpu.memref_slice %arg3[%dma_start3A_12, %dma_start3A_17] : memref<2x320000xi32, #tpu.memory_space<hbm>> -> memref<1x320000xi32, #tpu.memory_space<hbm>>
    %dma_start3A_19 = tpu.memref_squeeze %dma_start3A_18 : memref<1x320000xi32, #tpu.memory_space<hbm>> -> memref<320000xi32, #tpu.memory_space<hbm>>
    %dma_start3A_20 = tpu.memref_slice %dma_start3A_19[%mul3A_3] : memref<320000xi32, #tpu.memory_space<hbm>> -> memref<10000xi32, #tpu.memory_space<hbm>>
    tpu.enqueue_dma source(%dma_start3A_20 : memref<10000xi32, #tpu.memory_space<hbm>>) target(%arg6 : memref<10000xi32, #tpu.memory_space<vmem>>) target_semaphore(%arg9 : memref<!tpu.dma_semaphore, #tpu.memory_space<semaphore_mem>>)
    %scan3A = arith.constant 0 : i32
    %scan3A_21 = arith.constant 0 : i32
    %scan3A_22 = arith.constant 128 : i32
    %scan3A_23 = arith.addi %scan3A_21, %scan3A_22 : i32
    %scan3A_24 = arith.constant 1 : i32
    scf.for %scan3A_621 = %scan3A_21 to %scan3A_23 step %scan3A_24  : i32 {
      %swap3A = arith.constant 0 : i32
      %swap3A_622 = arith.index_cast %swap3A : i32 to index
      %swap3A_623 = arith.index_cast %scan3A_621 : i32 to index
      %swap3A_624 = arith.constant 0 : index
      %swap3A_625 = tpu.vector_load %arg7[%swap3A_622, %swap3A_623, %swap3A_624] {strides = array<i32>} : memref<8x128x64xf32, #tpu.memory_space<vmem>>, vector<16xf32>,
      tpu.vector_store %arg7[%swap3A_622, %swap3A_623, %swap3A_624], %broadcast_in_dim3A_1 {strides = array<i32>} : memref<8x128x64xf32, #tpu.memory_space<vmem>>, vector<16xf32>,
      %swap3A_626 = arith.constant 0 : i32
      %swap3A_627 = arith.index_cast %swap3A_626 : i32 to index
      %swap3A_628 = arith.index_cast %scan3A_621 : i32 to index
      %swap3A_629 = arith.constant 16 : index
      %swap3A_630 = tpu.vector_load %arg7[%swap3A_627, %swap3A_628, %swap3A_629] {strides = array<i32>} : memref<8x128x64xf32, #tpu.memory_space<vmem>>, vector<16xf32>,
      tpu.vector_store %arg7[%swap3A_627, %swap3A_628, %swap3A_629], %broadcast_in_dim3A_1 {strides = array<i32>} : memref<8x128x64xf32, #tpu.memory_space<vmem>>, vector<16xf32>,
      %swap3A_631 = arith.constant 0 : i32
      %swap3A_632 = arith.index_cast %swap3A_631 : i32 to index
      %swap3A_633 = arith.index_cast %scan3A_621 : i32 to index
      %swap3A_634 = arith.constant 32 : index
      %swap3A_635 = tpu.vector_load %arg7[%swap3A_632, %swap3A_633, %swap3A_634] {strides = array<i32>} : memref<8x128x64xf32, #tpu.memory_space<vmem>>, vector<16xf32>,
      tpu.vector_store %arg7[%swap3A_632, %swap3A_633, %swap3A_634], %broadcast_in_dim3A_1 {strides = array<i32>} : memref<8x128x64xf32, #tpu.memory_space<vmem>>, vector<16xf32>,
      %swap3A_636 = arith.constant 0 : i32
      %swap3A_637 = arith.index_cast %swap3A_636 : i32 to index
      %swap3A_638 = arith.index_cast %scan3A_621 : i32 to index
      %swap3A_639 = arith.constant 48 : index
      %swap3A_640 = tpu.vector_load %arg7[%swap3A_637, %swap3A_638, %swap3A_639] {strides = array<i32>} : memref<8x128x64xf32, #tpu.memory_space<vmem>>, vector<16xf32>,
      tpu.vector_store %arg7[%swap3A_637, %swap3A_638, %swap3A_639], %broadcast_in_dim3A_1 {strides = array<i32>} : memref<8x128x64xf32, #tpu.memory_space<vmem>>, vector<16xf32>,
    }
    %scan3A_25 = arith.constant 128 : i32
    %add3A_26 = arith.constant 0 : i32
    %add3A_27 = arith.addi %arg1, %add3A_26 : i32
    %mul3A_28 = arith.constant 128 : i32
    %mul3A_29 = arith.muli %add3A_27, %mul3A_28 : i32
    %multiple_of3A = tpu.assume_multiple %mul3A_29, 128 : i32
    %lt3A = arith.constant 78 : i32
    %lt3A_30 = arith.cmpi slt, %add3A_27, %lt3A : i32
    %convert_element_type3A = arith.extui %lt3A_30 : i1 to i32
    %cond3A = arith.constant 0 : i32
    %cond3A_31 = arith.cmpi ne, %convert_element_type3A, %cond3A : i32
    scf.if %cond3A_31 {
      %run_scoped3A_621 = arith.constant 0 : i32
      "tpu.region"() ({
        %run_scoped3A_622 = tpu.sem_alloc : memref<!tpu.dma_semaphore, #tpu.memory_space<semaphore_mem>>
        %dma_start3A_623 = arith.constant 0 : i32
        %dma_start3A_624 = arith.constant 0 : i32
        %dma_start3A_625 = tpu.memref_slice %arg7[%run_scoped3A_621, %dma_start3A_623, %dma_start3A_624] : memref<8x128x64xf32, #tpu.memory_space<vmem>> -> memref<1x128x64xf32, #tpu.memory_space<vmem>>
        %dma_start3A_626 = tpu.memref_squeeze %dma_start3A_625 : memref<1x128x64xf32, #tpu.memory_space<vmem>> -> memref<128x64xf32, #tpu.memory_space<vmem>>
        %dma_start3A_627 = arith.constant 0 : i32
        %dma_start3A_628 = tpu.memref_slice %arg8[%multiple_of3A, %dma_start3A_627] : memref<10000x64xf32, #tpu.memory_space<vmem_shared>> -> memref<128x64xf32, #tpu.memory_space<vmem_shared>>
        %dma_start3A_629 = arith.constant 0 : i32
        %dma_start3A_630 = tpu.memref_slice %arg8[%multiple_of3A, %dma_start3A_629] : memref<10000x64xf32, #tpu.memory_space<vmem_shared>> -> memref<128x64xf32, #tpu.memory_space<vmem_shared>>
        %dma_start3A_631 = arith.constant 0 : i32
        %dma_start3A_632 = arith.constant 0 : i32
        %dma_start3A_633 = tpu.memref_slice %arg7[%run_scoped3A_621, %dma_start3A_631, %dma_start3A_632] : memref<8x128x64xf32, #tpu.memory_space<vmem>> -> memref<1x128x64xf32, #tpu.memory_space<vmem>>
        %dma_start3A_634 = tpu.memref_squeeze %dma_start3A_633 : memref<1x128x64xf32, #tpu.memory_space<vmem>> -> memref<128x64xf32, #tpu.memory_space<vmem>>
        tpu.enqueue_dma source(%dma_start3A_634 : memref<128x64xf32, #tpu.memory_space<vmem>>) target(%dma_start3A_630 : memref<128x64xf32, #tpu.memory_space<vmem_shared>>) target_semaphore(%run_scoped3A_622 : memref<!tpu.dma_semaphore, #tpu.memory_space<semaphore_mem>>)
        %dma_wait3A_635 = arith.constant 0 : i32
        %dma_wait3A_636 = arith.constant 0 : i32
        %dma_wait3A_637 = tpu.memref_slice %arg7[%run_scoped3A_621, %dma_wait3A_635, %dma_wait3A_636] : memref<8x128x64xf32, #tpu.memory_space<vmem>> -> memref<1x128x64xf32, #tpu.memory_space<vmem>>
        %dma_wait3A_638 = tpu.memref_squeeze %dma_wait3A_637 : memref<1x128x64xf32, #tpu.memory_space<vmem>> -> memref<128x64xf32, #tpu.memory_space<vmem>>
        %dma_wait3A_639 = arith.constant 0 : i32
        %dma_wait3A_640 = tpu.memref_slice %arg8[%multiple_of3A, %dma_wait3A_639] : memref<10000x64xf32, #tpu.memory_space<vmem_shared>> -> memref<128x64xf32, #tpu.memory_space<vmem_shared>>
        %dma_wait3A_641 = arith.constant 0 : i32
        %dma_wait3A_642 = tpu.memref_slice %arg8[%multiple_of3A, %dma_wait3A_641] : memref<10000x64xf32, #tpu.memory_space<vmem_shared>> -> memref<128x64xf32, #tpu.memory_space<vmem_shared>>
        %dma_wait3A_643 = arith.constant 0 : i32
        %dma_wait3A_644 = arith.constant 0 : i32
        %dma_wait3A_645 = tpu.memref_slice %arg7[%run_scoped3A_621, %dma_wait3A_643, %dma_wait3A_644] : memref<8x128x64xf32, #tpu.memory_space<vmem>> -> memref<1x128x64xf32, #tpu.memory_space<vmem>>
        %dma_wait3A_646 = tpu.memref_squeeze %dma_wait3A_645 : memref<1x128x64xf32, #tpu.memory_space<vmem>> -> memref<128x64xf32, #tpu.memory_space<vmem>>
        tpu.wait_dma2 semaphore(%run_scoped3A_622 : memref<!tpu.dma_semaphore, #tpu.memory_space<semaphore_mem>>) src(%dma_wait3A_646 : memref<128x64xf32, #tpu.memory_space<vmem>>) dst(%dma_wait3A_642 : memref<128x64xf32, #tpu.memory_space<vmem_shared>>)
        tpu.yield
      }) : () -> ()
    } else {
    }
    %eq3A = arith.constant 78 : i32
    %eq3A_32 = arith.cmpi eq, %add3A_27, %eq3A : i32
    %convert_element_type3A_33 = arith.extui %eq3A_32 : i1 to i32
    %cond3A_34 = arith.constant 0 : i32
    %cond3A_35 = arith.cmpi ne, %convert_element_type3A_33, %cond3A_34 : i32
    scf.if %cond3A_35 {
      %run_scoped3A_621 = arith.constant 0 : i32
      "tpu.region"() ({
        %run_scoped3A_622 = tpu.sem_alloc : memref<!tpu.dma_semaphore, #tpu.memory_space<semaphore_mem>>
        %dma_start3A_623 = arith.constant 0 : i32
        %dma_start3A_624 = arith.constant 0 : i32
        %dma_start3A_625 = tpu.memref_slice %arg7[%run_scoped3A_621, %dma_start3A_623, %dma_start3A_624] : memref<8x128x64xf32, #tpu.memory_space<vmem>> -> memref<1x128x64xf32, #tpu.memory_space<vmem>>
        %dma_start3A_626 = tpu.memref_squeeze %dma_start3A_625 : memref<1x128x64xf32, #tpu.memory_space<vmem>> -> memref<128x64xf32, #tpu.memory_space<vmem>>
        %dma_start3A_627 = arith.constant 0 : i32
        %dma_start3A_628 = arith.constant 0 : i32
        %dma_start3A_629 = tpu.memref_slice %dma_start3A_626[%dma_start3A_627, %dma_start3A_628] : memref<128x64xf32, #tpu.memory_space<vmem>> -> memref<16x64xf32, #tpu.memory_space<vmem>>
        %dma_start3A_630 = arith.constant 9984 : i32
        %dma_start3A_631 = arith.constant 0 : i32
        %dma_start3A_632 = tpu.memref_slice %arg8[%dma_start3A_630, %dma_start3A_631] : memref<10000x64xf32, #tpu.memory_space<vmem_shared>> -> memref<16x64xf32, #tpu.memory_space<vmem_shared>>
        %dma_start3A_633 = arith.constant 9984 : i32
        %dma_start3A_634 = arith.constant 0 : i32
        %dma_start3A_635 = tpu.memref_slice %arg8[%dma_start3A_633, %dma_start3A_634] : memref<10000x64xf32, #tpu.memory_space<vmem_shared>> -> memref<16x64xf32, #tpu.memory_space<vmem_shared>>
        %dma_start3A_636 = arith.constant 0 : i32
        %dma_start3A_637 = arith.constant 0 : i32
        %dma_start3A_638 = tpu.memref_slice %arg7[%run_scoped3A_621, %dma_start3A_636, %dma_start3A_637] : memref<8x128x64xf32, #tpu.memory_space<vmem>> -> memref<1x128x64xf32, #tpu.memory_space<vmem>>
        %dma_start3A_639 = tpu.memref_squeeze %dma_start3A_638 : memref<1x128x64xf32, #tpu.memory_space<vmem>> -> memref<128x64xf32, #tpu.memory_space<vmem>>
        %dma_start3A_640 = arith.constant 0 : i32
        %dma_start3A_641 = arith.constant 0 : i32
        %dma_start3A_642 = tpu.memref_slice %dma_start3A_639[%dma_start3A_640, %dma_start3A_641] : memref<128x64xf32, #tpu.memory_space<vmem>> -> memref<16x64xf32, #tpu.memory_space<vmem>>
        tpu.enqueue_dma source(%dma_start3A_642 : memref<16x64xf32, #tpu.memory_space<vmem>>) target(%dma_start3A_635 : memref<16x64xf32, #tpu.memory_space<vmem_shared>>) target_semaphore(%run_scoped3A_622 : memref<!tpu.dma_semaphore, #tpu.memory_space<semaphore_mem>>)
        %dma_wait3A_643 = arith.constant 0 : i32
        %dma_wait3A_644 = arith.constant 0 : i32
        %dma_wait3A_645 = tpu.memref_slice %arg7[%run_scoped3A_621, %dma_wait3A_643, %dma_wait3A_644] : memref<8x128x64xf32, #tpu.memory_space<vmem>> -> memref<1x128x64xf32, #tpu.memory_space<vmem>>
        %dma_wait3A_646 = tpu.memref_squeeze %dma_wait3A_645 : memref<1x128x64xf32, #tpu.memory_space<vmem>> -> memref<128x64xf32, #tpu.memory_space<vmem>>
        %dma_wait3A_647 = arith.constant 0 : i32
        %dma_wait3A_648 = arith.constant 0 : i32
        %dma_wait3A_649 = tpu.memref_slice %dma_wait3A_646[%dma_wait3A_647, %dma_wait3A_648] : memref<128x64xf32, #tpu.memory_space<vmem>> -> memref<16x64xf32, #tpu.memory_space<vmem>>
        %dma_wait3A_650 = arith.constant 9984 : i32
        %dma_wait3A_651 = arith.constant 0 : i32
        %dma_wait3A_652 = tpu.memref_slice %arg8[%dma_wait3A_650, %dma_wait3A_651] : memref<10000x64xf32, #tpu.memory_space<vmem_shared>> -> memref<16x64xf32, #tpu.memory_space<vmem_shared>>
        %dma_wait3A_653 = arith.constant 9984 : i32
        %dma_wait3A_654 = arith.constant 0 : i32
        %dma_wait3A_655 = tpu.memref_slice %arg8[%dma_wait3A_653, %dma_wait3A_654] : memref<10000x64xf32, #tpu.memory_space<vmem_shared>> -> memref<16x64xf32, #tpu.memory_space<vmem_shared>>
        %dma_wait3A_656 = arith.constant 0 : i32
        %dma_wait3A_657 = arith.constant 0 : i32
        %dma_wait3A_658 = tpu.memref_slice %arg7[%run_scoped3A_621, %dma_wait3A_656, %dma_wait3A_657] : memref<8x128x64xf32, #tpu.memory_space<vmem>> -> memref<1x128x64xf32, #tpu.memory_space<vmem>>
        %dma_wait3A_659 = tpu.memref_squeeze %dma_wait3A_658 : memref<1x128x64xf32, #tpu.memory_space<vmem>> -> memref<128x64xf32, #tpu.memory_space<vmem>>
        %dma_wait3A_660 = arith.constant 0 : i32
        %dma_wait3A_661 = arith.constant 0 : i32
        %dma_wait3A_662 = tpu.memref_slice %dma_wait3A_659[%dma_wait3A_660, %dma_wait3A_661] : memref<128x64xf32, #tpu.memory_space<vmem>> -> memref<16x64xf32, #tpu.memory_space<vmem>>
        tpu.wait_dma2 semaphore(%run_scoped3A_622 : memref<!tpu.dma_semaphore, #tpu.memory_space<semaphore_mem>>) src(%dma_wait3A_662 : memref<16x64xf32, #tpu.memory_space<vmem>>) dst(%dma_wait3A_655 : memref<16x64xf32, #tpu.memory_space<vmem_shared>>)
        tpu.yield
      }) : () -> ()
    } else {
    }
    %add3A_36 = arith.constant 16 : i32
    %add3A_37 = arith.addi %arg1, %add3A_36 : i32
    %mul3A_38 = arith.constant 128 : i32
    %mul3A_39 = arith.muli %add3A_37, %mul3A_38 : i32
    %multiple_of3A_40 = tpu.assume_multiple %mul3A_39, 128 : i32
    %lt3A_41 = arith.constant 78 : i32
    %lt3A_42 = arith.cmpi slt, %add3A_37, %lt3A_41 : i32
    %convert_element_type3A_43 = arith.extui %lt3A_42 : i1 to i32
    %cond3A_44 = arith.constant 0 : i32
    %cond3A_45 = arith.cmpi ne, %convert_element_type3A_43, %cond3A_44 : i32
    scf.if %cond3A_45 {
      %run_scoped3A_621 = arith.constant 0 : i32
      "tpu.region"() ({
        %run_scoped3A_622 = tpu.sem_alloc : memref<!tpu.dma_semaphore, #tpu.memory_space<semaphore_mem>>
        %dma_start3A_623 = arith.constant 0 : i32
        %dma_start3A_624 = arith.constant 0 : i32
        %dma_start3A_625 = tpu.memref_slice %arg7[%run_scoped3A_621, %dma_start3A_623, %dma_start3A_624] : memref<8x128x64xf32, #tpu.memory_space<vmem>> -> memref<1x128x64xf32, #tpu.memory_space<vmem>>
        %dma_start3A_626 = tpu.memref_squeeze %dma_start3A_625 : memref<1x128x64xf32, #tpu.memory_space<vmem>> -> memref<128x64xf32, #tpu.memory_space<vmem>>
        %dma_start3A_627 = arith.constant 0 : i32
        %dma_start3A_628 = tpu.memref_slice %arg8[%multiple_of3A_40, %dma_start3A_627] : memref<10000x64xf32, #tpu.memory_space<vmem_shared>> -> memref<128x64xf32, #tpu.memory_space<vmem_shared>>
        %dma_start3A_629 = arith.constant 0 : i32
        %dma_start3A_630 = tpu.memref_slice %arg8[%multiple_of3A_40, %dma_start3A_629] : memref<10000x64xf32, #tpu.memory_space<vmem_shared>> -> memref<128x64xf32, #tpu.memory_space<vmem_shared>>
        %dma_start3A_631 = arith.constant 0 : i32
        %dma_start3A_632 = arith.constant 0 : i32
        %dma_start3A_633 = tpu.memref_slice %arg7[%run_scoped3A_621, %dma_start3A_631, %dma_start3A_632] : memref<8x128x64xf32, #tpu.memory_space<vmem>> -> memref<1x128x64xf32, #tpu.memory_space<vmem>>
        %dma_start3A_634 = tpu.memref_squeeze %dma_start3A_633 : memref<1x128x64xf32, #tpu.memory_space<vmem>> -> memref<128x64xf32, #tpu.memory_space<vmem>>
        tpu.enqueue_dma source(%dma_start3A_634 : memref<128x64xf32, #tpu.memory_space<vmem>>) target(%dma_start3A_630 : memref<128x64xf32, #tpu.memory_space<vmem_shared>>) target_semaphore(%run_scoped3A_622 : memref<!tpu.dma_semaphore, #tpu.memory_space<semaphore_mem>>)
        %dma_wait3A_635 = arith.constant 0 : i32
        %dma_wait3A_636 = arith.constant 0 : i32
        %dma_wait3A_637 = tpu.memref_slice %arg7[%run_scoped3A_621, %dma_wait3A_635, %dma_wait3A_636] : memref<8x128x64xf32, #tpu.memory_space<vmem>> -> memref<1x128x64xf32, #tpu.memory_space<vmem>>
        %dma_wait3A_638 = tpu.memref_squeeze %dma_wait3A_637 : memref<1x128x64xf32, #tpu.memory_space<vmem>> -> memref<128x64xf32, #tpu.memory_space<vmem>>
        %dma_wait3A_639 = arith.constant 0 : i32
        %dma_wait3A_640 = tpu.memref_slice %arg8[%multiple_of3A_40, %dma_wait3A_639] : memref<10000x64xf32, #tpu.memory_space<vmem_shared>> -> memref<128x64xf32, #tpu.memory_space<vmem_shared>>
        %dma_wait3A_641 = arith.constant 0 : i32
        %dma_wait3A_642 = tpu.memref_slice %arg8[%multiple_of3A_40, %dma_wait3A_641] : memref<10000x64xf32, #tpu.memory_space<vmem_shared>> -> memref<128x64xf32, #tpu.memory_space<vmem_shared>>
        %dma_wait3A_643 = arith.constant 0 : i32
        %dma_wait3A_644 = arith.constant 0 : i32
        %dma_wait3A_645 = tpu.memref_slice %arg7[%run_scoped3A_621, %dma_wait3A_643, %dma_wait3A_644] : memref<8x128x64xf32, #tpu.memory_space<vmem>> -> memref<1x128x64xf32, #tpu.memory_space<vmem>>
        %dma_wait3A_646 = tpu.memref_squeeze %dma_wait3A_645 : memref<1x128x64xf32, #tpu.memory_space<vmem>> -> memref<128x64xf32, #tpu.memory_space<vmem>>
        tpu.wait_dma2 semaphore(%run_scoped3A_622 : memref<!tpu.dma_semaphore, #tpu.memory_space<semaphore_mem>>) src(%dma_wait3A_646 : memref<128x64xf32, #tpu.memory_space<vmem>>) dst(%dma_wait3A_642 : memref<128x64xf32, #tpu.memory_space<vmem_shared>>)
        tpu.yield
      }) : () -> ()
    } else {
    }
    %eq3A_46 = arith.constant 78 : i32
    %eq3A_47 = arith.cmpi eq, %add3A_37, %eq3A_46 : i32
    %convert_element_type3A_48 = arith.extui %eq3A_47 : i1 to i32
    %cond3A_49 = arith.constant 0 : i32
    %cond3A_50 = arith.cmpi ne, %convert_element_type3A_48, %cond3A_49 : i32
    scf.if %cond3A_50 {
      %run_scoped3A_621 = arith.constant 0 : i32
      "tpu.region"() ({
        %run_scoped3A_622 = tpu.sem_alloc : memref<!tpu.dma_semaphore, #tpu.memory_space<semaphore_mem>>
        %dma_start3A_623 = arith.constant 0 : i32
        %dma_start3A_624 = arith.constant 0 : i32
        %dma_start3A_625 = tpu.memref_slice %arg7[%run_scoped3A_621, %dma_start3A_623, %dma_start3A_624] : memref<8x128x64xf32, #tpu.memory_space<vmem>> -> memref<1x128x64xf32, #tpu.memory_space<vmem>>
        %dma_start3A_626 = tpu.memref_squeeze %dma_start3A_625 : memref<1x128x64xf32, #tpu.memory_space<vmem>> -> memref<128x64xf32, #tpu.memory_space<vmem>>
        %dma_start3A_627 = arith.constant 0 : i32
        %dma_start3A_628 = arith.constant 0 : i32
        %dma_start3A_629 = tpu.memref_slice %dma_start3A_626[%dma_start3A_627, %dma_start3A_628] : memref<128x64xf32, #tpu.memory_space<vmem>> -> memref<16x64xf32, #tpu.memory_space<vmem>>
        %dma_start3A_630 = arith.constant 9984 : i32
        %dma_start3A_631 = arith.constant 0 : i32
        %dma_start3A_632 = tpu.memref_slice %arg8[%dma_start3A_630, %dma_start3A_631] : memref<10000x64xf32, #tpu.memory_space<vmem_shared>> -> memref<16x64xf32, #tpu.memory_space<vmem_shared>>
        %dma_start3A_633 = arith.constant 9984 : i32
        %dma_start3A_634 = arith.constant 0 : i32
        %dma_start3A_635 = tpu.memref_slice %arg8[%dma_start3A_633, %dma_start3A_634] : memref<10000x64xf32, #tpu.memory_space<vmem_shared>> -> memref<16x64xf32, #tpu.memory_space<vmem_shared>>
        %dma_start3A_636 = arith.constant 0 : i32
        %dma_start3A_637 = arith.constant 0 : i32
        %dma_start3A_638 = tpu.memref_slice %arg7[%run_scoped3A_621, %dma_start3A_636, %dma_start3A_637] : memref<8x128x64xf32, #tpu.memory_space<vmem>> -> memref<1x128x64xf32, #tpu.memory_space<vmem>>
        %dma_start3A_639 = tpu.memref_squeeze %dma_start3A_638 : memref<1x128x64xf32, #tpu.memory_space<vmem>> -> memref<128x64xf32, #tpu.memory_space<vmem>>
        %dma_start3A_640 = arith.constant 0 : i32
        %dma_start3A_641 = arith.constant 0 : i32
        %dma_start3A_642 = tpu.memref_slice %dma_start3A_639[%dma_start3A_640, %dma_start3A_641] : memref<128x64xf32, #tpu.memory_space<vmem>> -> memref<16x64xf32, #tpu.memory_space<vmem>>
        tpu.enqueue_dma source(%dma_start3A_642 : memref<16x64xf32, #tpu.memory_space<vmem>>) target(%dma_start3A_635 : memref<16x64xf32, #tpu.memory_space<vmem_shared>>) target_semaphore(%run_scoped3A_622 : memref<!tpu.dma_semaphore, #tpu.memory_space<semaphore_mem>>)
        %dma_wait3A_643 = arith.constant 0 : i32
        %dma_wait3A_644 = arith.constant 0 : i32
        %dma_wait3A_645 = tpu.memref_slice %arg7[%run_scoped3A_621, %dma_wait3A_643, %dma_wait3A_644] : memref<8x128x64xf32, #tpu.memory_space<vmem>> -> memref<1x128x64xf32, #tpu.memory_space<vmem>>
        %dma_wait3A_646 = tpu.memref_squeeze %dma_wait3A_645 : memref<1x128x64xf32, #tpu.memory_space<vmem>> -> memref<128x64xf32, #tpu.memory_space<vmem>>
        %dma_wait3A_647 = arith.constant 0 : i32
        %dma_wait3A_648 = arith.constant 0 : i32
        %dma_wait3A_649 = tpu.memref_slice %dma_wait3A_646[%dma_wait3A_647, %dma_wait3A_648] : memref<128x64xf32, #tpu.memory_space<vmem>> -> memref<16x64xf32, #tpu.memory_space<vmem>>
        %dma_wait3A_650 = arith.constant 9984 : i32
        %dma_wait3A_651 = arith.constant 0 : i32
        %dma_wait3A_652 = tpu.memref_slice %arg8[%dma_wait3A_650, %dma_wait3A_651] : memref<10000x64xf32, #tpu.memory_space<vmem_shared>> -> memref<16x64xf32, #tpu.memory_space<vmem_shared>>
        %dma_wait3A_653 = arith.constant 9984 : i32
        %dma_wait3A_654 = arith.constant 0 : i32
        %dma_wait3A_655 = tpu.memref_slice %arg8[%dma_wait3A_653, %dma_wait3A_654] : memref<10000x64xf32, #tpu.memory_space<vmem_shared>> -> memref<16x64xf32, #tpu.memory_space<vmem_shared>>
        %dma_wait3A_656 = arith.constant 0 : i32
        %dma_wait3A_657 = arith.constant 0 : i32
        %dma_wait3A_658 = tpu.memref_slice %arg7[%run_scoped3A_621, %dma_wait3A_656, %dma_wait3A_657] : memref<8x128x64xf32, #tpu.memory_space<vmem>> -> memref<1x128x64xf32, #tpu.memory_space<vmem>>
        %dma_wait3A_659 = tpu.memref_squeeze %dma_wait3A_658 : memref<1x128x64xf32, #tpu.memory_space<vmem>> -> memref<128x64xf32, #tpu.memory_space<vmem>>
        %dma_wait3A_660 = arith.constant 0 : i32
        %dma_wait3A_661 = arith.constant 0 : i32
        %dma_wait3A_662 = tpu.memref_slice %dma_wait3A_659[%dma_wait3A_660, %dma_wait3A_661] : memref<128x64xf32, #tpu.memory_space<vmem>> -> memref<16x64xf32, #tpu.memory_space<vmem>>
        tpu.wait_dma2 semaphore(%run_scoped3A_622 : memref<!tpu.dma_semaphore, #tpu.memory_space<semaphore_mem>>) src(%dma_wait3A_662 : memref<16x64xf32, #tpu.memory_space<vmem>>) dst(%dma_wait3A_655 : memref<16x64xf32, #tpu.memory_space<vmem_shared>>)
        tpu.yield
      }) : () -> ()
    } else {
    }
    %add3A_51 = arith.constant 32 : i32
    %add3A_52 = arith.addi %arg1, %add3A_51 : i32
    %mul3A_53 = arith.constant 128 : i32
    %mul3A_54 = arith.muli %add3A_52, %mul3A_53 : i32
    %multiple_of3A_55 = tpu.assume_multiple %mul3A_54, 128 : i32
    %lt3A_56 = arith.constant 78 : i32
    %lt3A_57 = arith.cmpi slt, %add3A_52, %lt3A_56 : i32
    %convert_element_type3A_58 = arith.extui %lt3A_57 : i1 to i32
    %cond3A_59 = arith.constant 0 : i32
    %cond3A_60 = arith.cmpi ne, %convert_element_type3A_58, %cond3A_59 : i32
    scf.if %cond3A_60 {
      %run_scoped3A_621 = arith.constant 0 : i32
      "tpu.region"() ({
        %run_scoped3A_622 = tpu.sem_alloc : memref<!tpu.dma_semaphore, #tpu.memory_space<semaphore_mem>>
        %dma_start3A_623 = arith.constant 0 : i32
        %dma_start3A_624 = arith.constant 0 : i32
        %dma_start3A_625 = tpu.memref_slice %arg7[%run_scoped3A_621, %dma_start3A_623, %dma_start3A_624] : memref<8x128x64xf32, #tpu.memory_space<vmem>> -> memref<1x128x64xf32, #tpu.memory_space<vmem>>
        %dma_start3A_626 = tpu.memref_squeeze %dma_start3A_625 : memref<1x128x64xf32, #tpu.memory_space<vmem>> -> memref<128x64xf32, #tpu.memory_space<vmem>>
        %dma_start3A_627 = arith.constant 0 : i32
        %dma_start3A_628 = tpu.memref_slice %arg8[%multiple_of3A_55, %dma_start3A_627] : memref<10000x64xf32, #tpu.memory_space<vmem_shared>> -> memref<128x64xf32, #tpu.memory_space<vmem_shared>>
        %dma_start3A_629 = arith.constant 0 : i32
        %dma_start3A_630 = tpu.memref_slice %arg8[%multiple_of3A_55, %dma_start3A_629] : memref<10000x64xf32, #tpu.memory_space<vmem_shared>> -> memref<128x64xf32, #tpu.memory_space<vmem_shared>>
        %dma_start3A_631 = arith.constant 0 : i32
        %dma_start3A_632 = arith.constant 0 : i32
        %dma_start3A_633 = tpu.memref_slice %arg7[%run_scoped3A_621, %dma_start3A_631, %dma_start3A_632] : memref<8x128x64xf32, #tpu.memory_space<vmem>> -> memref<1x128x64xf32, #tpu.memory_space<vmem>>
        %dma_start3A_634 = tpu.memref_squeeze %dma_start3A_633 : memref<1x128x64xf32, #tpu.memory_space<vmem>> -> memref<128x64xf32, #tpu.memory_space<vmem>>
        tpu.enqueue_dma source(%dma_start3A_634 : memref<128x64xf32, #tpu.memory_space<vmem>>) target(%dma_start3A_630 : memref<128x64xf32, #tpu.memory_space<vmem_shared>>) target_semaphore(%run_scoped3A_622 : memref<!tpu.dma_semaphore, #tpu.memory_space<semaphore_mem>>)
        %dma_wait3A_635 = arith.constant 0 : i32
        %dma_wait3A_636 = arith.constant 0 : i32
        %dma_wait3A_637 = tpu.memref_slice %arg7[%run_scoped3A_621, %dma_wait3A_635, %dma_wait3A_636] : memref<8x128x64xf32, #tpu.memory_space<vmem>> -> memref<1x128x64xf32, #tpu.memory_space<vmem>>
        %dma_wait3A_638 = tpu.memref_squeeze %dma_wait3A_637 : memref<1x128x64xf32, #tpu.memory_space<vmem>> -> memref<128x64xf32, #tpu.memory_space<vmem>>
        %dma_wait3A_639 = arith.constant 0 : i32
        %dma_wait3A_640 = tpu.memref_slice %arg8[%multiple_of3A_55, %dma_wait3A_639] : memref<10000x64xf32, #tpu.memory_space<vmem_shared>> -> memref<128x64xf32, #tpu.memory_space<vmem_shared>>
        %dma_wait3A_641 = arith.constant 0 : i32
        %dma_wait3A_642 = tpu.memref_slice %arg8[%multiple_of3A_55, %dma_wait3A_641] : memref<10000x64xf32, #tpu.memory_space<vmem_shared>> -> memref<128x64xf32, #tpu.memory_space<vmem_shared>>
        %dma_wait3A_643 = arith.constant 0 : i32
        %dma_wait3A_644 = arith.constant 0 : i32
        %dma_wait3A_645 = tpu.memref_slice %arg7[%run_scoped3A_621, %dma_wait3A_643, %dma_wait3A_644] : memref<8x128x64xf32, #tpu.memory_space<vmem>> -> memref<1x128x64xf32, #tpu.memory_space<vmem>>
        %dma_wait3A_646 = tpu.memref_squeeze %dma_wait3A_645 : memref<1x128x64xf32, #tpu.memory_space<vmem>> -> memref<128x64xf32, #tpu.memory_space<vmem>>
        tpu.wait_dma2 semaphore(%run_scoped3A_622 : memref<!tpu.dma_semaphore, #tpu.memory_space<semaphore_mem>>) src(%dma_wait3A_646 : memref<128x64xf32, #tpu.memory_space<vmem>>) dst(%dma_wait3A_642 : memref<128x64xf32, #tpu.memory_space<vmem_shared>>)
        tpu.yield
      }) : () -> ()
    } else {
    }
    %eq3A_61 = arith.constant 78 : i32
    %eq3A_62 = arith.cmpi eq, %add3A_52, %eq3A_61 : i32
    %convert_element_type3A_63 = arith.extui %eq3A_62 : i1 to i32
    %cond3A_64 = arith.constant 0 : i32
    %cond3A_65 = arith.cmpi ne, %convert_element_type3A_63, %cond3A_64 : i32
    scf.if %cond3A_65 {
      %run_scoped3A_621 = arith.constant 0 : i32
      "tpu.region"() ({
        %run_scoped3A_622 = tpu.sem_alloc : memref<!tpu.dma_semaphore, #tpu.memory_space<semaphore_mem>>
        %dma_start3A_623 = arith.constant 0 : i32
        %dma_start3A_624 = arith.constant 0 : i32
        %dma_start3A_625 = tpu.memref_slice %arg7[%run_scoped3A_621, %dma_start3A_623, %dma_start3A_624] : memref<8x128x64xf32, #tpu.memory_space<vmem>> -> memref<1x128x64xf32, #tpu.memory_space<vmem>>
        %dma_start3A_626 = tpu.memref_squeeze %dma_start3A_625 : memref<1x128x64xf32, #tpu.memory_space<vmem>> -> memref<128x64xf32, #tpu.memory_space<vmem>>
        %dma_start3A_627 = arith.constant 0 : i32
        %dma_start3A_628 = arith.constant 0 : i32
        %dma_start3A_629 = tpu.memref_slice %dma_start3A_626[%dma_start3A_627, %dma_start3A_628] : memref<128x64xf32, #tpu.memory_space<vmem>> -> memref<16x64xf32, #tpu.memory_space<vmem>>
        %dma_start3A_630 = arith.constant 9984 : i32
        %dma_start3A_631 = arith.constant 0 : i32
        %dma_start3A_632 = tpu.memref_slice %arg8[%dma_start3A_630, %dma_start3A_631] : memref<10000x64xf32, #tpu.memory_space<vmem_shared>> -> memref<16x64xf32, #tpu.memory_space<vmem_shared>>
        %dma_start3A_633 = arith.constant 9984 : i32
        %dma_start3A_634 = arith.constant 0 : i32
        %dma_start3A_635 = tpu.memref_slice %arg8[%dma_start3A_633, %dma_start3A_634] : memref<10000x64xf32, #tpu.memory_space<vmem_shared>> -> memref<16x64xf32, #tpu.memory_space<vmem_shared>>
        %dma_start3A_636 = arith.constant 0 : i32
        %dma_start3A_637 = arith.constant 0 : i32
        %dma_start3A_638 = tpu.memref_slice %arg7[%run_scoped3A_621, %dma_start3A_636, %dma_start3A_637] : memref<8x128x64xf32, #tpu.memory_space<vmem>> -> memref<1x128x64xf32, #tpu.memory_space<vmem>>
        %dma_start3A_639 = tpu.memref_squeeze %dma_start3A_638 : memref<1x128x64xf32, #tpu.memory_space<vmem>> -> memref<128x64xf32, #tpu.memory_space<vmem>>
        %dma_start3A_640 = arith.constant 0 : i32
        %dma_start3A_641 = arith.constant 0 : i32
        %dma_start3A_642 = tpu.memref_slice %dma_start3A_639[%dma_start3A_640, %dma_start3A_641] : memref<128x64xf32, #tpu.memory_space<vmem>> -> memref<16x64xf32, #tpu.memory_space<vmem>>
        tpu.enqueue_dma source(%dma_start3A_642 : memref<16x64xf32, #tpu.memory_space<vmem>>) target(%dma_start3A_635 : memref<16x64xf32, #tpu.memory_space<vmem_shared>>) target_semaphore(%run_scoped3A_622 : memref<!tpu.dma_semaphore, #tpu.memory_space<semaphore_mem>>)
        %dma_wait3A_643 = arith.constant 0 : i32
        %dma_wait3A_644 = arith.constant 0 : i32
        %dma_wait3A_645 = tpu.memref_slice %arg7[%run_scoped3A_621, %dma_wait3A_643, %dma_wait3A_644] : memref<8x128x64xf32, #tpu.memory_space<vmem>> -> memref<1x128x64xf32, #tpu.memory_space<vmem>>
        %dma_wait3A_646 = tpu.memref_squeeze %dma_wait3A_645 : memref<1x128x64xf32, #tpu.memory_space<vmem>> -> memref<128x64xf32, #tpu.memory_space<vmem>>
        %dma_wait3A_647 = arith.constant 0 : i32
        %dma_wait3A_648 = arith.constant 0 : i32
        %dma_wait3A_649 = tpu.memref_slice %dma_wait3A_646[%dma_wait3A_647, %dma_wait3A_648] : memref<128x64xf32, #tpu.memory_space<vmem>> -> memref<16x64xf32, #tpu.memory_space<vmem>>
        %dma_wait3A_650 = arith.constant 9984 : i32
        %dma_wait3A_651 = arith.constant 0 : i32
        %dma_wait3A_652 = tpu.memref_slice %arg8[%dma_wait3A_650, %dma_wait3A_651] : memref<10000x64xf32, #tpu.memory_space<vmem_shared>> -> memref<16x64xf32, #tpu.memory_space<vmem_shared>>
        %dma_wait3A_653 = arith.constant 9984 : i32
        %dma_wait3A_654 = arith.constant 0 : i32
        %dma_wait3A_655 = tpu.memref_slice %arg8[%dma_wait3A_653, %dma_wait3A_654] : memref<10000x64xf32, #tpu.memory_space<vmem_shared>> -> memref<16x64xf32, #tpu.memory_space<vmem_shared>>
        %dma_wait3A_656 = arith.constant 0 : i32
        %dma_wait3A_657 = arith.constant 0 : i32
        %dma_wait3A_658 = tpu.memref_slice %arg7[%run_scoped3A_621, %dma_wait3A_656, %dma_wait3A_657] : memref<8x128x64xf32, #tpu.memory_space<vmem>> -> memref<1x128x64xf32, #tpu.memory_space<vmem>>
        %dma_wait3A_659 = tpu.memref_squeeze %dma_wait3A_658 : memref<1x128x64xf32, #tpu.memory_space<vmem>> -> memref<128x64xf32, #tpu.memory_space<vmem>>
        %dma_wait3A_660 = arith.constant 0 : i32
        %dma_wait3A_661 = arith.constant 0 : i32
        %dma_wait3A_662 = tpu.memref_slice %dma_wait3A_659[%dma_wait3A_660, %dma_wait3A_661] : memref<128x64xf32, #tpu.memory_space<vmem>> -> memref<16x64xf32, #tpu.memory_space<vmem>>
        tpu.wait_dma2 semaphore(%run_scoped3A_622 : memref<!tpu.dma_semaphore, #tpu.memory_space<semaphore_mem>>) src(%dma_wait3A_662 : memref<16x64xf32, #tpu.memory_space<vmem>>) dst(%dma_wait3A_655 : memref<16x64xf32, #tpu.memory_space<vmem_shared>>)
        tpu.yield
      }) : () -> ()
    } else {
    }
    %add3A_66 = arith.constant 48 : i32
    %add3A_67 = arith.addi %arg1, %add3A_66 : i32
    %mul3A_68 = arith.constant 128 : i32
    %mul3A_69 = arith.muli %add3A_67, %mul3A_68 : i32
    %multiple_of3A_70 = tpu.assume_multiple %mul3A_69, 128 : i32
    %lt3A_71 = arith.constant 78 : i32
    %lt3A_72 = arith.cmpi slt, %add3A_67, %lt3A_71 : i32
    %convert_element_type3A_73 = arith.extui %lt3A_72 : i1 to i32
    %cond3A_74 = arith.constant 0 : i32
    %cond3A_75 = arith.cmpi ne, %convert_element_type3A_73, %cond3A_74 : i32
    scf.if %cond3A_75 {
      %run_scoped3A_621 = arith.constant 0 : i32
      "tpu.region"() ({
        %run_scoped3A_622 = tpu.sem_alloc : memref<!tpu.dma_semaphore, #tpu.memory_space<semaphore_mem>>
        %dma_start3A_623 = arith.constant 0 : i32
        %dma_start3A_624 = arith.constant 0 : i32
        %dma_start3A_625 = tpu.memref_slice %arg7[%run_scoped3A_621, %dma_start3A_623, %dma_start3A_624] : memref<8x128x64xf32, #tpu.memory_space<vmem>> -> memref<1x128x64xf32, #tpu.memory_space<vmem>>
        %dma_start3A_626 = tpu.memref_squeeze %dma_start3A_625 : memref<1x128x64xf32, #tpu.memory_space<vmem>> -> memref<128x64xf32, #tpu.memory_space<vmem>>
        %dma_start3A_627 = arith.constant 0 : i32
        %dma_start3A_628 = tpu.memref_slice %arg8[%multiple_of3A_70, %dma_start3A_627] : memref<10000x64xf32, #tpu.memory_space<vmem_shared>> -> memref<128x64xf32, #tpu.memory_space<vmem_shared>>
        %dma_start3A_629 = arith.constant 0 : i32
        %dma_start3A_630 = tpu.memref_slice %arg8[%multiple_of3A_70, %dma_start3A_629] : memref<10000x64xf32, #tpu.memory_space<vmem_shared>> -> memref<128x64xf32, #tpu.memory_space<vmem_shared>>
        %dma_start3A_631 = arith.constant 0 : i32
        %dma_start3A_632 = arith.constant 0 : i32
        %dma_start3A_633 = tpu.memref_slice %arg7[%run_scoped3A_621, %dma_start3A_631, %dma_start3A_632] : memref<8x128x64xf32, #tpu.memory_space<vmem>> -> memref<1x128x64xf32, #tpu.memory_space<vmem>>
        %dma_start3A_634 = tpu.memref_squeeze %dma_start3A_633 : memref<1x128x64xf32, #tpu.memory_space<vmem>> -> memref<128x64xf32, #tpu.memory_space<vmem>>
        tpu.enqueue_dma source(%dma_start3A_634 : memref<128x64xf32, #tpu.memory_space<vmem>>) target(%dma_start3A_630 : memref<128x64xf32, #tpu.memory_space<vmem_shared>>) target_semaphore(%run_scoped3A_622 : memref<!tpu.dma_semaphore, #tpu.memory_space<semaphore_mem>>)
        %dma_wait3A_635 = arith.constant 0 : i32
        %dma_wait3A_636 = arith.constant 0 : i32
        %dma_wait3A_637 = tpu.memref_slice %arg7[%run_scoped3A_621, %dma_wait3A_635, %dma_wait3A_636] : memref<8x128x64xf32, #tpu.memory_space<vmem>> -> memref<1x128x64xf32, #tpu.memory_space<vmem>>
        %dma_wait3A_638 = tpu.memref_squeeze %dma_wait3A_637 : memref<1x128x64xf32, #tpu.memory_space<vmem>> -> memref<128x64xf32, #tpu.memory_space<vmem>>
        %dma_wait3A_639 = arith.constant 0 : i32
        %dma_wait3A_640 = tpu.memref_slice %arg8[%multiple_of3A_70, %dma_wait3A_639] : memref<10000x64xf32, #tpu.memory_space<vmem_shared>> -> memref<128x64xf32, #tpu.memory_space<vmem_shared>>
        %dma_wait3A_641 = arith.constant 0 : i32
        %dma_wait3A_642 = tpu.memref_slice %arg8[%multiple_of3A_70, %dma_wait3A_641] : memref<10000x64xf32, #tpu.memory_space<vmem_shared>> -> memref<128x64xf32, #tpu.memory_space<vmem_shared>>
        %dma_wait3A_643 = arith.constant 0 : i32
        %dma_wait3A_644 = arith.constant 0 : i32
        %dma_wait3A_645 = tpu.memref_slice %arg7[%run_scoped3A_621, %dma_wait3A_643, %dma_wait3A_644] : memref<8x128x64xf32, #tpu.memory_space<vmem>> -> memref<1x128x64xf32, #tpu.memory_space<vmem>>
        %dma_wait3A_646 = tpu.memref_squeeze %dma_wait3A_645 : memref<1x128x64xf32, #tpu.memory_space<vmem>> -> memref<128x64xf32, #tpu.memory_space<vmem>>
        tpu.wait_dma2 semaphore(%run_scoped3A_622 : memref<!tpu.dma_semaphore, #tpu.memory_space<semaphore_mem>>) src(%dma_wait3A_646 : memref<128x64xf32, #tpu.memory_space<vmem>>) dst(%dma_wait3A_642 : memref<128x64xf32, #tpu.memory_space<vmem_shared>>)
        tpu.yield
      }) : () -> ()
    } else {
    }
    %eq3A_76 = arith.constant 78 : i32
    %eq3A_77 = arith.cmpi eq, %add3A_67, %eq3A_76 : i32
    %convert_element_type3A_78 = arith.extui %eq3A_77 : i1 to i32
    %cond3A_79 = arith.constant 0 : i32
    %cond3A_80 = arith.cmpi ne, %convert_element_type3A_78, %cond3A_79 : i32
    scf.if %cond3A_80 {
      %run_scoped3A_621 = arith.constant 0 : i32
      "tpu.region"() ({
        %run_scoped3A_622 = tpu.sem_alloc : memref<!tpu.dma_semaphore, #tpu.memory_space<semaphore_mem>>
        %dma_start3A_623 = arith.constant 0 : i32
        %dma_start3A_624 = arith.constant 0 : i32
        %dma_start3A_625 = tpu.memref_slice %arg7[%run_scoped3A_621, %dma_start3A_623, %dma_start3A_624] : memref<8x128x64xf32, #tpu.memory_space<vmem>> -> memref<1x128x64xf32, #tpu.memory_space<vmem>>
        %dma_start3A_626 = tpu.memref_squeeze %dma_start3A_625 : memref<1x128x64xf32, #tpu.memory_space<vmem>> -> memref<128x64xf32, #tpu.memory_space<vmem>>
        %dma_start3A_627 = arith.constant 0 : i32
        %dma_start3A_628 = arith.constant 0 : i32
        %dma_start3A_629 = tpu.memref_slice %dma_start3A_626[%dma_start3A_627, %dma_start3A_628] : memref<128x64xf32, #tpu.memory_space<vmem>> -> memref<16x64xf32, #tpu.memory_space<vmem>>
        %dma_start3A_630 = arith.constant 9984 : i32
        %dma_start3A_631 = arith.constant 0 : i32
        %dma_start3A_632 = tpu.memref_slice %arg8[%dma_start3A_630, %dma_start3A_631] : memref<10000x64xf32, #tpu.memory_space<vmem_shared>> -> memref<16x64xf32, #tpu.memory_space<vmem_shared>>
        %dma_start3A_633 = arith.constant 9984 : i32
        %dma_start3A_634 = arith.constant 0 : i32
        %dma_start3A_635 = tpu.memref_slice %arg8[%dma_start3A_633, %dma_start3A_634] : memref<10000x64xf32, #tpu.memory_space<vmem_shared>> -> memref<16x64xf32, #tpu.memory_space<vmem_shared>>
        %dma_start3A_636 = arith.constant 0 : i32
        %dma_start3A_637 = arith.constant 0 : i32
        %dma_start3A_638 = tpu.memref_slice %arg7[%run_scoped3A_621, %dma_start3A_636, %dma_start3A_637] : memref<8x128x64xf32, #tpu.memory_space<vmem>> -> memref<1x128x64xf32, #tpu.memory_space<vmem>>
        %dma_start3A_639 = tpu.memref_squeeze %dma_start3A_638 : memref<1x128x64xf32, #tpu.memory_space<vmem>> -> memref<128x64xf32, #tpu.memory_space<vmem>>
        %dma_start3A_640 = arith.constant 0 : i32
        %dma_start3A_641 = arith.constant 0 : i32
        %dma_start3A_642 = tpu.memref_slice %dma_start3A_639[%dma_start3A_640, %dma_start3A_641] : memref<128x64xf32, #tpu.memory_space<vmem>> -> memref<16x64xf32, #tpu.memory_space<vmem>>
        tpu.enqueue_dma source(%dma_start3A_642 : memref<16x64xf32, #tpu.memory_space<vmem>>) target(%dma_start3A_635 : memref<16x64xf32, #tpu.memory_space<vmem_shared>>) target_semaphore(%run_scoped3A_622 : memref<!tpu.dma_semaphore, #tpu.memory_space<semaphore_mem>>)
        %dma_wait3A_643 = arith.constant 0 : i32
        %dma_wait3A_644 = arith.constant 0 : i32
        %dma_wait3A_645 = tpu.memref_slice %arg7[%run_scoped3A_621, %dma_wait3A_643, %dma_wait3A_644] : memref<8x128x64xf32, #tpu.memory_space<vmem>> -> memref<1x128x64xf32, #tpu.memory_space<vmem>>
        %dma_wait3A_646 = tpu.memref_squeeze %dma_wait3A_645 : memref<1x128x64xf32, #tpu.memory_space<vmem>> -> memref<128x64xf32, #tpu.memory_space<vmem>>
        %dma_wait3A_647 = arith.constant 0 : i32
        %dma_wait3A_648 = arith.constant 0 : i32
        %dma_wait3A_649 = tpu.memref_slice %dma_wait3A_646[%dma_wait3A_647, %dma_wait3A_648] : memref<128x64xf32, #tpu.memory_space<vmem>> -> memref<16x64xf32, #tpu.memory_space<vmem>>
        %dma_wait3A_650 = arith.constant 9984 : i32
        %dma_wait3A_651 = arith.constant 0 : i32
        %dma_wait3A_652 = tpu.memref_slice %arg8[%dma_wait3A_650, %dma_wait3A_651] : memref<10000x64xf32, #tpu.memory_space<vmem_shared>> -> memref<16x64xf32, #tpu.memory_space<vmem_shared>>
        %dma_wait3A_653 = arith.constant 9984 : i32
        %dma_wait3A_654 = arith.constant 0 : i32
        %dma_wait3A_655 = tpu.memref_slice %arg8[%dma_wait3A_653, %dma_wait3A_654] : memref<10000x64xf32, #tpu.memory_space<vmem_shared>> -> memref<16x64xf32, #tpu.memory_space<vmem_shared>>
        %dma_wait3A_656 = arith.constant 0 : i32
        %dma_wait3A_657 = arith.constant 0 : i32
        %dma_wait3A_658 = tpu.memref_slice %arg7[%run_scoped3A_621, %dma_wait3A_656, %dma_wait3A_657] : memref<8x128x64xf32, #tpu.memory_space<vmem>> -> memref<1x128x64xf32, #tpu.memory_space<vmem>>
        %dma_wait3A_659 = tpu.memref_squeeze %dma_wait3A_658 : memref<1x128x64xf32, #tpu.memory_space<vmem>> -> memref<128x64xf32, #tpu.memory_space<vmem>>
        %dma_wait3A_660 = arith.constant 0 : i32
        %dma_wait3A_661 = arith.constant 0 : i32
        %dma_wait3A_662 = tpu.memref_slice %dma_wait3A_659[%dma_wait3A_660, %dma_wait3A_661] : memref<128x64xf32, #tpu.memory_space<vmem>> -> memref<16x64xf32, #tpu.memory_space<vmem>>
        tpu.wait_dma2 semaphore(%run_scoped3A_622 : memref<!tpu.dma_semaphore, #tpu.memory_space<semaphore_mem>>) src(%dma_wait3A_662 : memref<16x64xf32, #tpu.memory_space<vmem>>) dst(%dma_wait3A_655 : memref<16x64xf32, #tpu.memory_space<vmem_shared>>)
        tpu.yield
      }) : () -> ()
    } else {
    }
    %add3A_81 = arith.constant 64 : i32
    %add3A_82 = arith.addi %arg1, %add3A_81 : i32
    %mul3A_83 = arith.constant 128 : i32
    %mul3A_84 = arith.muli %add3A_82, %mul3A_83 : i32
    %multiple_of3A_85 = tpu.assume_multiple %mul3A_84, 128 : i32
    %lt3A_86 = arith.constant 78 : i32
    %lt3A_87 = arith.cmpi slt, %add3A_82, %lt3A_86 : i32
    %convert_element_type3A_88 = arith.extui %lt3A_87 : i1 to i32
    %cond3A_89 = arith.constant 0 : i32
    %cond3A_90 = arith.cmpi ne, %convert_element_type3A_88, %cond3A_89 : i32
    scf.if %cond3A_90 {
      %run_scoped3A_621 = arith.constant 0 : i32
      "tpu.region"() ({
        %run_scoped3A_622 = tpu.sem_alloc : memref<!tpu.dma_semaphore, #tpu.memory_space<semaphore_mem>>
        %dma_start3A_623 = arith.constant 0 : i32
        %dma_start3A_624 = arith.constant 0 : i32
        %dma_start3A_625 = tpu.memref_slice %arg7[%run_scoped3A_621, %dma_start3A_623, %dma_start3A_624] : memref<8x128x64xf32, #tpu.memory_space<vmem>> -> memref<1x128x64xf32, #tpu.memory_space<vmem>>
        %dma_start3A_626 = tpu.memref_squeeze %dma_start3A_625 : memref<1x128x64xf32, #tpu.memory_space<vmem>> -> memref<128x64xf32, #tpu.memory_space<vmem>>
        %dma_start3A_627 = arith.constant 0 : i32
        %dma_start3A_628 = tpu.memref_slice %arg8[%multiple_of3A_85, %dma_start3A_627] : memref<10000x64xf32, #tpu.memory_space<vmem_shared>> -> memref<128x64xf32, #tpu.memory_space<vmem_shared>>
        %dma_start3A_629 = arith.constant 0 : i32
        %dma_start3A_630 = tpu.memref_slice %arg8[%multiple_of3A_85, %dma_start3A_629] : memref<10000x64xf32, #tpu.memory_space<vmem_shared>> -> memref<128x64xf32, #tpu.memory_space<vmem_shared>>
        %dma_start3A_631 = arith.constant 0 : i32
        %dma_start3A_632 = arith.constant 0 : i32
        %dma_start3A_633 = tpu.memref_slice %arg7[%run_scoped3A_621, %dma_start3A_631, %dma_start3A_632] : memref<8x128x64xf32, #tpu.memory_space<vmem>> -> memref<1x128x64xf32, #tpu.memory_space<vmem>>
        %dma_start3A_634 = tpu.memref_squeeze %dma_start3A_633 : memref<1x128x64xf32, #tpu.memory_space<vmem>> -> memref<128x64xf32, #tpu.memory_space<vmem>>
        tpu.enqueue_dma source(%dma_start3A_634 : memref<128x64xf32, #tpu.memory_space<vmem>>) target(%dma_start3A_630 : memref<128x64xf32, #tpu.memory_space<vmem_shared>>) target_semaphore(%run_scoped3A_622 : memref<!tpu.dma_semaphore, #tpu.memory_space<semaphore_mem>>)
        %dma_wait3A_635 = arith.constant 0 : i32
        %dma_wait3A_636 = arith.constant 0 : i32
        %dma_wait3A_637 = tpu.memref_slice %arg7[%run_scoped3A_621, %dma_wait3A_635, %dma_wait3A_636] : memref<8x128x64xf32, #tpu.memory_space<vmem>> -> memref<1x128x64xf32, #tpu.memory_space<vmem>>
        %dma_wait3A_638 = tpu.memref_squeeze %dma_wait3A_637 : memref<1x128x64xf32, #tpu.memory_space<vmem>> -> memref<128x64xf32, #tpu.memory_space<vmem>>
        %dma_wait3A_639 = arith.constant 0 : i32
        %dma_wait3A_640 = tpu.memref_slice %arg8[%multiple_of3A_85, %dma_wait3A_639] : memref<10000x64xf32, #tpu.memory_space<vmem_shared>> -> memref<128x64xf32, #tpu.memory_space<vmem_shared>>
        %dma_wait3A_641 = arith.constant 0 : i32
        %dma_wait3A_642 = tpu.memref_slice %arg8[%multiple_of3A_85, %dma_wait3A_641] : memref<10000x64xf32, #tpu.memory_space<vmem_shared>> -> memref<128x64xf32, #tpu.memory_space<vmem_shared>>
        %dma_wait3A_643 = arith.constant 0 : i32
        %dma_wait3A_644 = arith.constant 0 : i32
        %dma_wait3A_645 = tpu.memref_slice %arg7[%run_scoped3A_621, %dma_wait3A_643, %dma_wait3A_644] : memref<8x128x64xf32, #tpu.memory_space<vmem>> -> memref<1x128x64xf32, #tpu.memory_space<vmem>>
        %dma_wait3A_646 = tpu.memref_squeeze %dma_wait3A_645 : memref<1x128x64xf32, #tpu.memory_space<vmem>> -> memref<128x64xf32, #tpu.memory_space<vmem>>
        tpu.wait_dma2 semaphore(%run_scoped3A_622 : memref<!tpu.dma_semaphore, #tpu.memory_space<semaphore_mem>>) src(%dma_wait3A_646 : memref<128x64xf32, #tpu.memory_space<vmem>>) dst(%dma_wait3A_642 : memref<128x64xf32, #tpu.memory_space<vmem_shared>>)
        tpu.yield
      }) : () -> ()
    } else {
    }
    %eq3A_91 = arith.constant 78 : i32
    %eq3A_92 = arith.cmpi eq, %add3A_82, %eq3A_91 : i32
    %convert_element_type3A_93 = arith.extui %eq3A_92 : i1 to i32
    %cond3A_94 = arith.constant 0 : i32
    %cond3A_95 = arith.cmpi ne, %convert_element_type3A_93, %cond3A_94 : i32
    scf.if %cond3A_95 {
      %run_scoped3A_621 = arith.constant 0 : i32
      "tpu.region"() ({
        %run_scoped3A_622 = tpu.sem_alloc : memref<!tpu.dma_semaphore, #tpu.memory_space<semaphore_mem>>
        %dma_start3A_623 = arith.constant 0 : i32
        %dma_start3A_624 = arith.constant 0 : i32
        %dma_start3A_625 = tpu.memref_slice %arg7[%run_scoped3A_621, %dma_start3A_623, %dma_start3A_624] : memref<8x128x64xf32, #tpu.memory_space<vmem>> -> memref<1x128x64xf32, #tpu.memory_space<vmem>>
        %dma_start3A_626 = tpu.memref_squeeze %dma_start3A_625 : memref<1x128x64xf32, #tpu.memory_space<vmem>> -> memref<128x64xf32, #tpu.memory_space<vmem>>
        %dma_start3A_627 = arith.constant 0 : i32
        %dma_start3A_628 = arith.constant 0 : i32
        %dma_start3A_629 = tpu.memref_slice %dma_start3A_626[%dma_start3A_627, %dma_start3A_628] : memref<128x64xf32, #tpu.memory_space<vmem>> -> memref<16x64xf32, #tpu.memory_space<vmem>>
        %dma_start3A_630 = arith.constant 9984 : i32
        %dma_start3A_631 = arith.constant 0 : i32
        %dma_start3A_632 = tpu.memref_slice %arg8[%dma_start3A_630, %dma_start3A_631] : memref<10000x64xf32, #tpu.memory_space<vmem_shared>> -> memref<16x64xf32, #tpu.memory_space<vmem_shared>>
        %dma_start3A_633 = arith.constant 9984 : i32
        %dma_start3A_634 = arith.constant 0 : i32
        %dma_start3A_635 = tpu.memref_slice %arg8[%dma_start3A_633, %dma_start3A_634] : memref<10000x64xf32, #tpu.memory_space<vmem_shared>> -> memref<16x64xf32, #tpu.memory_space<vmem_shared>>
        %dma_start3A_636 = arith.constant 0 : i32
        %dma_start3A_637 = arith.constant 0 : i32
        %dma_start3A_638 = tpu.memref_slice %arg7[%run_scoped3A_621, %dma_start3A_636, %dma_start3A_637] : memref<8x128x64xf32, #tpu.memory_space<vmem>> -> memref<1x128x64xf32, #tpu.memory_space<vmem>>
        %dma_start3A_639 = tpu.memref_squeeze %dma_start3A_638 : memref<1x128x64xf32, #tpu.memory_space<vmem>> -> memref<128x64xf32, #tpu.memory_space<vmem>>
        %dma_start3A_640 = arith.constant 0 : i32
        %dma_start3A_641 = arith.constant 0 : i32
        %dma_start3A_642 = tpu.memref_slice %dma_start3A_639[%dma_start3A_640, %dma_start3A_641] : memref<128x64xf32, #tpu.memory_space<vmem>> -> memref<16x64xf32, #tpu.memory_space<vmem>>
        tpu.enqueue_dma source(%dma_start3A_642 : memref<16x64xf32, #tpu.memory_space<vmem>>) target(%dma_start3A_635 : memref<16x64xf32, #tpu.memory_space<vmem_shared>>) target_semaphore(%run_scoped3A_622 : memref<!tpu.dma_semaphore, #tpu.memory_space<semaphore_mem>>)
        %dma_wait3A_643 = arith.constant 0 : i32
        %dma_wait3A_644 = arith.constant 0 : i32
        %dma_wait3A_645 = tpu.memref_slice %arg7[%run_scoped3A_621, %dma_wait3A_643, %dma_wait3A_644] : memref<8x128x64xf32, #tpu.memory_space<vmem>> -> memref<1x128x64xf32, #tpu.memory_space<vmem>>
        %dma_wait3A_646 = tpu.memref_squeeze %dma_wait3A_645 : memref<1x128x64xf32, #tpu.memory_space<vmem>> -> memref<128x64xf32, #tpu.memory_space<vmem>>
        %dma_wait3A_647 = arith.constant 0 : i32
        %dma_wait3A_648 = arith.constant 0 : i32
        %dma_wait3A_649 = tpu.memref_slice %dma_wait3A_646[%dma_wait3A_647, %dma_wait3A_648] : memref<128x64xf32, #tpu.memory_space<vmem>> -> memref<16x64xf32, #tpu.memory_space<vmem>>
        %dma_wait3A_650 = arith.constant 9984 : i32
        %dma_wait3A_651 = arith.constant 0 : i32
        %dma_wait3A_652 = tpu.memref_slice %arg8[%dma_wait3A_650, %dma_wait3A_651] : memref<10000x64xf32, #tpu.memory_space<vmem_shared>> -> memref<16x64xf32, #tpu.memory_space<vmem_shared>>
        %dma_wait3A_653 = arith.constant 9984 : i32
        %dma_wait3A_654 = arith.constant 0 : i32
        %dma_wait3A_655 = tpu.memref_slice %arg8[%dma_wait3A_653, %dma_wait3A_654] : memref<10000x64xf32, #tpu.memory_space<vmem_shared>> -> memref<16x64xf32, #tpu.memory_space<vmem_shared>>
        %dma_wait3A_656 = arith.constant 0 : i32
        %dma_wait3A_657 = arith.constant 0 : i32
        %dma_wait3A_658 = tpu.memref_slice %arg7[%run_scoped3A_621, %dma_wait3A_656, %dma_wait3A_657] : memref<8x128x64xf32, #tpu.memory_space<vmem>> -> memref<1x128x64xf32, #tpu.memory_space<vmem>>
        %dma_wait3A_659 = tpu.memref_squeeze %dma_wait3A_658 : memref<1x128x64xf32, #tpu.memory_space<vmem>> -> memref<128x64xf32, #tpu.memory_space<vmem>>
        %dma_wait3A_660 = arith.constant 0 : i32
        %dma_wait3A_661 = arith.constant 0 : i32
        %dma_wait3A_662 = tpu.memref_slice %dma_wait3A_659[%dma_wait3A_660, %dma_wait3A_661] : memref<128x64xf32, #tpu.memory_space<vmem>> -> memref<16x64xf32, #tpu.memory_space<vmem>>
        tpu.wait_dma2 semaphore(%run_scoped3A_622 : memref<!tpu.dma_semaphore, #tpu.memory_space<semaphore_mem>>) src(%dma_wait3A_662 : memref<16x64xf32, #tpu.memory_space<vmem>>) dst(%dma_wait3A_655 : memref<16x64xf32, #tpu.memory_space<vmem_shared>>)
        tpu.yield
      }) : () -> ()
    } else {
    }
    %dma_wait3A = arith.constant 0 : i32
    %dma_wait3A_96 = arith.constant 0 : i32
    %dma_wait3A_97 = tpu.memref_slice %arg3[%dma_wait3A, %dma_wait3A_96] : memref<2x320000xi32, #tpu.memory_space<hbm>> -> memref<1x320000xi32, #tpu.memory_space<hbm>>
    %dma_wait3A_98 = tpu.memref_squeeze %dma_wait3A_97 : memref<1x320000xi32, #tpu.memory_space<hbm>> -> memref<320000xi32, #tpu.memory_space<hbm>>
    %dma_wait3A_99 = tpu.memref_slice %dma_wait3A_98[%mul3A_3] : memref<320000xi32, #tpu.memory_space<hbm>> -> memref<10000xi32, #tpu.memory_space<hbm>>
    %dma_wait3A_100 = arith.constant 0 : i32
    %dma_wait3A_101 = tpu.memref_slice %arg3[%dma_wait3A, %dma_wait3A_100] : memref<2x320000xi32, #tpu.memory_space<hbm>> -> memref<1x320000xi32, #tpu.memory_space<hbm>>
    %dma_wait3A_102 = tpu.memref_squeeze %dma_wait3A_101 : memref<1x320000xi32, #tpu.memory_space<hbm>> -> memref<320000xi32, #tpu.memory_space<hbm>>
    %dma_wait3A_103 = tpu.memref_slice %dma_wait3A_102[%mul3A_3] : memref<320000xi32, #tpu.memory_space<hbm>> -> memref<10000xi32, #tpu.memory_space<hbm>>
    tpu.wait_dma2 semaphore(%arg9 : memref<!tpu.dma_semaphore, #tpu.memory_space<semaphore_mem>>) src(%dma_wait3A_103 : memref<10000xi32, #tpu.memory_space<hbm>>) dst(%arg5 : memref<10000xi32, #tpu.memory_space<vmem>>)
    %dma_wait3A_104 = arith.constant 1 : i32
    %dma_wait3A_105 = arith.constant 0 : i32
    %dma_wait3A_106 = tpu.memref_slice %arg3[%dma_wait3A_104, %dma_wait3A_105] : memref<2x320000xi32, #tpu.memory_space<hbm>> -> memref<1x320000xi32, #tpu.memory_space<hbm>>
    %dma_wait3A_107 = tpu.memref_squeeze %dma_wait3A_106 : memref<1x320000xi32, #tpu.memory_space<hbm>> -> memref<320000xi32, #tpu.memory_space<hbm>>
    %dma_wait3A_108 = tpu.memref_slice %dma_wait3A_107[%mul3A_3] : memref<320000xi32, #tpu.memory_space<hbm>> -> memref<10000xi32, #tpu.memory_space<hbm>>
    %dma_wait3A_109 = arith.constant 0 : i32
    %dma_wait3A_110 = tpu.memref_slice %arg3[%dma_wait3A_104, %dma_wait3A_109] : memref<2x320000xi32, #tpu.memory_space<hbm>> -> memref<1x320000xi32, #tpu.memory_space<hbm>>
    %dma_wait3A_111 = tpu.memref_squeeze %dma_wait3A_110 : memref<1x320000xi32, #tpu.memory_space<hbm>> -> memref<320000xi32, #tpu.memory_space<hbm>>
    %dma_wait3A_112 = tpu.memref_slice %dma_wait3A_111[%mul3A_3] : memref<320000xi32, #tpu.memory_space<hbm>> -> memref<10000xi32, #tpu.memory_space<hbm>>
    tpu.wait_dma2 semaphore(%arg9 : memref<!tpu.dma_semaphore, #tpu.memory_space<semaphore_mem>>) src(%dma_wait3A_112 : memref<10000xi32, #tpu.memory_space<hbm>>) dst(%arg6 : memref<10000xi32, #tpu.memory_space<vmem>>)
    %barrier3A = arith.constant 0 : index
    tpu.barrier barrier_id(%barrier3A)
    %dma_start3A_113 = arith.constant 0 : i32
    %dma_start3A_114 = arith.constant 0 : i32
    %dma_start3A_115 = arith.constant 0 : i32
    %dma_start3A_116 = tpu.memref_slice %arg7[%dma_start3A_113, %dma_start3A_114, %dma_start3A_115] : memref<8x128x64xf32, #tpu.memory_space<vmem>> -> memref<1x128x64xf32, #tpu.memory_space<vmem>>
    %dma_start3A_117 = tpu.memref_squeeze %dma_start3A_116 : memref<1x128x64xf32, #tpu.memory_space<vmem>> -> memref<128x64xf32, #tpu.memory_space<vmem>>
    %dma_start3A_118 = arith.constant 0 : i32
    %dma_start3A_119 = tpu.memref_slice %arg5[%dma_start3A_118] : memref<10000xi32, #tpu.memory_space<vmem>> -> memref<128xi32, #tpu.memory_space<vmem>>
    %dma_start3A_120 = arith.constant 0 : i32
    %dma_start3A_121 = arith.constant 0 : i32
    %dma_start3A_122 = tpu.memref_slice %arg2[%dma_start3A_120, %dma_start3A_121] : memref<10000x64xf32, #tpu.memory_space<hbm>> -> memref<10000x64xf32, #tpu.memory_space<hbm>>
    tpu.enqueue_indirect_dma source(%dma_start3A_122 : memref<10000x64xf32, #tpu.memory_space<hbm>>) target(%dma_start3A_117 : memref<128x64xf32, #tpu.memory_space<vmem>>) offsets(%dma_start3A_119 : memref<128xi32, #tpu.memory_space<vmem>>) semaphore(%arg9 : memref<!tpu.dma_semaphore, #tpu.memory_space<semaphore_mem>>)
    %dma_start3A_123 = arith.constant 1 : i32
    %dma_start3A_124 = arith.constant 0 : i32
    %dma_start3A_125 = arith.constant 0 : i32
    %dma_start3A_126 = tpu.memref_slice %arg7[%dma_start3A_123, %dma_start3A_124, %dma_start3A_125] : memref<8x128x64xf32, #tpu.memory_space<vmem>> -> memref<1x128x64xf32, #tpu.memory_space<vmem>>
    %dma_start3A_127 = tpu.memref_squeeze %dma_start3A_126 : memref<1x128x64xf32, #tpu.memory_space<vmem>> -> memref<128x64xf32, #tpu.memory_space<vmem>>
    %dma_start3A_128 = arith.constant 128 : i32
    %dma_start3A_129 = tpu.memref_slice %arg5[%dma_start3A_128] : memref<10000xi32, #tpu.memory_space<vmem>> -> memref<128xi32, #tpu.memory_space<vmem>>
    %dma_start3A_130 = arith.constant 0 : i32
    %dma_start3A_131 = arith.constant 0 : i32
    %dma_start3A_132 = tpu.memref_slice %arg2[%dma_start3A_130, %dma_start3A_131] : memref<10000x64xf32, #tpu.memory_space<hbm>> -> memref<10000x64xf32, #tpu.memory_space<hbm>>
    tpu.enqueue_indirect_dma source(%dma_start3A_132 : memref<10000x64xf32, #tpu.memory_space<hbm>>) target(%dma_start3A_127 : memref<128x64xf32, #tpu.memory_space<vmem>>) offsets(%dma_start3A_129 : memref<128xi32, #tpu.memory_space<vmem>>) semaphore(%arg9 : memref<!tpu.dma_semaphore, #tpu.memory_space<semaphore_mem>>)
    %dma_start3A_133 = arith.constant 2 : i32
    %dma_start3A_134 = arith.constant 0 : i32
    %dma_start3A_135 = arith.constant 0 : i32
    %dma_start3A_136 = tpu.memref_slice %arg7[%dma_start3A_133, %dma_start3A_134, %dma_start3A_135] : memref<8x128x64xf32, #tpu.memory_space<vmem>> -> memref<1x128x64xf32, #tpu.memory_space<vmem>>
    %dma_start3A_137 = tpu.memref_squeeze %dma_start3A_136 : memref<1x128x64xf32, #tpu.memory_space<vmem>> -> memref<128x64xf32, #tpu.memory_space<vmem>>
    %dma_start3A_138 = arith.constant 256 : i32
    %dma_start3A_139 = tpu.memref_slice %arg5[%dma_start3A_138] : memref<10000xi32, #tpu.memory_space<vmem>> -> memref<128xi32, #tpu.memory_space<vmem>>
    %dma_start3A_140 = arith.constant 0 : i32
    %dma_start3A_141 = arith.constant 0 : i32
    %dma_start3A_142 = tpu.memref_slice %arg2[%dma_start3A_140, %dma_start3A_141] : memref<10000x64xf32, #tpu.memory_space<hbm>> -> memref<10000x64xf32, #tpu.memory_space<hbm>>
    tpu.enqueue_indirect_dma source(%dma_start3A_142 : memref<10000x64xf32, #tpu.memory_space<hbm>>) target(%dma_start3A_137 : memref<128x64xf32, #tpu.memory_space<vmem>>) offsets(%dma_start3A_139 : memref<128xi32, #tpu.memory_space<vmem>>) semaphore(%arg9 : memref<!tpu.dma_semaphore, #tpu.memory_space<semaphore_mem>>)
    %dma_start3A_143 = arith.constant 3 : i32
    %dma_start3A_144 = arith.constant 0 : i32
    %dma_start3A_145 = arith.constant 0 : i32
    %dma_start3A_146 = tpu.memref_slice %arg7[%dma_start3A_143, %dma_start3A_144, %dma_start3A_145] : memref<8x128x64xf32, #tpu.memory_space<vmem>> -> memref<1x128x64xf32, #tpu.memory_space<vmem>>
    %dma_start3A_147 = tpu.memref_squeeze %dma_start3A_146 : memref<1x128x64xf32, #tpu.memory_space<vmem>> -> memref<128x64xf32, #tpu.memory_space<vmem>>
    %dma_start3A_148 = arith.constant 384 : i32
    %dma_start3A_149 = tpu.memref_slice %arg5[%dma_start3A_148] : memref<10000xi32, #tpu.memory_space<vmem>> -> memref<128xi32, #tpu.memory_space<vmem>>
    %dma_start3A_150 = arith.constant 0 : i32
    %dma_start3A_151 = arith.constant 0 : i32
    %dma_start3A_152 = tpu.memref_slice %arg2[%dma_start3A_150, %dma_start3A_151] : memref<10000x64xf32, #tpu.memory_space<hbm>> -> memref<10000x64xf32, #tpu.memory_space<hbm>>
    tpu.enqueue_indirect_dma source(%dma_start3A_152 : memref<10000x64xf32, #tpu.memory_space<hbm>>) target(%dma_start3A_147 : memref<128x64xf32, #tpu.memory_space<vmem>>) offsets(%dma_start3A_149 : memref<128xi32, #tpu.memory_space<vmem>>) semaphore(%arg9 : memref<!tpu.dma_semaphore, #tpu.memory_space<semaphore_mem>>)
    %scan3A_153 = arith.constant 0 : i32
    %scan3A_154 = arith.constant 0 : i32
    %scan3A_155 = arith.constant 9 : i32
    %scan3A_156 = arith.addi %scan3A_154, %scan3A_155 : i32
    %scan3A_157 = arith.constant 1 : i32
    scf.for %scan3A_621 = %scan3A_154 to %scan3A_156 step %scan3A_157  : i32 {
      %mul3A_622 = arith.constant 2 : i32
      %mul3A_623 = arith.muli %mul3A_622, %scan3A_621 : i32
      %dma_wait3A_624 = arith.constant 0 : i32
      %dma_wait3A_625 = arith.constant 0 : i32
      %dma_wait3A_626 = arith.constant 0 : i32
      %dma_wait3A_627 = tpu.memref_slice %arg7[%dma_wait3A_624, %dma_wait3A_625, %dma_wait3A_626] : memref<8x128x64xf32, #tpu.memory_space<vmem>> -> memref<1x128x64xf32, #tpu.memory_space<vmem>>
      %dma_wait3A_628 = tpu.memref_squeeze %dma_wait3A_627 : memref<1x128x64xf32, #tpu.memory_space<vmem>> -> memref<128x64xf32, #tpu.memory_space<vmem>>
      %dma_wait3A_629 = arith.constant 0 : i32
      %dma_wait3A_630 = arith.constant 0 : i32
      %dma_wait3A_631 = tpu.memref_slice %arg2[%dma_wait3A_629, %dma_wait3A_630] : memref<10000x64xf32, #tpu.memory_space<hbm>> -> memref<128x64xf32, #tpu.memory_space<hbm>>
      %dma_wait3A_632 = arith.constant 0 : i32
      %dma_wait3A_633 = arith.constant 0 : i32
      %dma_wait3A_634 = tpu.memref_slice %arg7[%dma_wait3A_624, %dma_wait3A_632, %dma_wait3A_633] : memref<8x128x64xf32, #tpu.memory_space<vmem>> -> memref<1x128x64xf32, #tpu.memory_space<vmem>>
      %dma_wait3A_635 = tpu.memref_squeeze %dma_wait3A_634 : memref<1x128x64xf32, #tpu.memory_space<vmem>> -> memref<128x64xf32, #tpu.memory_space<vmem>>
      %dma_wait3A_636 = arith.constant 0 : i32
      %dma_wait3A_637 = arith.constant 0 : i32
      %dma_wait3A_638 = tpu.memref_slice %arg2[%dma_wait3A_636, %dma_wait3A_637] : memref<10000x64xf32, #tpu.memory_space<hbm>> -> memref<128x64xf32, #tpu.memory_space<hbm>>
      tpu.wait_dma2 semaphore(%arg9 : memref<!tpu.dma_semaphore, #tpu.memory_space<semaphore_mem>>) src(%dma_wait3A_638 : memref<128x64xf32, #tpu.memory_space<hbm>>) dst(%dma_wait3A_635 : memref<128x64xf32, #tpu.memory_space<vmem>>)
      %dma_wait3A_639 = arith.constant 1 : i32
      %dma_wait3A_640 = arith.constant 0 : i32
      %dma_wait3A_641 = arith.constant 0 : i32
      %dma_wait3A_642 = tpu.memref_slice %arg7[%dma_wait3A_639, %dma_wait3A_640, %dma_wait3A_641] : memref<8x128x64xf32, #tpu.memory_space<vmem>> -> memref<1x128x64xf32, #tpu.memory_space<vmem>>
      %dma_wait3A_643 = tpu.memref_squeeze %dma_wait3A_642 : memref<1x128x64xf32, #tpu.memory_space<vmem>> -> memref<128x64xf32, #tpu.memory_space<vmem>>
      %dma_wait3A_644 = arith.constant 0 : i32
      %dma_wait3A_645 = arith.constant 0 : i32
      %dma_wait3A_646 = tpu.memref_slice %arg2[%dma_wait3A_644, %dma_wait3A_645] : memref<10000x64xf32, #tpu.memory_space<hbm>> -> memref<128x64xf32, #tpu.memory_space<hbm>>
      %dma_wait3A_647 = arith.constant 0 : i32
      %dma_wait3A_648 = arith.constant 0 : i32
      %dma_wait3A_649 = tpu.memref_slice %arg7[%dma_wait3A_639, %dma_wait3A_647, %dma_wait3A_648] : memref<8x128x64xf32, #tpu.memory_space<vmem>> -> memref<1x128x64xf32, #tpu.memory_space<vmem>>
      %dma_wait3A_650 = tpu.memref_squeeze %dma_wait3A_649 : memref<1x128x64xf32, #tpu.memory_space<vmem>> -> memref<128x64xf32, #tpu.memory_space<vmem>>
      %dma_wait3A_651 = arith.constant 0 : i32
      %dma_wait3A_652 = arith.constant 0 : i32
      %dma_wait3A_653 = tpu.memref_slice %arg2[%dma_wait3A_651, %dma_wait3A_652] : memref<10000x64xf32, #tpu.memory_space<hbm>> -> memref<128x64xf32, #tpu.memory_space<hbm>>
      tpu.wait_dma2 semaphore(%arg9 : memref<!tpu.dma_semaphore, #tpu.memory_space<semaphore_mem>>) src(%dma_wait3A_653 : memref<128x64xf32, #tpu.memory_space<hbm>>) dst(%dma_wait3A_650 : memref<128x64xf32, #tpu.memory_space<vmem>>)
      %dma_wait3A_654 = arith.constant 2 : i32
      %dma_wait3A_655 = arith.constant 0 : i32
      %dma_wait3A_656 = arith.constant 0 : i32
      %dma_wait3A_657 = tpu.memref_slice %arg7[%dma_wait3A_654, %dma_wait3A_655, %dma_wait3A_656] : memref<8x128x64xf32, #tpu.memory_space<vmem>> -> memref<1x128x64xf32, #tpu.memory_space<vmem>>
      %dma_wait3A_658 = tpu.memref_squeeze %dma_wait3A_657 : memref<1x128x64xf32, #tpu.memory_space<vmem>> -> memref<128x64xf32, #tpu.memory_space<vmem>>
      %dma_wait3A_659 = arith.constant 0 : i32
      %dma_wait3A_660 = arith.constant 0 : i32
      %dma_wait3A_661 = tpu.memref_slice %arg2[%dma_wait3A_659, %dma_wait3A_660] : memref<10000x64xf32, #tpu.memory_space<hbm>> -> memref<128x64xf32, #tpu.memory_space<hbm>>
      %dma_wait3A_662 = arith.constant 0 : i32
      %dma_wait3A_663 = arith.constant 0 : i32
      %dma_wait3A_664 = tpu.memref_slice %arg7[%dma_wait3A_654, %dma_wait3A_662, %dma_wait3A_663] : memref<8x128x64xf32, #tpu.memory_space<vmem>> -> memref<1x128x64xf32, #tpu.memory_space<vmem>>
      %dma_wait3A_665 = tpu.memref_squeeze %dma_wait3A_664 : memref<1x128x64xf32, #tpu.memory_space<vmem>> -> memref<128x64xf32, #tpu.memory_space<vmem>>
      %dma_wait3A_666 = arith.constant 0 : i32
      %dma_wait3A_667 = arith.constant 0 : i32
      %dma_wait3A_668 = tpu.memref_slice %arg2[%dma_wait3A_666, %dma_wait3A_667] : memref<10000x64xf32, #tpu.memory_space<hbm>> -> memref<128x64xf32, #tpu.memory_space<hbm>>
      tpu.wait_dma2 semaphore(%arg9 : memref<!tpu.dma_semaphore, #tpu.memory_space<semaphore_mem>>) src(%dma_wait3A_668 : memref<128x64xf32, #tpu.memory_space<hbm>>) dst(%dma_wait3A_665 : memref<128x64xf32, #tpu.memory_space<vmem>>)
      %dma_wait3A_669 = arith.constant 3 : i32
      %dma_wait3A_670 = arith.constant 0 : i32
      %dma_wait3A_671 = arith.constant 0 : i32
      %dma_wait3A_672 = tpu.memref_slice %arg7[%dma_wait3A_669, %dma_wait3A_670, %dma_wait3A_671] : memref<8x128x64xf32, #tpu.memory_space<vmem>> -> memref<1x128x64xf32, #tpu.memory_space<vmem>>
      %dma_wait3A_673 = tpu.memref_squeeze %dma_wait3A_672 : memref<1x128x64xf32, #tpu.memory_space<vmem>> -> memref<128x64xf32, #tpu.memory_space<vmem>>
      %dma_wait3A_674 = arith.constant 0 : i32
      %dma_wait3A_675 = arith.constant 0 : i32
      %dma_wait3A_676 = tpu.memref_slice %arg2[%dma_wait3A_674, %dma_wait3A_675] : memref<10000x64xf32, #tpu.memory_space<hbm>> -> memref<128x64xf32, #tpu.memory_space<hbm>>
      %dma_wait3A_677 = arith.constant 0 : i32
      %dma_wait3A_678 = arith.constant 0 : i32
      %dma_wait3A_679 = tpu.memref_slice %arg7[%dma_wait3A_669, %dma_wait3A_677, %dma_wait3A_678] : memref<8x128x64xf32, #tpu.memory_space<vmem>> -> memref<1x128x64xf32, #tpu.memory_space<vmem>>
      %dma_wait3A_680 = tpu.memref_squeeze %dma_wait3A_679 : memref<1x128x64xf32, #tpu.memory_space<vmem>> -> memref<128x64xf32, #tpu.memory_space<vmem>>
      %dma_wait3A_681 = arith.constant 0 : i32
      %dma_wait3A_682 = arith.constant 0 : i32
      %dma_wait3A_683 = tpu.memref_slice %arg2[%dma_wait3A_681, %dma_wait3A_682] : memref<10000x64xf32, #tpu.memory_space<hbm>> -> memref<128x64xf32, #tpu.memory_space<hbm>>
      tpu.wait_dma2 semaphore(%arg9 : memref<!tpu.dma_semaphore, #tpu.memory_space<semaphore_mem>>) src(%dma_wait3A_683 : memref<128x64xf32, #tpu.memory_space<hbm>>) dst(%dma_wait3A_680 : memref<128x64xf32, #tpu.memory_space<vmem>>)
      %mul3A_684 = arith.constant 512 : i32
      %mul3A_685 = arith.muli %mul3A_623, %mul3A_684 : i32
      %add3A_686 = arith.constant 0 : i32
      %add3A_687 = arith.addi %mul3A_685, %add3A_686 : i32
      %dma_start3A_688 = arith.constant 0 : i32
      %dma_start3A_689 = arith.constant 0 : i32
      %dma_start3A_690 = arith.constant 0 : i32
      %dma_start3A_691 = tpu.memref_slice %arg7[%dma_start3A_688, %dma_start3A_689, %dma_start3A_690] : memref<8x128x64xf32, #tpu.memory_space<vmem>> -> memref<1x128x64xf32, #tpu.memory_space<vmem>>
      %dma_start3A_692 = tpu.memref_squeeze %dma_start3A_691 : memref<1x128x64xf32, #tpu.memory_space<vmem>> -> memref<128x64xf32, #tpu.memory_space<vmem>>
      %dma_start3A_693 = tpu.memref_slice %arg6[%add3A_687] : memref<10000xi32, #tpu.memory_space<vmem>> -> memref<128xi32, #tpu.memory_space<vmem>>
      %dma_start3A_694 = arith.constant 0 : i32
      %dma_start3A_695 = arith.constant 0 : i32
      %dma_start3A_696 = tpu.memref_slice %arg8[%dma_start3A_694, %dma_start3A_695] : memref<10000x64xf32, #tpu.memory_space<vmem_shared>> -> memref<10000x64xf32, #tpu.memory_space<vmem_shared>>
      tpu.enqueue_indirect_dma source(%dma_start3A_692 : memref<128x64xf32, #tpu.memory_space<vmem>>) target(%dma_start3A_696 : memref<10000x64xf32, #tpu.memory_space<vmem_shared>>) offsets(%dma_start3A_693 : memref<128xi32, #tpu.memory_space<vmem>>) semaphore(%arg10 : memref<!tpu.dma_semaphore, #tpu.memory_space<semaphore_mem>>) {add = true}
      %add3A_697 = arith.constant 128 : i32
      %add3A_698 = arith.addi %mul3A_685, %add3A_697 : i32
      %dma_start3A_699 = arith.constant 1 : i32
      %dma_start3A_700 = arith.constant 0 : i32
      %dma_start3A_701 = arith.constant 0 : i32
      %dma_start3A_702 = tpu.memref_slice %arg7[%dma_start3A_699, %dma_start3A_700, %dma_start3A_701] : memref<8x128x64xf32, #tpu.memory_space<vmem>> -> memref<1x128x64xf32, #tpu.memory_space<vmem>>
      %dma_start3A_703 = tpu.memref_squeeze %dma_start3A_702 : memref<1x128x64xf32, #tpu.memory_space<vmem>> -> memref<128x64xf32, #tpu.memory_space<vmem>>
      %dma_start3A_704 = tpu.memref_slice %arg6[%add3A_698] : memref<10000xi32, #tpu.memory_space<vmem>> -> memref<128xi32, #tpu.memory_space<vmem>>
      %dma_start3A_705 = arith.constant 0 : i32
      %dma_start3A_706 = arith.constant 0 : i32
      %dma_start3A_707 = tpu.memref_slice %arg8[%dma_start3A_705, %dma_start3A_706] : memref<10000x64xf32, #tpu.memory_space<vmem_shared>> -> memref<10000x64xf32, #tpu.memory_space<vmem_shared>>
      tpu.enqueue_indirect_dma source(%dma_start3A_703 : memref<128x64xf32, #tpu.memory_space<vmem>>) target(%dma_start3A_707 : memref<10000x64xf32, #tpu.memory_space<vmem_shared>>) offsets(%dma_start3A_704 : memref<128xi32, #tpu.memory_space<vmem>>) semaphore(%arg10 : memref<!tpu.dma_semaphore, #tpu.memory_space<semaphore_mem>>) {add = true}
      %add3A_708 = arith.constant 256 : i32
      %add3A_709 = arith.addi %mul3A_685, %add3A_708 : i32
      %dma_start3A_710 = arith.constant 2 : i32
      %dma_start3A_711 = arith.constant 0 : i32
      %dma_start3A_712 = arith.constant 0 : i32
      %dma_start3A_713 = tpu.memref_slice %arg7[%dma_start3A_710, %dma_start3A_711, %dma_start3A_712] : memref<8x128x64xf32, #tpu.memory_space<vmem>> -> memref<1x128x64xf32, #tpu.memory_space<vmem>>
      %dma_start3A_714 = tpu.memref_squeeze %dma_start3A_713 : memref<1x128x64xf32, #tpu.memory_space<vmem>> -> memref<128x64xf32, #tpu.memory_space<vmem>>
      %dma_start3A_715 = tpu.memref_slice %arg6[%add3A_709] : memref<10000xi32, #tpu.memory_space<vmem>> -> memref<128xi32, #tpu.memory_space<vmem>>
      %dma_start3A_716 = arith.constant 0 : i32
      %dma_start3A_717 = arith.constant 0 : i32
      %dma_start3A_718 = tpu.memref_slice %arg8[%dma_start3A_716, %dma_start3A_717] : memref<10000x64xf32, #tpu.memory_space<vmem_shared>> -> memref<10000x64xf32, #tpu.memory_space<vmem_shared>>
      tpu.enqueue_indirect_dma source(%dma_start3A_714 : memref<128x64xf32, #tpu.memory_space<vmem>>) target(%dma_start3A_718 : memref<10000x64xf32, #tpu.memory_space<vmem_shared>>) offsets(%dma_start3A_715 : memref<128xi32, #tpu.memory_space<vmem>>) semaphore(%arg10 : memref<!tpu.dma_semaphore, #tpu.memory_space<semaphore_mem>>) {add = true}
      %add3A_719 = arith.constant 384 : i32
      %add3A_720 = arith.addi %mul3A_685, %add3A_719 : i32
      %dma_start3A_721 = arith.constant 3 : i32
      %dma_start3A_722 = arith.constant 0 : i32
      %dma_start3A_723 = arith.constant 0 : i32
      %dma_start3A_724 = tpu.memref_slice %arg7[%dma_start3A_721, %dma_start3A_722, %dma_start3A_723] : memref<8x128x64xf32, #tpu.memory_space<vmem>> -> memref<1x128x64xf32, #tpu.memory_space<vmem>>
      %dma_start3A_725 = tpu.memref_squeeze %dma_start3A_724 : memref<1x128x64xf32, #tpu.memory_space<vmem>> -> memref<128x64xf32, #tpu.memory_space<vmem>>
      %dma_start3A_726 = tpu.memref_slice %arg6[%add3A_720] : memref<10000xi32, #tpu.memory_space<vmem>> -> memref<128xi32, #tpu.memory_space<vmem>>
      %dma_start3A_727 = arith.constant 0 : i32
      %dma_start3A_728 = arith.constant 0 : i32
      %dma_start3A_729 = tpu.memref_slice %arg8[%dma_start3A_727, %dma_start3A_728] : memref<10000x64xf32, #tpu.memory_space<vmem_shared>> -> memref<10000x64xf32, #tpu.memory_space<vmem_shared>>
      tpu.enqueue_indirect_dma source(%dma_start3A_725 : memref<128x64xf32, #tpu.memory_space<vmem>>) target(%dma_start3A_729 : memref<10000x64xf32, #tpu.memory_space<vmem_shared>>) offsets(%dma_start3A_726 : memref<128xi32, #tpu.memory_space<vmem>>) semaphore(%arg10 : memref<!tpu.dma_semaphore, #tpu.memory_space<semaphore_mem>>) {add = true}
      %gt3A = arith.constant 0 : i32
      %gt3A_730 = arith.cmpi sgt, %scan3A_621, %gt3A : i32
      %convert_element_type3A_731 = arith.extui %gt3A_730 : i1 to i32
      %cond3A_732 = arith.constant 0 : i32
      %cond3A_733 = arith.cmpi ne, %convert_element_type3A_731, %cond3A_732 : i32
      scf.if %cond3A_733 {
        %dma_wait3A_955 = arith.constant 4 : i32
        %dma_wait3A_956 = arith.constant 0 : i32
        %dma_wait3A_957 = arith.constant 0 : i32
        %dma_wait3A_958 = tpu.memref_slice %arg7[%dma_wait3A_955, %dma_wait3A_956, %dma_wait3A_957] : memref<8x128x64xf32, #tpu.memory_space<vmem>> -> memref<1x128x64xf32, #tpu.memory_space<vmem>>
        %dma_wait3A_959 = tpu.memref_squeeze %dma_wait3A_958 : memref<1x128x64xf32, #tpu.memory_space<vmem>> -> memref<128x64xf32, #tpu.memory_space<vmem>>
        %dma_wait3A_960 = arith.constant 0 : i32
        %dma_wait3A_961 = arith.constant 0 : i32
        %dma_wait3A_962 = tpu.memref_slice %arg2[%dma_wait3A_960, %dma_wait3A_961] : memref<10000x64xf32, #tpu.memory_space<hbm>> -> memref<128x64xf32, #tpu.memory_space<hbm>>
        %dma_wait3A_963 = arith.constant 0 : i32
        %dma_wait3A_964 = arith.constant 0 : i32
        %dma_wait3A_965 = tpu.memref_slice %arg7[%dma_wait3A_955, %dma_wait3A_963, %dma_wait3A_964] : memref<8x128x64xf32, #tpu.memory_space<vmem>> -> memref<1x128x64xf32, #tpu.memory_space<vmem>>
        %dma_wait3A_966 = tpu.memref_squeeze %dma_wait3A_965 : memref<1x128x64xf32, #tpu.memory_space<vmem>> -> memref<128x64xf32, #tpu.memory_space<vmem>>
        %dma_wait3A_967 = arith.constant 0 : i32
        %dma_wait3A_968 = arith.constant 0 : i32
        %dma_wait3A_969 = tpu.memref_slice %arg2[%dma_wait3A_967, %dma_wait3A_968] : memref<10000x64xf32, #tpu.memory_space<hbm>> -> memref<128x64xf32, #tpu.memory_space<hbm>>
        tpu.wait_dma2 semaphore(%arg11 : memref<!tpu.dma_semaphore, #tpu.memory_space<semaphore_mem>>) src(%dma_wait3A_969 : memref<128x64xf32, #tpu.memory_space<hbm>>) dst(%dma_wait3A_966 : memref<128x64xf32, #tpu.memory_space<vmem>>)
        %dma_wait3A_970 = arith.constant 5 : i32
        %dma_wait3A_971 = arith.constant 0 : i32
        %dma_wait3A_972 = arith.constant 0 : i32
        %dma_wait3A_973 = tpu.memref_slice %arg7[%dma_wait3A_970, %dma_wait3A_971, %dma_wait3A_972] : memref<8x128x64xf32, #tpu.memory_space<vmem>> -> memref<1x128x64xf32, #tpu.memory_space<vmem>>
        %dma_wait3A_974 = tpu.memref_squeeze %dma_wait3A_973 : memref<1x128x64xf32, #tpu.memory_space<vmem>> -> memref<128x64xf32, #tpu.memory_space<vmem>>
        %dma_wait3A_975 = arith.constant 0 : i32
        %dma_wait3A_976 = arith.constant 0 : i32
        %dma_wait3A_977 = tpu.memref_slice %arg2[%dma_wait3A_975, %dma_wait3A_976] : memref<10000x64xf32, #tpu.memory_space<hbm>> -> memref<128x64xf32, #tpu.memory_space<hbm>>
        %dma_wait3A_978 = arith.constant 0 : i32
        %dma_wait3A_979 = arith.constant 0 : i32
        %dma_wait3A_980 = tpu.memref_slice %arg7[%dma_wait3A_970, %dma_wait3A_978, %dma_wait3A_979] : memref<8x128x64xf32, #tpu.memory_space<vmem>> -> memref<1x128x64xf32, #tpu.memory_space<vmem>>
        %dma_wait3A_981 = tpu.memref_squeeze %dma_wait3A_980 : memref<1x128x64xf32, #tpu.memory_space<vmem>> -> memref<128x64xf32, #tpu.memory_space<vmem>>
        %dma_wait3A_982 = arith.constant 0 : i32
        %dma_wait3A_983 = arith.constant 0 : i32
        %dma_wait3A_984 = tpu.memref_slice %arg2[%dma_wait3A_982, %dma_wait3A_983] : memref<10000x64xf32, #tpu.memory_space<hbm>> -> memref<128x64xf32, #tpu.memory_space<hbm>>
        tpu.wait_dma2 semaphore(%arg11 : memref<!tpu.dma_semaphore, #tpu.memory_space<semaphore_mem>>) src(%dma_wait3A_984 : memref<128x64xf32, #tpu.memory_space<hbm>>) dst(%dma_wait3A_981 : memref<128x64xf32, #tpu.memory_space<vmem>>)
        %dma_wait3A_985 = arith.constant 6 : i32
        %dma_wait3A_986 = arith.constant 0 : i32
        %dma_wait3A_987 = arith.constant 0 : i32
        %dma_wait3A_988 = tpu.memref_slice %arg7[%dma_wait3A_985, %dma_wait3A_986, %dma_wait3A_987] : memref<8x128x64xf32, #tpu.memory_space<vmem>> -> memref<1x128x64xf32, #tpu.memory_space<vmem>>
        %dma_wait3A_989 = tpu.memref_squeeze %dma_wait3A_988 : memref<1x128x64xf32, #tpu.memory_space<vmem>> -> memref<128x64xf32, #tpu.memory_space<vmem>>
        %dma_wait3A_990 = arith.constant 0 : i32
        %dma_wait3A_991 = arith.constant 0 : i32
        %dma_wait3A_992 = tpu.memref_slice %arg2[%dma_wait3A_990, %dma_wait3A_991] : memref<10000x64xf32, #tpu.memory_space<hbm>> -> memref<128x64xf32, #tpu.memory_space<hbm>>
        %dma_wait3A_993 = arith.constant 0 : i32
        %dma_wait3A_994 = arith.constant 0 : i32
        %dma_wait3A_995 = tpu.memref_slice %arg7[%dma_wait3A_985, %dma_wait3A_993, %dma_wait3A_994] : memref<8x128x64xf32, #tpu.memory_space<vmem>> -> memref<1x128x64xf32, #tpu.memory_space<vmem>>
        %dma_wait3A_996 = tpu.memref_squeeze %dma_wait3A_995 : memref<1x128x64xf32, #tpu.memory_space<vmem>> -> memref<128x64xf32, #tpu.memory_space<vmem>>
        %dma_wait3A_997 = arith.constant 0 : i32
        %dma_wait3A_998 = arith.constant 0 : i32
        %dma_wait3A_999 = tpu.memref_slice %arg2[%dma_wait3A_997, %dma_wait3A_998] : memref<10000x64xf32, #tpu.memory_space<hbm>> -> memref<128x64xf32, #tpu.memory_space<hbm>>
        tpu.wait_dma2 semaphore(%arg11 : memref<!tpu.dma_semaphore, #tpu.memory_space<semaphore_mem>>) src(%dma_wait3A_999 : memref<128x64xf32, #tpu.memory_space<hbm>>) dst(%dma_wait3A_996 : memref<128x64xf32, #tpu.memory_space<vmem>>)
        %dma_wait3A_1000 = arith.constant 7 : i32
        %dma_wait3A_1001 = arith.constant 0 : i32
        %dma_wait3A_1002 = arith.constant 0 : i32
        %dma_wait3A_1003 = tpu.memref_slice %arg7[%dma_wait3A_1000, %dma_wait3A_1001, %dma_wait3A_1002] : memref<8x128x64xf32, #tpu.memory_space<vmem>> -> memref<1x128x64xf32, #tpu.memory_space<vmem>>
        %dma_wait3A_1004 = tpu.memref_squeeze %dma_wait3A_1003 : memref<1x128x64xf32, #tpu.memory_space<vmem>> -> memref<128x64xf32, #tpu.memory_space<vmem>>
        %dma_wait3A_1005 = arith.constant 0 : i32
        %dma_wait3A_1006 = arith.constant 0 : i32
        %dma_wait3A_1007 = tpu.memref_slice %arg2[%dma_wait3A_1005, %dma_wait3A_1006] : memref<10000x64xf32, #tpu.memory_space<hbm>> -> memref<128x64xf32, #tpu.memory_space<hbm>>
        %dma_wait3A_1008 = arith.constant 0 : i32
        %dma_wait3A_1009 = arith.constant 0 : i32
        %dma_wait3A_1010 = tpu.memref_slice %arg7[%dma_wait3A_1000, %dma_wait3A_1008, %dma_wait3A_1009] : memref<8x128x64xf32, #tpu.memory_space<vmem>> -> memref<1x128x64xf32, #tpu.memory_space<vmem>>
        %dma_wait3A_1011 = tpu.memref_squeeze %dma_wait3A_1010 : memref<1x128x64xf32, #tpu.memory_space<vmem>> -> memref<128x64xf32, #tpu.memory_space<vmem>>
        %dma_wait3A_1012 = arith.constant 0 : i32
        %dma_wait3A_1013 = arith.constant 0 : i32
        %dma_wait3A_1014 = tpu.memref_slice %arg2[%dma_wait3A_1012, %dma_wait3A_1013] : memref<10000x64xf32, #tpu.memory_space<hbm>> -> memref<128x64xf32, #tpu.memory_space<hbm>>
        tpu.wait_dma2 semaphore(%arg11 : memref<!tpu.dma_semaphore, #tpu.memory_space<semaphore_mem>>) src(%dma_wait3A_1014 : memref<128x64xf32, #tpu.memory_space<hbm>>) dst(%dma_wait3A_1011 : memref<128x64xf32, #tpu.memory_space<vmem>>)
      } else {
      }
      %add3A_734 = arith.constant 1 : i32
      %add3A_735 = arith.addi %mul3A_623, %add3A_734 : i32
      %mul3A_736 = arith.constant 512 : i32
      %mul3A_737 = arith.muli %add3A_735, %mul3A_736 : i32
      %add3A_738 = arith.constant 0 : i32
      %add3A_739 = arith.addi %mul3A_737, %add3A_738 : i32
      %dma_start3A_740 = arith.constant 4 : i32
      %dma_start3A_741 = arith.constant 0 : i32
      %dma_start3A_742 = arith.constant 0 : i32
      %dma_start3A_743 = tpu.memref_slice %arg7[%dma_start3A_740, %dma_start3A_741, %dma_start3A_742] : memref<8x128x64xf32, #tpu.memory_space<vmem>> -> memref<1x128x64xf32, #tpu.memory_space<vmem>>
      %dma_start3A_744 = tpu.memref_squeeze %dma_start3A_743 : memref<1x128x64xf32, #tpu.memory_space<vmem>> -> memref<128x64xf32, #tpu.memory_space<vmem>>
      %dma_start3A_745 = tpu.memref_slice %arg5[%add3A_739] : memref<10000xi32, #tpu.memory_space<vmem>> -> memref<128xi32, #tpu.memory_space<vmem>>
      %dma_start3A_746 = arith.constant 0 : i32
      %dma_start3A_747 = arith.constant 0 : i32
      %dma_start3A_748 = tpu.memref_slice %arg2[%dma_start3A_746, %dma_start3A_747] : memref<10000x64xf32, #tpu.memory_space<hbm>> -> memref<10000x64xf32, #tpu.memory_space<hbm>>
      tpu.enqueue_indirect_dma source(%dma_start3A_748 : memref<10000x64xf32, #tpu.memory_space<hbm>>) target(%dma_start3A_744 : memref<128x64xf32, #tpu.memory_space<vmem>>) offsets(%dma_start3A_745 : memref<128xi32, #tpu.memory_space<vmem>>) semaphore(%arg9 : memref<!tpu.dma_semaphore, #tpu.memory_space<semaphore_mem>>)
      %add3A_749 = arith.constant 128 : i32
      %add3A_750 = arith.addi %mul3A_737, %add3A_749 : i32
      %dma_start3A_751 = arith.constant 5 : i32
      %dma_start3A_752 = arith.constant 0 : i32
      %dma_start3A_753 = arith.constant 0 : i32
      %dma_start3A_754 = tpu.memref_slice %arg7[%dma_start3A_751, %dma_start3A_752, %dma_start3A_753] : memref<8x128x64xf32, #tpu.memory_space<vmem>> -> memref<1x128x64xf32, #tpu.memory_space<vmem>>
      %dma_start3A_755 = tpu.memref_squeeze %dma_start3A_754 : memref<1x128x64xf32, #tpu.memory_space<vmem>> -> memref<128x64xf32, #tpu.memory_space<vmem>>
      %dma_start3A_756 = tpu.memref_slice %arg5[%add3A_750] : memref<10000xi32, #tpu.memory_space<vmem>> -> memref<128xi32, #tpu.memory_space<vmem>>
      %dma_start3A_757 = arith.constant 0 : i32
      %dma_start3A_758 = arith.constant 0 : i32
      %dma_start3A_759 = tpu.memref_slice %arg2[%dma_start3A_757, %dma_start3A_758] : memref<10000x64xf32, #tpu.memory_space<hbm>> -> memref<10000x64xf32, #tpu.memory_space<hbm>>
      tpu.enqueue_indirect_dma source(%dma_start3A_759 : memref<10000x64xf32, #tpu.memory_space<hbm>>) target(%dma_start3A_755 : memref<128x64xf32, #tpu.memory_space<vmem>>) offsets(%dma_start3A_756 : memref<128xi32, #tpu.memory_space<vmem>>) semaphore(%arg9 : memref<!tpu.dma_semaphore, #tpu.memory_space<semaphore_mem>>)
      %add3A_760 = arith.constant 256 : i32
      %add3A_761 = arith.addi %mul3A_737, %add3A_760 : i32
      %dma_start3A_762 = arith.constant 6 : i32
      %dma_start3A_763 = arith.constant 0 : i32
      %dma_start3A_764 = arith.constant 0 : i32
      %dma_start3A_765 = tpu.memref_slice %arg7[%dma_start3A_762, %dma_start3A_763, %dma_start3A_764] : memref<8x128x64xf32, #tpu.memory_space<vmem>> -> memref<1x128x64xf32, #tpu.memory_space<vmem>>
      %dma_start3A_766 = tpu.memref_squeeze %dma_start3A_765 : memref<1x128x64xf32, #tpu.memory_space<vmem>> -> memref<128x64xf32, #tpu.memory_space<vmem>>
      %dma_start3A_767 = tpu.memref_slice %arg5[%add3A_761] : memref<10000xi32, #tpu.memory_space<vmem>> -> memref<128xi32, #tpu.memory_space<vmem>>
      %dma_start3A_768 = arith.constant 0 : i32
      %dma_start3A_769 = arith.constant 0 : i32
      %dma_start3A_770 = tpu.memref_slice %arg2[%dma_start3A_768, %dma_start3A_769] : memref<10000x64xf32, #tpu.memory_space<hbm>> -> memref<10000x64xf32, #tpu.memory_space<hbm>>
      tpu.enqueue_indirect_dma source(%dma_start3A_770 : memref<10000x64xf32, #tpu.memory_space<hbm>>) target(%dma_start3A_766 : memref<128x64xf32, #tpu.memory_space<vmem>>) offsets(%dma_start3A_767 : memref<128xi32, #tpu.memory_space<vmem>>) semaphore(%arg9 : memref<!tpu.dma_semaphore, #tpu.memory_space<semaphore_mem>>)
      %add3A_771 = arith.constant 384 : i32
      %add3A_772 = arith.addi %mul3A_737, %add3A_771 : i32
      %dma_start3A_773 = arith.constant 7 : i32
      %dma_start3A_774 = arith.constant 0 : i32
      %dma_start3A_775 = arith.constant 0 : i32
      %dma_start3A_776 = tpu.memref_slice %arg7[%dma_start3A_773, %dma_start3A_774, %dma_start3A_775] : memref<8x128x64xf32, #tpu.memory_space<vmem>> -> memref<1x128x64xf32, #tpu.memory_space<vmem>>
      %dma_start3A_777 = tpu.memref_squeeze %dma_start3A_776 : memref<1x128x64xf32, #tpu.memory_space<vmem>> -> memref<128x64xf32, #tpu.memory_space<vmem>>
      %dma_start3A_778 = tpu.memref_slice %arg5[%add3A_772] : memref<10000xi32, #tpu.memory_space<vmem>> -> memref<128xi32, #tpu.memory_space<vmem>>
      %dma_start3A_779 = arith.constant 0 : i32
      %dma_start3A_780 = arith.constant 0 : i32
      %dma_start3A_781 = tpu.memref_slice %arg2[%dma_start3A_779, %dma_start3A_780] : memref<10000x64xf32, #tpu.memory_space<hbm>> -> memref<10000x64xf32, #tpu.memory_space<hbm>>
      tpu.enqueue_indirect_dma source(%dma_start3A_781 : memref<10000x64xf32, #tpu.memory_space<hbm>>) target(%dma_start3A_777 : memref<128x64xf32, #tpu.memory_space<vmem>>) offsets(%dma_start3A_778 : memref<128xi32, #tpu.memory_space<vmem>>) semaphore(%arg9 : memref<!tpu.dma_semaphore, #tpu.memory_space<semaphore_mem>>)
      %dma_wait3A_782 = arith.constant 4 : i32
      %dma_wait3A_783 = arith.constant 0 : i32
      %dma_wait3A_784 = arith.constant 0 : i32
      %dma_wait3A_785 = tpu.memref_slice %arg7[%dma_wait3A_782, %dma_wait3A_783, %dma_wait3A_784] : memref<8x128x64xf32, #tpu.memory_space<vmem>> -> memref<1x128x64xf32, #tpu.memory_space<vmem>>
      %dma_wait3A_786 = tpu.memref_squeeze %dma_wait3A_785 : memref<1x128x64xf32, #tpu.memory_space<vmem>> -> memref<128x64xf32, #tpu.memory_space<vmem>>
      %dma_wait3A_787 = arith.constant 0 : i32
      %dma_wait3A_788 = arith.constant 0 : i32
      %dma_wait3A_789 = tpu.memref_slice %arg2[%dma_wait3A_787, %dma_wait3A_788] : memref<10000x64xf32, #tpu.memory_space<hbm>> -> memref<128x64xf32, #tpu.memory_space<hbm>>
      %dma_wait3A_790 = arith.constant 0 : i32
      %dma_wait3A_791 = arith.constant 0 : i32
      %dma_wait3A_792 = tpu.memref_slice %arg7[%dma_wait3A_782, %dma_wait3A_790, %dma_wait3A_791] : memref<8x128x64xf32, #tpu.memory_space<vmem>> -> memref<1x128x64xf32, #tpu.memory_space<vmem>>
      %dma_wait3A_793 = tpu.memref_squeeze %dma_wait3A_792 : memref<1x128x64xf32, #tpu.memory_space<vmem>> -> memref<128x64xf32, #tpu.memory_space<vmem>>
      %dma_wait3A_794 = arith.constant 0 : i32
      %dma_wait3A_795 = arith.constant 0 : i32
      %dma_wait3A_796 = tpu.memref_slice %arg2[%dma_wait3A_794, %dma_wait3A_795] : memref<10000x64xf32, #tpu.memory_space<hbm>> -> memref<128x64xf32, #tpu.memory_space<hbm>>
      tpu.wait_dma2 semaphore(%arg9 : memref<!tpu.dma_semaphore, #tpu.memory_space<semaphore_mem>>) src(%dma_wait3A_796 : memref<128x64xf32, #tpu.memory_space<hbm>>) dst(%dma_wait3A_793 : memref<128x64xf32, #tpu.memory_space<vmem>>)
      %dma_wait3A_797 = arith.constant 5 : i32
      %dma_wait3A_798 = arith.constant 0 : i32
      %dma_wait3A_799 = arith.constant 0 : i32
      %dma_wait3A_800 = tpu.memref_slice %arg7[%dma_wait3A_797, %dma_wait3A_798, %dma_wait3A_799] : memref<8x128x64xf32, #tpu.memory_space<vmem>> -> memref<1x128x64xf32, #tpu.memory_space<vmem>>
      %dma_wait3A_801 = tpu.memref_squeeze %dma_wait3A_800 : memref<1x128x64xf32, #tpu.memory_space<vmem>> -> memref<128x64xf32, #tpu.memory_space<vmem>>
      %dma_wait3A_802 = arith.constant 0 : i32
      %dma_wait3A_803 = arith.constant 0 : i32
      %dma_wait3A_804 = tpu.memref_slice %arg2[%dma_wait3A_802, %dma_wait3A_803] : memref<10000x64xf32, #tpu.memory_space<hbm>> -> memref<128x64xf32, #tpu.memory_space<hbm>>
      %dma_wait3A_805 = arith.constant 0 : i32
      %dma_wait3A_806 = arith.constant 0 : i32
      %dma_wait3A_807 = tpu.memref_slice %arg7[%dma_wait3A_797, %dma_wait3A_805, %dma_wait3A_806] : memref<8x128x64xf32, #tpu.memory_space<vmem>> -> memref<1x128x64xf32, #tpu.memory_space<vmem>>
      %dma_wait3A_808 = tpu.memref_squeeze %dma_wait3A_807 : memref<1x128x64xf32, #tpu.memory_space<vmem>> -> memref<128x64xf32, #tpu.memory_space<vmem>>
      %dma_wait3A_809 = arith.constant 0 : i32
      %dma_wait3A_810 = arith.constant 0 : i32
      %dma_wait3A_811 = tpu.memref_slice %arg2[%dma_wait3A_809, %dma_wait3A_810] : memref<10000x64xf32, #tpu.memory_space<hbm>> -> memref<128x64xf32, #tpu.memory_space<hbm>>
      tpu.wait_dma2 semaphore(%arg9 : memref<!tpu.dma_semaphore, #tpu.memory_space<semaphore_mem>>) src(%dma_wait3A_811 : memref<128x64xf32, #tpu.memory_space<hbm>>) dst(%dma_wait3A_808 : memref<128x64xf32, #tpu.memory_space<vmem>>)
      %dma_wait3A_812 = arith.constant 6 : i32
      %dma_wait3A_813 = arith.constant 0 : i32
      %dma_wait3A_814 = arith.constant 0 : i32
      %dma_wait3A_815 = tpu.memref_slice %arg7[%dma_wait3A_812, %dma_wait3A_813, %dma_wait3A_814] : memref<8x128x64xf32, #tpu.memory_space<vmem>> -> memref<1x128x64xf32, #tpu.memory_space<vmem>>
      %dma_wait3A_816 = tpu.memref_squeeze %dma_wait3A_815 : memref<1x128x64xf32, #tpu.memory_space<vmem>> -> memref<128x64xf32, #tpu.memory_space<vmem>>
      %dma_wait3A_817 = arith.constant 0 : i32
      %dma_wait3A_818 = arith.constant 0 : i32
      %dma_wait3A_819 = tpu.memref_slice %arg2[%dma_wait3A_817, %dma_wait3A_818] : memref<10000x64xf32, #tpu.memory_space<hbm>> -> memref<128x64xf32, #tpu.memory_space<hbm>>
      %dma_wait3A_820 = arith.constant 0 : i32
      %dma_wait3A_821 = arith.constant 0 : i32
      %dma_wait3A_822 = tpu.memref_slice %arg7[%dma_wait3A_812, %dma_wait3A_820, %dma_wait3A_821] : memref<8x128x64xf32, #tpu.memory_space<vmem>> -> memref<1x128x64xf32, #tpu.memory_space<vmem>>
      %dma_wait3A_823 = tpu.memref_squeeze %dma_wait3A_822 : memref<1x128x64xf32, #tpu.memory_space<vmem>> -> memref<128x64xf32, #tpu.memory_space<vmem>>
      %dma_wait3A_824 = arith.constant 0 : i32
      %dma_wait3A_825 = arith.constant 0 : i32
      %dma_wait3A_826 = tpu.memref_slice %arg2[%dma_wait3A_824, %dma_wait3A_825] : memref<10000x64xf32, #tpu.memory_space<hbm>> -> memref<128x64xf32, #tpu.memory_space<hbm>>
      tpu.wait_dma2 semaphore(%arg9 : memref<!tpu.dma_semaphore, #tpu.memory_space<semaphore_mem>>) src(%dma_wait3A_826 : memref<128x64xf32, #tpu.memory_space<hbm>>) dst(%dma_wait3A_823 : memref<128x64xf32, #tpu.memory_space<vmem>>)
      %dma_wait3A_827 = arith.constant 7 : i32
      %dma_wait3A_828 = arith.constant 0 : i32
      %dma_wait3A_829 = arith.constant 0 : i32
      %dma_wait3A_830 = tpu.memref_slice %arg7[%dma_wait3A_827, %dma_wait3A_828, %dma_wait3A_829] : memref<8x128x64xf32, #tpu.memory_space<vmem>> -> memref<1x128x64xf32, #tpu.memory_space<vmem>>
      %dma_wait3A_831 = tpu.memref_squeeze %dma_wait3A_830 : memref<1x128x64xf32, #tpu.memory_space<vmem>> -> memref<128x64xf32, #tpu.memory_space<vmem>>
      %dma_wait3A_832 = arith.constant 0 : i32
      %dma_wait3A_833 = arith.constant 0 : i32
      %dma_wait3A_834 = tpu.memref_slice %arg2[%dma_wait3A_832, %dma_wait3A_833] : memref<10000x64xf32, #tpu.memory_space<hbm>> -> memref<128x64xf32, #tpu.memory_space<hbm>>
      %dma_wait3A_835 = arith.constant 0 : i32
      %dma_wait3A_836 = arith.constant 0 : i32
      %dma_wait3A_837 = tpu.memref_slice %arg7[%dma_wait3A_827, %dma_wait3A_835, %dma_wait3A_836] : memref<8x128x64xf32, #tpu.memory_space<vmem>> -> memref<1x128x64xf32, #tpu.memory_space<vmem>>
      %dma_wait3A_838 = tpu.memref_squeeze %dma_wait3A_837 : memref<1x128x64xf32, #tpu.memory_space<vmem>> -> memref<128x64xf32, #tpu.memory_space<vmem>>
      %dma_wait3A_839 = arith.constant 0 : i32
      %dma_wait3A_840 = arith.constant 0 : i32
      %dma_wait3A_841 = tpu.memref_slice %arg2[%dma_wait3A_839, %dma_wait3A_840] : memref<10000x64xf32, #tpu.memory_space<hbm>> -> memref<128x64xf32, #tpu.memory_space<hbm>>
      tpu.wait_dma2 semaphore(%arg9 : memref<!tpu.dma_semaphore, #tpu.memory_space<semaphore_mem>>) src(%dma_wait3A_841 : memref<128x64xf32, #tpu.memory_space<hbm>>) dst(%dma_wait3A_838 : memref<128x64xf32, #tpu.memory_space<vmem>>)
      %add3A_842 = arith.constant 1 : i32
      %add3A_843 = arith.addi %mul3A_623, %add3A_842 : i32
      %mul3A_844 = arith.constant 512 : i32
      %mul3A_845 = arith.muli %add3A_843, %mul3A_844 : i32
      %add3A_846 = arith.constant 0 : i32
      %add3A_847 = arith.addi %mul3A_845, %add3A_846 : i32
      %dma_start3A_848 = arith.constant 4 : i32
      %dma_start3A_849 = arith.constant 0 : i32
      %dma_start3A_850 = arith.constant 0 : i32
      %dma_start3A_851 = tpu.memref_slice %arg7[%dma_start3A_848, %dma_start3A_849, %dma_start3A_850] : memref<8x128x64xf32, #tpu.memory_space<vmem>> -> memref<1x128x64xf32, #tpu.memory_space<vmem>>
      %dma_start3A_852 = tpu.memref_squeeze %dma_start3A_851 : memref<1x128x64xf32, #tpu.memory_space<vmem>> -> memref<128x64xf32, #tpu.memory_space<vmem>>
      %dma_start3A_853 = tpu.memref_slice %arg6[%add3A_847] : memref<10000xi32, #tpu.memory_space<vmem>> -> memref<128xi32, #tpu.memory_space<vmem>>
      %dma_start3A_854 = arith.constant 0 : i32
      %dma_start3A_855 = arith.constant 0 : i32
      %dma_start3A_856 = tpu.memref_slice %arg8[%dma_start3A_854, %dma_start3A_855] : memref<10000x64xf32, #tpu.memory_space<vmem_shared>> -> memref<10000x64xf32, #tpu.memory_space<vmem_shared>>
      tpu.enqueue_indirect_dma source(%dma_start3A_852 : memref<128x64xf32, #tpu.memory_space<vmem>>) target(%dma_start3A_856 : memref<10000x64xf32, #tpu.memory_space<vmem_shared>>) offsets(%dma_start3A_853 : memref<128xi32, #tpu.memory_space<vmem>>) semaphore(%arg11 : memref<!tpu.dma_semaphore, #tpu.memory_space<semaphore_mem>>) {add = true}
      %add3A_857 = arith.constant 128 : i32
      %add3A_858 = arith.addi %mul3A_845, %add3A_857 : i32
      %dma_start3A_859 = arith.constant 5 : i32
      %dma_start3A_860 = arith.constant 0 : i32
      %dma_start3A_861 = arith.constant 0 : i32
      %dma_start3A_862 = tpu.memref_slice %arg7[%dma_start3A_859, %dma_start3A_860, %dma_start3A_861] : memref<8x128x64xf32, #tpu.memory_space<vmem>> -> memref<1x128x64xf32, #tpu.memory_space<vmem>>
      %dma_start3A_863 = tpu.memref_squeeze %dma_start3A_862 : memref<1x128x64xf32, #tpu.memory_space<vmem>> -> memref<128x64xf32, #tpu.memory_space<vmem>>
      %dma_start3A_864 = tpu.memref_slice %arg6[%add3A_858] : memref<10000xi32, #tpu.memory_space<vmem>> -> memref<128xi32, #tpu.memory_space<vmem>>
      %dma_start3A_865 = arith.constant 0 : i32
      %dma_start3A_866 = arith.constant 0 : i32
      %dma_start3A_867 = tpu.memref_slice %arg8[%dma_start3A_865, %dma_start3A_866] : memref<10000x64xf32, #tpu.memory_space<vmem_shared>> -> memref<10000x64xf32, #tpu.memory_space<vmem_shared>>
      tpu.enqueue_indirect_dma source(%dma_start3A_863 : memref<128x64xf32, #tpu.memory_space<vmem>>) target(%dma_start3A_867 : memref<10000x64xf32, #tpu.memory_space<vmem_shared>>) offsets(%dma_start3A_864 : memref<128xi32, #tpu.memory_space<vmem>>) semaphore(%arg11 : memref<!tpu.dma_semaphore, #tpu.memory_space<semaphore_mem>>) {add = true}
      %add3A_868 = arith.constant 256 : i32
      %add3A_869 = arith.addi %mul3A_845, %add3A_868 : i32
      %dma_start3A_870 = arith.constant 6 : i32
      %dma_start3A_871 = arith.constant 0 : i32
      %dma_start3A_872 = arith.constant 0 : i32
      %dma_start3A_873 = tpu.memref_slice %arg7[%dma_start3A_870, %dma_start3A_871, %dma_start3A_872] : memref<8x128x64xf32, #tpu.memory_space<vmem>> -> memref<1x128x64xf32, #tpu.memory_space<vmem>>
      %dma_start3A_874 = tpu.memref_squeeze %dma_start3A_873 : memref<1x128x64xf32, #tpu.memory_space<vmem>> -> memref<128x64xf32, #tpu.memory_space<vmem>>
      %dma_start3A_875 = tpu.memref_slice %arg6[%add3A_869] : memref<10000xi32, #tpu.memory_space<vmem>> -> memref<128xi32, #tpu.memory_space<vmem>>
      %dma_start3A_876 = arith.constant 0 : i32
      %dma_start3A_877 = arith.constant 0 : i32
      %dma_start3A_878 = tpu.memref_slice %arg8[%dma_start3A_876, %dma_start3A_877] : memref<10000x64xf32, #tpu.memory_space<vmem_shared>> -> memref<10000x64xf32, #tpu.memory_space<vmem_shared>>
      tpu.enqueue_indirect_dma source(%dma_start3A_874 : memref<128x64xf32, #tpu.memory_space<vmem>>) target(%dma_start3A_878 : memref<10000x64xf32, #tpu.memory_space<vmem_shared>>) offsets(%dma_start3A_875 : memref<128xi32, #tpu.memory_space<vmem>>) semaphore(%arg11 : memref<!tpu.dma_semaphore, #tpu.memory_space<semaphore_mem>>) {add = true}
      %add3A_879 = arith.constant 384 : i32
      %add3A_880 = arith.addi %mul3A_845, %add3A_879 : i32
      %dma_start3A_881 = arith.constant 7 : i32
      %dma_start3A_882 = arith.constant 0 : i32
      %dma_start3A_883 = arith.constant 0 : i32
      %dma_start3A_884 = tpu.memref_slice %arg7[%dma_start3A_881, %dma_start3A_882, %dma_start3A_883] : memref<8x128x64xf32, #tpu.memory_space<vmem>> -> memref<1x128x64xf32, #tpu.memory_space<vmem>>
      %dma_start3A_885 = tpu.memref_squeeze %dma_start3A_884 : memref<1x128x64xf32, #tpu.memory_space<vmem>> -> memref<128x64xf32, #tpu.memory_space<vmem>>
      %dma_start3A_886 = tpu.memref_slice %arg6[%add3A_880] : memref<10000xi32, #tpu.memory_space<vmem>> -> memref<128xi32, #tpu.memory_space<vmem>>
      %dma_start3A_887 = arith.constant 0 : i32
      %dma_start3A_888 = arith.constant 0 : i32
      %dma_start3A_889 = tpu.memref_slice %arg8[%dma_start3A_887, %dma_start3A_888] : memref<10000x64xf32, #tpu.memory_space<vmem_shared>> -> memref<10000x64xf32, #tpu.memory_space<vmem_shared>>
      tpu.enqueue_indirect_dma source(%dma_start3A_885 : memref<128x64xf32, #tpu.memory_space<vmem>>) target(%dma_start3A_889 : memref<10000x64xf32, #tpu.memory_space<vmem_shared>>) offsets(%dma_start3A_886 : memref<128xi32, #tpu.memory_space<vmem>>) semaphore(%arg11 : memref<!tpu.dma_semaphore, #tpu.memory_space<semaphore_mem>>) {add = true}
      %dma_wait3A_890 = arith.constant 0 : i32
      %dma_wait3A_891 = arith.constant 0 : i32
      %dma_wait3A_892 = arith.constant 0 : i32
      %dma_wait3A_893 = tpu.memref_slice %arg7[%dma_wait3A_890, %dma_wait3A_891, %dma_wait3A_892] : memref<8x128x64xf32, #tpu.memory_space<vmem>> -> memref<1x128x64xf32, #tpu.memory_space<vmem>>
      %dma_wait3A_894 = tpu.memref_squeeze %dma_wait3A_893 : memref<1x128x64xf32, #tpu.memory_space<vmem>> -> memref<128x64xf32, #tpu.memory_space<vmem>>
      %dma_wait3A_895 = arith.constant 0 : i32
      %dma_wait3A_896 = arith.constant 0 : i32
      %dma_wait3A_897 = tpu.memref_slice %arg2[%dma_wait3A_895, %dma_wait3A_896] : memref<10000x64xf32, #tpu.memory_space<hbm>> -> memref<128x64xf32, #tpu.memory_space<hbm>>
      %dma_wait3A_898 = arith.constant 0 : i32
      %dma_wait3A_899 = arith.constant 0 : i32
      %dma_wait3A_900 = tpu.memref_slice %arg7[%dma_wait3A_890, %dma_wait3A_898, %dma_wait3A_899] : memref<8x128x64xf32, #tpu.memory_space<vmem>> -> memref<1x128x64xf32, #tpu.memory_space<vmem>>
      %dma_wait3A_901 = tpu.memref_squeeze %dma_wait3A_900 : memref<1x128x64xf32, #tpu.memory_space<vmem>> -> memref<128x64xf32, #tpu.memory_space<vmem>>
      %dma_wait3A_902 = arith.constant 0 : i32
      %dma_wait3A_903 = arith.constant 0 : i32
      %dma_wait3A_904 = tpu.memref_slice %arg2[%dma_wait3A_902, %dma_wait3A_903] : memref<10000x64xf32, #tpu.memory_space<hbm>> -> memref<128x64xf32, #tpu.memory_space<hbm>>
      tpu.wait_dma2 semaphore(%arg10 : memref<!tpu.dma_semaphore, #tpu.memory_space<semaphore_mem>>) src(%dma_wait3A_904 : memref<128x64xf32, #tpu.memory_space<hbm>>) dst(%dma_wait3A_901 : memref<128x64xf32, #tpu.memory_space<vmem>>)
      %dma_wait3A_905 = arith.constant 1 : i32
      %dma_wait3A_906 = arith.constant 0 : i32
      %dma_wait3A_907 = arith.constant 0 : i32
      %dma_wait3A_908 = tpu.memref_slice %arg7[%dma_wait3A_905, %dma_wait3A_906, %dma_wait3A_907] : memref<8x128x64xf32, #tpu.memory_space<vmem>> -> memref<1x128x64xf32, #tpu.memory_space<vmem>>
      %dma_wait3A_909 = tpu.memref_squeeze %dma_wait3A_908 : memref<1x128x64xf32, #tpu.memory_space<vmem>> -> memref<128x64xf32, #tpu.memory_space<vmem>>
      %dma_wait3A_910 = arith.constant 0 : i32
      %dma_wait3A_911 = arith.constant 0 : i32
      %dma_wait3A_912 = tpu.memref_slice %arg2[%dma_wait3A_910, %dma_wait3A_911] : memref<10000x64xf32, #tpu.memory_space<hbm>> -> memref<128x64xf32, #tpu.memory_space<hbm>>
      %dma_wait3A_913 = arith.constant 0 : i32
      %dma_wait3A_914 = arith.constant 0 : i32
      %dma_wait3A_915 = tpu.memref_slice %arg7[%dma_wait3A_905, %dma_wait3A_913, %dma_wait3A_914] : memref<8x128x64xf32, #tpu.memory_space<vmem>> -> memref<1x128x64xf32, #tpu.memory_space<vmem>>
      %dma_wait3A_916 = tpu.memref_squeeze %dma_wait3A_915 : memref<1x128x64xf32, #tpu.memory_space<vmem>> -> memref<128x64xf32, #tpu.memory_space<vmem>>
      %dma_wait3A_917 = arith.constant 0 : i32
      %dma_wait3A_918 = arith.constant 0 : i32
      %dma_wait3A_919 = tpu.memref_slice %arg2[%dma_wait3A_917, %dma_wait3A_918] : memref<10000x64xf32, #tpu.memory_space<hbm>> -> memref<128x64xf32, #tpu.memory_space<hbm>>
      tpu.wait_dma2 semaphore(%arg10 : memref<!tpu.dma_semaphore, #tpu.memory_space<semaphore_mem>>) src(%dma_wait3A_919 : memref<128x64xf32, #tpu.memory_space<hbm>>) dst(%dma_wait3A_916 : memref<128x64xf32, #tpu.memory_space<vmem>>)
      %dma_wait3A_920 = arith.constant 2 : i32
      %dma_wait3A_921 = arith.constant 0 : i32
      %dma_wait3A_922 = arith.constant 0 : i32
      %dma_wait3A_923 = tpu.memref_slice %arg7[%dma_wait3A_920, %dma_wait3A_921, %dma_wait3A_922] : memref<8x128x64xf32, #tpu.memory_space<vmem>> -> memref<1x128x64xf32, #tpu.memory_space<vmem>>
      %dma_wait3A_924 = tpu.memref_squeeze %dma_wait3A_923 : memref<1x128x64xf32, #tpu.memory_space<vmem>> -> memref<128x64xf32, #tpu.memory_space<vmem>>
      %dma_wait3A_925 = arith.constant 0 : i32
      %dma_wait3A_926 = arith.constant 0 : i32
      %dma_wait3A_927 = tpu.memref_slice %arg2[%dma_wait3A_925, %dma_wait3A_926] : memref<10000x64xf32, #tpu.memory_space<hbm>> -> memref<128x64xf32, #tpu.memory_space<hbm>>
      %dma_wait3A_928 = arith.constant 0 : i32
      %dma_wait3A_929 = arith.constant 0 : i32
      %dma_wait3A_930 = tpu.memref_slice %arg7[%dma_wait3A_920, %dma_wait3A_928, %dma_wait3A_929] : memref<8x128x64xf32, #tpu.memory_space<vmem>> -> memref<1x128x64xf32, #tpu.memory_space<vmem>>
      %dma_wait3A_931 = tpu.memref_squeeze %dma_wait3A_930 : memref<1x128x64xf32, #tpu.memory_space<vmem>> -> memref<128x64xf32, #tpu.memory_space<vmem>>
      %dma_wait3A_932 = arith.constant 0 : i32
      %dma_wait3A_933 = arith.constant 0 : i32
      %dma_wait3A_934 = tpu.memref_slice %arg2[%dma_wait3A_932, %dma_wait3A_933] : memref<10000x64xf32, #tpu.memory_space<hbm>> -> memref<128x64xf32, #tpu.memory_space<hbm>>
      tpu.wait_dma2 semaphore(%arg10 : memref<!tpu.dma_semaphore, #tpu.memory_space<semaphore_mem>>) src(%dma_wait3A_934 : memref<128x64xf32, #tpu.memory_space<hbm>>) dst(%dma_wait3A_931 : memref<128x64xf32, #tpu.memory_space<vmem>>)
      %dma_wait3A_935 = arith.constant 3 : i32
      %dma_wait3A_936 = arith.constant 0 : i32
      %dma_wait3A_937 = arith.constant 0 : i32
      %dma_wait3A_938 = tpu.memref_slice %arg7[%dma_wait3A_935, %dma_wait3A_936, %dma_wait3A_937] : memref<8x128x64xf32, #tpu.memory_space<vmem>> -> memref<1x128x64xf32, #tpu.memory_space<vmem>>
      %dma_wait3A_939 = tpu.memref_squeeze %dma_wait3A_938 : memref<1x128x64xf32, #tpu.memory_space<vmem>> -> memref<128x64xf32, #tpu.memory_space<vmem>>
      %dma_wait3A_940 = arith.constant 0 : i32
      %dma_wait3A_941 = arith.constant 0 : i32
      %dma_wait3A_942 = tpu.memref_slice %arg2[%dma_wait3A_940, %dma_wait3A_941] : memref<10000x64xf32, #tpu.memory_space<hbm>> -> memref<128x64xf32, #tpu.memory_space<hbm>>
      %dma_wait3A_943 = arith.constant 0 : i32
      %dma_wait3A_944 = arith.constant 0 : i32
      %dma_wait3A_945 = tpu.memref_slice %arg7[%dma_wait3A_935, %dma_wait3A_943, %dma_wait3A_944] : memref<8x128x64xf32, #tpu.memory_space<vmem>> -> memref<1x128x64xf32, #tpu.memory_space<vmem>>
      %dma_wait3A_946 = tpu.memref_squeeze %dma_wait3A_945 : memref<1x128x64xf32, #tpu.memory_space<vmem>> -> memref<128x64xf32, #tpu.memory_space<vmem>>
      %dma_wait3A_947 = arith.constant 0 : i32
      %dma_wait3A_948 = arith.constant 0 : i32
      %dma_wait3A_949 = tpu.memref_slice %arg2[%dma_wait3A_947, %dma_wait3A_948] : memref<10000x64xf32, #tpu.memory_space<hbm>> -> memref<128x64xf32, #tpu.memory_space<hbm>>
      tpu.wait_dma2 semaphore(%arg10 : memref<!tpu.dma_semaphore, #tpu.memory_space<semaphore_mem>>) src(%dma_wait3A_949 : memref<128x64xf32, #tpu.memory_space<hbm>>) dst(%dma_wait3A_946 : memref<128x64xf32, #tpu.memory_space<vmem>>)
      %lt3A_950 = arith.constant 8 : i32
      %lt3A_951 = arith.cmpi slt, %scan3A_621, %lt3A_950 : i32
      %convert_element_type3A_952 = arith.extui %lt3A_951 : i1 to i32
      %cond3A_953 = arith.constant 0 : i32
      %cond3A_954 = arith.cmpi ne, %convert_element_type3A_952, %cond3A_953 : i32
      scf.if %cond3A_954 {
        %add3A_955 = arith.constant 2 : i32
        %add3A_956 = arith.addi %mul3A_623, %add3A_955 : i32
        %mul3A_957 = arith.constant 512 : i32
        %mul3A_958 = arith.muli %add3A_956, %mul3A_957 : i32
        %add3A_959 = arith.constant 0 : i32
        %add3A_960 = arith.addi %mul3A_958, %add3A_959 : i32
        %dma_start3A_961 = arith.constant 0 : i32
        %dma_start3A_962 = arith.constant 0 : i32
        %dma_start3A_963 = arith.constant 0 : i32
        %dma_start3A_964 = tpu.memref_slice %arg7[%dma_start3A_961, %dma_start3A_962, %dma_start3A_963] : memref<8x128x64xf32, #tpu.memory_space<vmem>> -> memref<1x128x64xf32, #tpu.memory_space<vmem>>
        %dma_start3A_965 = tpu.memref_squeeze %dma_start3A_964 : memref<1x128x64xf32, #tpu.memory_space<vmem>> -> memref<128x64xf32, #tpu.memory_space<vmem>>
        %dma_start3A_966 = tpu.memref_slice %arg5[%add3A_960] : memref<10000xi32, #tpu.memory_space<vmem>> -> memref<128xi32, #tpu.memory_space<vmem>>
        %dma_start3A_967 = arith.constant 0 : i32
        %dma_start3A_968 = arith.constant 0 : i32
        %dma_start3A_969 = tpu.memref_slice %arg2[%dma_start3A_967, %dma_start3A_968] : memref<10000x64xf32, #tpu.memory_space<hbm>> -> memref<10000x64xf32, #tpu.memory_space<hbm>>
        tpu.enqueue_indirect_dma source(%dma_start3A_969 : memref<10000x64xf32, #tpu.memory_space<hbm>>) target(%dma_start3A_965 : memref<128x64xf32, #tpu.memory_space<vmem>>) offsets(%dma_start3A_966 : memref<128xi32, #tpu.memory_space<vmem>>) semaphore(%arg9 : memref<!tpu.dma_semaphore, #tpu.memory_space<semaphore_mem>>)
        %add3A_970 = arith.constant 128 : i32
        %add3A_971 = arith.addi %mul3A_958, %add3A_970 : i32
        %dma_start3A_972 = arith.constant 1 : i32
        %dma_start3A_973 = arith.constant 0 : i32
        %dma_start3A_974 = arith.constant 0 : i32
        %dma_start3A_975 = tpu.memref_slice %arg7[%dma_start3A_972, %dma_start3A_973, %dma_start3A_974] : memref<8x128x64xf32, #tpu.memory_space<vmem>> -> memref<1x128x64xf32, #tpu.memory_space<vmem>>
        %dma_start3A_976 = tpu.memref_squeeze %dma_start3A_975 : memref<1x128x64xf32, #tpu.memory_space<vmem>> -> memref<128x64xf32, #tpu.memory_space<vmem>>
        %dma_start3A_977 = tpu.memref_slice %arg5[%add3A_971] : memref<10000xi32, #tpu.memory_space<vmem>> -> memref<128xi32, #tpu.memory_space<vmem>>
        %dma_start3A_978 = arith.constant 0 : i32
        %dma_start3A_979 = arith.constant 0 : i32
        %dma_start3A_980 = tpu.memref_slice %arg2[%dma_start3A_978, %dma_start3A_979] : memref<10000x64xf32, #tpu.memory_space<hbm>> -> memref<10000x64xf32, #tpu.memory_space<hbm>>
        tpu.enqueue_indirect_dma source(%dma_start3A_980 : memref<10000x64xf32, #tpu.memory_space<hbm>>) target(%dma_start3A_976 : memref<128x64xf32, #tpu.memory_space<vmem>>) offsets(%dma_start3A_977 : memref<128xi32, #tpu.memory_space<vmem>>) semaphore(%arg9 : memref<!tpu.dma_semaphore, #tpu.memory_space<semaphore_mem>>)
        %add3A_981 = arith.constant 256 : i32
        %add3A_982 = arith.addi %mul3A_958, %add3A_981 : i32
        %dma_start3A_983 = arith.constant 2 : i32
        %dma_start3A_984 = arith.constant 0 : i32
        %dma_start3A_985 = arith.constant 0 : i32
        %dma_start3A_986 = tpu.memref_slice %arg7[%dma_start3A_983, %dma_start3A_984, %dma_start3A_985] : memref<8x128x64xf32, #tpu.memory_space<vmem>> -> memref<1x128x64xf32, #tpu.memory_space<vmem>>
        %dma_start3A_987 = tpu.memref_squeeze %dma_start3A_986 : memref<1x128x64xf32, #tpu.memory_space<vmem>> -> memref<128x64xf32, #tpu.memory_space<vmem>>
        %dma_start3A_988 = tpu.memref_slice %arg5[%add3A_982] : memref<10000xi32, #tpu.memory_space<vmem>> -> memref<128xi32, #tpu.memory_space<vmem>>
        %dma_start3A_989 = arith.constant 0 : i32
        %dma_start3A_990 = arith.constant 0 : i32
        %dma_start3A_991 = tpu.memref_slice %arg2[%dma_start3A_989, %dma_start3A_990] : memref<10000x64xf32, #tpu.memory_space<hbm>> -> memref<10000x64xf32, #tpu.memory_space<hbm>>
        tpu.enqueue_indirect_dma source(%dma_start3A_991 : memref<10000x64xf32, #tpu.memory_space<hbm>>) target(%dma_start3A_987 : memref<128x64xf32, #tpu.memory_space<vmem>>) offsets(%dma_start3A_988 : memref<128xi32, #tpu.memory_space<vmem>>) semaphore(%arg9 : memref<!tpu.dma_semaphore, #tpu.memory_space<semaphore_mem>>)
        %add3A_992 = arith.constant 384 : i32
        %add3A_993 = arith.addi %mul3A_958, %add3A_992 : i32
        %dma_start3A_994 = arith.constant 3 : i32
        %dma_start3A_995 = arith.constant 0 : i32
        %dma_start3A_996 = arith.constant 0 : i32
        %dma_start3A_997 = tpu.memref_slice %arg7[%dma_start3A_994, %dma_start3A_995, %dma_start3A_996] : memref<8x128x64xf32, #tpu.memory_space<vmem>> -> memref<1x128x64xf32, #tpu.memory_space<vmem>>
        %dma_start3A_998 = tpu.memref_squeeze %dma_start3A_997 : memref<1x128x64xf32, #tpu.memory_space<vmem>> -> memref<128x64xf32, #tpu.memory_space<vmem>>
        %dma_start3A_999 = tpu.memref_slice %arg5[%add3A_993] : memref<10000xi32, #tpu.memory_space<vmem>> -> memref<128xi32, #tpu.memory_space<vmem>>
        %dma_start3A_1000 = arith.constant 0 : i32
        %dma_start3A_1001 = arith.constant 0 : i32
        %dma_start3A_1002 = tpu.memref_slice %arg2[%dma_start3A_1000, %dma_start3A_1001] : memref<10000x64xf32, #tpu.memory_space<hbm>> -> memref<10000x64xf32, #tpu.memory_space<hbm>>
        tpu.enqueue_indirect_dma source(%dma_start3A_1002 : memref<10000x64xf32, #tpu.memory_space<hbm>>) target(%dma_start3A_998 : memref<128x64xf32, #tpu.memory_space<vmem>>) offsets(%dma_start3A_999 : memref<128xi32, #tpu.memory_space<vmem>>) semaphore(%arg9 : memref<!tpu.dma_semaphore, #tpu.memory_space<semaphore_mem>>)
      } else {
      }
    }
    %scan3A_158 = arith.constant 9 : i32
    %dma_start3A_159 = arith.constant 0 : i32
    %dma_start3A_160 = arith.constant 0 : i32
    %dma_start3A_161 = arith.constant 0 : i32
    %dma_start3A_162 = tpu.memref_slice %arg7[%dma_start3A_159, %dma_start3A_160, %dma_start3A_161] : memref<8x128x64xf32, #tpu.memory_space<vmem>> -> memref<1x128x64xf32, #tpu.memory_space<vmem>>
    %dma_start3A_163 = tpu.memref_squeeze %dma_start3A_162 : memref<1x128x64xf32, #tpu.memory_space<vmem>> -> memref<128x64xf32, #tpu.memory_space<vmem>>
    %dma_start3A_164 = arith.constant 9216 : i32
    %dma_start3A_165 = tpu.memref_slice %arg5[%dma_start3A_164] : memref<10000xi32, #tpu.memory_space<vmem>> -> memref<128xi32, #tpu.memory_space<vmem>>
    %dma_start3A_166 = arith.constant 0 : i32
    %dma_start3A_167 = arith.constant 0 : i32
    %dma_start3A_168 = tpu.memref_slice %arg2[%dma_start3A_166, %dma_start3A_167] : memref<10000x64xf32, #tpu.memory_space<hbm>> -> memref<10000x64xf32, #tpu.memory_space<hbm>>
    tpu.enqueue_indirect_dma source(%dma_start3A_168 : memref<10000x64xf32, #tpu.memory_space<hbm>>) target(%dma_start3A_163 : memref<128x64xf32, #tpu.memory_space<vmem>>) offsets(%dma_start3A_165 : memref<128xi32, #tpu.memory_space<vmem>>) semaphore(%arg9 : memref<!tpu.dma_semaphore, #tpu.memory_space<semaphore_mem>>)
    %dma_start3A_169 = arith.constant 1 : i32
    %dma_start3A_170 = arith.constant 0 : i32
    %dma_start3A_171 = arith.constant 0 : i32
    %dma_start3A_172 = tpu.memref_slice %arg7[%dma_start3A_169, %dma_start3A_170, %dma_start3A_171] : memref<8x128x64xf32, #tpu.memory_space<vmem>> -> memref<1x128x64xf32, #tpu.memory_space<vmem>>
    %dma_start3A_173 = tpu.memref_squeeze %dma_start3A_172 : memref<1x128x64xf32, #tpu.memory_space<vmem>> -> memref<128x64xf32, #tpu.memory_space<vmem>>
    %dma_start3A_174 = arith.constant 9344 : i32
    %dma_start3A_175 = tpu.memref_slice %arg5[%dma_start3A_174] : memref<10000xi32, #tpu.memory_space<vmem>> -> memref<128xi32, #tpu.memory_space<vmem>>
    %dma_start3A_176 = arith.constant 0 : i32
    %dma_start3A_177 = arith.constant 0 : i32
    %dma_start3A_178 = tpu.memref_slice %arg2[%dma_start3A_176, %dma_start3A_177] : memref<10000x64xf32, #tpu.memory_space<hbm>> -> memref<10000x64xf32, #tpu.memory_space<hbm>>
    tpu.enqueue_indirect_dma source(%dma_start3A_178 : memref<10000x64xf32, #tpu.memory_space<hbm>>) target(%dma_start3A_173 : memref<128x64xf32, #tpu.memory_space<vmem>>) offsets(%dma_start3A_175 : memref<128xi32, #tpu.memory_space<vmem>>) semaphore(%arg9 : memref<!tpu.dma_semaphore, #tpu.memory_space<semaphore_mem>>)
    %dma_start3A_179 = arith.constant 2 : i32
    %dma_start3A_180 = arith.constant 0 : i32
    %dma_start3A_181 = arith.constant 0 : i32
    %dma_start3A_182 = tpu.memref_slice %arg7[%dma_start3A_179, %dma_start3A_180, %dma_start3A_181] : memref<8x128x64xf32, #tpu.memory_space<vmem>> -> memref<1x128x64xf32, #tpu.memory_space<vmem>>
    %dma_start3A_183 = tpu.memref_squeeze %dma_start3A_182 : memref<1x128x64xf32, #tpu.memory_space<vmem>> -> memref<128x64xf32, #tpu.memory_space<vmem>>
    %dma_start3A_184 = arith.constant 9472 : i32
    %dma_start3A_185 = tpu.memref_slice %arg5[%dma_start3A_184] : memref<10000xi32, #tpu.memory_space<vmem>> -> memref<128xi32, #tpu.memory_space<vmem>>
    %dma_start3A_186 = arith.constant 0 : i32
    %dma_start3A_187 = arith.constant 0 : i32
    %dma_start3A_188 = tpu.memref_slice %arg2[%dma_start3A_186, %dma_start3A_187] : memref<10000x64xf32, #tpu.memory_space<hbm>> -> memref<10000x64xf32, #tpu.memory_space<hbm>>
    tpu.enqueue_indirect_dma source(%dma_start3A_188 : memref<10000x64xf32, #tpu.memory_space<hbm>>) target(%dma_start3A_183 : memref<128x64xf32, #tpu.memory_space<vmem>>) offsets(%dma_start3A_185 : memref<128xi32, #tpu.memory_space<vmem>>) semaphore(%arg9 : memref<!tpu.dma_semaphore, #tpu.memory_space<semaphore_mem>>)
    %dma_start3A_189 = arith.constant 3 : i32
    %dma_start3A_190 = arith.constant 0 : i32
    %dma_start3A_191 = arith.constant 0 : i32
    %dma_start3A_192 = tpu.memref_slice %arg7[%dma_start3A_189, %dma_start3A_190, %dma_start3A_191] : memref<8x128x64xf32, #tpu.memory_space<vmem>> -> memref<1x128x64xf32, #tpu.memory_space<vmem>>
    %dma_start3A_193 = tpu.memref_squeeze %dma_start3A_192 : memref<1x128x64xf32, #tpu.memory_space<vmem>> -> memref<128x64xf32, #tpu.memory_space<vmem>>
    %dma_start3A_194 = arith.constant 9600 : i32
    %dma_start3A_195 = tpu.memref_slice %arg5[%dma_start3A_194] : memref<10000xi32, #tpu.memory_space<vmem>> -> memref<128xi32, #tpu.memory_space<vmem>>
    %dma_start3A_196 = arith.constant 0 : i32
    %dma_start3A_197 = arith.constant 0 : i32
    %dma_start3A_198 = tpu.memref_slice %arg2[%dma_start3A_196, %dma_start3A_197] : memref<10000x64xf32, #tpu.memory_space<hbm>> -> memref<10000x64xf32, #tpu.memory_space<hbm>>
    tpu.enqueue_indirect_dma source(%dma_start3A_198 : memref<10000x64xf32, #tpu.memory_space<hbm>>) target(%dma_start3A_193 : memref<128x64xf32, #tpu.memory_space<vmem>>) offsets(%dma_start3A_195 : memref<128xi32, #tpu.memory_space<vmem>>) semaphore(%arg9 : memref<!tpu.dma_semaphore, #tpu.memory_space<semaphore_mem>>)
    %dma_wait3A_199 = arith.constant 0 : i32
    %dma_wait3A_200 = arith.constant 0 : i32
    %dma_wait3A_201 = arith.constant 0 : i32
    %dma_wait3A_202 = tpu.memref_slice %arg7[%dma_wait3A_199, %dma_wait3A_200, %dma_wait3A_201] : memref<8x128x64xf32, #tpu.memory_space<vmem>> -> memref<1x128x64xf32, #tpu.memory_space<vmem>>
    %dma_wait3A_203 = tpu.memref_squeeze %dma_wait3A_202 : memref<1x128x64xf32, #tpu.memory_space<vmem>> -> memref<128x64xf32, #tpu.memory_space<vmem>>
    %dma_wait3A_204 = arith.constant 0 : i32
    %dma_wait3A_205 = arith.constant 0 : i32
    %dma_wait3A_206 = tpu.memref_slice %arg2[%dma_wait3A_204, %dma_wait3A_205] : memref<10000x64xf32, #tpu.memory_space<hbm>> -> memref<128x64xf32, #tpu.memory_space<hbm>>
    %dma_wait3A_207 = arith.constant 0 : i32
    %dma_wait3A_208 = arith.constant 0 : i32
    %dma_wait3A_209 = tpu.memref_slice %arg7[%dma_wait3A_199, %dma_wait3A_207, %dma_wait3A_208] : memref<8x128x64xf32, #tpu.memory_space<vmem>> -> memref<1x128x64xf32, #tpu.memory_space<vmem>>
    %dma_wait3A_210 = tpu.memref_squeeze %dma_wait3A_209 : memref<1x128x64xf32, #tpu.memory_space<vmem>> -> memref<128x64xf32, #tpu.memory_space<vmem>>
    %dma_wait3A_211 = arith.constant 0 : i32
    %dma_wait3A_212 = arith.constant 0 : i32
    %dma_wait3A_213 = tpu.memref_slice %arg2[%dma_wait3A_211, %dma_wait3A_212] : memref<10000x64xf32, #tpu.memory_space<hbm>> -> memref<128x64xf32, #tpu.memory_space<hbm>>
    tpu.wait_dma2 semaphore(%arg9 : memref<!tpu.dma_semaphore, #tpu.memory_space<semaphore_mem>>) src(%dma_wait3A_213 : memref<128x64xf32, #tpu.memory_space<hbm>>) dst(%dma_wait3A_210 : memref<128x64xf32, #tpu.memory_space<vmem>>)
    %dma_wait3A_214 = arith.constant 1 : i32
    %dma_wait3A_215 = arith.constant 0 : i32
    %dma_wait3A_216 = arith.constant 0 : i32
    %dma_wait3A_217 = tpu.memref_slice %arg7[%dma_wait3A_214, %dma_wait3A_215, %dma_wait3A_216] : memref<8x128x64xf32, #tpu.memory_space<vmem>> -> memref<1x128x64xf32, #tpu.memory_space<vmem>>
    %dma_wait3A_218 = tpu.memref_squeeze %dma_wait3A_217 : memref<1x128x64xf32, #tpu.memory_space<vmem>> -> memref<128x64xf32, #tpu.memory_space<vmem>>
    %dma_wait3A_219 = arith.constant 0 : i32
    %dma_wait3A_220 = arith.constant 0 : i32
    %dma_wait3A_221 = tpu.memref_slice %arg2[%dma_wait3A_219, %dma_wait3A_220] : memref<10000x64xf32, #tpu.memory_space<hbm>> -> memref<128x64xf32, #tpu.memory_space<hbm>>
    %dma_wait3A_222 = arith.constant 0 : i32
    %dma_wait3A_223 = arith.constant 0 : i32
    %dma_wait3A_224 = tpu.memref_slice %arg7[%dma_wait3A_214, %dma_wait3A_222, %dma_wait3A_223] : memref<8x128x64xf32, #tpu.memory_space<vmem>> -> memref<1x128x64xf32, #tpu.memory_space<vmem>>
    %dma_wait3A_225 = tpu.memref_squeeze %dma_wait3A_224 : memref<1x128x64xf32, #tpu.memory_space<vmem>> -> memref<128x64xf32, #tpu.memory_space<vmem>>
    %dma_wait3A_226 = arith.constant 0 : i32
    %dma_wait3A_227 = arith.constant 0 : i32
    %dma_wait3A_228 = tpu.memref_slice %arg2[%dma_wait3A_226, %dma_wait3A_227] : memref<10000x64xf32, #tpu.memory_space<hbm>> -> memref<128x64xf32, #tpu.memory_space<hbm>>
    tpu.wait_dma2 semaphore(%arg9 : memref<!tpu.dma_semaphore, #tpu.memory_space<semaphore_mem>>) src(%dma_wait3A_228 : memref<128x64xf32, #tpu.memory_space<hbm>>) dst(%dma_wait3A_225 : memref<128x64xf32, #tpu.memory_space<vmem>>)
    %dma_wait3A_229 = arith.constant 2 : i32
    %dma_wait3A_230 = arith.constant 0 : i32
    %dma_wait3A_231 = arith.constant 0 : i32
    %dma_wait3A_232 = tpu.memref_slice %arg7[%dma_wait3A_229, %dma_wait3A_230, %dma_wait3A_231] : memref<8x128x64xf32, #tpu.memory_space<vmem>> -> memref<1x128x64xf32, #tpu.memory_space<vmem>>
    %dma_wait3A_233 = tpu.memref_squeeze %dma_wait3A_232 : memref<1x128x64xf32, #tpu.memory_space<vmem>> -> memref<128x64xf32, #tpu.memory_space<vmem>>
    %dma_wait3A_234 = arith.constant 0 : i32
    %dma_wait3A_235 = arith.constant 0 : i32
    %dma_wait3A_236 = tpu.memref_slice %arg2[%dma_wait3A_234, %dma_wait3A_235] : memref<10000x64xf32, #tpu.memory_space<hbm>> -> memref<128x64xf32, #tpu.memory_space<hbm>>
    %dma_wait3A_237 = arith.constant 0 : i32
    %dma_wait3A_238 = arith.constant 0 : i32
    %dma_wait3A_239 = tpu.memref_slice %arg7[%dma_wait3A_229, %dma_wait3A_237, %dma_wait3A_238] : memref<8x128x64xf32, #tpu.memory_space<vmem>> -> memref<1x128x64xf32, #tpu.memory_space<vmem>>
    %dma_wait3A_240 = tpu.memref_squeeze %dma_wait3A_239 : memref<1x128x64xf32, #tpu.memory_space<vmem>> -> memref<128x64xf32, #tpu.memory_space<vmem>>
    %dma_wait3A_241 = arith.constant 0 : i32
    %dma_wait3A_242 = arith.constant 0 : i32
    %dma_wait3A_243 = tpu.memref_slice %arg2[%dma_wait3A_241, %dma_wait3A_242] : memref<10000x64xf32, #tpu.memory_space<hbm>> -> memref<128x64xf32, #tpu.memory_space<hbm>>
    tpu.wait_dma2 semaphore(%arg9 : memref<!tpu.dma_semaphore, #tpu.memory_space<semaphore_mem>>) src(%dma_wait3A_243 : memref<128x64xf32, #tpu.memory_space<hbm>>) dst(%dma_wait3A_240 : memref<128x64xf32, #tpu.memory_space<vmem>>)
    %dma_wait3A_244 = arith.constant 3 : i32
    %dma_wait3A_245 = arith.constant 0 : i32
    %dma_wait3A_246 = arith.constant 0 : i32
    %dma_wait3A_247 = tpu.memref_slice %arg7[%dma_wait3A_244, %dma_wait3A_245, %dma_wait3A_246] : memref<8x128x64xf32, #tpu.memory_space<vmem>> -> memref<1x128x64xf32, #tpu.memory_space<vmem>>
    %dma_wait3A_248 = tpu.memref_squeeze %dma_wait3A_247 : memref<1x128x64xf32, #tpu.memory_space<vmem>> -> memref<128x64xf32, #tpu.memory_space<vmem>>
    %dma_wait3A_249 = arith.constant 0 : i32
    %dma_wait3A_250 = arith.constant 0 : i32
    %dma_wait3A_251 = tpu.memref_slice %arg2[%dma_wait3A_249, %dma_wait3A_250] : memref<10000x64xf32, #tpu.memory_space<hbm>> -> memref<128x64xf32, #tpu.memory_space<hbm>>
    %dma_wait3A_252 = arith.constant 0 : i32
    %dma_wait3A_253 = arith.constant 0 : i32
    %dma_wait3A_254 = tpu.memref_slice %arg7[%dma_wait3A_244, %dma_wait3A_252, %dma_wait3A_253] : memref<8x128x64xf32, #tpu.memory_space<vmem>> -> memref<1x128x64xf32, #tpu.memory_space<vmem>>
    %dma_wait3A_255 = tpu.memref_squeeze %dma_wait3A_254 : memref<1x128x64xf32, #tpu.memory_space<vmem>> -> memref<128x64xf32, #tpu.memory_space<vmem>>
    %dma_wait3A_256 = arith.constant 0 : i32
    %dma_wait3A_257 = arith.constant 0 : i32
    %dma_wait3A_258 = tpu.memref_slice %arg2[%dma_wait3A_256, %dma_wait3A_257] : memref<10000x64xf32, #tpu.memory_space<hbm>> -> memref<128x64xf32, #tpu.memory_space<hbm>>
    tpu.wait_dma2 semaphore(%arg9 : memref<!tpu.dma_semaphore, #tpu.memory_space<semaphore_mem>>) src(%dma_wait3A_258 : memref<128x64xf32, #tpu.memory_space<hbm>>) dst(%dma_wait3A_255 : memref<128x64xf32, #tpu.memory_space<vmem>>)
    %dma_start3A_259 = arith.constant 0 : i32
    %dma_start3A_260 = arith.constant 0 : i32
    %dma_start3A_261 = arith.constant 0 : i32
    %dma_start3A_262 = tpu.memref_slice %arg7[%dma_start3A_259, %dma_start3A_260, %dma_start3A_261] : memref<8x128x64xf32, #tpu.memory_space<vmem>> -> memref<1x128x64xf32, #tpu.memory_space<vmem>>
    %dma_start3A_263 = tpu.memref_squeeze %dma_start3A_262 : memref<1x128x64xf32, #tpu.memory_space<vmem>> -> memref<128x64xf32, #tpu.memory_space<vmem>>
    %dma_start3A_264 = arith.constant 9216 : i32
    %dma_start3A_265 = tpu.memref_slice %arg6[%dma_start3A_264] : memref<10000xi32, #tpu.memory_space<vmem>> -> memref<128xi32, #tpu.memory_space<vmem>>
    %dma_start3A_266 = arith.constant 0 : i32
    %dma_start3A_267 = arith.constant 0 : i32
    %dma_start3A_268 = tpu.memref_slice %arg8[%dma_start3A_266, %dma_start3A_267] : memref<10000x64xf32, #tpu.memory_space<vmem_shared>> -> memref<10000x64xf32, #tpu.memory_space<vmem_shared>>
    tpu.enqueue_indirect_dma source(%dma_start3A_263 : memref<128x64xf32, #tpu.memory_space<vmem>>) target(%dma_start3A_268 : memref<10000x64xf32, #tpu.memory_space<vmem_shared>>) offsets(%dma_start3A_265 : memref<128xi32, #tpu.memory_space<vmem>>) semaphore(%arg10 : memref<!tpu.dma_semaphore, #tpu.memory_space<semaphore_mem>>) {add = true}
    %dma_start3A_269 = arith.constant 1 : i32
    %dma_start3A_270 = arith.constant 0 : i32
    %dma_start3A_271 = arith.constant 0 : i32
    %dma_start3A_272 = tpu.memref_slice %arg7[%dma_start3A_269, %dma_start3A_270, %dma_start3A_271] : memref<8x128x64xf32, #tpu.memory_space<vmem>> -> memref<1x128x64xf32, #tpu.memory_space<vmem>>
    %dma_start3A_273 = tpu.memref_squeeze %dma_start3A_272 : memref<1x128x64xf32, #tpu.memory_space<vmem>> -> memref<128x64xf32, #tpu.memory_space<vmem>>
    %dma_start3A_274 = arith.constant 9344 : i32
    %dma_start3A_275 = tpu.memref_slice %arg6[%dma_start3A_274] : memref<10000xi32, #tpu.memory_space<vmem>> -> memref<128xi32, #tpu.memory_space<vmem>>
    %dma_start3A_276 = arith.constant 0 : i32
    %dma_start3A_277 = arith.constant 0 : i32
    %dma_start3A_278 = tpu.memref_slice %arg8[%dma_start3A_276, %dma_start3A_277] : memref<10000x64xf32, #tpu.memory_space<vmem_shared>> -> memref<10000x64xf32, #tpu.memory_space<vmem_shared>>
    tpu.enqueue_indirect_dma source(%dma_start3A_273 : memref<128x64xf32, #tpu.memory_space<vmem>>) target(%dma_start3A_278 : memref<10000x64xf32, #tpu.memory_space<vmem_shared>>) offsets(%dma_start3A_275 : memref<128xi32, #tpu.memory_space<vmem>>) semaphore(%arg10 : memref<!tpu.dma_semaphore, #tpu.memory_space<semaphore_mem>>) {add = true}
    %dma_start3A_279 = arith.constant 2 : i32
    %dma_start3A_280 = arith.constant 0 : i32
    %dma_start3A_281 = arith.constant 0 : i32
    %dma_start3A_282 = tpu.memref_slice %arg7[%dma_start3A_279, %dma_start3A_280, %dma_start3A_281] : memref<8x128x64xf32, #tpu.memory_space<vmem>> -> memref<1x128x64xf32, #tpu.memory_space<vmem>>
    %dma_start3A_283 = tpu.memref_squeeze %dma_start3A_282 : memref<1x128x64xf32, #tpu.memory_space<vmem>> -> memref<128x64xf32, #tpu.memory_space<vmem>>
    %dma_start3A_284 = arith.constant 9472 : i32
    %dma_start3A_285 = tpu.memref_slice %arg6[%dma_start3A_284] : memref<10000xi32, #tpu.memory_space<vmem>> -> memref<128xi32, #tpu.memory_space<vmem>>
    %dma_start3A_286 = arith.constant 0 : i32
    %dma_start3A_287 = arith.constant 0 : i32
    %dma_start3A_288 = tpu.memref_slice %arg8[%dma_start3A_286, %dma_start3A_287] : memref<10000x64xf32, #tpu.memory_space<vmem_shared>> -> memref<10000x64xf32, #tpu.memory_space<vmem_shared>>
    tpu.enqueue_indirect_dma source(%dma_start3A_283 : memref<128x64xf32, #tpu.memory_space<vmem>>) target(%dma_start3A_288 : memref<10000x64xf32, #tpu.memory_space<vmem_shared>>) offsets(%dma_start3A_285 : memref<128xi32, #tpu.memory_space<vmem>>) semaphore(%arg10 : memref<!tpu.dma_semaphore, #tpu.memory_space<semaphore_mem>>) {add = true}
    %dma_start3A_289 = arith.constant 3 : i32
    %dma_start3A_290 = arith.constant 0 : i32
    %dma_start3A_291 = arith.constant 0 : i32
    %dma_start3A_292 = tpu.memref_slice %arg7[%dma_start3A_289, %dma_start3A_290, %dma_start3A_291] : memref<8x128x64xf32, #tpu.memory_space<vmem>> -> memref<1x128x64xf32, #tpu.memory_space<vmem>>
    %dma_start3A_293 = tpu.memref_squeeze %dma_start3A_292 : memref<1x128x64xf32, #tpu.memory_space<vmem>> -> memref<128x64xf32, #tpu.memory_space<vmem>>
    %dma_start3A_294 = arith.constant 9600 : i32
    %dma_start3A_295 = tpu.memref_slice %arg6[%dma_start3A_294] : memref<10000xi32, #tpu.memory_space<vmem>> -> memref<128xi32, #tpu.memory_space<vmem>>
    %dma_start3A_296 = arith.constant 0 : i32
    %dma_start3A_297 = arith.constant 0 : i32
    %dma_start3A_298 = tpu.memref_slice %arg8[%dma_start3A_296, %dma_start3A_297] : memref<10000x64xf32, #tpu.memory_space<vmem_shared>> -> memref<10000x64xf32, #tpu.memory_space<vmem_shared>>
    tpu.enqueue_indirect_dma source(%dma_start3A_293 : memref<128x64xf32, #tpu.memory_space<vmem>>) target(%dma_start3A_298 : memref<10000x64xf32, #tpu.memory_space<vmem_shared>>) offsets(%dma_start3A_295 : memref<128xi32, #tpu.memory_space<vmem>>) semaphore(%arg10 : memref<!tpu.dma_semaphore, #tpu.memory_space<semaphore_mem>>) {add = true}
    %dma_wait3A_299 = arith.constant 4 : i32
    %dma_wait3A_300 = arith.constant 0 : i32
    %dma_wait3A_301 = arith.constant 0 : i32
    %dma_wait3A_302 = tpu.memref_slice %arg7[%dma_wait3A_299, %dma_wait3A_300, %dma_wait3A_301] : memref<8x128x64xf32, #tpu.memory_space<vmem>> -> memref<1x128x64xf32, #tpu.memory_space<vmem>>
    %dma_wait3A_303 = tpu.memref_squeeze %dma_wait3A_302 : memref<1x128x64xf32, #tpu.memory_space<vmem>> -> memref<128x64xf32, #tpu.memory_space<vmem>>
    %dma_wait3A_304 = arith.constant 0 : i32
    %dma_wait3A_305 = arith.constant 0 : i32
    %dma_wait3A_306 = tpu.memref_slice %arg2[%dma_wait3A_304, %dma_wait3A_305] : memref<10000x64xf32, #tpu.memory_space<hbm>> -> memref<128x64xf32, #tpu.memory_space<hbm>>
    %dma_wait3A_307 = arith.constant 0 : i32
    %dma_wait3A_308 = arith.constant 0 : i32
    %dma_wait3A_309 = tpu.memref_slice %arg7[%dma_wait3A_299, %dma_wait3A_307, %dma_wait3A_308] : memref<8x128x64xf32, #tpu.memory_space<vmem>> -> memref<1x128x64xf32, #tpu.memory_space<vmem>>
    %dma_wait3A_310 = tpu.memref_squeeze %dma_wait3A_309 : memref<1x128x64xf32, #tpu.memory_space<vmem>> -> memref<128x64xf32, #tpu.memory_space<vmem>>
    %dma_wait3A_311 = arith.constant 0 : i32
    %dma_wait3A_312 = arith.constant 0 : i32
    %dma_wait3A_313 = tpu.memref_slice %arg2[%dma_wait3A_311, %dma_wait3A_312] : memref<10000x64xf32, #tpu.memory_space<hbm>> -> memref<128x64xf32, #tpu.memory_space<hbm>>
    tpu.wait_dma2 semaphore(%arg11 : memref<!tpu.dma_semaphore, #tpu.memory_space<semaphore_mem>>) src(%dma_wait3A_313 : memref<128x64xf32, #tpu.memory_space<hbm>>) dst(%dma_wait3A_310 : memref<128x64xf32, #tpu.memory_space<vmem>>)
    %dma_wait3A_314 = arith.constant 5 : i32
    %dma_wait3A_315 = arith.constant 0 : i32
    %dma_wait3A_316 = arith.constant 0 : i32
    %dma_wait3A_317 = tpu.memref_slice %arg7[%dma_wait3A_314, %dma_wait3A_315, %dma_wait3A_316] : memref<8x128x64xf32, #tpu.memory_space<vmem>> -> memref<1x128x64xf32, #tpu.memory_space<vmem>>
    %dma_wait3A_318 = tpu.memref_squeeze %dma_wait3A_317 : memref<1x128x64xf32, #tpu.memory_space<vmem>> -> memref<128x64xf32, #tpu.memory_space<vmem>>
    %dma_wait3A_319 = arith.constant 0 : i32
    %dma_wait3A_320 = arith.constant 0 : i32
    %dma_wait3A_321 = tpu.memref_slice %arg2[%dma_wait3A_319, %dma_wait3A_320] : memref<10000x64xf32, #tpu.memory_space<hbm>> -> memref<128x64xf32, #tpu.memory_space<hbm>>
    %dma_wait3A_322 = arith.constant 0 : i32
    %dma_wait3A_323 = arith.constant 0 : i32
    %dma_wait3A_324 = tpu.memref_slice %arg7[%dma_wait3A_314, %dma_wait3A_322, %dma_wait3A_323] : memref<8x128x64xf32, #tpu.memory_space<vmem>> -> memref<1x128x64xf32, #tpu.memory_space<vmem>>
    %dma_wait3A_325 = tpu.memref_squeeze %dma_wait3A_324 : memref<1x128x64xf32, #tpu.memory_space<vmem>> -> memref<128x64xf32, #tpu.memory_space<vmem>>
    %dma_wait3A_326 = arith.constant 0 : i32
    %dma_wait3A_327 = arith.constant 0 : i32
    %dma_wait3A_328 = tpu.memref_slice %arg2[%dma_wait3A_326, %dma_wait3A_327] : memref<10000x64xf32, #tpu.memory_space<hbm>> -> memref<128x64xf32, #tpu.memory_space<hbm>>
    tpu.wait_dma2 semaphore(%arg11 : memref<!tpu.dma_semaphore, #tpu.memory_space<semaphore_mem>>) src(%dma_wait3A_328 : memref<128x64xf32, #tpu.memory_space<hbm>>) dst(%dma_wait3A_325 : memref<128x64xf32, #tpu.memory_space<vmem>>)
    %dma_wait3A_329 = arith.constant 6 : i32
    %dma_wait3A_330 = arith.constant 0 : i32
    %dma_wait3A_331 = arith.constant 0 : i32
    %dma_wait3A_332 = tpu.memref_slice %arg7[%dma_wait3A_329, %dma_wait3A_330, %dma_wait3A_331] : memref<8x128x64xf32, #tpu.memory_space<vmem>> -> memref<1x128x64xf32, #tpu.memory_space<vmem>>
    %dma_wait3A_333 = tpu.memref_squeeze %dma_wait3A_332 : memref<1x128x64xf32, #tpu.memory_space<vmem>> -> memref<128x64xf32, #tpu.memory_space<vmem>>
    %dma_wait3A_334 = arith.constant 0 : i32
    %dma_wait3A_335 = arith.constant 0 : i32
    %dma_wait3A_336 = tpu.memref_slice %arg2[%dma_wait3A_334, %dma_wait3A_335] : memref<10000x64xf32, #tpu.memory_space<hbm>> -> memref<128x64xf32, #tpu.memory_space<hbm>>
    %dma_wait3A_337 = arith.constant 0 : i32
    %dma_wait3A_338 = arith.constant 0 : i32
    %dma_wait3A_339 = tpu.memref_slice %arg7[%dma_wait3A_329, %dma_wait3A_337, %dma_wait3A_338] : memref<8x128x64xf32, #tpu.memory_space<vmem>> -> memref<1x128x64xf32, #tpu.memory_space<vmem>>
    %dma_wait3A_340 = tpu.memref_squeeze %dma_wait3A_339 : memref<1x128x64xf32, #tpu.memory_space<vmem>> -> memref<128x64xf32, #tpu.memory_space<vmem>>
    %dma_wait3A_341 = arith.constant 0 : i32
    %dma_wait3A_342 = arith.constant 0 : i32
    %dma_wait3A_343 = tpu.memref_slice %arg2[%dma_wait3A_341, %dma_wait3A_342] : memref<10000x64xf32, #tpu.memory_space<hbm>> -> memref<128x64xf32, #tpu.memory_space<hbm>>
    tpu.wait_dma2 semaphore(%arg11 : memref<!tpu.dma_semaphore, #tpu.memory_space<semaphore_mem>>) src(%dma_wait3A_343 : memref<128x64xf32, #tpu.memory_space<hbm>>) dst(%dma_wait3A_340 : memref<128x64xf32, #tpu.memory_space<vmem>>)
    %dma_wait3A_344 = arith.constant 7 : i32
    %dma_wait3A_345 = arith.constant 0 : i32
    %dma_wait3A_346 = arith.constant 0 : i32
    %dma_wait3A_347 = tpu.memref_slice %arg7[%dma_wait3A_344, %dma_wait3A_345, %dma_wait3A_346] : memref<8x128x64xf32, #tpu.memory_space<vmem>> -> memref<1x128x64xf32, #tpu.memory_space<vmem>>
    %dma_wait3A_348 = tpu.memref_squeeze %dma_wait3A_347 : memref<1x128x64xf32, #tpu.memory_space<vmem>> -> memref<128x64xf32, #tpu.memory_space<vmem>>
    %dma_wait3A_349 = arith.constant 0 : i32
    %dma_wait3A_350 = arith.constant 0 : i32
    %dma_wait3A_351 = tpu.memref_slice %arg2[%dma_wait3A_349, %dma_wait3A_350] : memref<10000x64xf32, #tpu.memory_space<hbm>> -> memref<128x64xf32, #tpu.memory_space<hbm>>
    %dma_wait3A_352 = arith.constant 0 : i32
    %dma_wait3A_353 = arith.constant 0 : i32
    %dma_wait3A_354 = tpu.memref_slice %arg7[%dma_wait3A_344, %dma_wait3A_352, %dma_wait3A_353] : memref<8x128x64xf32, #tpu.memory_space<vmem>> -> memref<1x128x64xf32, #tpu.memory_space<vmem>>
    %dma_wait3A_355 = tpu.memref_squeeze %dma_wait3A_354 : memref<1x128x64xf32, #tpu.memory_space<vmem>> -> memref<128x64xf32, #tpu.memory_space<vmem>>
    %dma_wait3A_356 = arith.constant 0 : i32
    %dma_wait3A_357 = arith.constant 0 : i32
    %dma_wait3A_358 = tpu.memref_slice %arg2[%dma_wait3A_356, %dma_wait3A_357] : memref<10000x64xf32, #tpu.memory_space<hbm>> -> memref<128x64xf32, #tpu.memory_space<hbm>>
    tpu.wait_dma2 semaphore(%arg11 : memref<!tpu.dma_semaphore, #tpu.memory_space<semaphore_mem>>) src(%dma_wait3A_358 : memref<128x64xf32, #tpu.memory_space<hbm>>) dst(%dma_wait3A_355 : memref<128x64xf32, #tpu.memory_space<vmem>>)
    %dma_start3A_359 = arith.constant 4 : i32
    %dma_start3A_360 = arith.constant 0 : i32
    %dma_start3A_361 = arith.constant 0 : i32
    %dma_start3A_362 = tpu.memref_slice %arg7[%dma_start3A_359, %dma_start3A_360, %dma_start3A_361] : memref<8x128x64xf32, #tpu.memory_space<vmem>> -> memref<1x128x64xf32, #tpu.memory_space<vmem>>
    %dma_start3A_363 = tpu.memref_squeeze %dma_start3A_362 : memref<1x128x64xf32, #tpu.memory_space<vmem>> -> memref<128x64xf32, #tpu.memory_space<vmem>>
    %dma_start3A_364 = arith.constant 9728 : i32
    %dma_start3A_365 = tpu.memref_slice %arg5[%dma_start3A_364] : memref<10000xi32, #tpu.memory_space<vmem>> -> memref<128xi32, #tpu.memory_space<vmem>>
    %dma_start3A_366 = arith.constant 0 : i32
    %dma_start3A_367 = arith.constant 0 : i32
    %dma_start3A_368 = tpu.memref_slice %arg2[%dma_start3A_366, %dma_start3A_367] : memref<10000x64xf32, #tpu.memory_space<hbm>> -> memref<10000x64xf32, #tpu.memory_space<hbm>>
    tpu.enqueue_indirect_dma source(%dma_start3A_368 : memref<10000x64xf32, #tpu.memory_space<hbm>>) target(%dma_start3A_363 : memref<128x64xf32, #tpu.memory_space<vmem>>) offsets(%dma_start3A_365 : memref<128xi32, #tpu.memory_space<vmem>>) semaphore(%arg9 : memref<!tpu.dma_semaphore, #tpu.memory_space<semaphore_mem>>)
    %dma_start3A_369 = arith.constant 5 : i32
    %dma_start3A_370 = arith.constant 0 : i32
    %dma_start3A_371 = arith.constant 0 : i32
    %dma_start3A_372 = tpu.memref_slice %arg7[%dma_start3A_369, %dma_start3A_370, %dma_start3A_371] : memref<8x128x64xf32, #tpu.memory_space<vmem>> -> memref<1x128x64xf32, #tpu.memory_space<vmem>>
    %dma_start3A_373 = tpu.memref_squeeze %dma_start3A_372 : memref<1x128x64xf32, #tpu.memory_space<vmem>> -> memref<128x64xf32, #tpu.memory_space<vmem>>
    %dma_start3A_374 = arith.constant 9856 : i32
    %dma_start3A_375 = tpu.memref_slice %arg5[%dma_start3A_374] : memref<10000xi32, #tpu.memory_space<vmem>> -> memref<128xi32, #tpu.memory_space<vmem>>
    %dma_start3A_376 = arith.constant 0 : i32
    %dma_start3A_377 = arith.constant 0 : i32
    %dma_start3A_378 = tpu.memref_slice %arg2[%dma_start3A_376, %dma_start3A_377] : memref<10000x64xf32, #tpu.memory_space<hbm>> -> memref<10000x64xf32, #tpu.memory_space<hbm>>
    tpu.enqueue_indirect_dma source(%dma_start3A_378 : memref<10000x64xf32, #tpu.memory_space<hbm>>) target(%dma_start3A_373 : memref<128x64xf32, #tpu.memory_space<vmem>>) offsets(%dma_start3A_375 : memref<128xi32, #tpu.memory_space<vmem>>) semaphore(%arg9 : memref<!tpu.dma_semaphore, #tpu.memory_space<semaphore_mem>>)
    %dma_wait3A_379 = arith.constant 4 : i32
    %dma_wait3A_380 = arith.constant 0 : i32
    %dma_wait3A_381 = arith.constant 0 : i32
    %dma_wait3A_382 = tpu.memref_slice %arg7[%dma_wait3A_379, %dma_wait3A_380, %dma_wait3A_381] : memref<8x128x64xf32, #tpu.memory_space<vmem>> -> memref<1x128x64xf32, #tpu.memory_space<vmem>>
    %dma_wait3A_383 = tpu.memref_squeeze %dma_wait3A_382 : memref<1x128x64xf32, #tpu.memory_space<vmem>> -> memref<128x64xf32, #tpu.memory_space<vmem>>
    %dma_wait3A_384 = arith.constant 0 : i32
    %dma_wait3A_385 = arith.constant 0 : i32
    %dma_wait3A_386 = tpu.memref_slice %arg2[%dma_wait3A_384, %dma_wait3A_385] : memref<10000x64xf32, #tpu.memory_space<hbm>> -> memref<128x64xf32, #tpu.memory_space<hbm>>
    %dma_wait3A_387 = arith.constant 0 : i32
    %dma_wait3A_388 = arith.constant 0 : i32
    %dma_wait3A_389 = tpu.memref_slice %arg7[%dma_wait3A_379, %dma_wait3A_387, %dma_wait3A_388] : memref<8x128x64xf32, #tpu.memory_space<vmem>> -> memref<1x128x64xf32, #tpu.memory_space<vmem>>
    %dma_wait3A_390 = tpu.memref_squeeze %dma_wait3A_389 : memref<1x128x64xf32, #tpu.memory_space<vmem>> -> memref<128x64xf32, #tpu.memory_space<vmem>>
    %dma_wait3A_391 = arith.constant 0 : i32
    %dma_wait3A_392 = arith.constant 0 : i32
    %dma_wait3A_393 = tpu.memref_slice %arg2[%dma_wait3A_391, %dma_wait3A_392] : memref<10000x64xf32, #tpu.memory_space<hbm>> -> memref<128x64xf32, #tpu.memory_space<hbm>>
    tpu.wait_dma2 semaphore(%arg9 : memref<!tpu.dma_semaphore, #tpu.memory_space<semaphore_mem>>) src(%dma_wait3A_393 : memref<128x64xf32, #tpu.memory_space<hbm>>) dst(%dma_wait3A_390 : memref<128x64xf32, #tpu.memory_space<vmem>>)
    %dma_wait3A_394 = arith.constant 5 : i32
    %dma_wait3A_395 = arith.constant 0 : i32
    %dma_wait3A_396 = arith.constant 0 : i32
    %dma_wait3A_397 = tpu.memref_slice %arg7[%dma_wait3A_394, %dma_wait3A_395, %dma_wait3A_396] : memref<8x128x64xf32, #tpu.memory_space<vmem>> -> memref<1x128x64xf32, #tpu.memory_space<vmem>>
    %dma_wait3A_398 = tpu.memref_squeeze %dma_wait3A_397 : memref<1x128x64xf32, #tpu.memory_space<vmem>> -> memref<128x64xf32, #tpu.memory_space<vmem>>
    %dma_wait3A_399 = arith.constant 0 : i32
    %dma_wait3A_400 = arith.constant 0 : i32
    %dma_wait3A_401 = tpu.memref_slice %arg2[%dma_wait3A_399, %dma_wait3A_400] : memref<10000x64xf32, #tpu.memory_space<hbm>> -> memref<128x64xf32, #tpu.memory_space<hbm>>
    %dma_wait3A_402 = arith.constant 0 : i32
    %dma_wait3A_403 = arith.constant 0 : i32
    %dma_wait3A_404 = tpu.memref_slice %arg7[%dma_wait3A_394, %dma_wait3A_402, %dma_wait3A_403] : memref<8x128x64xf32, #tpu.memory_space<vmem>> -> memref<1x128x64xf32, #tpu.memory_space<vmem>>
    %dma_wait3A_405 = tpu.memref_squeeze %dma_wait3A_404 : memref<1x128x64xf32, #tpu.memory_space<vmem>> -> memref<128x64xf32, #tpu.memory_space<vmem>>
    %dma_wait3A_406 = arith.constant 0 : i32
    %dma_wait3A_407 = arith.constant 0 : i32
    %dma_wait3A_408 = tpu.memref_slice %arg2[%dma_wait3A_406, %dma_wait3A_407] : memref<10000x64xf32, #tpu.memory_space<hbm>> -> memref<128x64xf32, #tpu.memory_space<hbm>>
    tpu.wait_dma2 semaphore(%arg9 : memref<!tpu.dma_semaphore, #tpu.memory_space<semaphore_mem>>) src(%dma_wait3A_408 : memref<128x64xf32, #tpu.memory_space<hbm>>) dst(%dma_wait3A_405 : memref<128x64xf32, #tpu.memory_space<vmem>>)
    %dma_start3A_409 = arith.constant 4 : i32
    %dma_start3A_410 = arith.constant 0 : i32
    %dma_start3A_411 = arith.constant 0 : i32
    %dma_start3A_412 = tpu.memref_slice %arg7[%dma_start3A_409, %dma_start3A_410, %dma_start3A_411] : memref<8x128x64xf32, #tpu.memory_space<vmem>> -> memref<1x128x64xf32, #tpu.memory_space<vmem>>
    %dma_start3A_413 = tpu.memref_squeeze %dma_start3A_412 : memref<1x128x64xf32, #tpu.memory_space<vmem>> -> memref<128x64xf32, #tpu.memory_space<vmem>>
    %dma_start3A_414 = arith.constant 9728 : i32
    %dma_start3A_415 = tpu.memref_slice %arg6[%dma_start3A_414] : memref<10000xi32, #tpu.memory_space<vmem>> -> memref<128xi32, #tpu.memory_space<vmem>>
    %dma_start3A_416 = arith.constant 0 : i32
    %dma_start3A_417 = arith.constant 0 : i32
    %dma_start3A_418 = tpu.memref_slice %arg8[%dma_start3A_416, %dma_start3A_417] : memref<10000x64xf32, #tpu.memory_space<vmem_shared>> -> memref<10000x64xf32, #tpu.memory_space<vmem_shared>>
    tpu.enqueue_indirect_dma source(%dma_start3A_413 : memref<128x64xf32, #tpu.memory_space<vmem>>) target(%dma_start3A_418 : memref<10000x64xf32, #tpu.memory_space<vmem_shared>>) offsets(%dma_start3A_415 : memref<128xi32, #tpu.memory_space<vmem>>) semaphore(%arg11 : memref<!tpu.dma_semaphore, #tpu.memory_space<semaphore_mem>>) {add = true}
    %dma_start3A_419 = arith.constant 5 : i32
    %dma_start3A_420 = arith.constant 0 : i32
    %dma_start3A_421 = arith.constant 0 : i32
    %dma_start3A_422 = tpu.memref_slice %arg7[%dma_start3A_419, %dma_start3A_420, %dma_start3A_421] : memref<8x128x64xf32, #tpu.memory_space<vmem>> -> memref<1x128x64xf32, #tpu.memory_space<vmem>>
    %dma_start3A_423 = tpu.memref_squeeze %dma_start3A_422 : memref<1x128x64xf32, #tpu.memory_space<vmem>> -> memref<128x64xf32, #tpu.memory_space<vmem>>
    %dma_start3A_424 = arith.constant 9856 : i32
    %dma_start3A_425 = tpu.memref_slice %arg6[%dma_start3A_424] : memref<10000xi32, #tpu.memory_space<vmem>> -> memref<128xi32, #tpu.memory_space<vmem>>
    %dma_start3A_426 = arith.constant 0 : i32
    %dma_start3A_427 = arith.constant 0 : i32
    %dma_start3A_428 = tpu.memref_slice %arg8[%dma_start3A_426, %dma_start3A_427] : memref<10000x64xf32, #tpu.memory_space<vmem_shared>> -> memref<10000x64xf32, #tpu.memory_space<vmem_shared>>
    tpu.enqueue_indirect_dma source(%dma_start3A_423 : memref<128x64xf32, #tpu.memory_space<vmem>>) target(%dma_start3A_428 : memref<10000x64xf32, #tpu.memory_space<vmem_shared>>) offsets(%dma_start3A_425 : memref<128xi32, #tpu.memory_space<vmem>>) semaphore(%arg11 : memref<!tpu.dma_semaphore, #tpu.memory_space<semaphore_mem>>) {add = true}
    %dma_wait3A_429 = arith.constant 0 : i32
    %dma_wait3A_430 = arith.constant 0 : i32
    %dma_wait3A_431 = arith.constant 0 : i32
    %dma_wait3A_432 = tpu.memref_slice %arg7[%dma_wait3A_429, %dma_wait3A_430, %dma_wait3A_431] : memref<8x128x64xf32, #tpu.memory_space<vmem>> -> memref<1x128x64xf32, #tpu.memory_space<vmem>>
    %dma_wait3A_433 = tpu.memref_squeeze %dma_wait3A_432 : memref<1x128x64xf32, #tpu.memory_space<vmem>> -> memref<128x64xf32, #tpu.memory_space<vmem>>
    %dma_wait3A_434 = arith.constant 0 : i32
    %dma_wait3A_435 = arith.constant 0 : i32
    %dma_wait3A_436 = tpu.memref_slice %arg2[%dma_wait3A_434, %dma_wait3A_435] : memref<10000x64xf32, #tpu.memory_space<hbm>> -> memref<128x64xf32, #tpu.memory_space<hbm>>
    %dma_wait3A_437 = arith.constant 0 : i32
    %dma_wait3A_438 = arith.constant 0 : i32
    %dma_wait3A_439 = tpu.memref_slice %arg7[%dma_wait3A_429, %dma_wait3A_437, %dma_wait3A_438] : memref<8x128x64xf32, #tpu.memory_space<vmem>> -> memref<1x128x64xf32, #tpu.memory_space<vmem>>
    %dma_wait3A_440 = tpu.memref_squeeze %dma_wait3A_439 : memref<1x128x64xf32, #tpu.memory_space<vmem>> -> memref<128x64xf32, #tpu.memory_space<vmem>>
    %dma_wait3A_441 = arith.constant 0 : i32
    %dma_wait3A_442 = arith.constant 0 : i32
    %dma_wait3A_443 = tpu.memref_slice %arg2[%dma_wait3A_441, %dma_wait3A_442] : memref<10000x64xf32, #tpu.memory_space<hbm>> -> memref<128x64xf32, #tpu.memory_space<hbm>>
    tpu.wait_dma2 semaphore(%arg10 : memref<!tpu.dma_semaphore, #tpu.memory_space<semaphore_mem>>) src(%dma_wait3A_443 : memref<128x64xf32, #tpu.memory_space<hbm>>) dst(%dma_wait3A_440 : memref<128x64xf32, #tpu.memory_space<vmem>>)
    %dma_wait3A_444 = arith.constant 1 : i32
    %dma_wait3A_445 = arith.constant 0 : i32
    %dma_wait3A_446 = arith.constant 0 : i32
    %dma_wait3A_447 = tpu.memref_slice %arg7[%dma_wait3A_444, %dma_wait3A_445, %dma_wait3A_446] : memref<8x128x64xf32, #tpu.memory_space<vmem>> -> memref<1x128x64xf32, #tpu.memory_space<vmem>>
    %dma_wait3A_448 = tpu.memref_squeeze %dma_wait3A_447 : memref<1x128x64xf32, #tpu.memory_space<vmem>> -> memref<128x64xf32, #tpu.memory_space<vmem>>
    %dma_wait3A_449 = arith.constant 0 : i32
    %dma_wait3A_450 = arith.constant 0 : i32
    %dma_wait3A_451 = tpu.memref_slice %arg2[%dma_wait3A_449, %dma_wait3A_450] : memref<10000x64xf32, #tpu.memory_space<hbm>> -> memref<128x64xf32, #tpu.memory_space<hbm>>
    %dma_wait3A_452 = arith.constant 0 : i32
    %dma_wait3A_453 = arith.constant 0 : i32
    %dma_wait3A_454 = tpu.memref_slice %arg7[%dma_wait3A_444, %dma_wait3A_452, %dma_wait3A_453] : memref<8x128x64xf32, #tpu.memory_space<vmem>> -> memref<1x128x64xf32, #tpu.memory_space<vmem>>
    %dma_wait3A_455 = tpu.memref_squeeze %dma_wait3A_454 : memref<1x128x64xf32, #tpu.memory_space<vmem>> -> memref<128x64xf32, #tpu.memory_space<vmem>>
    %dma_wait3A_456 = arith.constant 0 : i32
    %dma_wait3A_457 = arith.constant 0 : i32
    %dma_wait3A_458 = tpu.memref_slice %arg2[%dma_wait3A_456, %dma_wait3A_457] : memref<10000x64xf32, #tpu.memory_space<hbm>> -> memref<128x64xf32, #tpu.memory_space<hbm>>
    tpu.wait_dma2 semaphore(%arg10 : memref<!tpu.dma_semaphore, #tpu.memory_space<semaphore_mem>>) src(%dma_wait3A_458 : memref<128x64xf32, #tpu.memory_space<hbm>>) dst(%dma_wait3A_455 : memref<128x64xf32, #tpu.memory_space<vmem>>)
    %dma_wait3A_459 = arith.constant 2 : i32
    %dma_wait3A_460 = arith.constant 0 : i32
    %dma_wait3A_461 = arith.constant 0 : i32
    %dma_wait3A_462 = tpu.memref_slice %arg7[%dma_wait3A_459, %dma_wait3A_460, %dma_wait3A_461] : memref<8x128x64xf32, #tpu.memory_space<vmem>> -> memref<1x128x64xf32, #tpu.memory_space<vmem>>
    %dma_wait3A_463 = tpu.memref_squeeze %dma_wait3A_462 : memref<1x128x64xf32, #tpu.memory_space<vmem>> -> memref<128x64xf32, #tpu.memory_space<vmem>>
    %dma_wait3A_464 = arith.constant 0 : i32
    %dma_wait3A_465 = arith.constant 0 : i32
    %dma_wait3A_466 = tpu.memref_slice %arg2[%dma_wait3A_464, %dma_wait3A_465] : memref<10000x64xf32, #tpu.memory_space<hbm>> -> memref<128x64xf32, #tpu.memory_space<hbm>>
    %dma_wait3A_467 = arith.constant 0 : i32
    %dma_wait3A_468 = arith.constant 0 : i32
    %dma_wait3A_469 = tpu.memref_slice %arg7[%dma_wait3A_459, %dma_wait3A_467, %dma_wait3A_468] : memref<8x128x64xf32, #tpu.memory_space<vmem>> -> memref<1x128x64xf32, #tpu.memory_space<vmem>>
    %dma_wait3A_470 = tpu.memref_squeeze %dma_wait3A_469 : memref<1x128x64xf32, #tpu.memory_space<vmem>> -> memref<128x64xf32, #tpu.memory_space<vmem>>
    %dma_wait3A_471 = arith.constant 0 : i32
    %dma_wait3A_472 = arith.constant 0 : i32
    %dma_wait3A_473 = tpu.memref_slice %arg2[%dma_wait3A_471, %dma_wait3A_472] : memref<10000x64xf32, #tpu.memory_space<hbm>> -> memref<128x64xf32, #tpu.memory_space<hbm>>
    tpu.wait_dma2 semaphore(%arg10 : memref<!tpu.dma_semaphore, #tpu.memory_space<semaphore_mem>>) src(%dma_wait3A_473 : memref<128x64xf32, #tpu.memory_space<hbm>>) dst(%dma_wait3A_470 : memref<128x64xf32, #tpu.memory_space<vmem>>)
    %dma_wait3A_474 = arith.constant 3 : i32
    %dma_wait3A_475 = arith.constant 0 : i32
    %dma_wait3A_476 = arith.constant 0 : i32
    %dma_wait3A_477 = tpu.memref_slice %arg7[%dma_wait3A_474, %dma_wait3A_475, %dma_wait3A_476] : memref<8x128x64xf32, #tpu.memory_space<vmem>> -> memref<1x128x64xf32, #tpu.memory_space<vmem>>
    %dma_wait3A_478 = tpu.memref_squeeze %dma_wait3A_477 : memref<1x128x64xf32, #tpu.memory_space<vmem>> -> memref<128x64xf32, #tpu.memory_space<vmem>>
    %dma_wait3A_479 = arith.constant 0 : i32
    %dma_wait3A_480 = arith.constant 0 : i32
    %dma_wait3A_481 = tpu.memref_slice %arg2[%dma_wait3A_479, %dma_wait3A_480] : memref<10000x64xf32, #tpu.memory_space<hbm>> -> memref<128x64xf32, #tpu.memory_space<hbm>>
    %dma_wait3A_482 = arith.constant 0 : i32
    %dma_wait3A_483 = arith.constant 0 : i32
    %dma_wait3A_484 = tpu.memref_slice %arg7[%dma_wait3A_474, %dma_wait3A_482, %dma_wait3A_483] : memref<8x128x64xf32, #tpu.memory_space<vmem>> -> memref<1x128x64xf32, #tpu.memory_space<vmem>>
    %dma_wait3A_485 = tpu.memref_squeeze %dma_wait3A_484 : memref<1x128x64xf32, #tpu.memory_space<vmem>> -> memref<128x64xf32, #tpu.memory_space<vmem>>
    %dma_wait3A_486 = arith.constant 0 : i32
    %dma_wait3A_487 = arith.constant 0 : i32
    %dma_wait3A_488 = tpu.memref_slice %arg2[%dma_wait3A_486, %dma_wait3A_487] : memref<10000x64xf32, #tpu.memory_space<hbm>> -> memref<128x64xf32, #tpu.memory_space<hbm>>
    tpu.wait_dma2 semaphore(%arg10 : memref<!tpu.dma_semaphore, #tpu.memory_space<semaphore_mem>>) src(%dma_wait3A_488 : memref<128x64xf32, #tpu.memory_space<hbm>>) dst(%dma_wait3A_485 : memref<128x64xf32, #tpu.memory_space<vmem>>)
    %dma_wait3A_489 = arith.constant 4 : i32
    %dma_wait3A_490 = arith.constant 0 : i32
    %dma_wait3A_491 = arith.constant 0 : i32
    %dma_wait3A_492 = tpu.memref_slice %arg7[%dma_wait3A_489, %dma_wait3A_490, %dma_wait3A_491] : memref<8x128x64xf32, #tpu.memory_space<vmem>> -> memref<1x128x64xf32, #tpu.memory_space<vmem>>
    %dma_wait3A_493 = tpu.memref_squeeze %dma_wait3A_492 : memref<1x128x64xf32, #tpu.memory_space<vmem>> -> memref<128x64xf32, #tpu.memory_space<vmem>>
    %dma_wait3A_494 = arith.constant 0 : i32
    %dma_wait3A_495 = arith.constant 0 : i32
    %dma_wait3A_496 = tpu.memref_slice %arg2[%dma_wait3A_494, %dma_wait3A_495] : memref<10000x64xf32, #tpu.memory_space<hbm>> -> memref<128x64xf32, #tpu.memory_space<hbm>>
    %dma_wait3A_497 = arith.constant 0 : i32
    %dma_wait3A_498 = arith.constant 0 : i32
    %dma_wait3A_499 = tpu.memref_slice %arg7[%dma_wait3A_489, %dma_wait3A_497, %dma_wait3A_498] : memref<8x128x64xf32, #tpu.memory_space<vmem>> -> memref<1x128x64xf32, #tpu.memory_space<vmem>>
    %dma_wait3A_500 = tpu.memref_squeeze %dma_wait3A_499 : memref<1x128x64xf32, #tpu.memory_space<vmem>> -> memref<128x64xf32, #tpu.memory_space<vmem>>
    %dma_wait3A_501 = arith.constant 0 : i32
    %dma_wait3A_502 = arith.constant 0 : i32
    %dma_wait3A_503 = tpu.memref_slice %arg2[%dma_wait3A_501, %dma_wait3A_502] : memref<10000x64xf32, #tpu.memory_space<hbm>> -> memref<128x64xf32, #tpu.memory_space<hbm>>
    tpu.wait_dma2 semaphore(%arg11 : memref<!tpu.dma_semaphore, #tpu.memory_space<semaphore_mem>>) src(%dma_wait3A_503 : memref<128x64xf32, #tpu.memory_space<hbm>>) dst(%dma_wait3A_500 : memref<128x64xf32, #tpu.memory_space<vmem>>)
    %dma_wait3A_504 = arith.constant 5 : i32
    %dma_wait3A_505 = arith.constant 0 : i32
    %dma_wait3A_506 = arith.constant 0 : i32
    %dma_wait3A_507 = tpu.memref_slice %arg7[%dma_wait3A_504, %dma_wait3A_505, %dma_wait3A_506] : memref<8x128x64xf32, #tpu.memory_space<vmem>> -> memref<1x128x64xf32, #tpu.memory_space<vmem>>
    %dma_wait3A_508 = tpu.memref_squeeze %dma_wait3A_507 : memref<1x128x64xf32, #tpu.memory_space<vmem>> -> memref<128x64xf32, #tpu.memory_space<vmem>>
    %dma_wait3A_509 = arith.constant 0 : i32
    %dma_wait3A_510 = arith.constant 0 : i32
    %dma_wait3A_511 = tpu.memref_slice %arg2[%dma_wait3A_509, %dma_wait3A_510] : memref<10000x64xf32, #tpu.memory_space<hbm>> -> memref<128x64xf32, #tpu.memory_space<hbm>>
    %dma_wait3A_512 = arith.constant 0 : i32
    %dma_wait3A_513 = arith.constant 0 : i32
    %dma_wait3A_514 = tpu.memref_slice %arg7[%dma_wait3A_504, %dma_wait3A_512, %dma_wait3A_513] : memref<8x128x64xf32, #tpu.memory_space<vmem>> -> memref<1x128x64xf32, #tpu.memory_space<vmem>>
    %dma_wait3A_515 = tpu.memref_squeeze %dma_wait3A_514 : memref<1x128x64xf32, #tpu.memory_space<vmem>> -> memref<128x64xf32, #tpu.memory_space<vmem>>
    %dma_wait3A_516 = arith.constant 0 : i32
    %dma_wait3A_517 = arith.constant 0 : i32
    %dma_wait3A_518 = tpu.memref_slice %arg2[%dma_wait3A_516, %dma_wait3A_517] : memref<10000x64xf32, #tpu.memory_space<hbm>> -> memref<128x64xf32, #tpu.memory_space<hbm>>
    tpu.wait_dma2 semaphore(%arg11 : memref<!tpu.dma_semaphore, #tpu.memory_space<semaphore_mem>>) src(%dma_wait3A_518 : memref<128x64xf32, #tpu.memory_space<hbm>>) dst(%dma_wait3A_515 : memref<128x64xf32, #tpu.memory_space<vmem>>)
    %dma_start3A_519 = arith.constant 0 : i32
    %dma_start3A_520 = arith.constant 0 : i32
    %dma_start3A_521 = arith.constant 0 : i32
    %dma_start3A_522 = tpu.memref_slice %arg7[%dma_start3A_519, %dma_start3A_520, %dma_start3A_521] : memref<8x128x64xf32, #tpu.memory_space<vmem>> -> memref<1x128x64xf32, #tpu.memory_space<vmem>>
    %dma_start3A_523 = tpu.memref_squeeze %dma_start3A_522 : memref<1x128x64xf32, #tpu.memory_space<vmem>> -> memref<128x64xf32, #tpu.memory_space<vmem>>
    %dma_start3A_524 = arith.constant 0 : i32
    %dma_start3A_525 = arith.constant 0 : i32
    %dma_start3A_526 = tpu.memref_slice %dma_start3A_523[%dma_start3A_524, %dma_start3A_525] : memref<128x64xf32, #tpu.memory_space<vmem>> -> memref<16x64xf32, #tpu.memory_space<vmem>>
    %dma_start3A_527 = arith.constant 9984 : i32
    %dma_start3A_528 = tpu.memref_slice %arg5[%dma_start3A_527] : memref<10000xi32, #tpu.memory_space<vmem>> -> memref<16xi32, #tpu.memory_space<vmem>>
    %dma_start3A_529 = arith.constant 0 : i32
    %dma_start3A_530 = arith.constant 0 : i32
    %dma_start3A_531 = tpu.memref_slice %arg2[%dma_start3A_529, %dma_start3A_530] : memref<10000x64xf32, #tpu.memory_space<hbm>> -> memref<10000x64xf32, #tpu.memory_space<hbm>>
    tpu.enqueue_indirect_dma source(%dma_start3A_531 : memref<10000x64xf32, #tpu.memory_space<hbm>>) target(%dma_start3A_526 : memref<16x64xf32, #tpu.memory_space<vmem>>) offsets(%dma_start3A_528 : memref<16xi32, #tpu.memory_space<vmem>>) semaphore(%arg9 : memref<!tpu.dma_semaphore, #tpu.memory_space<semaphore_mem>>)
    %dma_wait3A_532 = arith.constant 0 : i32
    %dma_wait3A_533 = arith.constant 0 : i32
    %dma_wait3A_534 = arith.constant 0 : i32
    %dma_wait3A_535 = tpu.memref_slice %arg7[%dma_wait3A_532, %dma_wait3A_533, %dma_wait3A_534] : memref<8x128x64xf32, #tpu.memory_space<vmem>> -> memref<1x128x64xf32, #tpu.memory_space<vmem>>
    %dma_wait3A_536 = tpu.memref_squeeze %dma_wait3A_535 : memref<1x128x64xf32, #tpu.memory_space<vmem>> -> memref<128x64xf32, #tpu.memory_space<vmem>>
    %dma_wait3A_537 = arith.constant 0 : i32
    %dma_wait3A_538 = arith.constant 0 : i32
    %dma_wait3A_539 = tpu.memref_slice %dma_wait3A_536[%dma_wait3A_537, %dma_wait3A_538] : memref<128x64xf32, #tpu.memory_space<vmem>> -> memref<16x64xf32, #tpu.memory_space<vmem>>
    %dma_wait3A_540 = arith.constant 9984 : i32
    %dma_wait3A_541 = tpu.memref_slice %arg5[%dma_wait3A_540] : memref<10000xi32, #tpu.memory_space<vmem>> -> memref<16xi32, #tpu.memory_space<vmem>>
    %dma_wait3A_542 = arith.constant 0 : i32
    %dma_wait3A_543 = arith.constant 0 : i32
    %dma_wait3A_544 = tpu.memref_slice %arg2[%dma_wait3A_542, %dma_wait3A_543] : memref<10000x64xf32, #tpu.memory_space<hbm>> -> memref<10000x64xf32, #tpu.memory_space<hbm>>
    tpu.wait_indirect_dma semaphore(%arg9 : memref<!tpu.dma_semaphore, #tpu.memory_space<semaphore_mem>>) src(%dma_wait3A_544 : memref<10000x64xf32, #tpu.memory_space<hbm>>) dst(%dma_wait3A_539 : memref<16x64xf32, #tpu.memory_space<vmem>>)
    %run_scoped3A = arith.constant 0 : i32
    "tpu.region"() ({
      %run_scoped3A_621 = tpu.sem_alloc : memref<!tpu.dma_semaphore, #tpu.memory_space<semaphore_mem>>
      %dma_start3A_622 = arith.constant 0 : i32
      %dma_start3A_623 = arith.constant 0 : i32
      %dma_start3A_624 = tpu.memref_slice %arg7[%run_scoped3A, %dma_start3A_622, %dma_start3A_623] : memref<8x128x64xf32, #tpu.memory_space<vmem>> -> memref<1x128x64xf32, #tpu.memory_space<vmem>>
      %dma_start3A_625 = tpu.memref_squeeze %dma_start3A_624 : memref<1x128x64xf32, #tpu.memory_space<vmem>> -> memref<128x64xf32, #tpu.memory_space<vmem>>
      %dma_start3A_626 = arith.constant 0 : i32
      %dma_start3A_627 = arith.constant 0 : i32
      %dma_start3A_628 = tpu.memref_slice %dma_start3A_625[%dma_start3A_626, %dma_start3A_627] : memref<128x64xf32, #tpu.memory_space<vmem>> -> memref<16x64xf32, #tpu.memory_space<vmem>>
      %dma_start3A_629 = arith.constant 9984 : i32
      %dma_start3A_630 = tpu.memref_slice %arg6[%dma_start3A_629] : memref<10000xi32, #tpu.memory_space<vmem>> -> memref<16xi32, #tpu.memory_space<vmem>>
      %dma_start3A_631 = arith.constant 0 : i32
      %dma_start3A_632 = arith.constant 0 : i32
      %dma_start3A_633 = tpu.memref_slice %arg8[%dma_start3A_631, %dma_start3A_632] : memref<10000x64xf32, #tpu.memory_space<vmem_shared>> -> memref<10000x64xf32, #tpu.memory_space<vmem_shared>>
      tpu.enqueue_indirect_dma source(%dma_start3A_628 : memref<16x64xf32, #tpu.memory_space<vmem>>) target(%dma_start3A_633 : memref<10000x64xf32, #tpu.memory_space<vmem_shared>>) offsets(%dma_start3A_630 : memref<16xi32, #tpu.memory_space<vmem>>) semaphore(%run_scoped3A_621 : memref<!tpu.dma_semaphore, #tpu.memory_space<semaphore_mem>>) {add = true}
      %dma_wait3A_634 = arith.constant 0 : i32
      %dma_wait3A_635 = arith.constant 0 : i32
      %dma_wait3A_636 = tpu.memref_slice %arg7[%run_scoped3A, %dma_wait3A_634, %dma_wait3A_635] : memref<8x128x64xf32, #tpu.memory_space<vmem>> -> memref<1x128x64xf32, #tpu.memory_space<vmem>>
      %dma_wait3A_637 = tpu.memref_squeeze %dma_wait3A_636 : memref<1x128x64xf32, #tpu.memory_space<vmem>> -> memref<128x64xf32, #tpu.memory_space<vmem>>
      %dma_wait3A_638 = arith.constant 0 : i32
      %dma_wait3A_639 = arith.constant 0 : i32
      %dma_wait3A_640 = tpu.memref_slice %dma_wait3A_637[%dma_wait3A_638, %dma_wait3A_639] : memref<128x64xf32, #tpu.memory_space<vmem>> -> memref<16x64xf32, #tpu.memory_space<vmem>>
      %dma_wait3A_641 = arith.constant 9984 : i32
      %dma_wait3A_642 = tpu.memref_slice %arg6[%dma_wait3A_641] : memref<10000xi32, #tpu.memory_space<vmem>> -> memref<16xi32, #tpu.memory_space<vmem>>
      %dma_wait3A_643 = arith.constant 0 : i32
      %dma_wait3A_644 = arith.constant 0 : i32
      %dma_wait3A_645 = tpu.memref_slice %arg8[%dma_wait3A_643, %dma_wait3A_644] : memref<10000x64xf32, #tpu.memory_space<vmem_shared>> -> memref<10000x64xf32, #tpu.memory_space<vmem_shared>>
      tpu.wait_indirect_dma semaphore(%run_scoped3A_621 : memref<!tpu.dma_semaphore, #tpu.memory_space<semaphore_mem>>) src(%dma_wait3A_640 : memref<16x64xf32, #tpu.memory_space<vmem>>) dst(%dma_wait3A_645 : memref<10000x64xf32, #tpu.memory_space<vmem_shared>>)
      tpu.yield
    }) : () -> ()
    %barrier3A_545 = arith.constant 0 : index
    tpu.barrier barrier_id(%barrier3A_545)
    %add3A_546 = arith.constant 0 : i32
    %add3A_547 = arith.addi %arg1, %add3A_546 : i32
    %mul3A_548 = arith.constant 128 : i32
    %mul3A_549 = arith.muli %add3A_547, %mul3A_548 : i32
    %multiple_of3A_550 = tpu.assume_multiple %mul3A_549, 128 : i32
    %lt3A_551 = arith.constant 78 : i32
    %lt3A_552 = arith.cmpi slt, %add3A_547, %lt3A_551 : i32
    %convert_element_type3A_553 = arith.extui %lt3A_552 : i1 to i32
    %cond3A_554 = arith.constant 0 : i32
    %cond3A_555 = arith.cmpi ne, %convert_element_type3A_553, %cond3A_554 : i32
    scf.if %cond3A_555 {
      %mul3A_621 = arith.constant 10000 : i32
      %mul3A_622 = arith.muli %arg0, %mul3A_621 : i32
      %add3A_623 = arith.addi %mul3A_622, %multiple_of3A_550 : i32
      "tpu.region"() ({
        %run_scoped3A_624 = tpu.sem_alloc : memref<!tpu.dma_semaphore, #tpu.memory_space<semaphore_mem>>
        %dma_start3A_625 = arith.constant 0 : i32
        %dma_start3A_626 = tpu.memref_slice %arg4[%add3A_623, %dma_start3A_625] : memref<20000x64xf32, #tpu.memory_space<hbm>> -> memref<128x64xf32, #tpu.memory_space<hbm>>
        %dma_start3A_627 = arith.constant 0 : i32
        %dma_start3A_628 = tpu.memref_slice %arg8[%multiple_of3A_550, %dma_start3A_627] : memref<10000x64xf32, #tpu.memory_space<vmem_shared>> -> memref<128x64xf32, #tpu.memory_space<vmem_shared>>
        tpu.enqueue_dma source(%dma_start3A_628 : memref<128x64xf32, #tpu.memory_space<vmem_shared>>) target(%dma_start3A_626 : memref<128x64xf32, #tpu.memory_space<hbm>>) target_semaphore(%run_scoped3A_624 : memref<!tpu.dma_semaphore, #tpu.memory_space<semaphore_mem>>)
        %dma_wait3A_629 = arith.constant 0 : i32
        %dma_wait3A_630 = tpu.memref_slice %arg4[%add3A_623, %dma_wait3A_629] : memref<20000x64xf32, #tpu.memory_space<hbm>> -> memref<128x64xf32, #tpu.memory_space<hbm>>
        %dma_wait3A_631 = arith.constant 0 : i32
        %dma_wait3A_632 = tpu.memref_slice %arg8[%multiple_of3A_550, %dma_wait3A_631] : memref<10000x64xf32, #tpu.memory_space<vmem_shared>> -> memref<128x64xf32, #tpu.memory_space<vmem_shared>>
        tpu.wait_dma2 semaphore(%run_scoped3A_624 : memref<!tpu.dma_semaphore, #tpu.memory_space<semaphore_mem>>) src(%dma_wait3A_632 : memref<128x64xf32, #tpu.memory_space<vmem_shared>>) dst(%dma_wait3A_630 : memref<128x64xf32, #tpu.memory_space<hbm>>)
        tpu.yield
      }) : () -> ()
    } else {
    }
    %eq3A_556 = arith.constant 78 : i32
    %eq3A_557 = arith.cmpi eq, %add3A_547, %eq3A_556 : i32
    %convert_element_type3A_558 = arith.extui %eq3A_557 : i1 to i32
    %cond3A_559 = arith.constant 0 : i32
    %cond3A_560 = arith.cmpi ne, %convert_element_type3A_558, %cond3A_559 : i32
    scf.if %cond3A_560 {
      %mul3A_621 = arith.constant 10000 : i32
      %mul3A_622 = arith.muli %arg0, %mul3A_621 : i32
      %add3A_623 = arith.constant 9984 : i32
      %add3A_624 = arith.addi %mul3A_622, %add3A_623 : i32
      "tpu.region"() ({
        %run_scoped3A_625 = tpu.sem_alloc : memref<!tpu.dma_semaphore, #tpu.memory_space<semaphore_mem>>
        %dma_start3A_626 = arith.constant 0 : i32
        %dma_start3A_627 = tpu.memref_slice %arg4[%add3A_624, %dma_start3A_626] : memref<20000x64xf32, #tpu.memory_space<hbm>> -> memref<16x64xf32, #tpu.memory_space<hbm>>
        %dma_start3A_628 = arith.constant 9984 : i32
        %dma_start3A_629 = arith.constant 0 : i32
        %dma_start3A_630 = tpu.memref_slice %arg8[%dma_start3A_628, %dma_start3A_629] : memref<10000x64xf32, #tpu.memory_space<vmem_shared>> -> memref<16x64xf32, #tpu.memory_space<vmem_shared>>
        tpu.enqueue_dma source(%dma_start3A_630 : memref<16x64xf32, #tpu.memory_space<vmem_shared>>) target(%dma_start3A_627 : memref<16x64xf32, #tpu.memory_space<hbm>>) target_semaphore(%run_scoped3A_625 : memref<!tpu.dma_semaphore, #tpu.memory_space<semaphore_mem>>)
        %dma_wait3A_631 = arith.constant 0 : i32
        %dma_wait3A_632 = tpu.memref_slice %arg4[%add3A_624, %dma_wait3A_631] : memref<20000x64xf32, #tpu.memory_space<hbm>> -> memref<16x64xf32, #tpu.memory_space<hbm>>
        %dma_wait3A_633 = arith.constant 9984 : i32
        %dma_wait3A_634 = arith.constant 0 : i32
        %dma_wait3A_635 = tpu.memref_slice %arg8[%dma_wait3A_633, %dma_wait3A_634] : memref<10000x64xf32, #tpu.memory_space<vmem_shared>> -> memref<16x64xf32, #tpu.memory_space<vmem_shared>>
        tpu.wait_dma2 semaphore(%run_scoped3A_625 : memref<!tpu.dma_semaphore, #tpu.memory_space<semaphore_mem>>) src(%dma_wait3A_635 : memref<16x64xf32, #tpu.memory_space<vmem_shared>>) dst(%dma_wait3A_632 : memref<16x64xf32, #tpu.memory_space<hbm>>)
        tpu.yield
      }) : () -> ()
    } else {
    }
    %add3A_561 = arith.constant 16 : i32
    %add3A_562 = arith.addi %arg1, %add3A_561 : i32
    %mul3A_563 = arith.constant 128 : i32
    %mul3A_564 = arith.muli %add3A_562, %mul3A_563 : i32
    %multiple_of3A_565 = tpu.assume_multiple %mul3A_564, 128 : i32
    %lt3A_566 = arith.constant 78 : i32
    %lt3A_567 = arith.cmpi slt, %add3A_562, %lt3A_566 : i32
    %convert_element_type3A_568 = arith.extui %lt3A_567 : i1 to i32
    %cond3A_569 = arith.constant 0 : i32
    %cond3A_570 = arith.cmpi ne, %convert_element_type3A_568, %cond3A_569 : i32
    scf.if %cond3A_570 {
      %mul3A_621 = arith.constant 10000 : i32
      %mul3A_622 = arith.muli %arg0, %mul3A_621 : i32
      %add3A_623 = arith.addi %mul3A_622, %multiple_of3A_565 : i32
      "tpu.region"() ({
        %run_scoped3A_624 = tpu.sem_alloc : memref<!tpu.dma_semaphore, #tpu.memory_space<semaphore_mem>>
        %dma_start3A_625 = arith.constant 0 : i32
        %dma_start3A_626 = tpu.memref_slice %arg4[%add3A_623, %dma_start3A_625] : memref<20000x64xf32, #tpu.memory_space<hbm>> -> memref<128x64xf32, #tpu.memory_space<hbm>>
        %dma_start3A_627 = arith.constant 0 : i32
        %dma_start3A_628 = tpu.memref_slice %arg8[%multiple_of3A_565, %dma_start3A_627] : memref<10000x64xf32, #tpu.memory_space<vmem_shared>> -> memref<128x64xf32, #tpu.memory_space<vmem_shared>>
        tpu.enqueue_dma source(%dma_start3A_628 : memref<128x64xf32, #tpu.memory_space<vmem_shared>>) target(%dma_start3A_626 : memref<128x64xf32, #tpu.memory_space<hbm>>) target_semaphore(%run_scoped3A_624 : memref<!tpu.dma_semaphore, #tpu.memory_space<semaphore_mem>>)
        %dma_wait3A_629 = arith.constant 0 : i32
        %dma_wait3A_630 = tpu.memref_slice %arg4[%add3A_623, %dma_wait3A_629] : memref<20000x64xf32, #tpu.memory_space<hbm>> -> memref<128x64xf32, #tpu.memory_space<hbm>>
        %dma_wait3A_631 = arith.constant 0 : i32
        %dma_wait3A_632 = tpu.memref_slice %arg8[%multiple_of3A_565, %dma_wait3A_631] : memref<10000x64xf32, #tpu.memory_space<vmem_shared>> -> memref<128x64xf32, #tpu.memory_space<vmem_shared>>
        tpu.wait_dma2 semaphore(%run_scoped3A_624 : memref<!tpu.dma_semaphore, #tpu.memory_space<semaphore_mem>>) src(%dma_wait3A_632 : memref<128x64xf32, #tpu.memory_space<vmem_shared>>) dst(%dma_wait3A_630 : memref<128x64xf32, #tpu.memory_space<hbm>>)
        tpu.yield
      }) : () -> ()
    } else {
    }
    %eq3A_571 = arith.constant 78 : i32
    %eq3A_572 = arith.cmpi eq, %add3A_562, %eq3A_571 : i32
    %convert_element_type3A_573 = arith.extui %eq3A_572 : i1 to i32
    %cond3A_574 = arith.constant 0 : i32
    %cond3A_575 = arith.cmpi ne, %convert_element_type3A_573, %cond3A_574 : i32
    scf.if %cond3A_575 {
      %mul3A_621 = arith.constant 10000 : i32
      %mul3A_622 = arith.muli %arg0, %mul3A_621 : i32
      %add3A_623 = arith.constant 9984 : i32
      %add3A_624 = arith.addi %mul3A_622, %add3A_623 : i32
      "tpu.region"() ({
        %run_scoped3A_625 = tpu.sem_alloc : memref<!tpu.dma_semaphore, #tpu.memory_space<semaphore_mem>>
        %dma_start3A_626 = arith.constant 0 : i32
        %dma_start3A_627 = tpu.memref_slice %arg4[%add3A_624, %dma_start3A_626] : memref<20000x64xf32, #tpu.memory_space<hbm>> -> memref<16x64xf32, #tpu.memory_space<hbm>>
        %dma_start3A_628 = arith.constant 9984 : i32
        %dma_start3A_629 = arith.constant 0 : i32
        %dma_start3A_630 = tpu.memref_slice %arg8[%dma_start3A_628, %dma_start3A_629] : memref<10000x64xf32, #tpu.memory_space<vmem_shared>> -> memref<16x64xf32, #tpu.memory_space<vmem_shared>>
        tpu.enqueue_dma source(%dma_start3A_630 : memref<16x64xf32, #tpu.memory_space<vmem_shared>>) target(%dma_start3A_627 : memref<16x64xf32, #tpu.memory_space<hbm>>) target_semaphore(%run_scoped3A_625 : memref<!tpu.dma_semaphore, #tpu.memory_space<semaphore_mem>>)
        %dma_wait3A_631 = arith.constant 0 : i32
        %dma_wait3A_632 = tpu.memref_slice %arg4[%add3A_624, %dma_wait3A_631] : memref<20000x64xf32, #tpu.memory_space<hbm>> -> memref<16x64xf32, #tpu.memory_space<hbm>>
        %dma_wait3A_633 = arith.constant 9984 : i32
        %dma_wait3A_634 = arith.constant 0 : i32
        %dma_wait3A_635 = tpu.memref_slice %arg8[%dma_wait3A_633, %dma_wait3A_634] : memref<10000x64xf32, #tpu.memory_space<vmem_shared>> -> memref<16x64xf32, #tpu.memory_space<vmem_shared>>
        tpu.wait_dma2 semaphore(%run_scoped3A_625 : memref<!tpu.dma_semaphore, #tpu.memory_space<semaphore_mem>>) src(%dma_wait3A_635 : memref<16x64xf32, #tpu.memory_space<vmem_shared>>) dst(%dma_wait3A_632 : memref<16x64xf32, #tpu.memory_space<hbm>>)
        tpu.yield
      }) : () -> ()
    } else {
    }
    %add3A_576 = arith.constant 32 : i32
    %add3A_577 = arith.addi %arg1, %add3A_576 : i32
    %mul3A_578 = arith.constant 128 : i32
    %mul3A_579 = arith.muli %add3A_577, %mul3A_578 : i32
    %multiple_of3A_580 = tpu.assume_multiple %mul3A_579, 128 : i32
    %lt3A_581 = arith.constant 78 : i32
    %lt3A_582 = arith.cmpi slt, %add3A_577, %lt3A_581 : i32
    %convert_element_type3A_583 = arith.extui %lt3A_582 : i1 to i32
    %cond3A_584 = arith.constant 0 : i32
    %cond3A_585 = arith.cmpi ne, %convert_element_type3A_583, %cond3A_584 : i32
    scf.if %cond3A_585 {
      %mul3A_621 = arith.constant 10000 : i32
      %mul3A_622 = arith.muli %arg0, %mul3A_621 : i32
      %add3A_623 = arith.addi %mul3A_622, %multiple_of3A_580 : i32
      "tpu.region"() ({
        %run_scoped3A_624 = tpu.sem_alloc : memref<!tpu.dma_semaphore, #tpu.memory_space<semaphore_mem>>
        %dma_start3A_625 = arith.constant 0 : i32
        %dma_start3A_626 = tpu.memref_slice %arg4[%add3A_623, %dma_start3A_625] : memref<20000x64xf32, #tpu.memory_space<hbm>> -> memref<128x64xf32, #tpu.memory_space<hbm>>
        %dma_start3A_627 = arith.constant 0 : i32
        %dma_start3A_628 = tpu.memref_slice %arg8[%multiple_of3A_580, %dma_start3A_627] : memref<10000x64xf32, #tpu.memory_space<vmem_shared>> -> memref<128x64xf32, #tpu.memory_space<vmem_shared>>
        tpu.enqueue_dma source(%dma_start3A_628 : memref<128x64xf32, #tpu.memory_space<vmem_shared>>) target(%dma_start3A_626 : memref<128x64xf32, #tpu.memory_space<hbm>>) target_semaphore(%run_scoped3A_624 : memref<!tpu.dma_semaphore, #tpu.memory_space<semaphore_mem>>)
        %dma_wait3A_629 = arith.constant 0 : i32
        %dma_wait3A_630 = tpu.memref_slice %arg4[%add3A_623, %dma_wait3A_629] : memref<20000x64xf32, #tpu.memory_space<hbm>> -> memref<128x64xf32, #tpu.memory_space<hbm>>
        %dma_wait3A_631 = arith.constant 0 : i32
        %dma_wait3A_632 = tpu.memref_slice %arg8[%multiple_of3A_580, %dma_wait3A_631] : memref<10000x64xf32, #tpu.memory_space<vmem_shared>> -> memref<128x64xf32, #tpu.memory_space<vmem_shared>>
        tpu.wait_dma2 semaphore(%run_scoped3A_624 : memref<!tpu.dma_semaphore, #tpu.memory_space<semaphore_mem>>) src(%dma_wait3A_632 : memref<128x64xf32, #tpu.memory_space<vmem_shared>>) dst(%dma_wait3A_630 : memref<128x64xf32, #tpu.memory_space<hbm>>)
        tpu.yield
      }) : () -> ()
    } else {
    }
    %eq3A_586 = arith.constant 78 : i32
    %eq3A_587 = arith.cmpi eq, %add3A_577, %eq3A_586 : i32
    %convert_element_type3A_588 = arith.extui %eq3A_587 : i1 to i32
    %cond3A_589 = arith.constant 0 : i32
    %cond3A_590 = arith.cmpi ne, %convert_element_type3A_588, %cond3A_589 : i32
    scf.if %cond3A_590 {
      %mul3A_621 = arith.constant 10000 : i32
      %mul3A_622 = arith.muli %arg0, %mul3A_621 : i32
      %add3A_623 = arith.constant 9984 : i32
      %add3A_624 = arith.addi %mul3A_622, %add3A_623 : i32
      "tpu.region"() ({
        %run_scoped3A_625 = tpu.sem_alloc : memref<!tpu.dma_semaphore, #tpu.memory_space<semaphore_mem>>
        %dma_start3A_626 = arith.constant 0 : i32
        %dma_start3A_627 = tpu.memref_slice %arg4[%add3A_624, %dma_start3A_626] : memref<20000x64xf32, #tpu.memory_space<hbm>> -> memref<16x64xf32, #tpu.memory_space<hbm>>
        %dma_start3A_628 = arith.constant 9984 : i32
        %dma_start3A_629 = arith.constant 0 : i32
        %dma_start3A_630 = tpu.memref_slice %arg8[%dma_start3A_628, %dma_start3A_629] : memref<10000x64xf32, #tpu.memory_space<vmem_shared>> -> memref<16x64xf32, #tpu.memory_space<vmem_shared>>
        tpu.enqueue_dma source(%dma_start3A_630 : memref<16x64xf32, #tpu.memory_space<vmem_shared>>) target(%dma_start3A_627 : memref<16x64xf32, #tpu.memory_space<hbm>>) target_semaphore(%run_scoped3A_625 : memref<!tpu.dma_semaphore, #tpu.memory_space<semaphore_mem>>)
        %dma_wait3A_631 = arith.constant 0 : i32
        %dma_wait3A_632 = tpu.memref_slice %arg4[%add3A_624, %dma_wait3A_631] : memref<20000x64xf32, #tpu.memory_space<hbm>> -> memref<16x64xf32, #tpu.memory_space<hbm>>
        %dma_wait3A_633 = arith.constant 9984 : i32
        %dma_wait3A_634 = arith.constant 0 : i32
        %dma_wait3A_635 = tpu.memref_slice %arg8[%dma_wait3A_633, %dma_wait3A_634] : memref<10000x64xf32, #tpu.memory_space<vmem_shared>> -> memref<16x64xf32, #tpu.memory_space<vmem_shared>>
        tpu.wait_dma2 semaphore(%run_scoped3A_625 : memref<!tpu.dma_semaphore, #tpu.memory_space<semaphore_mem>>) src(%dma_wait3A_635 : memref<16x64xf32, #tpu.memory_space<vmem_shared>>) dst(%dma_wait3A_632 : memref<16x64xf32, #tpu.memory_space<hbm>>)
        tpu.yield
      }) : () -> ()
    } else {
    }
    %add3A_591 = arith.constant 48 : i32
    %add3A_592 = arith.addi %arg1, %add3A_591 : i32
    %mul3A_593 = arith.constant 128 : i32
    %mul3A_594 = arith.muli %add3A_592, %mul3A_593 : i32
    %multiple_of3A_595 = tpu.assume_multiple %mul3A_594, 128 : i32
    %lt3A_596 = arith.constant 78 : i32
    %lt3A_597 = arith.cmpi slt, %add3A_592, %lt3A_596 : i32
    %convert_element_type3A_598 = arith.extui %lt3A_597 : i1 to i32
    %cond3A_599 = arith.constant 0 : i32
    %cond3A_600 = arith.cmpi ne, %convert_element_type3A_598, %cond3A_599 : i32
    scf.if %cond3A_600 {
      %mul3A_621 = arith.constant 10000 : i32
      %mul3A_622 = arith.muli %arg0, %mul3A_621 : i32
      %add3A_623 = arith.addi %mul3A_622, %multiple_of3A_595 : i32
      "tpu.region"() ({
        %run_scoped3A_624 = tpu.sem_alloc : memref<!tpu.dma_semaphore, #tpu.memory_space<semaphore_mem>>
        %dma_start3A_625 = arith.constant 0 : i32
        %dma_start3A_626 = tpu.memref_slice %arg4[%add3A_623, %dma_start3A_625] : memref<20000x64xf32, #tpu.memory_space<hbm>> -> memref<128x64xf32, #tpu.memory_space<hbm>>
        %dma_start3A_627 = arith.constant 0 : i32
        %dma_start3A_628 = tpu.memref_slice %arg8[%multiple_of3A_595, %dma_start3A_627] : memref<10000x64xf32, #tpu.memory_space<vmem_shared>> -> memref<128x64xf32, #tpu.memory_space<vmem_shared>>
        tpu.enqueue_dma source(%dma_start3A_628 : memref<128x64xf32, #tpu.memory_space<vmem_shared>>) target(%dma_start3A_626 : memref<128x64xf32, #tpu.memory_space<hbm>>) target_semaphore(%run_scoped3A_624 : memref<!tpu.dma_semaphore, #tpu.memory_space<semaphore_mem>>)
        %dma_wait3A_629 = arith.constant 0 : i32
        %dma_wait3A_630 = tpu.memref_slice %arg4[%add3A_623, %dma_wait3A_629] : memref<20000x64xf32, #tpu.memory_space<hbm>> -> memref<128x64xf32, #tpu.memory_space<hbm>>
        %dma_wait3A_631 = arith.constant 0 : i32
        %dma_wait3A_632 = tpu.memref_slice %arg8[%multiple_of3A_595, %dma_wait3A_631] : memref<10000x64xf32, #tpu.memory_space<vmem_shared>> -> memref<128x64xf32, #tpu.memory_space<vmem_shared>>
        tpu.wait_dma2 semaphore(%run_scoped3A_624 : memref<!tpu.dma_semaphore, #tpu.memory_space<semaphore_mem>>) src(%dma_wait3A_632 : memref<128x64xf32, #tpu.memory_space<vmem_shared>>) dst(%dma_wait3A_630 : memref<128x64xf32, #tpu.memory_space<hbm>>)
        tpu.yield
      }) : () -> ()
    } else {
    }
    %eq3A_601 = arith.constant 78 : i32
    %eq3A_602 = arith.cmpi eq, %add3A_592, %eq3A_601 : i32
    %convert_element_type3A_603 = arith.extui %eq3A_602 : i1 to i32
    %cond3A_604 = arith.constant 0 : i32
    %cond3A_605 = arith.cmpi ne, %convert_element_type3A_603, %cond3A_604 : i32
    scf.if %cond3A_605 {
      %mul3A_621 = arith.constant 10000 : i32
      %mul3A_622 = arith.muli %arg0, %mul3A_621 : i32
      %add3A_623 = arith.constant 9984 : i32
      %add3A_624 = arith.addi %mul3A_622, %add3A_623 : i32
      "tpu.region"() ({
        %run_scoped3A_625 = tpu.sem_alloc : memref<!tpu.dma_semaphore, #tpu.memory_space<semaphore_mem>>
        %dma_start3A_626 = arith.constant 0 : i32
        %dma_start3A_627 = tpu.memref_slice %arg4[%add3A_624, %dma_start3A_626] : memref<20000x64xf32, #tpu.memory_space<hbm>> -> memref<16x64xf32, #tpu.memory_space<hbm>>
        %dma_start3A_628 = arith.constant 9984 : i32
        %dma_start3A_629 = arith.constant 0 : i32
        %dma_start3A_630 = tpu.memref_slice %arg8[%dma_start3A_628, %dma_start3A_629] : memref<10000x64xf32, #tpu.memory_space<vmem_shared>> -> memref<16x64xf32, #tpu.memory_space<vmem_shared>>
        tpu.enqueue_dma source(%dma_start3A_630 : memref<16x64xf32, #tpu.memory_space<vmem_shared>>) target(%dma_start3A_627 : memref<16x64xf32, #tpu.memory_space<hbm>>) target_semaphore(%run_scoped3A_625 : memref<!tpu.dma_semaphore, #tpu.memory_space<semaphore_mem>>)
        %dma_wait3A_631 = arith.constant 0 : i32
        %dma_wait3A_632 = tpu.memref_slice %arg4[%add3A_624, %dma_wait3A_631] : memref<20000x64xf32, #tpu.memory_space<hbm>> -> memref<16x64xf32, #tpu.memory_space<hbm>>
        %dma_wait3A_633 = arith.constant 9984 : i32
        %dma_wait3A_634 = arith.constant 0 : i32
        %dma_wait3A_635 = tpu.memref_slice %arg8[%dma_wait3A_633, %dma_wait3A_634] : memref<10000x64xf32, #tpu.memory_space<vmem_shared>> -> memref<16x64xf32, #tpu.memory_space<vmem_shared>>
        tpu.wait_dma2 semaphore(%run_scoped3A_625 : memref<!tpu.dma_semaphore, #tpu.memory_space<semaphore_mem>>) src(%dma_wait3A_635 : memref<16x64xf32, #tpu.memory_space<vmem_shared>>) dst(%dma_wait3A_632 : memref<16x64xf32, #tpu.memory_space<hbm>>)
        tpu.yield
      }) : () -> ()
    } else {
    }
    %add3A_606 = arith.constant 64 : i32
    %add3A_607 = arith.addi %arg1, %add3A_606 : i32
    %mul3A_608 = arith.constant 128 : i32
    %mul3A_609 = arith.muli %add3A_607, %mul3A_608 : i32
    %multiple_of3A_610 = tpu.assume_multiple %mul3A_609, 128 : i32
    %lt3A_611 = arith.constant 78 : i32
    %lt3A_612 = arith.cmpi slt, %add3A_607, %lt3A_611 : i32
    %convert_element_type3A_613 = arith.extui %lt3A_612 : i1 to i32
    %cond3A_614 = arith.constant 0 : i32
    %cond3A_615 = arith.cmpi ne, %convert_element_type3A_613, %cond3A_614 : i32
    scf.if %cond3A_615 {
      %mul3A_621 = arith.constant 10000 : i32
      %mul3A_622 = arith.muli %arg0, %mul3A_621 : i32
      %add3A_623 = arith.addi %mul3A_622, %multiple_of3A_610 : i32
      "tpu.region"() ({
        %run_scoped3A_624 = tpu.sem_alloc : memref<!tpu.dma_semaphore, #tpu.memory_space<semaphore_mem>>
        %dma_start3A_625 = arith.constant 0 : i32
        %dma_start3A_626 = tpu.memref_slice %arg4[%add3A_623, %dma_start3A_625] : memref<20000x64xf32, #tpu.memory_space<hbm>> -> memref<128x64xf32, #tpu.memory_space<hbm>>
        %dma_start3A_627 = arith.constant 0 : i32
        %dma_start3A_628 = tpu.memref_slice %arg8[%multiple_of3A_610, %dma_start3A_627] : memref<10000x64xf32, #tpu.memory_space<vmem_shared>> -> memref<128x64xf32, #tpu.memory_space<vmem_shared>>
        tpu.enqueue_dma source(%dma_start3A_628 : memref<128x64xf32, #tpu.memory_space<vmem_shared>>) target(%dma_start3A_626 : memref<128x64xf32, #tpu.memory_space<hbm>>) target_semaphore(%run_scoped3A_624 : memref<!tpu.dma_semaphore, #tpu.memory_space<semaphore_mem>>)
        %dma_wait3A_629 = arith.constant 0 : i32
        %dma_wait3A_630 = tpu.memref_slice %arg4[%add3A_623, %dma_wait3A_629] : memref<20000x64xf32, #tpu.memory_space<hbm>> -> memref<128x64xf32, #tpu.memory_space<hbm>>
        %dma_wait3A_631 = arith.constant 0 : i32
        %dma_wait3A_632 = tpu.memref_slice %arg8[%multiple_of3A_610, %dma_wait3A_631] : memref<10000x64xf32, #tpu.memory_space<vmem_shared>> -> memref<128x64xf32, #tpu.memory_space<vmem_shared>>
        tpu.wait_dma2 semaphore(%run_scoped3A_624 : memref<!tpu.dma_semaphore, #tpu.memory_space<semaphore_mem>>) src(%dma_wait3A_632 : memref<128x64xf32, #tpu.memory_space<vmem_shared>>) dst(%dma_wait3A_630 : memref<128x64xf32, #tpu.memory_space<hbm>>)
        tpu.yield
      }) : () -> ()
    } else {
    }
    %eq3A_616 = arith.constant 78 : i32
    %eq3A_617 = arith.cmpi eq, %add3A_607, %eq3A_616 : i32
    %convert_element_type3A_618 = arith.extui %eq3A_617 : i1 to i32
    %cond3A_619 = arith.constant 0 : i32
    %cond3A_620 = arith.cmpi ne, %convert_element_type3A_618, %cond3A_619 : i32
    scf.if %cond3A_620 {
      %mul3A_621 = arith.constant 10000 : i32
      %mul3A_622 = arith.muli %arg0, %mul3A_621 : i32
      %add3A_623 = arith.constant 9984 : i32
      %add3A_624 = arith.addi %mul3A_622, %add3A_623 : i32
      "tpu.region"() ({
        %run_scoped3A_625 = tpu.sem_alloc : memref<!tpu.dma_semaphore, #tpu.memory_space<semaphore_mem>>
        %dma_start3A_626 = arith.constant 0 : i32
        %dma_start3A_627 = tpu.memref_slice %arg4[%add3A_624, %dma_start3A_626] : memref<20000x64xf32, #tpu.memory_space<hbm>> -> memref<16x64xf32, #tpu.memory_space<hbm>>
        %dma_start3A_628 = arith.constant 9984 : i32
        %dma_start3A_629 = arith.constant 0 : i32
        %dma_start3A_630 = tpu.memref_slice %arg8[%dma_start3A_628, %dma_start3A_629] : memref<10000x64xf32, #tpu.memory_space<vmem_shared>> -> memref<16x64xf32, #tpu.memory_space<vmem_shared>>
        tpu.enqueue_dma source(%dma_start3A_630 : memref<16x64xf32, #tpu.memory_space<vmem_shared>>) target(%dma_start3A_627 : memref<16x64xf32, #tpu.memory_space<hbm>>) target_semaphore(%run_scoped3A_625 : memref<!tpu.dma_semaphore, #tpu.memory_space<semaphore_mem>>)
        %dma_wait3A_631 = arith.constant 0 : i32
        %dma_wait3A_632 = tpu.memref_slice %arg4[%add3A_624, %dma_wait3A_631] : memref<20000x64xf32, #tpu.memory_space<hbm>> -> memref<16x64xf32, #tpu.memory_space<hbm>>
        %dma_wait3A_633 = arith.constant 9984 : i32
        %dma_wait3A_634 = arith.constant 0 : i32
        %dma_wait3A_635 = tpu.memref_slice %arg8[%dma_wait3A_633, %dma_wait3A_634] : memref<10000x64xf32, #tpu.memory_space<vmem_shared>> -> memref<16x64xf32, #tpu.memory_space<vmem_shared>>
        tpu.wait_dma2 semaphore(%run_scoped3A_625 : memref<!tpu.dma_semaphore, #tpu.memory_space<semaphore_mem>>) src(%dma_wait3A_635 : memref<16x64xf32, #tpu.memory_space<vmem_shared>>) dst(%dma_wait3A_632 : memref<16x64xf32, #tpu.memory_space<hbm>>)
        tpu.yield
      }) : () -> ()
    } else {
    }
    return
  }
}

module attributes {stable_mosaic.version = 14 : i64} {
  func.func @body(%arg0: i32, %arg1: memref<2048x128xf32, #tpu.memory_space<vmem>>, %arg2: memref<128x128xf32, #tpu.memory_space<vmem>>, %arg3: memref<1x128xf32, #tpu.memory_space<vmem>>, %arg4: memref<128x64xf32, #tpu.memory_space<vmem>>, %arg5: memref<1x64xf32, #tpu.memory_space<vmem>>, %arg6: memref<64x64xf32, #tpu.memory_space<vmem>>, %arg7: memref<32x2048xf32, #tpu.memory_space<vmem>>, %arg8: memref<2048x64xf32, #tpu.memory_space<vmem>>, %arg9: memref<2048x1xf32, #tpu.memory_space<vmem>>) attributes {dimension_semantics = [#tpu.dimension_semantics<arbitrary>], iteration_bounds = array<i64: 5>, scalar_prefetch = 0 : i64, scratch_operands = 0 : i64, tpu.core_type = #tpu.core_type<tc>, window_params = [{transform_indices = @transform_0, window_bounds = array<i64: 2048, 128>}, {pipeline_mode = #tpu.pipeline_mode<synchronous>, transform_indices = @transform_1, window_bounds = array<i64: 128, 128>}, {pipeline_mode = #tpu.pipeline_mode<synchronous>, transform_indices = @transform_2, window_bounds = array<i64: 1, 128>}, {pipeline_mode = #tpu.pipeline_mode<synchronous>, transform_indices = @transform_3, window_bounds = array<i64: 128, 64>}, {pipeline_mode = #tpu.pipeline_mode<synchronous>, transform_indices = @transform_4, window_bounds = array<i64: 1, 64>}, {pipeline_mode = #tpu.pipeline_mode<synchronous>, transform_indices = @transform_5, window_bounds = array<i64: 64, 64>}, {transform_indices = @transform_6, window_bounds = array<i64: 32, 2048>}, {transform_indices = @transform_7, window_bounds = array<i64: 2048, 64>}, {transform_indices = @transform_8, window_bounds = array<i64: 2048, 1>}]} {
    %get3A = arith.constant 0 : index
    %get3A_0 = arith.constant 0 : index
    %get3A_1 = vector.load %arg1[%get3A, %get3A_0] : memref<2048x128xf32, #tpu.memory_space<vmem>>, vector<2048x128xf32>
    %get3A_2 = arith.constant 0 : index
    %get3A_3 = arith.constant 0 : index
    %get3A_4 = vector.load %arg2[%get3A_2, %get3A_3] : memref<128x128xf32, #tpu.memory_space<vmem>>, vector<128x128xf32>
    %dot_general3A = arith.constant dense<0.000000e+00> : vector<2048x128xf32>
    %dot_general3A_5 = tpu.matmul %get3A_1, %get3A_4, %dot_general3A {dimension_numbers = #tpu.dot_dimension_numbers<[1], [0], [0], [1], [0, 0, 1, 1], [], []>, transpose_lhs_hint = false} : vector<2048x128xf32>, vector<128x128xf32>, vector<2048x128xf32> -> vector<2048x128xf32>
    %get3A_6 = arith.constant 0 : index
    %get3A_7 = arith.constant 0 : index
    %get3A_8 = vector.load %arg3[%get3A_6, %get3A_7] : memref<1x128xf32, #tpu.memory_space<vmem>>, vector<1x128xf32>
    %add3A = vector.broadcast %get3A_8 : vector<1x128xf32> to vector<2048x128xf32>
    %add3A_9 = arith.addf %dot_general3A_5, %add3A : vector<2048x128xf32>
    %ge3A = arith.constant 0.000000e+00 : f32
    %ge3A_10 = vector.broadcast %ge3A : f32 to vector<2048x128xf32>
    %ge3A_11 = arith.cmpf oge, %add3A_9, %ge3A_10 : vector<2048x128xf32>
    %mul3A = arith.constant 0.00999999977 : f32
    %mul3A_12 = vector.broadcast %mul3A : f32 to vector<2048x128xf32>
    %mul3A_13 = arith.mulf %mul3A_12, %add3A_9 : vector<2048x128xf32>
    %select_n3A = arith.select %ge3A_11, %add3A_9, %mul3A_13 : vector<2048x128xi1>, vector<2048x128xf32>
    %get3A_14 = arith.constant 0 : index
    %get3A_15 = arith.constant 0 : index
    %get3A_16 = vector.load %arg4[%get3A_14, %get3A_15] : memref<128x64xf32, #tpu.memory_space<vmem>>, vector<128x64xf32>
    %dot_general3A_17 = arith.constant dense<0.000000e+00> : vector<2048x64xf32>
    %dot_general3A_18 = tpu.matmul %select_n3A, %get3A_16, %dot_general3A_17 {dimension_numbers = #tpu.dot_dimension_numbers<[1], [0], [0], [1], [0, 0, 1, 1], [], []>, transpose_lhs_hint = false} : vector<2048x128xf32>, vector<128x64xf32>, vector<2048x64xf32> -> vector<2048x64xf32>
    %get3A_19 = arith.constant 0 : index
    %get3A_20 = arith.constant 0 : index
    %get3A_21 = vector.load %arg5[%get3A_19, %get3A_20] : memref<1x64xf32, #tpu.memory_space<vmem>>, vector<1x64xf32>
    %add3A_22 = vector.broadcast %get3A_21 : vector<1x64xf32> to vector<2048x64xf32>
    %add3A_23 = arith.addf %dot_general3A_18, %add3A_22 : vector<2048x64xf32>
    %ge3A_24 = arith.constant 0.000000e+00 : f32
    %ge3A_25 = vector.broadcast %ge3A_24 : f32 to vector<2048x64xf32>
    %ge3A_26 = arith.cmpf oge, %add3A_23, %ge3A_25 : vector<2048x64xf32>
    %mul3A_27 = arith.constant 0.00999999977 : f32
    %mul3A_28 = vector.broadcast %mul3A_27 : f32 to vector<2048x64xf32>
    %mul3A_29 = arith.mulf %mul3A_28, %add3A_23 : vector<2048x64xf32>
    %select_n3A_30 = arith.select %ge3A_26, %add3A_23, %mul3A_29 : vector<2048x64xi1>, vector<2048x64xf32>
    %get3A_31 = arith.constant 0 : index
    %get3A_32 = arith.constant 0 : index
    %get3A_33 = vector.load %arg7[%get3A_31, %get3A_32] : memref<32x2048xf32, #tpu.memory_space<vmem>>, vector<32x2048xf32>
    %reduce_sum3A = arith.constant dense<0.000000e+00> : vector<2048xf32>
    %reduce_sum3A_34 = vector.multi_reduction <add>, %get3A_33, %reduce_sum3A [0] : vector<32x2048xf32> to vector<2048xf32>
    %add3A_35 = arith.constant 1.000000e+00 : f32
    %add3A_36 = vector.broadcast %add3A_35 : f32 to vector<2048xf32>
    %add3A_37 = arith.addf %reduce_sum3A_34, %add3A_36 : vector<2048xf32>
    %rsqrt3A = math.rsqrt %add3A_37 : vector<2048xf32>
    %broadcast_in_dim3A = vector.shape_cast %rsqrt3A : vector<2048xf32> to vector<2048x1xf32>
    %get3A_38 = arith.constant 0 : index
    %get3A_39 = arith.constant 0 : index
    %get3A_40 = vector.load %arg6[%get3A_38, %get3A_39] : memref<64x64xf32, #tpu.memory_space<vmem>>, vector<64x64xf32>
    %dot_general3A_41 = arith.constant dense<0.000000e+00> : vector<2048x64xf32>
    %dot_general3A_42 = tpu.matmul %select_n3A_30, %get3A_40, %dot_general3A_41 {dimension_numbers = #tpu.dot_dimension_numbers<[1], [0], [0], [1], [0, 0, 1, 1], [], []>, transpose_lhs_hint = false} : vector<2048x64xf32>, vector<64x64xf32>, vector<2048x64xf32> -> vector<2048x64xf32>
    %mul3A_43 = vector.broadcast %broadcast_in_dim3A : vector<2048x1xf32> to vector<2048x64xf32>
    %mul3A_44 = arith.mulf %dot_general3A_42, %mul3A_43 : vector<2048x64xf32>
    %swap3A = arith.constant 0 : index
    %swap3A_45 = arith.constant 0 : index
    %swap3A_46 = vector.load %arg8[%swap3A, %swap3A_45] : memref<2048x64xf32, #tpu.memory_space<vmem>>, vector<2048x64xf32>
    tpu.vector_store %arg8[%swap3A, %swap3A_45], %mul3A_44 {strides = array<i32>} : memref<2048x64xf32, #tpu.memory_space<vmem>>, vector<2048x64xf32>,
    %swap3A_47 = arith.constant 0 : index
    %swap3A_48 = arith.constant 0 : index
    %swap3A_49 = vector.load %arg9[%swap3A_47, %swap3A_48] : memref<2048x1xf32, #tpu.memory_space<vmem>>, vector<2048x1xf32>
    tpu.vector_store %arg9[%swap3A_47, %swap3A_48], %broadcast_in_dim3A {strides = array<i32>} : memref<2048x1xf32, #tpu.memory_space<vmem>>, vector<2048x1xf32>,
    return
  }
  func.func @transform_0(%arg0: i32) -> (i32, i32) {
    %c0_i32 = arith.constant 0 : i32
    %c0_i32_0 = arith.constant 0 : i32
    return %arg0, %c0_i32 : i32, i32
  }
  func.func @transform_1(%arg0: i32) -> (i32, i32) {
    %c0_i32 = arith.constant 0 : i32
    %c0_i32_0 = arith.constant 0 : i32
    %c0_i32_1 = arith.constant 0 : i32
    return %c0_i32, %c0_i32_0 : i32, i32
  }
  func.func @transform_2(%arg0: i32) -> (i32, i32) {
    %c0_i32 = arith.constant 0 : i32
    %c0_i32_0 = arith.constant 0 : i32
    %c0_i32_1 = arith.constant 0 : i32
    return %c0_i32, %c0_i32_0 : i32, i32
  }
  func.func @transform_3(%arg0: i32) -> (i32, i32) {
    %c0_i32 = arith.constant 0 : i32
    %c0_i32_0 = arith.constant 0 : i32
    %c0_i32_1 = arith.constant 0 : i32
    return %c0_i32, %c0_i32_0 : i32, i32
  }
  func.func @transform_4(%arg0: i32) -> (i32, i32) {
    %c0_i32 = arith.constant 0 : i32
    %c0_i32_0 = arith.constant 0 : i32
    %c0_i32_1 = arith.constant 0 : i32
    return %c0_i32, %c0_i32_0 : i32, i32
  }
  func.func @transform_5(%arg0: i32) -> (i32, i32) {
    %c0_i32 = arith.constant 0 : i32
    %c0_i32_0 = arith.constant 0 : i32
    %c0_i32_1 = arith.constant 0 : i32
    return %c0_i32, %c0_i32_0 : i32, i32
  }
  func.func @transform_6(%arg0: i32) -> (i32, i32) {
    %c0_i32 = arith.constant 0 : i32
    %c0_i32_0 = arith.constant 0 : i32
    return %c0_i32, %arg0 : i32, i32
  }
  func.func @transform_7(%arg0: i32) -> (i32, i32) {
    %c0_i32 = arith.constant 0 : i32
    %c0_i32_0 = arith.constant 0 : i32
    return %arg0, %c0_i32 : i32, i32
  }
  func.func @transform_8(%arg0: i32) -> (i32, i32) {
    %c0_i32 = arith.constant 0 : i32
    %c0_i32_0 = arith.constant 0 : i32
    return %arg0, %c0_i32 : i32, i32
  }
}

module attributes {stable_mosaic.version = 14 : i64} {
  func.func @body(%arg0: i32, %arg1: memref<2000x64xf32, #tpu.memory_space<vmem>>, %arg2: memref<2000x64xf32, #tpu.memory_space<vmem>>, %arg3: memref<2000x64xf32, #tpu.memory_space<vmem>>, %arg4: memref<2000x1xf32, #tpu.memory_space<vmem>>, %arg5: memref<64x64xf32, #tpu.memory_space<vmem>>, %arg6: memref<1x64xf32, #tpu.memory_space<vmem>>, %arg7: memref<2000x64xf32, #tpu.memory_space<vmem>>) attributes {dimension_semantics = [#tpu.dimension_semantics<arbitrary>], iteration_bounds = array<i64: 5>, scalar_prefetch = 0 : i64, scratch_operands = 0 : i64, tpu.core_type = #tpu.core_type<tc>, window_params = [{transform_indices = @transform_0, window_bounds = array<i64: 2000, 64>}, {transform_indices = @transform_1, window_bounds = array<i64: 2000, 64>}, {transform_indices = @transform_2, window_bounds = array<i64: 2000, 64>}, {transform_indices = @transform_3, window_bounds = array<i64: 2000, 1>}, {pipeline_mode = #tpu.pipeline_mode<synchronous>, transform_indices = @transform_4, window_bounds = array<i64: 64, 64>}, {pipeline_mode = #tpu.pipeline_mode<synchronous>, transform_indices = @transform_5, window_bounds = array<i64: 1, 64>}, {transform_indices = @transform_6, window_bounds = array<i64: 2000, 64>}]} {
    %get3A = arith.constant 0 : index
    %get3A_0 = arith.constant 0 : index
    %get3A_1 = vector.load %arg4[%get3A, %get3A_0] : memref<2000x1xf32, #tpu.memory_space<vmem>>, vector<2000x1xf32>
    %get3A_2 = arith.constant 0 : index
    %get3A_3 = arith.constant 0 : index
    %get3A_4 = vector.load %arg1[%get3A_2, %get3A_3] : memref<2000x64xf32, #tpu.memory_space<vmem>>, vector<2000x64xf32>
    %get3A_5 = arith.constant 0 : index
    %get3A_6 = arith.constant 0 : index
    %get3A_7 = vector.load %arg2[%get3A_5, %get3A_6] : memref<2000x64xf32, #tpu.memory_space<vmem>>, vector<2000x64xf32>
    %add3A = arith.addf %get3A_4, %get3A_7 : vector<2000x64xf32>
    %get3A_8 = arith.constant 0 : index
    %get3A_9 = arith.constant 0 : index
    %get3A_10 = vector.load %arg3[%get3A_8, %get3A_9] : memref<2000x64xf32, #tpu.memory_space<vmem>>, vector<2000x64xf32>
    %add3A_11 = arith.addf %add3A, %get3A_10 : vector<2000x64xf32>
    %mul3A = vector.broadcast %get3A_1 : vector<2000x1xf32> to vector<2000x64xf32>
    %mul3A_12 = arith.mulf %add3A_11, %mul3A : vector<2000x64xf32>
    %get3A_13 = arith.constant 0 : index
    %get3A_14 = arith.constant 0 : index
    %get3A_15 = vector.load %arg6[%get3A_13, %get3A_14] : memref<1x64xf32, #tpu.memory_space<vmem>>, vector<1x64xf32>
    %add3A_16 = vector.broadcast %get3A_15 : vector<1x64xf32> to vector<2000x64xf32>
    %add3A_17 = arith.addf %mul3A_12, %add3A_16 : vector<2000x64xf32>
    %ge3A = arith.constant 0.000000e+00 : f32
    %ge3A_18 = vector.broadcast %ge3A : f32 to vector<2000x64xf32>
    %ge3A_19 = arith.cmpf oge, %add3A_17, %ge3A_18 : vector<2000x64xf32>
    %mul3A_20 = arith.constant 0.00999999977 : f32
    %mul3A_21 = vector.broadcast %mul3A_20 : f32 to vector<2000x64xf32>
    %mul3A_22 = arith.mulf %mul3A_21, %add3A_17 : vector<2000x64xf32>
    %select_n3A = arith.select %ge3A_19, %add3A_17, %mul3A_22 : vector<2000x64xi1>, vector<2000x64xf32>
    %get3A_23 = arith.constant 0 : index
    %get3A_24 = arith.constant 0 : index
    %get3A_25 = vector.load %arg5[%get3A_23, %get3A_24] : memref<64x64xf32, #tpu.memory_space<vmem>>, vector<64x64xf32>
    %dot_general3A = arith.constant dense<0.000000e+00> : vector<2000x64xf32>
    %dot_general3A_26 = tpu.matmul %select_n3A, %get3A_25, %dot_general3A {dimension_numbers = #tpu.dot_dimension_numbers<[1], [0], [0], [1], [0, 0, 1, 1], [], []>, transpose_lhs_hint = false} : vector<2000x64xf32>, vector<64x64xf32>, vector<2000x64xf32> -> vector<2000x64xf32>
    %mul3A_27 = vector.broadcast %get3A_1 : vector<2000x1xf32> to vector<2000x64xf32>
    %mul3A_28 = arith.mulf %dot_general3A_26, %mul3A_27 : vector<2000x64xf32>
    %swap3A = arith.constant 0 : index
    %swap3A_29 = arith.constant 0 : index
    %swap3A_30 = vector.load %arg7[%swap3A, %swap3A_29] : memref<2000x64xf32, #tpu.memory_space<vmem>>, vector<2000x64xf32>
    tpu.vector_store %arg7[%swap3A, %swap3A_29], %mul3A_28 {strides = array<i32>} : memref<2000x64xf32, #tpu.memory_space<vmem>>, vector<2000x64xf32>,
    return
  }
  func.func @transform_0(%arg0: i32) -> (i32, i32) {
    %c0_i32 = arith.constant 0 : i32
    %c0_i32_0 = arith.constant 0 : i32
    return %arg0, %c0_i32 : i32, i32
  }
  func.func @transform_1(%arg0: i32) -> (i32, i32) {
    %add3A = arith.constant 5 : i32
    %add3A_0 = arith.addi %arg0, %add3A : i32
    %c0_i32 = arith.constant 0 : i32
    %c0_i32_1 = arith.constant 0 : i32
    return %add3A_0, %c0_i32 : i32, i32
  }
  func.func @transform_2(%arg0: i32) -> (i32, i32) {
    %c0_i32 = arith.constant 0 : i32
    %c0_i32_0 = arith.constant 0 : i32
    return %arg0, %c0_i32 : i32, i32
  }
  func.func @transform_3(%arg0: i32) -> (i32, i32) {
    %c0_i32 = arith.constant 0 : i32
    %c0_i32_0 = arith.constant 0 : i32
    return %arg0, %c0_i32 : i32, i32
  }
  func.func @transform_4(%arg0: i32) -> (i32, i32) {
    %c0_i32 = arith.constant 0 : i32
    %c0_i32_0 = arith.constant 0 : i32
    %c0_i32_1 = arith.constant 0 : i32
    return %c0_i32, %c0_i32_0 : i32, i32
  }
  func.func @transform_5(%arg0: i32) -> (i32, i32) {
    %c0_i32 = arith.constant 0 : i32
    %c0_i32_0 = arith.constant 0 : i32
    %c0_i32_1 = arith.constant 0 : i32
    return %c0_i32, %c0_i32_0 : i32, i32
  }
  func.func @transform_6(%arg0: i32) -> (i32, i32) {
    %c0_i32 = arith.constant 0 : i32
    %c0_i32_0 = arith.constant 0 : i32
    return %arg0, %c0_i32 : i32, i32
  }
}

module attributes {stable_mosaic.version = 14 : i64} {
  func.func @body(%arg0: i32, %arg1: memref<2000x64xf32, #tpu.memory_space<vmem>>, %arg2: memref<2000x64xf32, #tpu.memory_space<vmem>>, %arg3: memref<2000x64xf32, #tpu.memory_space<vmem>>, %arg4: memref<2000x1xf32, #tpu.memory_space<vmem>>, %arg5: memref<1x64xf32, #tpu.memory_space<vmem>>, %arg6: memref<64x2xf32, #tpu.memory_space<vmem>>, %arg7: memref<1x2xf32, #tpu.memory_space<vmem>>, %arg8: memref<2000x64xf32, #tpu.memory_space<vmem>>, %arg9: memref<2000x2xf32, #tpu.memory_space<vmem>>) attributes {dimension_semantics = [#tpu.dimension_semantics<arbitrary>], iteration_bounds = array<i64: 5>, scalar_prefetch = 0 : i64, scratch_operands = 0 : i64, tpu.core_type = #tpu.core_type<tc>, window_params = [{transform_indices = @transform_0, window_bounds = array<i64: 2000, 64>}, {transform_indices = @transform_1, window_bounds = array<i64: 2000, 64>}, {transform_indices = @transform_2, window_bounds = array<i64: 2000, 64>}, {transform_indices = @transform_3, window_bounds = array<i64: 2000, 1>}, {pipeline_mode = #tpu.pipeline_mode<synchronous>, transform_indices = @transform_4, window_bounds = array<i64: 1, 64>}, {pipeline_mode = #tpu.pipeline_mode<synchronous>, transform_indices = @transform_5, window_bounds = array<i64: 64, 2>}, {pipeline_mode = #tpu.pipeline_mode<synchronous>, transform_indices = @transform_6, window_bounds = array<i64: 1, 2>}, {transform_indices = @transform_7, window_bounds = array<i64: 2000, 64>}, {transform_indices = @transform_8, window_bounds = array<i64: 2000, 2>}]} {
    %get3A = arith.constant 0 : index
    %get3A_0 = arith.constant 0 : index
    %get3A_1 = vector.load %arg4[%get3A, %get3A_0] : memref<2000x1xf32, #tpu.memory_space<vmem>>, vector<2000x1xf32>
    %get3A_2 = arith.constant 0 : index
    %get3A_3 = arith.constant 0 : index
    %get3A_4 = vector.load %arg1[%get3A_2, %get3A_3] : memref<2000x64xf32, #tpu.memory_space<vmem>>, vector<2000x64xf32>
    %get3A_5 = arith.constant 0 : index
    %get3A_6 = arith.constant 0 : index
    %get3A_7 = vector.load %arg2[%get3A_5, %get3A_6] : memref<2000x64xf32, #tpu.memory_space<vmem>>, vector<2000x64xf32>
    %add3A = arith.addf %get3A_4, %get3A_7 : vector<2000x64xf32>
    %get3A_8 = arith.constant 0 : index
    %get3A_9 = arith.constant 0 : index
    %get3A_10 = vector.load %arg3[%get3A_8, %get3A_9] : memref<2000x64xf32, #tpu.memory_space<vmem>>, vector<2000x64xf32>
    %add3A_11 = arith.addf %add3A, %get3A_10 : vector<2000x64xf32>
    %mul3A = vector.broadcast %get3A_1 : vector<2000x1xf32> to vector<2000x64xf32>
    %mul3A_12 = arith.mulf %add3A_11, %mul3A : vector<2000x64xf32>
    %get3A_13 = arith.constant 0 : index
    %get3A_14 = arith.constant 0 : index
    %get3A_15 = vector.load %arg5[%get3A_13, %get3A_14] : memref<1x64xf32, #tpu.memory_space<vmem>>, vector<1x64xf32>
    %add3A_16 = vector.broadcast %get3A_15 : vector<1x64xf32> to vector<2000x64xf32>
    %add3A_17 = arith.addf %mul3A_12, %add3A_16 : vector<2000x64xf32>
    %ge3A = arith.constant 0.000000e+00 : f32
    %ge3A_18 = vector.broadcast %ge3A : f32 to vector<2000x64xf32>
    %ge3A_19 = arith.cmpf oge, %add3A_17, %ge3A_18 : vector<2000x64xf32>
    %mul3A_20 = arith.constant 0.00999999977 : f32
    %mul3A_21 = vector.broadcast %mul3A_20 : f32 to vector<2000x64xf32>
    %mul3A_22 = arith.mulf %mul3A_21, %add3A_17 : vector<2000x64xf32>
    %select_n3A = arith.select %ge3A_19, %add3A_17, %mul3A_22 : vector<2000x64xi1>, vector<2000x64xf32>
    %swap3A = arith.constant 0 : index
    %swap3A_23 = arith.constant 0 : index
    %swap3A_24 = vector.load %arg8[%swap3A, %swap3A_23] : memref<2000x64xf32, #tpu.memory_space<vmem>>, vector<2000x64xf32>
    tpu.vector_store %arg8[%swap3A, %swap3A_23], %select_n3A {strides = array<i32>} : memref<2000x64xf32, #tpu.memory_space<vmem>>, vector<2000x64xf32>,
    %get3A_25 = arith.constant 0 : index
    %get3A_26 = arith.constant 0 : index
    %get3A_27 = vector.load %arg6[%get3A_25, %get3A_26] : memref<64x2xf32, #tpu.memory_space<vmem>>, vector<64x2xf32>
    %dot_general3A = arith.constant dense<0.000000e+00> : vector<2000x2xf32>
    %dot_general3A_28 = tpu.matmul %select_n3A, %get3A_27, %dot_general3A {dimension_numbers = #tpu.dot_dimension_numbers<[1], [0], [0], [1], [0, 0, 1, 1], [], []>, transpose_lhs_hint = false} : vector<2000x64xf32>, vector<64x2xf32>, vector<2000x2xf32> -> vector<2000x2xf32>
    %get3A_29 = arith.constant 0 : index
    %get3A_30 = arith.constant 0 : index
    %get3A_31 = vector.load %arg7[%get3A_29, %get3A_30] : memref<1x2xf32, #tpu.memory_space<vmem>>, vector<1x2xf32>
    %add3A_32 = vector.broadcast %get3A_31 : vector<1x2xf32> to vector<2000x2xf32>
    %add3A_33 = arith.addf %dot_general3A_28, %add3A_32 : vector<2000x2xf32>
    %swap3A_34 = arith.constant 0 : index
    %swap3A_35 = arith.constant 0 : index
    %swap3A_36 = vector.load %arg9[%swap3A_34, %swap3A_35] : memref<2000x2xf32, #tpu.memory_space<vmem>>, vector<2000x2xf32>
    tpu.vector_store %arg9[%swap3A_34, %swap3A_35], %add3A_33 {strides = array<i32>} : memref<2000x2xf32, #tpu.memory_space<vmem>>, vector<2000x2xf32>,
    return
  }
  func.func @transform_0(%arg0: i32) -> (i32, i32) {
    %c0_i32 = arith.constant 0 : i32
    %c0_i32_0 = arith.constant 0 : i32
    return %arg0, %c0_i32 : i32, i32
  }
  func.func @transform_1(%arg0: i32) -> (i32, i32) {
    %add3A = arith.constant 5 : i32
    %add3A_0 = arith.addi %arg0, %add3A : i32
    %c0_i32 = arith.constant 0 : i32
    %c0_i32_1 = arith.constant 0 : i32
    return %add3A_0, %c0_i32 : i32, i32
  }
  func.func @transform_2(%arg0: i32) -> (i32, i32) {
    %c0_i32 = arith.constant 0 : i32
    %c0_i32_0 = arith.constant 0 : i32
    return %arg0, %c0_i32 : i32, i32
  }
  func.func @transform_3(%arg0: i32) -> (i32, i32) {
    %c0_i32 = arith.constant 0 : i32
    %c0_i32_0 = arith.constant 0 : i32
    return %arg0, %c0_i32 : i32, i32
  }
  func.func @transform_4(%arg0: i32) -> (i32, i32) {
    %c0_i32 = arith.constant 0 : i32
    %c0_i32_0 = arith.constant 0 : i32
    %c0_i32_1 = arith.constant 0 : i32
    return %c0_i32, %c0_i32_0 : i32, i32
  }
  func.func @transform_5(%arg0: i32) -> (i32, i32) {
    %c0_i32 = arith.constant 0 : i32
    %c0_i32_0 = arith.constant 0 : i32
    %c0_i32_1 = arith.constant 0 : i32
    return %c0_i32, %c0_i32_0 : i32, i32
  }
  func.func @transform_6(%arg0: i32) -> (i32, i32) {
    %c0_i32 = arith.constant 0 : i32
    %c0_i32_0 = arith.constant 0 : i32
    %c0_i32_1 = arith.constant 0 : i32
    return %c0_i32, %c0_i32_0 : i32, i32
  }
  func.func @transform_7(%arg0: i32) -> (i32, i32) {
    %c0_i32 = arith.constant 0 : i32
    %c0_i32_0 = arith.constant 0 : i32
    return %arg0, %c0_i32 : i32, i32
  }
  func.func @transform_8(%arg0: i32) -> (i32, i32) {
    %c0_i32 = arith.constant 0 : i32
    %c0_i32_0 = arith.constant 0 : i32
    return %arg0, %c0_i32 : i32, i32
  }
}

</mosaic_0001>

<sc_bundles>
// kernel: kernel.11.cloned.1.call-start
scs
__scs_entry_jumppad:
0x0: {  	(pc) =	sbr.rel $0x88, $3  }
0x1: {  	(tag) =	ssettag $0x0;
	lr =	simm.s32 $0x1  }
0x2: {  	[smem:$0x3F95] =	sst lr;
	_ =	strace $0xD0000000  }
0x3: {  	_ = 	snop  }
0x4: {  	_ = 	snop  }
0x5: {  	_ = 	snop  }
0x6: {  	_ = 	snop  }
0x7: {  	_ = 	snop  }
__scs_overlays_trampoline_lowered:
0x8: {  	[smem:$0x3FA4] =	sst s0  }
0x9: {  	[smem:$0x3FA5] =	sst s1  }
0xa: {  	[smem:$0x3FA6] =	sst s2  }
0xb: {  	[smem:$0x3FA7] =	sst s3  }
0xc: {  	[smem:$0x3FA8] =	sst s4  }
0xd: {  	[smem:$0x3FA9] =	sst s5  }
0xe: {  	[smem:$0x3FAA] =	sst s6  }
0xf: {  	[smem:$0x3FAB] =	sst s7  }
0x10: {  	[smem:$0x3FAC] =	sst s8  }
0x11: {  	[smem:$0x3FAD] =	sst s9;
	s0 =	simm.s32 @!p0 $0x0  }
0x12: {  	s1 =	sld [smem:$0x3F93];
	s0 =	simm.s32 @p0 $0x1  }
0x13: {  	[smem:$0x3FAE] =	sst s0;
	s0 =	simm.s32 @!p1 $0x0  }
0x14: {  	s2 =	sld [smem:$0x3F92];
	s0 =	simm.s32 @p1 $0x1  }
0x15: {  	[smem:$0x3FAF] =	sst s0;
	s0 =	simm.s32 @!p2 $0x0  }
0x16: {  	s3 =	sld [smem:$0x3FDB];
	s0 =	simm.s32 @p2 $0x1  }
0x17: {  	s4 =	simm.s32 $0x1BF5;
	[smem:$0x3FB1] =	sst s0  }
0x18: {  	s0 =	sld [smem:$0x3F94];
	_ =	swait.ge [sflag:s4], $0x0  }
0x19: {  	s7 =	sld [smem:$0x3F95]  }
0x1a: {  	s8 =	sadd.s32 $0xFFFFE003, lr  }
0x1b: {  	s9 =	sadd.s32 $0xFFFFFEF7, lr;
	s5 =	simm.s32 $0xFFFFFFFF;
	p2 =	slt.u32 s8, $0xFFFFF086  }
0x1c: {  	p1 =	slt.u32 s9, $0xF7A;
	s5 =	simm.s32 @!p2 $0x0  }
0x1d: {  	s5 =	simm.s32 @p1 $0x1;
	p0 =	seq.s32 s7, s2  }
0x1e: {  	s7 =	smul.u32 @!p0 $0xF7A, s2;
	p2 =	seq.s32 @!p0 s5, $0x0  }
0x1f: {  	s9 =	smul.u32 $0xF7A, s1;
	s8 =	simm.s32 @!p0 $0x1BF5;
	p2 =	por !p2, p0  }
0x20: {  	[sflag:s8] =	ssyncset.s32 @!p0 $0xFFFFF086;
	s6 =	sadd.s32 @!p0 s3, s7;
	s7 =	simm.s32 @!p0 $0x108  }
0x21: {  	s3 =	sadd.s32 s3, s9;
	s6 =	sadd.s32 @!p0 $0x88, s6;
	s7 =	simm.s32 @p2 $0x1082  }
0x22: {  	[simem:s7], [sflag:s8] =	dma.local @!p0 [hbm:s6], $0xF7A  }
0x23: {  	s9 =	sor.u32 $0xD0000000, s2;
	s6 =	simm.s32 $0x108;
	_ =	swait.ge @!p0 [sflag:s8], $0x0  }
0x24: {  	s3 =	sadd.s32 $0x88, s3;
	s6 =	simm.s32 @!p1 $0x1082;
	[sflag:s4] =	ssyncset.s32 $0xFFFFF086  }
0x25: {  	[simem:s6], [sflag:s4] =	dma.local [hbm:s3], $0xF7A  }
0x26: {  	[smem:$0x3F95] =	sst s1;
	(tag) =	ssettag s2;
	_ =	strace s9  }
0x27: {  	s1 =	sld [smem:$0x3FA5]  }
0x28: {  	s2 =	sld [smem:$0x3FA6]  }
0x29: {  	s4 =	sld [smem:$0x3FA8]  }
0x2a: {  	p0 =	seq.s32 s5, $0x0;
	s5 =	sld [smem:$0x3FA9]  }
0x2b: {  	s6 =	sld [smem:$0x3FAA]  }
0x2c: {  	s7 =	sld [smem:$0x3FAB]  }
0x2d: {  	s3 =	simm.s32 $0x108;
	s8 =	sld [smem:$0x3FAC]  }
0x2e: {  	s3 =	simm.s32 @!p0 $0x1082;
	s9 =	sld [smem:$0x3FAD]  }
0x2f: {  	lr =	sadd.s32 s0, s3;
	s0 =	sld [smem:$0x3FA4]  }
0x30: {  	s3 =	sld [smem:$0x3FA7]  }
0x31: {  	[smem:$0x3FB0] =	sst s10  }
0x32: {  	s10 =	sld [smem:$0x3FAE];
	_ =	sdelay $0x3  }
0x33: {  	p0 =	seq.s32 s10, $0x1;
	s10 =	sld [smem:$0x3FB0];
	_ =	sdelay $0x3  }
0x34: {  	[smem:$0x3FB0] =	sst s10  }
0x35: {  	s10 =	sld [smem:$0x3FAF];
	_ =	sdelay $0x3  }
0x36: {  	p1 =	seq.s32 s10, $0x1;
	s10 =	sld [smem:$0x3FB0];
	_ =	sdelay $0x3  }
0x37: {  	[smem:$0x3FB0] =	sst s10  }
0x38: {  	s10 =	sld [smem:$0x3FB1]  }
0x39: {  	_ = 	snop;
	(pc) =	sbr.ind lr, $3  }
0x3a: {  	_ = 	snop  }
0x3b: {  	_ = 	snop  }
0x3c: {  	p2 =	seq.s32 s10, $0x1;
	s10 =	sld [smem:$0x3FB0]  }
0x3d: {  	_ =	shalt  }
0x3e: {  	_ =	shalt  }
0x3f: {  	_ =	shalt  }
0x40: {  	_ =	shalt  }
0x41: {  	_ =	shalt  }
0x42: {  	_ =	shalt  }
0x43: {  	_ =	shalt  }
0x44: {  	_ =	shalt  }
0x45: {  	_ =	shalt  }
0x46: {  	_ =	shalt  }
0x47: {  	_ =	shalt  }
0x48: {  	_ =	shalt  }
0x49: {  	_ =	shalt  }
0x4a: {  	_ =	shalt  }
0x4b: {  	_ =	shalt  }
0x4c: {  	_ =	shalt  }
0x4d: {  	_ =	shalt  }
0x4e: {  	_ =	shalt  }
0x4f: {  	_ =	shalt  }
0x50: {  	_ =	shalt  }
0x51: {  	_ =	shalt  }
0x52: {  	_ =	shalt  }
0x53: {  	_ =	shalt  }
0x54: {  	_ =	shalt  }
0x55: {  	_ =	shalt  }
0x56: {  	_ =	shalt  }
0x57: {  	_ =	shalt  }
0x58: {  	_ =	shalt  }
0x59: {  	_ =	shalt  }
0x5a: {  	_ =	shalt  }
0x5b: {  	_ =	shalt  }
0x5c: {  	_ =	shalt  }
0x5d: {  	_ =	shalt  }
0x5e: {  	_ =	shalt  }
0x5f: {  	_ =	shalt  }
0x60: {  	_ =	shalt  }
0x61: {  	_ =	shalt  }
0x62: {  	_ =	shalt  }
0x63: {  	_ =	shalt  }
0x64: {  	_ =	shalt  }
0x65: {  	_ =	shalt  }
0x66: {  	_ =	shalt  }
0x67: {  	_ =	shalt  }
0x68: {  	_ =	shalt  }
0x69: {  	_ =	shalt  }
0x6a: {  	_ =	shalt  }
0x6b: {  	_ =	shalt  }
0x6c: {  	_ =	shalt  }
0x6d: {  	_ =	shalt  }
0x6e: {  	_ =	shalt  }
0x6f: {  	_ =	shalt  }
0x70: {  	_ =	shalt  }
0x71: {  	_ =	shalt  }
0x72: {  	_ =	shalt  }
0x73: {  	_ =	shalt  }
0x74: {  	_ =	shalt  }
0x75: {  	_ =	shalt  }
0x76: {  	_ =	shalt  }
0x77: {  	_ =	shalt  }
0x78: {  	_ =	shalt  }
0x79: {  	_ =	shalt  }
0x7a: {  	_ =	shalt  }
0x7b: {  	_ =	shalt  }
0x7c: {  	_ =	shalt  }
0x7d: {  	_ =	shalt  }
0x7e: {  	_ =	shalt  }
0x7f: {  	_ =	shalt  }
0x80: {  	_ =	shalt  }
0x81: {  	_ =	shalt  }
0x82: {  	_ =	shalt  }
0x83: {  	_ =	shalt  }
0x84: {  	_ =	shalt  }
0x85: {  	_ =	shalt  }
0x86: {  	_ =	shalt  }
0x87: {  	_ =	shalt  }
.Lfunc_end0:
.L_simem_size_0:
called_computation.1_lowered:
.L_overlay_start_0:
0x88: {  	s2 =	sld [smem:$0x3FD9]  }
0x89: {  	s3 =	sld [smem:$0x3FFE];
	_ =	sdelay $0x1  }
0x8a: {  	s1 =	srdreg.scid  }
0x8b: {  	s0 =	sand.u32 $0x1, s1  }
0x8c: {  	s14 =	sshll.u32 s0, $0xA;
	s2 =	sadd.s32 s3, s2  }
0x8d: {  	s2 =	sadd.s32 s2, s14  }
0x8e: {  	[smem:$0x3FBC] =	sst s2  }
0x8f: {  	_ = 	snop  }
0x90: {  	s2 =	sld [smem:$0x3FD0];
	_ =	sdelay $0x2  }
0x91: {  	s15 =	simm.s32 $0xA;
	s4 =	simm.s32 $0x10  }
0x92: {  	[smem:s4], [sflag:s15] =	dma.local [hbm:s2], $0x1  }
0x93: {  	_ =	swait.eq [sflag:s15], $0x1  }
0x94: {  	[sflag:s15] =	ssyncset.done $0x0  }
0x95: {  	[sflag:s15] =	ssyncadd.s32 $0xFFFFFFFF  }
0x96: {  	s16 =	sld [smem:$0x11];
	(tm) =	ssettm $0x1  }
0x97: {  	s17 =	sld [smem:$0x3FFB];
	_ =	sdelay $0x3  }
0x98: {  	_ =	strace s17  }
0x99: {  	s3 =	sld [smem:$0x3FFC];
	_ =	sdelay $0x3  }
0x9a: {  	_ =	strace s3  }
0x9b: {  	s3 =	sld [smem:$0x3FFD];
	_ =	sdelay $0x3  }
0x9c: {  	_ =	strace s3  }
0x9d: {  	_ =	strace $0x8FFFFFFF  }
0x9e: {  	s18 =	sld [smem:$0x3FDB];
	_ =	sdelay $0x1  }
0x9f: {  	s19 =	simm.s32 $_scs_section_size  }
0xa0: {  	s5 =	simm.s32 $_size__tile_overlayer_lowered;
	s6 =	simm.s32 $_tile_overlayer_lowered  }
0xa1: {  	s22 =	simm.s32 $0x1BFF;
	s21 =	sshll.u32 s6, $0x1;
	s3 =	sadd.s32 s19, s18  }
0xa2: {  	s7 =	simm.s32 $0x0;
	s20 =	sshll.u32 s5, $0x1;
	s5 =	sadd.s32 s21, s3  }
0xa3: {  	[timem:s7], [sflag:s22] =	dma.local [hbm:s5], s20  }
0xa4: {  	_ =	swait.ge [sflag:s22], s20  }
0xa5: {  	s4 =	ssub.s32 $0x0, s20;
	[sflag:s22] =	ssyncset.done $0x0  }
0xa6: {  	[sflag:s22] =	ssyncadd.s32 s4;
	_ =	sdelay $0x1  }
0xa7: {  	s23 =	simm.s32 $0x1B8B  }
0xa8: {  	_ =	swait.ge [sflag:s23], $0x1  }
0xa9: {  	[sflag:s23] =	ssyncset.done $0x0  }
0xaa: {  	s25 =	simm.s32 $0x1B8E;
	s24 =	sld [smem:$0x3FFE];
	[sflag:s23] =	ssyncadd.s32 $0xFFFFFFFF  }
0xab: {  	s26 =	simm.s32 $execute0_lowered;
	[smem:$0x3FD2] =	sst s25  }
0xac: {  	s5 =	sshll.u32 s26, $0x1;
	_ =	strace $0x80000049;
	[dreg:$0x1] =	wrdreg $0xFFFFFFFF  }
0xad: {  	s28 =	simm.s32 $_size_execute0_lowered;
	s3 =	sadd.s32 s3, s5;
	[dreg:$0x0] =	wrdreg $0x0  }
0xae: {  	s5 =	sshll.u32 s28, $0x1;
	[dreg:$0x2] =	wrdreg s3  }
0xaf: {  	[dreg:$0x3] =	wrdreg s5  }
0xb0: {  	[dreg:$0x4] =	wrdreg $0xC0  }
0xb1: {  	_ =	task [dreg:s7], $0x5FFFF  }
0xb2: {  	[dreg:$0x1] =	wrdreg $0xFFFFFFFF  }
0xb3: {  	[dreg:$0x0] =	wrdreg $0x60  }
0xb4: {  	[dreg:$0x2] =	wrdreg s24  }
0xb5: {  	[dreg:$0x3] =	wrdreg s16  }
0xb6: {  	[dreg:$0x4] =	wrdreg $0x14E200  }
0xb7: {  	[dreg:$0x5] =	wrdreg $0x9  }
0xb8: {  	_ =	task.clear_ibuf [dreg:s7], $0x6FFFF;
	_ =	strace $0x90000049  }
0xb9: {  	s29 =	simm.s32 $0x9;
	_ =	strace $0x8000004B  }
0xba: {  	_ =	swait.ge [sflag:s29], $0x1  }
0xbb: {  	[sflag:s29] =	ssyncadd.s32 $0xFFFFFFFF  }
0xbc: {  	_ =	strace $0x9000004B  }
0xbd: {  	_ =	sfence  }
0xbe: {  	s30 =	sld [smem:$0x0];
	_ =	sdelay $0x2  }
0xbf: {  	s31 =	sshll.u32 s1, $0xD;
	s1 =	sshrl.u32 s1, $0x2  }
0xc0: {  	s3 =	sand.u32 $0x4000, s31;
	s1 =	sadd.s32 s1, s30  }
0xc1: {  	s0 =	sor.u32 s3, s0;
	s1 =	sshll.u32 s1, $0x11  }
0xc2: {  	s0 =	sor.u32 s1, s0  }
0xc3: {  	s0 =	sadd.s32 $0x8F2B, s0  }
0xc4: {  	[sflag:s0] =	ssyncadd.remote.s32 $0x1  }
0xc5: {  	_ =	sfence.sel $0xFFFF  }
0xc6: {  	[dreg:$0x0] =	wrdreg $0xFFFFFFFF;
	(pc) =	sbr.abs _section_cstart, $3  }
0xc7: {  	[dreg:$0x1] =	wrdreg $0xFFFFFFFF  }
0xc8: {  	_ =	task.clear_ibuf [dreg:s7], $0x2FFFF;
	_ =	strace $0x9FFFFFFF  }
0xc9: {  	(tm) =	ssettm $0x7FFFFFFF  }
tec
execute0_lowered:
.L_overlay_start_1:
0x0: {  	(tag) =	ssettag $0x1  }
0x1: {  	s0 =	rddreg [dreg:$0x0]  }
0x2: {  	s1 =	rddreg [dreg:$0x1];
	s3 =	srdreg.scid  }
0x3: {  	s20 =	stileid.u32;
	s2 =	rddreg [dreg:$0x2];
	s5 =	simm.s32 $0x0  }
0x4: {  	s28 =	simm.s32 $0x8E20;
	s30 =	simm.s32 $0xAE20;
	s31 =	simm.s32 $0xCE20  }
0x5: {  	s29 =	simm.s32 $0x2;
	s3 =	sand.u32 $0x1, s3;
	s4 =	sshll.u32 s20, $0x1  }
0x6: {  	[smem:$0x7FF] =	sst s5;
	s14 =	sshll.u32 s20, $0xD;
	s15 =	sor.u32 $0x10, s20  }
0x7: {  	s16 =	sor.u32 $0x30, s20;
	s11 =	sadd.s32 $0x9C000, s2;
	s22 =	sshll.u32 s20, $0xA  }
0x8: {  	p0 =	sgt.u32 s20, $0xD;
	s4 =	sor.u32 s3, s4;
	s13 =	ssub.s32 $0x2, s3  }
0x9: {  	_ =	strace $0x8000004A;
	s17 =	sshll.u32 s15, $0xD;
	s19 =	sshll.u32 s16, $0xD  }
0xa: {  	s25 =	sshll.u32 s16, $0xA;
	p2 =	sne.s32 @p0 s20, $0xE;
	s6 =	smul.u32 $0x4E2, s4  }
0xb: {  	s4 =	sadd.s32 $0x2A800, s0;
	s7 =	sshrl.u32 s13, $0x1;
	s0 =	sadd.s32 $0x3E200, s0  }
0xc: {  	s8 =	sadd.s32 s17, s2;
	s17 =	sor.u32 $0x40, s20;
	s10 =	sadd.s32 s19, s2  }
0xd: {  	p1 =	por p2, !p0;
	p2 =	por !p2, !p0;
	s5 =	ssub.s32 s13, s7  }
0xe: {  	s7 =	sadd.s32 s14, s2;
	s13 =	sor.u32 $0x20, s20;
	s14 =	smul.u32 $0x13880, s3  }
0xf: {  	s21 =	sshll.u32 s17, $0xD;
	s3 =	smul.u32 $0x9C400, s3;
	s26 =	sshll.u32 s17, $0xA  }
0x10: {  	s20 =	simm.s32 $0x10E20;
	s1 =	sadd.s32 s1, s6;
	s18 =	sshll.u32 s13, $0xD  }
0x11: {  	s12 =	sadd.s32 s21, s2;
	s6 =	sshll.u32 s15, $0xA;
	s24 =	sshll.u32 s13, $0xA  }
0x12: {  	s19 =	smax.u32 s5, $0x1;
	s21 =	simm.s32 $0x4E20;
	[dreg:$0x4] =	wrdreg s1  }
0x13: {  	s1 =	sadd.s32 $0x9C40, s1;
	s9 =	sadd.s32 s18, s2;
	s18 =	sadd.s32 s0, s14  }
0x14: {  	s3 =	sshrl.u32 s3, $0x3;
	[dreg:$0x5] =	wrdreg s1;
	s1 =	sadd.s32 s22, s18  }
0x15: {  	s23 =	sadd.s32 s6, s18;
	s15 =	sadd.s32 s24, s18;
	s16 =	sadd.s32 s25, s18  }
.Ltmp0:
0x16: {  	s0 =	sadd.s32 s0, s3;
	s17 =	sadd.s32 s26, s18;
	(pc) =	sbr.rel .LBB2_1-.Ltmp0, $4  }
0x17: {  	s22 =	simm.s32 $0x4;
	s24 =	simm.s32 $0x80;
	s25 =	simm.s32 $0x6E20  }
0x18: {  	s26 =	simm.s32 $0x12E20;
	s3 =	simm.s32 $0x10;
	[dreg:$0x6] =	wrdreg s1  }
0x19: {  	s6 =	simm.s32 $0x0;
	[dreg:$0x7] =	wrdreg s23;
	s18 =	sadd.s32 $0x13800, s0  }
0x1a: {  	v0 =	vimm.f32 $0.0e+00;
	s23 =	simm.s32 $0x1;
	s1 =	simm.s32 $0xEE20;
	s0 =	simm.s32 $0x3  }
.LBB2_6:
0x1b: {  	s5 =	simm.s32 $0x2400  }
0x1c: {  	[tilespmem:s21], [sflag:$0x1] =	stream.indirect.gather [hbm4b:s4+s24], $0x40, s5, s24, $0xb8;
	[tilespmem:$0x1EA60] =	vst v63  }
0x1d: {  	s14 =	simm.s32 $0x2480  }
0x1e: {  	[tilespmem:s25], [sflag:$0x1] =	stream.indirect.gather [hbm4b:s4+s24], $0x40, s14, s24, $0xb8;
	[tilespmem:$0x1EA60] =	vst v63  }
0x1f: {  	s13 =	simm.s32 $0x2500  }
0x20: {  	[tilespmem:s28], [sflag:$0x1] =	stream.indirect.gather [hbm4b:s4+s24], $0x40, s13, s24, $0xb8;
	[tilespmem:$0x1EA60] =	vst v63  }
0x21: {  	s14 =	simm.s32 $0x2580  }
0x22: {  	[tilespmem:s30], [sflag:$0x1] =	stream.indirect.gather [hbm4b:s4+s24], $0x40, s14, s24, $0xb8;
	[tilespmem:$0x1EA60] =	vst v63  }
0x23: {  	_ =	swait.ge [sflag:s23], $0x2000  }
0x24: {  	[sflag:s23] =	ssyncset.done $0x0  }
0x25: {  	[sflag:s23] =	ssyncadd.s32 $0xFFFFE000  }
0x26: {  	_ =	swait.ge [sflag:s23], $0x2000  }
0x27: {  	[sflag:s23] =	ssyncset.done $0x0  }
0x28: {  	[sflag:s23] =	ssyncadd.s32 $0xFFFFE000  }
0x29: {  	_ =	swait.ge [sflag:s23], $0x2000  }
0x2a: {  	[sflag:s23] =	ssyncset.done $0x0  }
0x2b: {  	[sflag:s23] =	ssyncadd.s32 $0xFFFFE000  }
0x2c: {  	_ =	swait.ge [sflag:s23], $0x2000  }
0x2d: {  	[sflag:s23] =	ssyncset.done $0x0  }
0x2e: {  	s13 =	simm.s32 $0x4B10;
	[sflag:s23] =	ssyncadd.s32 $0xFFFFE000  }
0x2f: {  	[spmem:s2] =	stream.indirect.scatter.add.f32 [tilespmem:s21], [sflag:$0x2], $0x40, s13, s24, $0xb8;
	[tilespmem:$0x1EA60] =	vst v63  }
0x30: {  	s14 =	simm.s32 $0x4B90  }
0x31: {  	[spmem:s2] =	stream.indirect.scatter.add.f32 [tilespmem:s25], [sflag:$0x2], $0x40, s14, s24, $0xb8;
	[tilespmem:$0x1EA60] =	vst v63  }
0x32: {  	s13 =	simm.s32 $0x4C10  }
0x33: {  	[spmem:s2] =	stream.indirect.scatter.add.f32 [tilespmem:s28], [sflag:$0x2], $0x40, s13, s24, $0xb8;
	[tilespmem:$0x1EA60] =	vst v63  }
0x34: {  	s14 =	simm.s32 $0x4C90  }
0x35: {  	[spmem:s2] =	stream.indirect.scatter.add.f32 [tilespmem:s30], [sflag:$0x2], $0x40, s14, s24, $0xb8;
	[tilespmem:$0x1EA60] =	vst v63  }
0x36: {  	_ =	swait.ge [sflag:s0], $0x2000  }
0x37: {  	[sflag:s0] =	ssyncset.done $0x0  }
0x38: {  	[sflag:s0] =	ssyncadd.s32 $0xFFFFE000  }
0x39: {  	_ =	swait.ge [sflag:s0], $0x2000  }
0x3a: {  	[sflag:s0] =	ssyncset.done $0x0  }
0x3b: {  	[sflag:s0] =	ssyncadd.s32 $0xFFFFE000  }
0x3c: {  	_ =	swait.ge [sflag:s0], $0x2000  }
0x3d: {  	[sflag:s0] =	ssyncset.done $0x0  }
0x3e: {  	[sflag:s0] =	ssyncadd.s32 $0xFFFFE000  }
0x3f: {  	_ =	swait.ge [sflag:s0], $0x2000  }
0x40: {  	[sflag:s0] =	ssyncset.done $0x0  }
0x41: {  	s13 =	simm.s32 $0x2600;
	[sflag:s0] =	ssyncadd.s32 $0xFFFFE000  }
0x42: {  	[tilespmem:s31], [sflag:$0x1] =	stream.indirect.gather [hbm4b:s4+s24], $0x40, s13, s24, $0xb8;
	[tilespmem:$0x1EA60] =	vst v63  }
0x43: {  	s14 =	simm.s32 $0x2680  }
0x44: {  	[tilespmem:s1], [sflag:$0x1] =	stream.indirect.gather [hbm4b:s4+s24], $0x40, s14, s24, $0xb8;
	[tilespmem:$0x1EA60] =	vst v63  }
0x45: {  	_ =	swait.ge [sflag:s23], $0x2000  }
0x46: {  	[sflag:s23] =	ssyncset.done $0x0  }
0x47: {  	[sflag:s23] =	ssyncadd.s32 $0xFFFFE000  }
0x48: {  	_ =	swait.ge [sflag:s23], $0x2000  }
0x49: {  	[sflag:s23] =	ssyncset.done $0x0  }
0x4a: {  	s13 =	simm.s32 $0x4D10;
	[sflag:s23] =	ssyncadd.s32 $0xFFFFE000  }
0x4b: {  	[spmem:s2] =	stream.indirect.scatter.add.f32 [tilespmem:s31], [sflag:$0x3], $0x40, s13, s24, $0xb8;
	[tilespmem:$0x1EA60] =	vst v63  }
0x4c: {  	s14 =	simm.s32 $0x4D90  }
0x4d: {  	[spmem:s2] =	stream.indirect.scatter.add.f32 [tilespmem:s1], [sflag:$0x3], $0x40, s14, s24, $0xb8;
	[tilespmem:$0x1EA60] =	vst v63  }
0x4e: {  	_ =	swait.ge [sflag:s29], $0x2000  }
0x4f: {  	[sflag:s29] =	ssyncset.done $0x0  }
0x50: {  	[sflag:s29] =	ssyncadd.s32 $0xFFFFE000  }
0x51: {  	_ =	swait.ge [sflag:s29], $0x2000  }
0x52: {  	[sflag:s29] =	ssyncset.done $0x0  }
0x53: {  	[sflag:s29] =	ssyncadd.s32 $0xFFFFE000  }
0x54: {  	_ =	swait.ge [sflag:s29], $0x2000  }
0x55: {  	[sflag:s29] =	ssyncset.done $0x0  }
0x56: {  	[sflag:s29] =	ssyncadd.s32 $0xFFFFE000  }
0x57: {  	_ =	swait.ge [sflag:s29], $0x2000  }
0x58: {  	[sflag:s29] =	ssyncset.done $0x0  }
0x59: {  	[sflag:s29] =	ssyncadd.s32 $0xFFFFE000  }
0x5a: {  	_ =	swait.ge [sflag:s0], $0x2000  }
0x5b: {  	[sflag:s0] =	ssyncset.done $0x0  }
0x5c: {  	[sflag:s0] =	ssyncadd.s32 $0xFFFFE000  }
0x5d: {  	_ =	swait.ge [sflag:s0], $0x2000  }
0x5e: {  	[sflag:s0] =	ssyncset.done $0x0  }
0x5f: {  	s13 =	simm.s32 $0x2700;
	[sflag:s0] =	ssyncadd.s32 $0xFFFFE000  }
0x60: {  	[tilespmem:s21], [sflag:$0x1] =	stream.indirect.gather [hbm4b:s4+s3], $0x40, s13, s3, $0xb8;
	[tilespmem:$0x1EA60] =	vst v63  }
0x61: {  	_ =	swait.ge [sflag:s23], $0x400  }
0x62: {  	[sflag:s23] =	ssyncset.done $0x0  }
0x63: {  	s14 =	simm.s32 $0x4E10;
	[sflag:s23] =	ssyncadd.s32 $0xFFFFFC00  }
0x64: {  	[spmem:s2] =	stream.indirect.scatter.add.f32 [tilespmem:s21], [sflag:$0x4], $0x40, s14, s3, $0xb8;
	[tilespmem:$0x1EA60] =	vst v63  }
0x65: {  	_ =	swait.ge [sflag:s22], $0x400  }
0x66: {  	[sflag:s22] =	ssyncset.done $0x0  }
0x67: {  	s13 =	stileid.u32;
	[sflag:s22] =	ssyncadd.s32 $0xFFFFFC00  }
0x68: {  	s5 =	sshll.u32 s13, $0x6;
	[bflag:$0x0] =	sbarrier.arrive $0xFFFF  }
0x69: {  	s13 =	sshrl.u32 s7, $0x3;
	s5 =	sor.u32 $0x1C04, s5;
	s14 =	rddreg [dreg:$0x6]  }
0x6a: {  	[hbm:s14], [sflag:s5] =	dma.local [spmem:s13], $0x400  }
0x6b: {  	_ =	swait.ge [sflag:s22], $0x400  }
0x6c: {  	[sflag:s22] =	ssyncset.done $0x0  }
0x6d: {  	s13 =	sshrl.u32 s8, $0x3;
	s14 =	rddreg [dreg:$0x7];
	[sflag:s22] =	ssyncadd.s32 $0xFFFFFC00  }
0x6e: {  	[hbm:s14], [sflag:s5] =	dma.local [spmem:s13], $0x400  }
0x6f: {  	_ =	swait.ge [sflag:s22], $0x400  }
0x70: {  	[sflag:s22] =	ssyncset.done $0x0  }
0x71: {  	s14 =	sshrl.u32 s9, $0x3;
	[sflag:s22] =	ssyncadd.s32 $0xFFFFFC00  }
0x72: {  	[hbm:s15], [sflag:s5] =	dma.local [spmem:s14], $0x400  }
0x73: {  	_ =	swait.ge [sflag:s22], $0x400  }
0x74: {  	[sflag:s22] =	ssyncset.done $0x0  }
0x75: {  	s14 =	sshrl.u32 s10, $0x3;
	[sflag:s22] =	ssyncadd.s32 $0xFFFFFC00  }
0x76: {  	[hbm:s16], [sflag:s5] =	dma.local [spmem:s14], $0x400  }
0x77: {  	_ =	swait.ge [sflag:s22], $0x400  }
0x78: {  	[sflag:s22] =	ssyncset.done $0x0  }
0x79: {  	s13 =	sshrl.u32 @!p0 s12, $0x3;
	[sflag:s22] =	ssyncadd.s32 $0xFFFFFC00  }
0x7a: {  	[hbm:s17], [sflag:s5] =	dma.local @!p0 [spmem:s13], $0x400  }
0x7b: {  	s13 =	simm.s32 @!p0 $0x4  }
0x7c: {  	_ =	swait.ge @!p0 [sflag:s13], $0x400  }
0x7d: {  	s6 =	sadd.s32 $0x1, s6;
	[sflag:s13] =	ssyncset.done @!p0 $0x0  }
0x7e: {  	p4 =	sne.s32 s6, s19;
	[sflag:s13] =	ssyncadd.s32 @!p0 $0xFFFFFC00;
	s13 =	sshrl.u32 @p3 s11, $0x3  }
0x7f: {  	[hbm:s18], [sflag:s5] =	dma.local @p3 [spmem:s13], $0x80  }
.Ltmp1:
0x80: {  	_ = 	snop;
	(pc) =	sbr.rel @!p4 .LBB2_7-.Ltmp1, $4  }
0x81: {  	s5 =	simm.s32 @p3 $0x4  }
0x82: {  	_ =	swait.ge @p3 [sflag:s5], $0x80  }
0x83: {  	[sflag:s5] =	ssyncset.done @p3 $0x0  }
0x84: {  	[sflag:s5] =	ssyncadd.s32 @p3 $0xFFFFFF80  }
.LBB2_1:
0x85: {  	s5 =	simm.s32 $0x0;
	s13 =	rddreg [dreg:$0x4]  }
0x86: {  	[tilespmem:s5], [sflag:$0x1] =	stream.linear.gather [hbm4b:s13+s5], $0x2710, $0x38;
	[tilespmem:$0x1EA60] =	vst v63  }
0x87: {  	s14 =	simm.s32 $0x2710;
	s13 =	rddreg [dreg:$0x5]  }
0x88: {  	[tilespmem:s14], [sflag:$0x1] =	stream.linear.gather [hbm4b:s13+s5], $0x2710, $0x38;
	[tilespmem:$0x1EA60] =	vst v63  }
0x89: {  	s13 =	simm.s32 $0x100;
	s5 =	simm.s32 $0x0  }
.LBB2_2:
0x8a: {  	p3 =	sne.s32 s13, $0x7F00;
	[tilespmem:s5+$0x4E50] =	vst v0;
	s14 =	smov.u32 s13;
	s13 =	sadd.s32 $0x100, s13  }
.Ltmp2:
0x8b: {  	[tilespmem:s5+$0x4E40] =	vst v0;
	(pc) =	sbr.rel @p3 .LBB2_2-.Ltmp2, $3  }
0x8c: {  	[tilespmem:s5+$0x4E20] =	vst v0  }
0x8d: {  	[tilespmem:s5+$0x4E30] =	vst v0;
	_ =	sdelay $0x1  }
0x8e: {  	s5 =	sshra.s32 s14, $0x2  }
0x8f: {  	[tilespmem:s5+$0x4E50] =	vst v0  }
0x90: {  	[tilespmem:s5+$0x4E40] =	vst v0  }
0x91: {  	[tilespmem:s5+$0x4E20] =	vst v0  }
0x92: {  	[tilespmem:s5+$0x4E30] =	vst v0  }
0x93: {  	[spmem:s7] =	stream.linear.scatter [tilespmem:s21], [sflag:$0x4], $0x2000, $0x38;
	[tilespmem:$0x1EA60] =	vst v63  }
0x94: {  	_ =	swait.ge [sflag:s22], $0x2000  }
0x95: {  	[sflag:s22] =	ssyncset.done $0x0  }
0x96: {  	[sflag:s22] =	ssyncadd.s32 $0xFFFFE000  }
0x97: {  	[spmem:s8] =	stream.linear.scatter [tilespmem:s21], [sflag:$0x4], $0x2000, $0x38;
	[tilespmem:$0x1EA60] =	vst v63  }
0x98: {  	_ =	swait.ge [sflag:s22], $0x2000  }
0x99: {  	[sflag:s22] =	ssyncset.done $0x0  }
0x9a: {  	[sflag:s22] =	ssyncadd.s32 $0xFFFFE000  }
0x9b: {  	[spmem:s9] =	stream.linear.scatter [tilespmem:s21], [sflag:$0x4], $0x2000, $0x38;
	[tilespmem:$0x1EA60] =	vst v63  }
0x9c: {  	_ =	swait.ge [sflag:s22], $0x2000  }
0x9d: {  	[sflag:s22] =	ssyncset.done $0x0  }
0x9e: {  	[sflag:s22] =	ssyncadd.s32 $0xFFFFE000  }
0x9f: {  	[spmem:s10] =	stream.linear.scatter [tilespmem:s21], [sflag:$0x4], $0x2000, $0x38;
	[tilespmem:$0x1EA60] =	vst v63  }
0xa0: {  	_ =	swait.ge [sflag:s22], $0x2000  }
0xa1: {  	[sflag:s22] =	ssyncset.done $0x0  }
0xa2: {  	s5 =	simm.s32 @!p1 $0x4E20;
	[sflag:s22] =	ssyncadd.s32 $0xFFFFE000  }
0xa3: {  	[spmem:s11] =	stream.linear.scatter @!p1 [tilespmem:s5], [sflag:$0x4], $0x400, $0x38;
	[tilespmem:$0x1EA60] =	vst v63  }
0xa4: {  	s5 =	simm.s32 @!p1 $0x4  }
0xa5: {  	_ =	swait.ge @!p1 [sflag:s5], $0x400  }
0xa6: {  	[sflag:s5] =	ssyncset.done @!p1 $0x0  }
0xa7: {  	[sflag:s5] =	ssyncadd.s32 @!p1 $0xFFFFFC00;
	s5 =	simm.s32 @!p0 $0x4E20  }
0xa8: {  	[spmem:s12] =	stream.linear.scatter @!p0 [tilespmem:s5], [sflag:$0x4], $0x2000, $0x38;
	[tilespmem:$0x1EA60] =	vst v63  }
0xa9: {  	s5 =	simm.s32 @!p0 $0x4  }
0xaa: {  	_ =	swait.ge @!p0 [sflag:s5], $0x2000  }
0xab: {  	[sflag:s5] =	ssyncset.done @!p0 $0x0  }
0xac: {  	[sflag:s5] =	ssyncadd.s32 @!p0 $0xFFFFE000  }
0xad: {  	_ =	swait.ge [sflag:s23], $0x2710  }
0xae: {  	[sflag:s23] =	ssyncset.done $0x0  }
0xaf: {  	[sflag:s23] =	ssyncadd.s32 $0xFFFFD8F0  }
0xb0: {  	_ =	swait.ge [sflag:s23], $0x2710  }
0xb1: {  	[sflag:s23] =	ssyncset.done $0x0  }
0xb2: {  	[sflag:s23] =	ssyncadd.s32 $0xFFFFD8F0  }
0xb3: {  	s5 =	simm.s32 $0x0;
	[bflag:$0x0] =	sbarrier.arrive $0xFFFF  }
0xb4: {  	[tilespmem:s21], [sflag:$0x1] =	stream.indirect.gather [hbm4b:s4+s24], $0x40, s5, s24, $0xb8;
	[tilespmem:$0x1EA60] =	vst v63  }
0xb5: {  	p4 =	por @p0 $0x0, $0x0;
	p3 =	por @!p1 $0x1, $0x1  }
0xb6: {  	[tilespmem:s25], [sflag:$0x1] =	stream.indirect.gather [hbm4b:s4+s24], $0x40, s24, s24, $0xb8;
	[tilespmem:$0x1EA60] =	vst v63  }
0xb7: {  	s13 =	simm.s32 $0x100;
	p3 =	por @!p2 p4, p4;
	p4 =	por @!p0 $0x0, $0x0  }
0xb8: {  	[tilespmem:s28], [sflag:$0x1] =	stream.indirect.gather [hbm4b:s4+s24], $0x40, s13, s24, $0xb8;
	[tilespmem:$0x1EA60] =	vst v63  }
0xb9: {  	s14 =	simm.s32 $0x180;
	p3 =	por @!p0 p4, p4  }
0xba: {  	[tilespmem:s30], [sflag:$0x1] =	stream.indirect.gather [hbm4b:s4+s24], $0x40, s14, s24, $0xb8;
	[tilespmem:$0x1EA60] =	vst v63  }
.LBB2_4:
0xbb: {  	_ =	swait.ge [sflag:s23], $0x2000  }
0xbc: {  	[sflag:s23] =	ssyncset.done $0x0  }
0xbd: {  	[sflag:s23] =	ssyncadd.s32 $0xFFFFE000  }
0xbe: {  	_ =	swait.ge [sflag:s23], $0x2000  }
0xbf: {  	[sflag:s23] =	ssyncset.done $0x0  }
0xc0: {  	[sflag:s23] =	ssyncadd.s32 $0xFFFFE000  }
0xc1: {  	_ =	swait.ge [sflag:s23], $0x2000  }
0xc2: {  	[sflag:s23] =	ssyncset.done $0x0  }
0xc3: {  	[sflag:s23] =	ssyncadd.s32 $0xFFFFE000  }
0xc4: {  	_ =	swait.ge [sflag:s23], $0x2000  }
0xc5: {  	s13 =	sshra.s32 s5, $0x2;
	[sflag:s23] =	ssyncset.done $0x0  }
0xc6: {  	s14 =	sadd.s32 $0x2710, s13;
	[sflag:s23] =	ssyncadd.s32 $0xFFFFE000  }
0xc7: {  	[spmem:s2] =	stream.indirect.scatter.add.f32 [tilespmem:s21], [sflag:$0x2], $0x40, s14, s24, $0xb8;
	[tilespmem:$0x1EA60] =	vst v63  }
0xc8: {  	s14 =	sadd.s32 $0x2790, s13  }
0xc9: {  	[spmem:s2] =	stream.indirect.scatter.add.f32 [tilespmem:s25], [sflag:$0x2], $0x40, s14, s24, $0xb8;
	[tilespmem:$0x1EA60] =	vst v63  }
0xca: {  	s14 =	sadd.s32 $0x2810, s13  }
0xcb: {  	[spmem:s2] =	stream.indirect.scatter.add.f32 [tilespmem:s28], [sflag:$0x2], $0x40, s14, s24, $0xb8;
	[tilespmem:$0x1EA60] =	vst v63  }
0xcc: {  	p4 =	seq.s32 s5, $0x0;
	s14 =	sadd.s32 $0x2890, s13  }
0xcd: {  	[spmem:s2] =	stream.indirect.scatter.add.f32 [tilespmem:s30], [sflag:$0x2], $0x40, s14, s24, $0xb8;
	[tilespmem:$0x1EA60] =	vst v63  }
0xce: {  	s14 =	simm.s32 @!p4 $0x3  }
0xcf: {  	_ =	swait.ge @!p4 [sflag:s14], $0x2000  }
0xd0: {  	[sflag:s14] =	ssyncset.done @!p4 $0x0  }
0xd1: {  	[sflag:s14] =	ssyncadd.s32 @!p4 $0xFFFFE000  }
0xd2: {  	_ =	swait.ge @!p4 [sflag:s14], $0x2000  }
0xd3: {  	[sflag:s14] =	ssyncset.done @!p4 $0x0  }
0xd4: {  	[sflag:s14] =	ssyncadd.s32 @!p4 $0xFFFFE000  }
0xd5: {  	_ =	swait.ge @!p4 [sflag:s14], $0x2000  }
0xd6: {  	[sflag:s14] =	ssyncset.done @!p4 $0x0  }
0xd7: {  	[sflag:s14] =	ssyncadd.s32 @!p4 $0xFFFFE000  }
0xd8: {  	_ =	swait.ge @!p4 [sflag:s14], $0x2000  }
0xd9: {  	[sflag:s14] =	ssyncset.done @!p4 $0x0  }
0xda: {  	[sflag:s14] =	ssyncadd.s32 @!p4 $0xFFFFE000;
	s14 =	sadd.s32 $0x200, s13  }
0xdb: {  	[tilespmem:s31], [sflag:$0x1] =	stream.indirect.gather [hbm4b:s4+s24], $0x40, s14, s24, $0xb8;
	[tilespmem:$0x1EA60] =	vst v63  }
0xdc: {  	s14 =	sadd.s32 $0x280, s13  }
0xdd: {  	[tilespmem:s1], [sflag:$0x1] =	stream.indirect.gather [hbm4b:s4+s24], $0x40, s14, s24, $0xb8;
	[tilespmem:$0x1EA60] =	vst v63  }
0xde: {  	s14 =	sadd.s32 $0x300, s13  }
0xdf: {  	[tilespmem:s20], [sflag:$0x1] =	stream.indirect.gather [hbm4b:s4+s24], $0x40, s14, s24, $0xb8;
	[tilespmem:$0x1EA60] =	vst v63  }
0xe0: {  	s14 =	sadd.s32 $0x380, s13  }
0xe1: {  	[tilespmem:s26], [sflag:$0x1] =	stream.indirect.gather [hbm4b:s4+s24], $0x40, s14, s24, $0xb8;
	[tilespmem:$0x1EA60] =	vst v63  }
0xe2: {  	_ =	swait.ge [sflag:s23], $0x2000  }
0xe3: {  	[sflag:s23] =	ssyncset.done $0x0  }
0xe4: {  	[sflag:s23] =	ssyncadd.s32 $0xFFFFE000  }
0xe5: {  	_ =	swait.ge [sflag:s23], $0x2000  }
0xe6: {  	[sflag:s23] =	ssyncset.done $0x0  }
0xe7: {  	[sflag:s23] =	ssyncadd.s32 $0xFFFFE000  }
0xe8: {  	_ =	swait.ge [sflag:s23], $0x2000  }
0xe9: {  	[sflag:s23] =	ssyncset.done $0x0  }
0xea: {  	[sflag:s23] =	ssyncadd.s32 $0xFFFFE000  }
0xeb: {  	_ =	swait.ge [sflag:s23], $0x2000  }
0xec: {  	[sflag:s23] =	ssyncset.done $0x0  }
0xed: {  	s14 =	sadd.s32 $0x2910, s13;
	[sflag:s23] =	ssyncadd.s32 $0xFFFFE000  }
0xee: {  	[spmem:s2] =	stream.indirect.scatter.add.f32 [tilespmem:s31], [sflag:$0x3], $0x40, s14, s24, $0xb8;
	[tilespmem:$0x1EA60] =	vst v63  }
0xef: {  	s14 =	sadd.s32 $0x2990, s13  }
0xf0: {  	[spmem:s2] =	stream.indirect.scatter.add.f32 [tilespmem:s1], [sflag:$0x3], $0x40, s14, s24, $0xb8;
	[tilespmem:$0x1EA60] =	vst v63  }
0xf1: {  	s14 =	sadd.s32 $0x2A10, s13  }
0xf2: {  	[spmem:s2] =	stream.indirect.scatter.add.f32 [tilespmem:s20], [sflag:$0x3], $0x40, s14, s24, $0xb8;
	[tilespmem:$0x1EA60] =	vst v63  }
0xf3: {  	s14 =	sadd.s32 $0x2A90, s13  }
0xf4: {  	[spmem:s2] =	stream.indirect.scatter.add.f32 [tilespmem:s26], [sflag:$0x3], $0x40, s14, s24, $0xb8;
	[tilespmem:$0x1EA60] =	vst v63  }
0xf5: {  	_ =	swait.ge [sflag:s29], $0x2000  }
0xf6: {  	[sflag:s29] =	ssyncset.done $0x0  }
0xf7: {  	[sflag:s29] =	ssyncadd.s32 $0xFFFFE000  }
0xf8: {  	_ =	swait.ge [sflag:s29], $0x2000  }
0xf9: {  	[sflag:s29] =	ssyncset.done $0x0  }
0xfa: {  	[sflag:s29] =	ssyncadd.s32 $0xFFFFE000  }
0xfb: {  	p4 =	seq.s32 s5, $0x8000;
	_ =	swait.ge [sflag:s29], $0x2000  }
.Ltmp3:
0xfc: {  	[sflag:s29] =	ssyncset.done $0x0;
	(pc) =	sbr.rel @p4 .LBB2_6-.Ltmp3, $4  }
0xfd: {  	[sflag:s29] =	ssyncadd.s32 $0xFFFFE000  }
0xfe: {  	_ =	swait.ge [sflag:s29], $0x2000  }
0xff: {  	[sflag:s29] =	ssyncset.done $0x0  }
0x100: {  	[sflag:s29] =	ssyncadd.s32 $0xFFFFE000  }
0x101: {  	s14 =	sadd.s32 $0x400, s13  }
0x102: {  	[tilespmem:s21], [sflag:$0x1] =	stream.indirect.gather [hbm4b:s4+s24], $0x40, s14, s24, $0xb8;
	[tilespmem:$0x1EA60] =	vst v63  }
0x103: {  	s14 =	sadd.s32 $0x480, s13  }
0x104: {  	[tilespmem:s25], [sflag:$0x1] =	stream.indirect.gather [hbm4b:s4+s24], $0x40, s14, s24, $0xb8;
	[tilespmem:$0x1EA60] =	vst v63  }
.Ltmp4:
0x105: {  	_ = 	snop;
	(pc) =	sbr.rel .LBB2_4-.Ltmp4, $4  }
0x106: {  	s14 =	sadd.s32 $0x500, s13  }
0x107: {  	[tilespmem:s28], [sflag:$0x1] =	stream.indirect.gather [hbm4b:s4+s24], $0x40, s14, s24, $0xb8;
	[tilespmem:$0x1EA60] =	vst v63  }
0x108: {  	s5 =	sadd.s32 $0x1000, s5;
	s14 =	sadd.s32 $0x580, s13  }
0x109: {  	[tilespmem:s30], [sflag:$0x1] =	stream.indirect.gather [hbm4b:s4+s24], $0x40, s14, s24, $0xb8;
	[tilespmem:$0x1EA60] =	vst v63  }
.LBB2_7:
0x10a: {  	_ =	sfence.sel $0x180000  }
0x10b: {  	[bflag:$0x0] =	sbarrier.arrive $0xFFFF  }
0x10c: {  	_ =	strace $0x9000004A  }
0x10d: {  	s0 =	stileid.u32;
	[bflag:$0x2] =	sbarrier.arrive $0xFFFF  }
0x10e: {  	p0 =	sne.s32 s0, $0x0;
	s0 =	rddreg [dreg:$0x3]  }
0x10f: {  	s0 =	sadd.s32 @!p0 $0x100000, s0  }
0x110: {  	[sflag:s0] =	ssyncadd.tile.s32 @!p0 $0x1;
	_ =	shalt  }
.Lfunc_end2:
_tile_overlayer_lowered:
.L_overlay_start_2:
0x111: {  	(tag) =	ssettag $0x2  }
0x112: {  	s0 =	rddreg [dreg:$0x0];
	s2 =	stileid.u32  }
0x113: {  	s1 =	rddreg [dreg:$0x1];
	p0 =	sne.s32 s2, $0x0  }
0x114: {  	s3 =	rddreg [dreg:$0x2];
	[bflag:$0x3] =	sbarrier.arrive $0xFFFF;
	s2 =	simm.s32 @!p0 $0x1C04  }
0x115: {  	[timem:s3], [sflag:s2] =	dma.local @!p0 [hbm:s0], s1  }
0x116: {  	s0 =	simm.s32 @!p0 $0x4  }
0x117: {  	_ =	swait.ge @!p0 [sflag:s0], s1  }
0x118: {  	s1 =	ssub.s32 @!p0 $0x0, s1;
	[sflag:s0] =	ssyncset.done @!p0 $0x0  }
0x119: {  	[sflag:s0] =	ssyncadd.s32 @!p0 s1  }
0x11a: {  	[bflag:$0x3] =	sbarrier.arrive $0xFFFF  }
0x11b: {  	_ =	shalt  }

// kernel: kernel.14.cloned.1.call-start
scs
__scs_entry_jumppad:
0x0: {  	(pc) =	sbr.rel $0x88, $3  }
0x1: {  	(tag) =	ssettag $0x0;
	lr =	simm.s32 $0x1  }
0x2: {  	[smem:$0x3F95] =	sst lr;
	_ =	strace $0xD0000000  }
0x3: {  	_ = 	snop  }
0x4: {  	_ = 	snop  }
0x5: {  	_ = 	snop  }
0x6: {  	_ = 	snop  }
0x7: {  	_ = 	snop  }
__scs_overlays_trampoline_lowered:
0x8: {  	[smem:$0x3FA4] =	sst s0  }
0x9: {  	[smem:$0x3FA5] =	sst s1  }
0xa: {  	[smem:$0x3FA6] =	sst s2  }
0xb: {  	[smem:$0x3FA7] =	sst s3  }
0xc: {  	[smem:$0x3FA8] =	sst s4  }
0xd: {  	[smem:$0x3FA9] =	sst s5  }
0xe: {  	[smem:$0x3FAA] =	sst s6  }
0xf: {  	[smem:$0x3FAB] =	sst s7  }
0x10: {  	[smem:$0x3FAC] =	sst s8  }
0x11: {  	[smem:$0x3FAD] =	sst s9;
	s0 =	simm.s32 @!p0 $0x0  }
0x12: {  	s1 =	sld [smem:$0x3F93];
	s0 =	simm.s32 @p0 $0x1  }
0x13: {  	[smem:$0x3FAE] =	sst s0;
	s0 =	simm.s32 @!p1 $0x0  }
0x14: {  	s2 =	sld [smem:$0x3F92];
	s0 =	simm.s32 @p1 $0x1  }
0x15: {  	[smem:$0x3FAF] =	sst s0;
	s0 =	simm.s32 @!p2 $0x0  }
0x16: {  	s3 =	sld [smem:$0x3FDB];
	s0 =	simm.s32 @p2 $0x1  }
0x17: {  	s4 =	simm.s32 $0x1BF5;
	[smem:$0x3FB1] =	sst s0  }
0x18: {  	s0 =	sld [smem:$0x3F94];
	_ =	swait.ge [sflag:s4], $0x0  }
0x19: {  	s7 =	sld [smem:$0x3F95]  }
0x1a: {  	s8 =	sadd.s32 $0xFFFFE003, lr  }
0x1b: {  	s9 =	sadd.s32 $0xFFFFFEF7, lr;
	s5 =	simm.s32 $0xFFFFFFFF;
	p2 =	slt.u32 s8, $0xFFFFF086  }
0x1c: {  	p1 =	slt.u32 s9, $0xF7A;
	s5 =	simm.s32 @!p2 $0x0  }
0x1d: {  	s5 =	simm.s32 @p1 $0x1;
	p0 =	seq.s32 s7, s2  }
0x1e: {  	s7 =	smul.u32 @!p0 $0xF7A, s2;
	p2 =	seq.s32 @!p0 s5, $0x0  }
0x1f: {  	s9 =	smul.u32 $0xF7A, s1;
	s8 =	simm.s32 @!p0 $0x1BF5;
	p2 =	por !p2, p0  }
0x20: {  	[sflag:s8] =	ssyncset.s32 @!p0 $0xFFFFF086;
	s6 =	sadd.s32 @!p0 s3, s7;
	s7 =	simm.s32 @!p0 $0x108  }
0x21: {  	s3 =	sadd.s32 s3, s9;
	s6 =	sadd.s32 @!p0 $0x88, s6;
	s7 =	simm.s32 @p2 $0x1082  }
0x22: {  	[simem:s7], [sflag:s8] =	dma.local @!p0 [hbm:s6], $0xF7A  }
0x23: {  	s9 =	sor.u32 $0xD0000000, s2;
	s6 =	simm.s32 $0x108;
	_ =	swait.ge @!p0 [sflag:s8], $0x0  }
0x24: {  	s3 =	sadd.s32 $0x88, s3;
	s6 =	simm.s32 @!p1 $0x1082;
	[sflag:s4] =	ssyncset.s32 $0xFFFFF086  }
0x25: {  	[simem:s6], [sflag:s4] =	dma.local [hbm:s3], $0xF7A  }
0x26: {  	[smem:$0x3F95] =	sst s1;
	(tag) =	ssettag s2;
	_ =	strace s9  }
0x27: {  	s1 =	sld [smem:$0x3FA5]  }
0x28: {  	s2 =	sld [smem:$0x3FA6]  }
0x29: {  	s4 =	sld [smem:$0x3FA8]  }
0x2a: {  	p0 =	seq.s32 s5, $0x0;
	s5 =	sld [smem:$0x3FA9]  }
0x2b: {  	s6 =	sld [smem:$0x3FAA]  }
0x2c: {  	s7 =	sld [smem:$0x3FAB]  }
0x2d: {  	s3 =	simm.s32 $0x108;
	s8 =	sld [smem:$0x3FAC]  }
0x2e: {  	s3 =	simm.s32 @!p0 $0x1082;
	s9 =	sld [smem:$0x3FAD]  }
0x2f: {  	lr =	sadd.s32 s0, s3;
	s0 =	sld [smem:$0x3FA4]  }
0x30: {  	s3 =	sld [smem:$0x3FA7]  }
0x31: {  	[smem:$0x3FB0] =	sst s10  }
0x32: {  	s10 =	sld [smem:$0x3FAE];
	_ =	sdelay $0x3  }
0x33: {  	p0 =	seq.s32 s10, $0x1;
	s10 =	sld [smem:$0x3FB0];
	_ =	sdelay $0x3  }
0x34: {  	[smem:$0x3FB0] =	sst s10  }
0x35: {  	s10 =	sld [smem:$0x3FAF];
	_ =	sdelay $0x3  }
0x36: {  	p1 =	seq.s32 s10, $0x1;
	s10 =	sld [smem:$0x3FB0];
	_ =	sdelay $0x3  }
0x37: {  	[smem:$0x3FB0] =	sst s10  }
0x38: {  	s10 =	sld [smem:$0x3FB1]  }
0x39: {  	_ = 	snop;
	(pc) =	sbr.ind lr, $3  }
0x3a: {  	_ = 	snop  }
0x3b: {  	_ = 	snop  }
0x3c: {  	p2 =	seq.s32 s10, $0x1;
	s10 =	sld [smem:$0x3FB0]  }
0x3d: {  	_ =	shalt  }
0x3e: {  	_ =	shalt  }
0x3f: {  	_ =	shalt  }
0x40: {  	_ =	shalt  }
0x41: {  	_ =	shalt  }
0x42: {  	_ =	shalt  }
0x43: {  	_ =	shalt  }
0x44: {  	_ =	shalt  }
0x45: {  	_ =	shalt  }
0x46: {  	_ =	shalt  }
0x47: {  	_ =	shalt  }
0x48: {  	_ =	shalt  }
0x49: {  	_ =	shalt  }
0x4a: {  	_ =	shalt  }
0x4b: {  	_ =	shalt  }
0x4c: {  	_ =	shalt  }
0x4d: {  	_ =	shalt  }
0x4e: {  	_ =	shalt  }
0x4f: {  	_ =	shalt  }
0x50: {  	_ =	shalt  }
0x51: {  	_ =	shalt  }
0x52: {  	_ =	shalt  }
0x53: {  	_ =	shalt  }
0x54: {  	_ =	shalt  }
0x55: {  	_ =	shalt  }
0x56: {  	_ =	shalt  }
0x57: {  	_ =	shalt  }
0x58: {  	_ =	shalt  }
0x59: {  	_ =	shalt  }
0x5a: {  	_ =	shalt  }
0x5b: {  	_ =	shalt  }
0x5c: {  	_ =	shalt  }
0x5d: {  	_ =	shalt  }
0x5e: {  	_ =	shalt  }
0x5f: {  	_ =	shalt  }
0x60: {  	_ =	shalt  }
0x61: {  	_ =	shalt  }
0x62: {  	_ =	shalt  }
0x63: {  	_ =	shalt  }
0x64: {  	_ =	shalt  }
0x65: {  	_ =	shalt  }
0x66: {  	_ =	shalt  }
0x67: {  	_ =	shalt  }
0x68: {  	_ =	shalt  }
0x69: {  	_ =	shalt  }
0x6a: {  	_ =	shalt  }
0x6b: {  	_ =	shalt  }
0x6c: {  	_ =	shalt  }
0x6d: {  	_ =	shalt  }
0x6e: {  	_ =	shalt  }
0x6f: {  	_ =	shalt  }
0x70: {  	_ =	shalt  }
0x71: {  	_ =	shalt  }
0x72: {  	_ =	shalt  }
0x73: {  	_ =	shalt  }
0x74: {  	_ =	shalt  }
0x75: {  	_ =	shalt  }
0x76: {  	_ =	shalt  }
0x77: {  	_ =	shalt  }
0x78: {  	_ =	shalt  }
0x79: {  	_ =	shalt  }
0x7a: {  	_ =	shalt  }
0x7b: {  	_ =	shalt  }
0x7c: {  	_ =	shalt  }
0x7d: {  	_ =	shalt  }
0x7e: {  	_ =	shalt  }
0x7f: {  	_ =	shalt  }
0x80: {  	_ =	shalt  }
0x81: {  	_ =	shalt  }
0x82: {  	_ =	shalt  }
0x83: {  	_ =	shalt  }
0x84: {  	_ =	shalt  }
0x85: {  	_ =	shalt  }
0x86: {  	_ =	shalt  }
0x87: {  	_ =	shalt  }
.Lfunc_end0:
.L_simem_size_0:
called_computation.2_lowered:
.L_overlay_start_0:
0x88: {  	s2 =	sld [smem:$0x3FD9]  }
0x89: {  	s3 =	sld [smem:$0x3FFE];
	_ =	sdelay $0x1  }
0x8a: {  	s1 =	srdreg.scid  }
0x8b: {  	s0 =	sand.u32 $0x1, s1  }
0x8c: {  	s14 =	sshll.u32 s0, $0xA;
	s2 =	sadd.s32 s3, s2  }
0x8d: {  	s2 =	sadd.s32 s2, s14  }
0x8e: {  	[smem:$0x3FBC] =	sst s2  }
0x8f: {  	_ = 	snop  }
0x90: {  	s2 =	sld [smem:$0x3FD0];
	_ =	sdelay $0x2  }
0x91: {  	s15 =	simm.s32 $0xA;
	s4 =	simm.s32 $0x10  }
0x92: {  	[smem:s4], [sflag:s15] =	dma.local [hbm:s2], $0x1  }
0x93: {  	_ =	swait.eq [sflag:s15], $0x1  }
0x94: {  	[sflag:s15] =	ssyncset.done $0x0  }
0x95: {  	[sflag:s15] =	ssyncadd.s32 $0xFFFFFFFF  }
0x96: {  	s16 =	sld [smem:$0x11];
	(tm) =	ssettm $0x1  }
0x97: {  	s17 =	sld [smem:$0x3FFB];
	_ =	sdelay $0x3  }
0x98: {  	_ =	strace s17  }
0x99: {  	s3 =	sld [smem:$0x3FFC];
	_ =	sdelay $0x3  }
0x9a: {  	_ =	strace s3  }
0x9b: {  	s3 =	sld [smem:$0x3FFD];
	_ =	sdelay $0x3  }
0x9c: {  	_ =	strace s3  }
0x9d: {  	_ =	strace $0x8FFFFFFF  }
0x9e: {  	s18 =	sld [smem:$0x3FDB];
	_ =	sdelay $0x1  }
0x9f: {  	s19 =	simm.s32 $_scs_section_size  }
0xa0: {  	s5 =	simm.s32 $_size__tile_overlayer_lowered;
	s6 =	simm.s32 $_tile_overlayer_lowered  }
0xa1: {  	s22 =	simm.s32 $0x1BFF;
	s21 =	sshll.u32 s6, $0x1;
	s3 =	sadd.s32 s19, s18  }
0xa2: {  	s7 =	simm.s32 $0x0;
	s20 =	sshll.u32 s5, $0x1;
	s5 =	sadd.s32 s21, s3  }
0xa3: {  	[timem:s7], [sflag:s22] =	dma.local [hbm:s5], s20  }
0xa4: {  	_ =	swait.ge [sflag:s22], s20  }
0xa5: {  	s4 =	ssub.s32 $0x0, s20;
	[sflag:s22] =	ssyncset.done $0x0  }
0xa6: {  	[sflag:s22] =	ssyncadd.s32 s4;
	_ =	sdelay $0x1  }
0xa7: {  	s23 =	simm.s32 $0x1B8B  }
0xa8: {  	_ =	swait.ge [sflag:s23], $0x1  }
0xa9: {  	[sflag:s23] =	ssyncset.done $0x0  }
0xaa: {  	s25 =	simm.s32 $0x1B8E;
	s24 =	sld [smem:$0x3FFE];
	[sflag:s23] =	ssyncadd.s32 $0xFFFFFFFF  }
0xab: {  	s26 =	simm.s32 $execute0_lowered;
	[smem:$0x3FD2] =	sst s25  }
0xac: {  	s5 =	sshll.u32 s26, $0x1;
	_ =	strace $0x8000004C;
	[dreg:$0x1] =	wrdreg $0xFFFFFFFF  }
0xad: {  	s28 =	simm.s32 $_size_execute0_lowered;
	s3 =	sadd.s32 s3, s5;
	[dreg:$0x0] =	wrdreg $0x0  }
0xae: {  	s5 =	sshll.u32 s28, $0x1;
	[dreg:$0x2] =	wrdreg s3  }
0xaf: {  	[dreg:$0x3] =	wrdreg s5  }
0xb0: {  	[dreg:$0x4] =	wrdreg $0xC0  }
0xb1: {  	_ =	task [dreg:s7], $0x5FFFF  }
0xb2: {  	[dreg:$0x1] =	wrdreg $0xFFFFFFFF  }
0xb3: {  	[dreg:$0x0] =	wrdreg $0x60  }
0xb4: {  	[dreg:$0x2] =	wrdreg s24  }
0xb5: {  	[dreg:$0x3] =	wrdreg s16  }
0xb6: {  	[dreg:$0x4] =	wrdreg $0x14E200  }
0xb7: {  	[dreg:$0x5] =	wrdreg $0x9  }
0xb8: {  	_ =	task.clear_ibuf [dreg:s7], $0x6FFFF;
	_ =	strace $0x9000004C  }
0xb9: {  	s29 =	simm.s32 $0x9;
	_ =	strace $0x8000004E  }
0xba: {  	_ =	swait.ge [sflag:s29], $0x1  }
0xbb: {  	[sflag:s29] =	ssyncadd.s32 $0xFFFFFFFF  }
0xbc: {  	_ =	strace $0x9000004E  }
0xbd: {  	_ =	sfence  }
0xbe: {  	s30 =	sld [smem:$0x0];
	_ =	sdelay $0x2  }
0xbf: {  	s31 =	sshll.u32 s1, $0xD;
	s1 =	sshrl.u32 s1, $0x2  }
0xc0: {  	s3 =	sand.u32 $0x4000, s31;
	s1 =	sadd.s32 s1, s30  }
0xc1: {  	s0 =	sor.u32 s3, s0;
	s1 =	sshll.u32 s1, $0x11  }
0xc2: {  	s0 =	sor.u32 s1, s0  }
0xc3: {  	s0 =	sadd.s32 $0x8F2B, s0  }
0xc4: {  	[sflag:s0] =	ssyncadd.remote.s32 $0x1  }
0xc5: {  	_ =	sfence.sel $0xFFFF  }
0xc6: {  	[dreg:$0x0] =	wrdreg $0xFFFFFFFF;
	(pc) =	sbr.abs _section_cstart, $3  }
0xc7: {  	[dreg:$0x1] =	wrdreg $0xFFFFFFFF  }
0xc8: {  	_ =	task.clear_ibuf [dreg:s7], $0x2FFFF;
	_ =	strace $0x9FFFFFFF  }
0xc9: {  	(tm) =	ssettm $0x7FFFFFFF  }
tec
execute0_lowered:
.L_overlay_start_1:
0x0: {  	(tag) =	ssettag $0x1  }
0x1: {  	s0 =	rddreg [dreg:$0x0]  }
0x2: {  	s1 =	rddreg [dreg:$0x1];
	s3 =	srdreg.scid  }
0x3: {  	s20 =	stileid.u32;
	s2 =	rddreg [dreg:$0x2];
	s5 =	simm.s32 $0x0  }
0x4: {  	s28 =	simm.s32 $0x8E20;
	s30 =	simm.s32 $0xAE20;
	s31 =	simm.s32 $0xCE20  }
0x5: {  	s29 =	simm.s32 $0x2;
	s3 =	sand.u32 $0x1, s3;
	s4 =	sshll.u32 s20, $0x1  }
0x6: {  	[smem:$0x7FF] =	sst s5;
	s14 =	sshll.u32 s20, $0xD;
	s15 =	sor.u32 $0x10, s20  }
0x7: {  	s16 =	sor.u32 $0x30, s20;
	s11 =	sadd.s32 $0x9C000, s2;
	s22 =	sshll.u32 s20, $0xA  }
0x8: {  	p0 =	sgt.u32 s20, $0xD;
	s4 =	sor.u32 s3, s4;
	s13 =	ssub.s32 $0x2, s3  }
0x9: {  	_ =	strace $0x8000004D;
	s17 =	sshll.u32 s15, $0xD;
	s19 =	sshll.u32 s16, $0xD  }
0xa: {  	s25 =	sshll.u32 s16, $0xA;
	p2 =	sne.s32 @p0 s20, $0xE;
	s6 =	smul.u32 $0x4E2, s4  }
0xb: {  	s4 =	sadd.s32 $0x2A800, s0;
	s7 =	sshrl.u32 s13, $0x1;
	s0 =	sadd.s32 $0x3E200, s0  }
0xc: {  	s8 =	sadd.s32 s17, s2;
	s17 =	sor.u32 $0x40, s20;
	s10 =	sadd.s32 s19, s2  }
0xd: {  	p1 =	por p2, !p0;
	p2 =	por !p2, !p0;
	s5 =	ssub.s32 s13, s7  }
0xe: {  	s7 =	sadd.s32 s14, s2;
	s13 =	sor.u32 $0x20, s20;
	s14 =	smul.u32 $0x13880, s3  }
0xf: {  	s21 =	sshll.u32 s17, $0xD;
	s3 =	smul.u32 $0x9C400, s3;
	s26 =	sshll.u32 s17, $0xA  }
0x10: {  	s20 =	simm.s32 $0x10E20;
	s1 =	sadd.s32 s1, s6;
	s18 =	sshll.u32 s13, $0xD  }
0x11: {  	s12 =	sadd.s32 s21, s2;
	s6 =	sshll.u32 s15, $0xA;
	s24 =	sshll.u32 s13, $0xA  }
0x12: {  	s19 =	smax.u32 s5, $0x1;
	s21 =	simm.s32 $0x4E20;
	[dreg:$0x4] =	wrdreg s1  }
0x13: {  	s1 =	sadd.s32 $0x9C40, s1;
	s9 =	sadd.s32 s18, s2;
	s18 =	sadd.s32 s0, s14  }
0x14: {  	s3 =	sshrl.u32 s3, $0x3;
	[dreg:$0x5] =	wrdreg s1;
	s1 =	sadd.s32 s22, s18  }
0x15: {  	s23 =	sadd.s32 s6, s18;
	s15 =	sadd.s32 s24, s18;
	s16 =	sadd.s32 s25, s18  }
.Ltmp0:
0x16: {  	s0 =	sadd.s32 s0, s3;
	s17 =	sadd.s32 s26, s18;
	(pc) =	sbr.rel .LBB2_1-.Ltmp0, $4  }
0x17: {  	s22 =	simm.s32 $0x4;
	s24 =	simm.s32 $0x80;
	s25 =	simm.s32 $0x6E20  }
0x18: {  	s26 =	simm.s32 $0x12E20;
	s3 =	simm.s32 $0x10;
	[dreg:$0x6] =	wrdreg s1  }
0x19: {  	s6 =	simm.s32 $0x0;
	[dreg:$0x7] =	wrdreg s23;
	s18 =	sadd.s32 $0x13800, s0  }
0x1a: {  	v0 =	vimm.f32 $0.0e+00;
	s23 =	simm.s32 $0x1;
	s1 =	simm.s32 $0xEE20;
	s0 =	simm.s32 $0x3  }
.LBB2_6:
0x1b: {  	s5 =	simm.s32 $0x2400  }
0x1c: {  	[tilespmem:s21], [sflag:$0x1] =	stream.indirect.gather [hbm4b:s4+s24], $0x40, s5, s24, $0xb8;
	[tilespmem:$0x1EA60] =	vst v63  }
0x1d: {  	s14 =	simm.s32 $0x2480  }
0x1e: {  	[tilespmem:s25], [sflag:$0x1] =	stream.indirect.gather [hbm4b:s4+s24], $0x40, s14, s24, $0xb8;
	[tilespmem:$0x1EA60] =	vst v63  }
0x1f: {  	s13 =	simm.s32 $0x2500  }
0x20: {  	[tilespmem:s28], [sflag:$0x1] =	stream.indirect.gather [hbm4b:s4+s24], $0x40, s13, s24, $0xb8;
	[tilespmem:$0x1EA60] =	vst v63  }
0x21: {  	s14 =	simm.s32 $0x2580  }
0x22: {  	[tilespmem:s30], [sflag:$0x1] =	stream.indirect.gather [hbm4b:s4+s24], $0x40, s14, s24, $0xb8;
	[tilespmem:$0x1EA60] =	vst v63  }
0x23: {  	_ =	swait.ge [sflag:s23], $0x2000  }
0x24: {  	[sflag:s23] =	ssyncset.done $0x0  }
0x25: {  	[sflag:s23] =	ssyncadd.s32 $0xFFFFE000  }
0x26: {  	_ =	swait.ge [sflag:s23], $0x2000  }
0x27: {  	[sflag:s23] =	ssyncset.done $0x0  }
0x28: {  	[sflag:s23] =	ssyncadd.s32 $0xFFFFE000  }
0x29: {  	_ =	swait.ge [sflag:s23], $0x2000  }
0x2a: {  	[sflag:s23] =	ssyncset.done $0x0  }
0x2b: {  	[sflag:s23] =	ssyncadd.s32 $0xFFFFE000  }
0x2c: {  	_ =	swait.ge [sflag:s23], $0x2000  }
0x2d: {  	[sflag:s23] =	ssyncset.done $0x0  }
0x2e: {  	s13 =	simm.s32 $0x4B10;
	[sflag:s23] =	ssyncadd.s32 $0xFFFFE000  }
0x2f: {  	[spmem:s2] =	stream.indirect.scatter.add.f32 [tilespmem:s21], [sflag:$0x2], $0x40, s13, s24, $0xb8;
	[tilespmem:$0x1EA60] =	vst v63  }
0x30: {  	s14 =	simm.s32 $0x4B90  }
0x31: {  	[spmem:s2] =	stream.indirect.scatter.add.f32 [tilespmem:s25], [sflag:$0x2], $0x40, s14, s24, $0xb8;
	[tilespmem:$0x1EA60] =	vst v63  }
0x32: {  	s13 =	simm.s32 $0x4C10  }
0x33: {  	[spmem:s2] =	stream.indirect.scatter.add.f32 [tilespmem:s28], [sflag:$0x2], $0x40, s13, s24, $0xb8;
	[tilespmem:$0x1EA60] =	vst v63  }
0x34: {  	s14 =	simm.s32 $0x4C90  }
0x35: {  	[spmem:s2] =	stream.indirect.scatter.add.f32 [tilespmem:s30], [sflag:$0x2], $0x40, s14, s24, $0xb8;
	[tilespmem:$0x1EA60] =	vst v63  }
0x36: {  	_ =	swait.ge [sflag:s0], $0x2000  }
0x37: {  	[sflag:s0] =	ssyncset.done $0x0  }
0x38: {  	[sflag:s0] =	ssyncadd.s32 $0xFFFFE000  }
0x39: {  	_ =	swait.ge [sflag:s0], $0x2000  }
0x3a: {  	[sflag:s0] =	ssyncset.done $0x0  }
0x3b: {  	[sflag:s0] =	ssyncadd.s32 $0xFFFFE000  }
0x3c: {  	_ =	swait.ge [sflag:s0], $0x2000  }
0x3d: {  	[sflag:s0] =	ssyncset.done $0x0  }
0x3e: {  	[sflag:s0] =	ssyncadd.s32 $0xFFFFE000  }
0x3f: {  	_ =	swait.ge [sflag:s0], $0x2000  }
0x40: {  	[sflag:s0] =	ssyncset.done $0x0  }
0x41: {  	s13 =	simm.s32 $0x2600;
	[sflag:s0] =	ssyncadd.s32 $0xFFFFE000  }
0x42: {  	[tilespmem:s31], [sflag:$0x1] =	stream.indirect.gather [hbm4b:s4+s24], $0x40, s13, s24, $0xb8;
	[tilespmem:$0x1EA60] =	vst v63  }
0x43: {  	s14 =	simm.s32 $0x2680  }
0x44: {  	[tilespmem:s1], [sflag:$0x1] =	stream.indirect.gather [hbm4b:s4+s24], $0x40, s14, s24, $0xb8;
	[tilespmem:$0x1EA60] =	vst v63  }
0x45: {  	_ =	swait.ge [sflag:s23], $0x2000  }
0x46: {  	[sflag:s23] =	ssyncset.done $0x0  }
0x47: {  	[sflag:s23] =	ssyncadd.s32 $0xFFFFE000  }
0x48: {  	_ =	swait.ge [sflag:s23], $0x2000  }
0x49: {  	[sflag:s23] =	ssyncset.done $0x0  }
0x4a: {  	s13 =	simm.s32 $0x4D10;
	[sflag:s23] =	ssyncadd.s32 $0xFFFFE000  }
0x4b: {  	[spmem:s2] =	stream.indirect.scatter.add.f32 [tilespmem:s31], [sflag:$0x3], $0x40, s13, s24, $0xb8;
	[tilespmem:$0x1EA60] =	vst v63  }
0x4c: {  	s14 =	simm.s32 $0x4D90  }
0x4d: {  	[spmem:s2] =	stream.indirect.scatter.add.f32 [tilespmem:s1], [sflag:$0x3], $0x40, s14, s24, $0xb8;
	[tilespmem:$0x1EA60] =	vst v63  }
0x4e: {  	_ =	swait.ge [sflag:s29], $0x2000  }
0x4f: {  	[sflag:s29] =	ssyncset.done $0x0  }
0x50: {  	[sflag:s29] =	ssyncadd.s32 $0xFFFFE000  }
0x51: {  	_ =	swait.ge [sflag:s29], $0x2000  }
0x52: {  	[sflag:s29] =	ssyncset.done $0x0  }
0x53: {  	[sflag:s29] =	ssyncadd.s32 $0xFFFFE000  }
0x54: {  	_ =	swait.ge [sflag:s29], $0x2000  }
0x55: {  	[sflag:s29] =	ssyncset.done $0x0  }
0x56: {  	[sflag:s29] =	ssyncadd.s32 $0xFFFFE000  }
0x57: {  	_ =	swait.ge [sflag:s29], $0x2000  }
0x58: {  	[sflag:s29] =	ssyncset.done $0x0  }
0x59: {  	[sflag:s29] =	ssyncadd.s32 $0xFFFFE000  }
0x5a: {  	_ =	swait.ge [sflag:s0], $0x2000  }
0x5b: {  	[sflag:s0] =	ssyncset.done $0x0  }
0x5c: {  	[sflag:s0] =	ssyncadd.s32 $0xFFFFE000  }
0x5d: {  	_ =	swait.ge [sflag:s0], $0x2000  }
0x5e: {  	[sflag:s0] =	ssyncset.done $0x0  }
0x5f: {  	s13 =	simm.s32 $0x2700;
	[sflag:s0] =	ssyncadd.s32 $0xFFFFE000  }
0x60: {  	[tilespmem:s21], [sflag:$0x1] =	stream.indirect.gather [hbm4b:s4+s3], $0x40, s13, s3, $0xb8;
	[tilespmem:$0x1EA60] =	vst v63  }
0x61: {  	_ =	swait.ge [sflag:s23], $0x400  }
0x62: {  	[sflag:s23] =	ssyncset.done $0x0  }
0x63: {  	s14 =	simm.s32 $0x4E10;
	[sflag:s23] =	ssyncadd.s32 $0xFFFFFC00  }
0x64: {  	[spmem:s2] =	stream.indirect.scatter.add.f32 [tilespmem:s21], [sflag:$0x4], $0x40, s14, s3, $0xb8;
	[tilespmem:$0x1EA60] =	vst v63  }
0x65: {  	_ =	swait.ge [sflag:s22], $0x400  }
0x66: {  	[sflag:s22] =	ssyncset.done $0x0  }
0x67: {  	s13 =	stileid.u32;
	[sflag:s22] =	ssyncadd.s32 $0xFFFFFC00  }
0x68: {  	s5 =	sshll.u32 s13, $0x6;
	[bflag:$0x0] =	sbarrier.arrive $0xFFFF  }
0x69: {  	s13 =	sshrl.u32 s7, $0x3;
	s5 =	sor.u32 $0x1C04, s5;
	s14 =	rddreg [dreg:$0x6]  }
0x6a: {  	[hbm:s14], [sflag:s5] =	dma.local [spmem:s13], $0x400  }
0x6b: {  	_ =	swait.ge [sflag:s22], $0x400  }
0x6c: {  	[sflag:s22] =	ssyncset.done $0x0  }
0x6d: {  	s13 =	sshrl.u32 s8, $0x3;
	s14 =	rddreg [dreg:$0x7];
	[sflag:s22] =	ssyncadd.s32 $0xFFFFFC00  }
0x6e: {  	[hbm:s14], [sflag:s5] =	dma.local [spmem:s13], $0x400  }
0x6f: {  	_ =	swait.ge [sflag:s22], $0x400  }
0x70: {  	[sflag:s22] =	ssyncset.done $0x0  }
0x71: {  	s14 =	sshrl.u32 s9, $0x3;
	[sflag:s22] =	ssyncadd.s32 $0xFFFFFC00  }
0x72: {  	[hbm:s15], [sflag:s5] =	dma.local [spmem:s14], $0x400  }
0x73: {  	_ =	swait.ge [sflag:s22], $0x400  }
0x74: {  	[sflag:s22] =	ssyncset.done $0x0  }
0x75: {  	s14 =	sshrl.u32 s10, $0x3;
	[sflag:s22] =	ssyncadd.s32 $0xFFFFFC00  }
0x76: {  	[hbm:s16], [sflag:s5] =	dma.local [spmem:s14], $0x400  }
0x77: {  	_ =	swait.ge [sflag:s22], $0x400  }
0x78: {  	[sflag:s22] =	ssyncset.done $0x0  }
0x79: {  	s13 =	sshrl.u32 @!p0 s12, $0x3;
	[sflag:s22] =	ssyncadd.s32 $0xFFFFFC00  }
0x7a: {  	[hbm:s17], [sflag:s5] =	dma.local @!p0 [spmem:s13], $0x400  }
0x7b: {  	s13 =	simm.s32 @!p0 $0x4  }
0x7c: {  	_ =	swait.ge @!p0 [sflag:s13], $0x400  }
0x7d: {  	s6 =	sadd.s32 $0x1, s6;
	[sflag:s13] =	ssyncset.done @!p0 $0x0  }
0x7e: {  	p4 =	sne.s32 s6, s19;
	[sflag:s13] =	ssyncadd.s32 @!p0 $0xFFFFFC00;
	s13 =	sshrl.u32 @p3 s11, $0x3  }
0x7f: {  	[hbm:s18], [sflag:s5] =	dma.local @p3 [spmem:s13], $0x80  }
.Ltmp1:
0x80: {  	_ = 	snop;
	(pc) =	sbr.rel @!p4 .LBB2_7-.Ltmp1, $4  }
0x81: {  	s5 =	simm.s32 @p3 $0x4  }
0x82: {  	_ =	swait.ge @p3 [sflag:s5], $0x80  }
0x83: {  	[sflag:s5] =	ssyncset.done @p3 $0x0  }
0x84: {  	[sflag:s5] =	ssyncadd.s32 @p3 $0xFFFFFF80  }
.LBB2_1:
0x85: {  	s5 =	simm.s32 $0x0;
	s13 =	rddreg [dreg:$0x4]  }
0x86: {  	[tilespmem:s5], [sflag:$0x1] =	stream.linear.gather [hbm4b:s13+s5], $0x2710, $0x38;
	[tilespmem:$0x1EA60] =	vst v63  }
0x87: {  	s14 =	simm.s32 $0x2710;
	s13 =	rddreg [dreg:$0x5]  }
0x88: {  	[tilespmem:s14], [sflag:$0x1] =	stream.linear.gather [hbm4b:s13+s5], $0x2710, $0x38;
	[tilespmem:$0x1EA60] =	vst v63  }
0x89: {  	s13 =	simm.s32 $0x100;
	s5 =	simm.s32 $0x0  }
.LBB2_2:
0x8a: {  	p3 =	sne.s32 s13, $0x7F00;
	[tilespmem:s5+$0x4E50] =	vst v0;
	s14 =	smov.u32 s13;
	s13 =	sadd.s32 $0x100, s13  }
.Ltmp2:
0x8b: {  	[tilespmem:s5+$0x4E40] =	vst v0;
	(pc) =	sbr.rel @p3 .LBB2_2-.Ltmp2, $3  }
0x8c: {  	[tilespmem:s5+$0x4E20] =	vst v0  }
0x8d: {  	[tilespmem:s5+$0x4E30] =	vst v0;
	_ =	sdelay $0x1  }
0x8e: {  	s5 =	sshra.s32 s14, $0x2  }
0x8f: {  	[tilespmem:s5+$0x4E50] =	vst v0  }
0x90: {  	[tilespmem:s5+$0x4E40] =	vst v0  }
0x91: {  	[tilespmem:s5+$0x4E20] =	vst v0  }
0x92: {  	[tilespmem:s5+$0x4E30] =	vst v0  }
0x93: {  	[spmem:s7] =	stream.linear.scatter [tilespmem:s21], [sflag:$0x4], $0x2000, $0x38;
	[tilespmem:$0x1EA60] =	vst v63  }
0x94: {  	_ =	swait.ge [sflag:s22], $0x2000  }
0x95: {  	[sflag:s22] =	ssyncset.done $0x0  }
0x96: {  	[sflag:s22] =	ssyncadd.s32 $0xFFFFE000  }
0x97: {  	[spmem:s8] =	stream.linear.scatter [tilespmem:s21], [sflag:$0x4], $0x2000, $0x38;
	[tilespmem:$0x1EA60] =	vst v63  }
0x98: {  	_ =	swait.ge [sflag:s22], $0x2000  }
0x99: {  	[sflag:s22] =	ssyncset.done $0x0  }
0x9a: {  	[sflag:s22] =	ssyncadd.s32 $0xFFFFE000  }
0x9b: {  	[spmem:s9] =	stream.linear.scatter [tilespmem:s21], [sflag:$0x4], $0x2000, $0x38;
	[tilespmem:$0x1EA60] =	vst v63  }
0x9c: {  	_ =	swait.ge [sflag:s22], $0x2000  }
0x9d: {  	[sflag:s22] =	ssyncset.done $0x0  }
0x9e: {  	[sflag:s22] =	ssyncadd.s32 $0xFFFFE000  }
0x9f: {  	[spmem:s10] =	stream.linear.scatter [tilespmem:s21], [sflag:$0x4], $0x2000, $0x38;
	[tilespmem:$0x1EA60] =	vst v63  }
0xa0: {  	_ =	swait.ge [sflag:s22], $0x2000  }
0xa1: {  	[sflag:s22] =	ssyncset.done $0x0  }
0xa2: {  	s5 =	simm.s32 @!p1 $0x4E20;
	[sflag:s22] =	ssyncadd.s32 $0xFFFFE000  }
0xa3: {  	[spmem:s11] =	stream.linear.scatter @!p1 [tilespmem:s5], [sflag:$0x4], $0x400, $0x38;
	[tilespmem:$0x1EA60] =	vst v63  }
0xa4: {  	s5 =	simm.s32 @!p1 $0x4  }
0xa5: {  	_ =	swait.ge @!p1 [sflag:s5], $0x400  }
0xa6: {  	[sflag:s5] =	ssyncset.done @!p1 $0x0  }
0xa7: {  	[sflag:s5] =	ssyncadd.s32 @!p1 $0xFFFFFC00;
	s5 =	simm.s32 @!p0 $0x4E20  }
0xa8: {  	[spmem:s12] =	stream.linear.scatter @!p0 [tilespmem:s5], [sflag:$0x4], $0x2000, $0x38;
	[tilespmem:$0x1EA60] =	vst v63  }
0xa9: {  	s5 =	simm.s32 @!p0 $0x4  }
0xaa: {  	_ =	swait.ge @!p0 [sflag:s5], $0x2000  }
0xab: {  	[sflag:s5] =	ssyncset.done @!p0 $0x0  }
0xac: {  	[sflag:s5] =	ssyncadd.s32 @!p0 $0xFFFFE000  }
0xad: {  	_ =	swait.ge [sflag:s23], $0x2710  }
0xae: {  	[sflag:s23] =	ssyncset.done $0x0  }
0xaf: {  	[sflag:s23] =	ssyncadd.s32 $0xFFFFD8F0  }
0xb0: {  	_ =	swait.ge [sflag:s23], $0x2710  }
0xb1: {  	[sflag:s23] =	ssyncset.done $0x0  }
0xb2: {  	[sflag:s23] =	ssyncadd.s32 $0xFFFFD8F0  }
0xb3: {  	s5 =	simm.s32 $0x0;
	[bflag:$0x0] =	sbarrier.arrive $0xFFFF  }
0xb4: {  	[tilespmem:s21], [sflag:$0x1] =	stream.indirect.gather [hbm4b:s4+s24], $0x40, s5, s24, $0xb8;
	[tilespmem:$0x1EA60] =	vst v63  }
0xb5: {  	p4 =	por @p0 $0x0, $0x0;
	p3 =	por @!p1 $0x1, $0x1  }
0xb6: {  	[tilespmem:s25], [sflag:$0x1] =	stream.indirect.gather [hbm4b:s4+s24], $0x40, s24, s24, $0xb8;
	[tilespmem:$0x1EA60] =	vst v63  }
0xb7: {  	s13 =	simm.s32 $0x100;
	p3 =	por @!p2 p4, p4;
	p4 =	por @!p0 $0x0, $0x0  }
0xb8: {  	[tilespmem:s28], [sflag:$0x1] =	stream.indirect.gather [hbm4b:s4+s24], $0x40, s13, s24, $0xb8;
	[tilespmem:$0x1EA60] =	vst v63  }
0xb9: {  	s14 =	simm.s32 $0x180;
	p3 =	por @!p0 p4, p4  }
0xba: {  	[tilespmem:s30], [sflag:$0x1] =	stream.indirect.gather [hbm4b:s4+s24], $0x40, s14, s24, $0xb8;
	[tilespmem:$0x1EA60] =	vst v63  }
.LBB2_4:
0xbb: {  	_ =	swait.ge [sflag:s23], $0x2000  }
0xbc: {  	[sflag:s23] =	ssyncset.done $0x0  }
0xbd: {  	[sflag:s23] =	ssyncadd.s32 $0xFFFFE000  }
0xbe: {  	_ =	swait.ge [sflag:s23], $0x2000  }
0xbf: {  	[sflag:s23] =	ssyncset.done $0x0  }
0xc0: {  	[sflag:s23] =	ssyncadd.s32 $0xFFFFE000  }
0xc1: {  	_ =	swait.ge [sflag:s23], $0x2000  }
0xc2: {  	[sflag:s23] =	ssyncset.done $0x0  }
0xc3: {  	[sflag:s23] =	ssyncadd.s32 $0xFFFFE000  }
0xc4: {  	_ =	swait.ge [sflag:s23], $0x2000  }
0xc5: {  	s13 =	sshra.s32 s5, $0x2;
	[sflag:s23] =	ssyncset.done $0x0  }
0xc6: {  	s14 =	sadd.s32 $0x2710, s13;
	[sflag:s23] =	ssyncadd.s32 $0xFFFFE000  }
0xc7: {  	[spmem:s2] =	stream.indirect.scatter.add.f32 [tilespmem:s21], [sflag:$0x2], $0x40, s14, s24, $0xb8;
	[tilespmem:$0x1EA60] =	vst v63  }
0xc8: {  	s14 =	sadd.s32 $0x2790, s13  }
0xc9: {  	[spmem:s2] =	stream.indirect.scatter.add.f32 [tilespmem:s25], [sflag:$0x2], $0x40, s14, s24, $0xb8;
	[tilespmem:$0x1EA60] =	vst v63  }
0xca: {  	s14 =	sadd.s32 $0x2810, s13  }
0xcb: {  	[spmem:s2] =	stream.indirect.scatter.add.f32 [tilespmem:s28], [sflag:$0x2], $0x40, s14, s24, $0xb8;
	[tilespmem:$0x1EA60] =	vst v63  }
0xcc: {  	p4 =	seq.s32 s5, $0x0;
	s14 =	sadd.s32 $0x2890, s13  }
0xcd: {  	[spmem:s2] =	stream.indirect.scatter.add.f32 [tilespmem:s30], [sflag:$0x2], $0x40, s14, s24, $0xb8;
	[tilespmem:$0x1EA60] =	vst v63  }
0xce: {  	s14 =	simm.s32 @!p4 $0x3  }
0xcf: {  	_ =	swait.ge @!p4 [sflag:s14], $0x2000  }
0xd0: {  	[sflag:s14] =	ssyncset.done @!p4 $0x0  }
0xd1: {  	[sflag:s14] =	ssyncadd.s32 @!p4 $0xFFFFE000  }
0xd2: {  	_ =	swait.ge @!p4 [sflag:s14], $0x2000  }
0xd3: {  	[sflag:s14] =	ssyncset.done @!p4 $0x0  }
0xd4: {  	[sflag:s14] =	ssyncadd.s32 @!p4 $0xFFFFE000  }
0xd5: {  	_ =	swait.ge @!p4 [sflag:s14], $0x2000  }
0xd6: {  	[sflag:s14] =	ssyncset.done @!p4 $0x0  }
0xd7: {  	[sflag:s14] =	ssyncadd.s32 @!p4 $0xFFFFE000  }
0xd8: {  	_ =	swait.ge @!p4 [sflag:s14], $0x2000  }
0xd9: {  	[sflag:s14] =	ssyncset.done @!p4 $0x0  }
0xda: {  	[sflag:s14] =	ssyncadd.s32 @!p4 $0xFFFFE000;
	s14 =	sadd.s32 $0x200, s13  }
0xdb: {  	[tilespmem:s31], [sflag:$0x1] =	stream.indirect.gather [hbm4b:s4+s24], $0x40, s14, s24, $0xb8;
	[tilespmem:$0x1EA60] =	vst v63  }
0xdc: {  	s14 =	sadd.s32 $0x280, s13  }
0xdd: {  	[tilespmem:s1], [sflag:$0x1] =	stream.indirect.gather [hbm4b:s4+s24], $0x40, s14, s24, $0xb8;
	[tilespmem:$0x1EA60] =	vst v63  }
0xde: {  	s14 =	sadd.s32 $0x300, s13  }
0xdf: {  	[tilespmem:s20], [sflag:$0x1] =	stream.indirect.gather [hbm4b:s4+s24], $0x40, s14, s24, $0xb8;
	[tilespmem:$0x1EA60] =	vst v63  }
0xe0: {  	s14 =	sadd.s32 $0x380, s13  }
0xe1: {  	[tilespmem:s26], [sflag:$0x1] =	stream.indirect.gather [hbm4b:s4+s24], $0x40, s14, s24, $0xb8;
	[tilespmem:$0x1EA60] =	vst v63  }
0xe2: {  	_ =	swait.ge [sflag:s23], $0x2000  }
0xe3: {  	[sflag:s23] =	ssyncset.done $0x0  }
0xe4: {  	[sflag:s23] =	ssyncadd.s32 $0xFFFFE000  }
0xe5: {  	_ =	swait.ge [sflag:s23], $0x2000  }
0xe6: {  	[sflag:s23] =	ssyncset.done $0x0  }
0xe7: {  	[sflag:s23] =	ssyncadd.s32 $0xFFFFE000  }
0xe8: {  	_ =	swait.ge [sflag:s23], $0x2000  }
0xe9: {  	[sflag:s23] =	ssyncset.done $0x0  }
0xea: {  	[sflag:s23] =	ssyncadd.s32 $0xFFFFE000  }
0xeb: {  	_ =	swait.ge [sflag:s23], $0x2000  }
0xec: {  	[sflag:s23] =	ssyncset.done $0x0  }
0xed: {  	s14 =	sadd.s32 $0x2910, s13;
	[sflag:s23] =	ssyncadd.s32 $0xFFFFE000  }
0xee: {  	[spmem:s2] =	stream.indirect.scatter.add.f32 [tilespmem:s31], [sflag:$0x3], $0x40, s14, s24, $0xb8;
	[tilespmem:$0x1EA60] =	vst v63  }
0xef: {  	s14 =	sadd.s32 $0x2990, s13  }
0xf0: {  	[spmem:s2] =	stream.indirect.scatter.add.f32 [tilespmem:s1], [sflag:$0x3], $0x40, s14, s24, $0xb8;
	[tilespmem:$0x1EA60] =	vst v63  }
0xf1: {  	s14 =	sadd.s32 $0x2A10, s13  }
0xf2: {  	[spmem:s2] =	stream.indirect.scatter.add.f32 [tilespmem:s20], [sflag:$0x3], $0x40, s14, s24, $0xb8;
	[tilespmem:$0x1EA60] =	vst v63  }
0xf3: {  	s14 =	sadd.s32 $0x2A90, s13  }
0xf4: {  	[spmem:s2] =	stream.indirect.scatter.add.f32 [tilespmem:s26], [sflag:$0x3], $0x40, s14, s24, $0xb8;
	[tilespmem:$0x1EA60] =	vst v63  }
0xf5: {  	_ =	swait.ge [sflag:s29], $0x2000  }
0xf6: {  	[sflag:s29] =	ssyncset.done $0x0  }
0xf7: {  	[sflag:s29] =	ssyncadd.s32 $0xFFFFE000  }
0xf8: {  	_ =	swait.ge [sflag:s29], $0x2000  }
0xf9: {  	[sflag:s29] =	ssyncset.done $0x0  }
0xfa: {  	[sflag:s29] =	ssyncadd.s32 $0xFFFFE000  }
0xfb: {  	p4 =	seq.s32 s5, $0x8000;
	_ =	swait.ge [sflag:s29], $0x2000  }
.Ltmp3:
0xfc: {  	[sflag:s29] =	ssyncset.done $0x0;
	(pc) =	sbr.rel @p4 .LBB2_6-.Ltmp3, $4  }
0xfd: {  	[sflag:s29] =	ssyncadd.s32 $0xFFFFE000  }
0xfe: {  	_ =	swait.ge [sflag:s29], $0x2000  }
0xff: {  	[sflag:s29] =	ssyncset.done $0x0  }
0x100: {  	[sflag:s29] =	ssyncadd.s32 $0xFFFFE000  }
0x101: {  	s14 =	sadd.s32 $0x400, s13  }
0x102: {  	[tilespmem:s21], [sflag:$0x1] =	stream.indirect.gather [hbm4b:s4+s24], $0x40, s14, s24, $0xb8;
	[tilespmem:$0x1EA60] =	vst v63  }
0x103: {  	s14 =	sadd.s32 $0x480, s13  }
0x104: {  	[tilespmem:s25], [sflag:$0x1] =	stream.indirect.gather [hbm4b:s4+s24], $0x40, s14, s24, $0xb8;
	[tilespmem:$0x1EA60] =	vst v63  }
.Ltmp4:
0x105: {  	_ = 	snop;
	(pc) =	sbr.rel .LBB2_4-.Ltmp4, $4  }
0x106: {  	s14 =	sadd.s32 $0x500, s13  }
0x107: {  	[tilespmem:s28], [sflag:$0x1] =	stream.indirect.gather [hbm4b:s4+s24], $0x40, s14, s24, $0xb8;
	[tilespmem:$0x1EA60] =	vst v63  }
0x108: {  	s5 =	sadd.s32 $0x1000, s5;
	s14 =	sadd.s32 $0x580, s13  }
0x109: {  	[tilespmem:s30], [sflag:$0x1] =	stream.indirect.gather [hbm4b:s4+s24], $0x40, s14, s24, $0xb8;
	[tilespmem:$0x1EA60] =	vst v63  }
.LBB2_7:
0x10a: {  	_ =	sfence.sel $0x180000  }
0x10b: {  	[bflag:$0x0] =	sbarrier.arrive $0xFFFF  }
0x10c: {  	_ =	strace $0x9000004D  }
0x10d: {  	s0 =	stileid.u32;
	[bflag:$0x2] =	sbarrier.arrive $0xFFFF  }
0x10e: {  	p0 =	sne.s32 s0, $0x0;
	s0 =	rddreg [dreg:$0x3]  }
0x10f: {  	s0 =	sadd.s32 @!p0 $0x100000, s0  }
0x110: {  	[sflag:s0] =	ssyncadd.tile.s32 @!p0 $0x1;
	_ =	shalt  }
.Lfunc_end2:
_tile_overlayer_lowered:
.L_overlay_start_2:
0x111: {  	(tag) =	ssettag $0x2  }
0x112: {  	s0 =	rddreg [dreg:$0x0];
	s2 =	stileid.u32  }
0x113: {  	s1 =	rddreg [dreg:$0x1];
	p0 =	sne.s32 s2, $0x0  }
0x114: {  	s3 =	rddreg [dreg:$0x2];
	[bflag:$0x3] =	sbarrier.arrive $0xFFFF;
	s2 =	simm.s32 @!p0 $0x1C04  }
0x115: {  	[timem:s3], [sflag:s2] =	dma.local @!p0 [hbm:s0], s1  }
0x116: {  	s0 =	simm.s32 @!p0 $0x4  }
0x117: {  	_ =	swait.ge @!p0 [sflag:s0], s1  }
0x118: {  	s1 =	ssub.s32 @!p0 $0x0, s1;
	[sflag:s0] =	ssyncset.done @!p0 $0x0  }
0x119: {  	[sflag:s0] =	ssyncadd.s32 @!p0 s1  }
0x11a: {  	[bflag:$0x3] =	sbarrier.arrive $0xFFFF  }
0x11b: {  	_ =	shalt  }

// kernel: kernel.8.cloned.1.call-start
scs
__scs_entry_jumppad:
0x0: {  	(pc) =	sbr.rel $0x88, $3  }
0x1: {  	(tag) =	ssettag $0x0;
	lr =	simm.s32 $0x1  }
0x2: {  	[smem:$0x3F95] =	sst lr;
	_ =	strace $0xD0000000  }
0x3: {  	_ = 	snop  }
0x4: {  	_ = 	snop  }
0x5: {  	_ = 	snop  }
0x6: {  	_ = 	snop  }
0x7: {  	_ = 	snop  }
__scs_overlays_trampoline_lowered:
0x8: {  	[smem:$0x3FA4] =	sst s0  }
0x9: {  	[smem:$0x3FA5] =	sst s1  }
0xa: {  	[smem:$0x3FA6] =	sst s2  }
0xb: {  	[smem:$0x3FA7] =	sst s3  }
0xc: {  	[smem:$0x3FA8] =	sst s4  }
0xd: {  	[smem:$0x3FA9] =	sst s5  }
0xe: {  	[smem:$0x3FAA] =	sst s6  }
0xf: {  	[smem:$0x3FAB] =	sst s7  }
0x10: {  	[smem:$0x3FAC] =	sst s8  }
0x11: {  	[smem:$0x3FAD] =	sst s9;
	s0 =	simm.s32 @!p0 $0x0  }
0x12: {  	s1 =	sld [smem:$0x3F93];
	s0 =	simm.s32 @p0 $0x1  }
0x13: {  	[smem:$0x3FAE] =	sst s0;
	s0 =	simm.s32 @!p1 $0x0  }
0x14: {  	s2 =	sld [smem:$0x3F92];
	s0 =	simm.s32 @p1 $0x1  }
0x15: {  	[smem:$0x3FAF] =	sst s0;
	s0 =	simm.s32 @!p2 $0x0  }
0x16: {  	s3 =	sld [smem:$0x3FDB];
	s0 =	simm.s32 @p2 $0x1  }
0x17: {  	s4 =	simm.s32 $0x1BF5;
	[smem:$0x3FB1] =	sst s0  }
0x18: {  	s0 =	sld [smem:$0x3F94];
	_ =	swait.ge [sflag:s4], $0x0  }
0x19: {  	s7 =	sld [smem:$0x3F95]  }
0x1a: {  	s8 =	sadd.s32 $0xFFFFE003, lr  }
0x1b: {  	s9 =	sadd.s32 $0xFFFFFEF7, lr;
	s5 =	simm.s32 $0xFFFFFFFF;
	p2 =	slt.u32 s8, $0xFFFFF086  }
0x1c: {  	p1 =	slt.u32 s9, $0xF7A;
	s5 =	simm.s32 @!p2 $0x0  }
0x1d: {  	s5 =	simm.s32 @p1 $0x1;
	p0 =	seq.s32 s7, s2  }
0x1e: {  	s7 =	smul.u32 @!p0 $0xF7A, s2;
	p2 =	seq.s32 @!p0 s5, $0x0  }
0x1f: {  	s9 =	smul.u32 $0xF7A, s1;
	s8 =	simm.s32 @!p0 $0x1BF5;
	p2 =	por !p2, p0  }
0x20: {  	[sflag:s8] =	ssyncset.s32 @!p0 $0xFFFFF086;
	s6 =	sadd.s32 @!p0 s3, s7;
	s7 =	simm.s32 @!p0 $0x108  }
0x21: {  	s3 =	sadd.s32 s3, s9;
	s6 =	sadd.s32 @!p0 $0x88, s6;
	s7 =	simm.s32 @p2 $0x1082  }
0x22: {  	[simem:s7], [sflag:s8] =	dma.local @!p0 [hbm:s6], $0xF7A  }
0x23: {  	s9 =	sor.u32 $0xD0000000, s2;
	s6 =	simm.s32 $0x108;
	_ =	swait.ge @!p0 [sflag:s8], $0x0  }
0x24: {  	s3 =	sadd.s32 $0x88, s3;
	s6 =	simm.s32 @!p1 $0x1082;
	[sflag:s4] =	ssyncset.s32 $0xFFFFF086  }
0x25: {  	[simem:s6], [sflag:s4] =	dma.local [hbm:s3], $0xF7A  }
0x26: {  	[smem:$0x3F95] =	sst s1;
	(tag) =	ssettag s2;
	_ =	strace s9  }
0x27: {  	s1 =	sld [smem:$0x3FA5]  }
0x28: {  	s2 =	sld [smem:$0x3FA6]  }
0x29: {  	s4 =	sld [smem:$0x3FA8]  }
0x2a: {  	p0 =	seq.s32 s5, $0x0;
	s5 =	sld [smem:$0x3FA9]  }
0x2b: {  	s6 =	sld [smem:$0x3FAA]  }
0x2c: {  	s7 =	sld [smem:$0x3FAB]  }
0x2d: {  	s3 =	simm.s32 $0x108;
	s8 =	sld [smem:$0x3FAC]  }
0x2e: {  	s3 =	simm.s32 @!p0 $0x1082;
	s9 =	sld [smem:$0x3FAD]  }
0x2f: {  	lr =	sadd.s32 s0, s3;
	s0 =	sld [smem:$0x3FA4]  }
0x30: {  	s3 =	sld [smem:$0x3FA7]  }
0x31: {  	[smem:$0x3FB0] =	sst s10  }
0x32: {  	s10 =	sld [smem:$0x3FAE];
	_ =	sdelay $0x3  }
0x33: {  	p0 =	seq.s32 s10, $0x1;
	s10 =	sld [smem:$0x3FB0];
	_ =	sdelay $0x3  }
0x34: {  	[smem:$0x3FB0] =	sst s10  }
0x35: {  	s10 =	sld [smem:$0x3FAF];
	_ =	sdelay $0x3  }
0x36: {  	p1 =	seq.s32 s10, $0x1;
	s10 =	sld [smem:$0x3FB0];
	_ =	sdelay $0x3  }
0x37: {  	[smem:$0x3FB0] =	sst s10  }
0x38: {  	s10 =	sld [smem:$0x3FB1]  }
0x39: {  	_ = 	snop;
	(pc) =	sbr.ind lr, $3  }
0x3a: {  	_ = 	snop  }
0x3b: {  	_ = 	snop  }
0x3c: {  	p2 =	seq.s32 s10, $0x1;
	s10 =	sld [smem:$0x3FB0]  }
0x3d: {  	_ =	shalt  }
0x3e: {  	_ =	shalt  }
0x3f: {  	_ =	shalt  }
0x40: {  	_ =	shalt  }
0x41: {  	_ =	shalt  }
0x42: {  	_ =	shalt  }
0x43: {  	_ =	shalt  }
0x44: {  	_ =	shalt  }
0x45: {  	_ =	shalt  }
0x46: {  	_ =	shalt  }
0x47: {  	_ =	shalt  }
0x48: {  	_ =	shalt  }
0x49: {  	_ =	shalt  }
0x4a: {  	_ =	shalt  }
0x4b: {  	_ =	shalt  }
0x4c: {  	_ =	shalt  }
0x4d: {  	_ =	shalt  }
0x4e: {  	_ =	shalt  }
0x4f: {  	_ =	shalt  }
0x50: {  	_ =	shalt  }
0x51: {  	_ =	shalt  }
0x52: {  	_ =	shalt  }
0x53: {  	_ =	shalt  }
0x54: {  	_ =	shalt  }
0x55: {  	_ =	shalt  }
0x56: {  	_ =	shalt  }
0x57: {  	_ =	shalt  }
0x58: {  	_ =	shalt  }
0x59: {  	_ =	shalt  }
0x5a: {  	_ =	shalt  }
0x5b: {  	_ =	shalt  }
0x5c: {  	_ =	shalt  }
0x5d: {  	_ =	shalt  }
0x5e: {  	_ =	shalt  }
0x5f: {  	_ =	shalt  }
0x60: {  	_ =	shalt  }
0x61: {  	_ =	shalt  }
0x62: {  	_ =	shalt  }
0x63: {  	_ =	shalt  }
0x64: {  	_ =	shalt  }
0x65: {  	_ =	shalt  }
0x66: {  	_ =	shalt  }
0x67: {  	_ =	shalt  }
0x68: {  	_ =	shalt  }
0x69: {  	_ =	shalt  }
0x6a: {  	_ =	shalt  }
0x6b: {  	_ =	shalt  }
0x6c: {  	_ =	shalt  }
0x6d: {  	_ =	shalt  }
0x6e: {  	_ =	shalt  }
0x6f: {  	_ =	shalt  }
0x70: {  	_ =	shalt  }
0x71: {  	_ =	shalt  }
0x72: {  	_ =	shalt  }
0x73: {  	_ =	shalt  }
0x74: {  	_ =	shalt  }
0x75: {  	_ =	shalt  }
0x76: {  	_ =	shalt  }
0x77: {  	_ =	shalt  }
0x78: {  	_ =	shalt  }
0x79: {  	_ =	shalt  }
0x7a: {  	_ =	shalt  }
0x7b: {  	_ =	shalt  }
0x7c: {  	_ =	shalt  }
0x7d: {  	_ =	shalt  }
0x7e: {  	_ =	shalt  }
0x7f: {  	_ =	shalt  }
0x80: {  	_ =	shalt  }
0x81: {  	_ =	shalt  }
0x82: {  	_ =	shalt  }
0x83: {  	_ =	shalt  }
0x84: {  	_ =	shalt  }
0x85: {  	_ =	shalt  }
0x86: {  	_ =	shalt  }
0x87: {  	_ =	shalt  }
.Lfunc_end0:
.L_simem_size_0:
called_computation_lowered:
.L_overlay_start_0:
0x88: {  	s2 =	sld [smem:$0x3FD9]  }
0x89: {  	s3 =	sld [smem:$0x3FFE];
	_ =	sdelay $0x1  }
0x8a: {  	s1 =	srdreg.scid  }
0x8b: {  	s0 =	sand.u32 $0x1, s1  }
0x8c: {  	s14 =	sshll.u32 s0, $0xA;
	s2 =	sadd.s32 s3, s2  }
0x8d: {  	s2 =	sadd.s32 s2, s14  }
0x8e: {  	[smem:$0x3FBC] =	sst s2  }
0x8f: {  	_ = 	snop  }
0x90: {  	s2 =	sld [smem:$0x3FD0];
	_ =	sdelay $0x2  }
0x91: {  	s15 =	simm.s32 $0xA;
	s4 =	simm.s32 $0x10  }
0x92: {  	[smem:s4], [sflag:s15] =	dma.local [hbm:s2], $0x1  }
0x93: {  	_ =	swait.eq [sflag:s15], $0x1  }
0x94: {  	[sflag:s15] =	ssyncset.done $0x0  }
0x95: {  	[sflag:s15] =	ssyncadd.s32 $0xFFFFFFFF  }
0x96: {  	s16 =	sld [smem:$0x11];
	(tm) =	ssettm $0x1  }
0x97: {  	s17 =	sld [smem:$0x3FFB];
	_ =	sdelay $0x3  }
0x98: {  	_ =	strace s17  }
0x99: {  	s3 =	sld [smem:$0x3FFC];
	_ =	sdelay $0x3  }
0x9a: {  	_ =	strace s3  }
0x9b: {  	s3 =	sld [smem:$0x3FFD];
	_ =	sdelay $0x3  }
0x9c: {  	_ =	strace s3  }
0x9d: {  	_ =	strace $0x8FFFFFFF  }
0x9e: {  	s18 =	sld [smem:$0x3FDB];
	_ =	sdelay $0x1  }
0x9f: {  	s19 =	simm.s32 $_scs_section_size  }
0xa0: {  	s5 =	simm.s32 $_size__tile_overlayer_lowered;
	s6 =	simm.s32 $_tile_overlayer_lowered  }
0xa1: {  	s22 =	simm.s32 $0x1BFF;
	s21 =	sshll.u32 s6, $0x1;
	s3 =	sadd.s32 s19, s18  }
0xa2: {  	s7 =	simm.s32 $0x0;
	s20 =	sshll.u32 s5, $0x1;
	s5 =	sadd.s32 s21, s3  }
0xa3: {  	[timem:s7], [sflag:s22] =	dma.local [hbm:s5], s20  }
0xa4: {  	_ =	swait.ge [sflag:s22], s20  }
0xa5: {  	s4 =	ssub.s32 $0x0, s20;
	[sflag:s22] =	ssyncset.done $0x0  }
0xa6: {  	[sflag:s22] =	ssyncadd.s32 s4;
	_ =	sdelay $0x1  }
0xa7: {  	s23 =	simm.s32 $0x1B8B  }
0xa8: {  	_ =	swait.ge [sflag:s23], $0x1  }
0xa9: {  	[sflag:s23] =	ssyncset.done $0x0  }
0xaa: {  	s25 =	simm.s32 $0x1B8E;
	s24 =	sld [smem:$0x3FFE];
	[sflag:s23] =	ssyncadd.s32 $0xFFFFFFFF  }
0xab: {  	s26 =	simm.s32 $execute0_lowered;
	[smem:$0x3FD2] =	sst s25  }
0xac: {  	s5 =	sshll.u32 s26, $0x1;
	_ =	strace $0x80000046;
	[dreg:$0x1] =	wrdreg $0xFFFFFFFF  }
0xad: {  	s28 =	simm.s32 $_size_execute0_lowered;
	s3 =	sadd.s32 s3, s5;
	[dreg:$0x0] =	wrdreg $0x0  }
0xae: {  	s5 =	sshll.u32 s28, $0x1;
	[dreg:$0x2] =	wrdreg s3  }
0xaf: {  	[dreg:$0x3] =	wrdreg s5  }
0xb0: {  	[dreg:$0x4] =	wrdreg $0xC0  }
0xb1: {  	_ =	task [dreg:s7], $0x5FFFF  }
0xb2: {  	[dreg:$0x1] =	wrdreg $0xFFFFFFFF  }
0xb3: {  	[dreg:$0x0] =	wrdreg $0x60  }
0xb4: {  	[dreg:$0x2] =	wrdreg s16  }
0xb5: {  	[dreg:$0x3] =	wrdreg s24  }
0xb6: {  	[dreg:$0x4] =	wrdreg $0x9  }
0xb7: {  	_ =	task.clear_ibuf [dreg:s7], $0x5FFFF;
	_ =	strace $0x90000046  }
0xb8: {  	s29 =	simm.s32 $0x9;
	_ =	strace $0x80000048  }
0xb9: {  	_ =	swait.ge [sflag:s29], $0x1  }
0xba: {  	[sflag:s29] =	ssyncadd.s32 $0xFFFFFFFF  }
0xbb: {  	_ =	strace $0x90000048  }
0xbc: {  	_ =	sfence  }
0xbd: {  	s30 =	sld [smem:$0x0];
	_ =	sdelay $0x2  }
0xbe: {  	s31 =	sshll.u32 s1, $0xD;
	s1 =	sshrl.u32 s1, $0x2  }
0xbf: {  	s3 =	sand.u32 $0x4000, s31;
	s1 =	sadd.s32 s1, s30  }
0xc0: {  	s0 =	sor.u32 s3, s0;
	s1 =	sshll.u32 s1, $0x11  }
0xc1: {  	s0 =	sor.u32 s1, s0  }
0xc2: {  	s0 =	sadd.s32 $0x8F2B, s0  }
0xc3: {  	[sflag:s0] =	ssyncadd.remote.s32 $0x1  }
0xc4: {  	_ =	sfence.sel $0xFFFF  }
0xc5: {  	[dreg:$0x0] =	wrdreg $0xFFFFFFFF;
	(pc) =	sbr.abs _section_cstart, $3  }
0xc6: {  	[dreg:$0x1] =	wrdreg $0xFFFFFFFF  }
0xc7: {  	_ =	task.clear_ibuf [dreg:s7], $0x2FFFF;
	_ =	strace $0x9FFFFFFF  }
0xc8: {  	(tm) =	ssettm $0x7FFFFFFF  }
0xc9: {  	_ =	shalt  }
tec
execute0_lowered:
.L_overlay_start_1:
0x0: {  	(tag) =	ssettag $0x1  }
0x1: {  	s1 =	srdreg.scid  }
0x2: {  	s0 =	stileid.u32;
	s3 =	rddreg [dreg:$0x0]  }
0x3: {  	s5 =	rddreg [dreg:$0x1];
	s2 =	simm.s32 $0x0;
	s8 =	simm.s32 $0x2  }
0x4: {  	s9 =	simm.s32 $0x0;
	s4 =	sand.u32 $0x1, s1;
	s30 =	sshll.u32 s0, $0x1  }
0x5: {  	s1 =	rddreg [dreg:$0x2];
	s6 =	sor.u32 s4, s30;
	s4 =	ssub.s32 $0x2, s4  }
0x6: {  	[smem:$0x7FF] =	sst s2;
	s6 =	smul.u32 $0x4E2, s6;
	s7 =	sshrl.u32 s4, $0x1  }
0x7: {  	_ =	strace $0x80000047;
	s31 =	ssub.s32 s4, s7;
	s7 =	simm.s32 $0x1  }
0x8: {  	s3 =	sadd.s32 s6, s3;
	s5 =	sadd.s32 s6, s5;
	s6 =	simm.s32 $0x2710  }
0x9: {  	v0 =	vimm.f32 $0.0e+00;
	v1 =	vimm.f32 $1.000000000e+00;
	s3 =	sadd.s32 $0x9C40, s3;
	s4 =	sadd.s32 $0x3600, s5;
	s5 =	smax.u32 s31, $0x1  }
.LBB2_1:
0xa: {  	[tilespmem:s6], [sflag:$0x1] =	stream.linear.gather [hbm4b:s3+s2], $0x2710, $0x38;
	[tilespmem:$0x4E20] =	vst v63  }
0xb: {  	s10 =	simm.s32 $0x40;
	s11 =	simm.s32 $0x0  }
.LBB2_2:
0xc: {  	p0 =	sne.s32 s10, $0x9C00;
	[tilespmem:s11+$0x0] =	vst v0;
	s11 =	smov.u32 s10;
	s10 =	sadd.s32 $0x40, s10  }
.Ltmp0:
0xd: {  	(pc) =	sbr.rel @p0 .LBB2_2-.Ltmp0, $2  }
0xe: {  	_ =	sdelay $0x2  }
0xf: {  	s11 =	sshra.s32 s11, $0x2  }
0x10: {  	[tilespmem:s11+$0x0] =	vst v0  }
0x11: {  	_ =	swait.ge [sflag:s7], $0x2710  }
0x12: {  	[sflag:s7] =	ssyncset.done $0x0  }
0x13: {  	s10 =	simm.s32 $0x0;
	[sflag:s7] =	ssyncadd.s32 $0xFFFFD8F0  }
.LBB2_4:
0x14: {  	s11 =	sshra.s32 s10, $0x2  }
0x15: {  	v2 =	vld [tilespmem:s11+$0x2710];
	_ =	sdelay $0x7  }
0x16: {  	[tilespmem:v2+s2+$0x0] =	vst.idx.add.f32.msk $0xffff, v1  }
0x17: {  	v2 =	vld [tilespmem:s11+$0x2720];
	_ =	sdelay $0x7  }
0x18: {  	[tilespmem:v2+s2+$0x0] =	vst.idx.add.f32.msk $0xffff, v1  }
0x19: {  	v2 =	vld [tilespmem:s11+$0x2730];
	_ =	sdelay $0x7  }
0x1a: {  	[tilespmem:v2+s2+$0x0] =	vst.idx.add.f32.msk $0xffff, v1  }
0x1b: {  	v2 =	vld [tilespmem:s11+$0x2740];
	_ =	sdelay $0x7  }
0x1c: {  	[tilespmem:v2+s2+$0x0] =	vst.idx.add.f32.msk $0xffff, v1  }
0x1d: {  	v2 =	vld [tilespmem:s11+$0x2750];
	_ =	sdelay $0x7  }
0x1e: {  	[tilespmem:v2+s2+$0x0] =	vst.idx.add.f32.msk $0xffff, v1  }
0x1f: {  	v2 =	vld [tilespmem:s11+$0x2760];
	_ =	sdelay $0x7  }
0x20: {  	[tilespmem:v2+s2+$0x0] =	vst.idx.add.f32.msk $0xffff, v1  }
0x21: {  	v2 =	vld [tilespmem:s11+$0x2770];
	_ =	sdelay $0x7  }
0x22: {  	[tilespmem:v2+s2+$0x0] =	vst.idx.add.f32.msk $0xffff, v1  }
0x23: {  	v2 =	vld [tilespmem:s11+$0x2780];
	_ =	sdelay $0x7  }
0x24: {  	[tilespmem:v2+s2+$0x0] =	vst.idx.add.f32.msk $0xffff, v1  }
0x25: {  	v2 =	vld [tilespmem:s11+$0x2790];
	_ =	sdelay $0x7  }
0x26: {  	[tilespmem:v2+s2+$0x0] =	vst.idx.add.f32.msk $0xffff, v1  }
0x27: {  	v2 =	vld [tilespmem:s11+$0x27A0];
	_ =	sdelay $0x7  }
0x28: {  	[tilespmem:v2+s2+$0x0] =	vst.idx.add.f32.msk $0xffff, v1  }
0x29: {  	v2 =	vld [tilespmem:s11+$0x27B0];
	_ =	sdelay $0x7  }
0x2a: {  	[tilespmem:v2+s2+$0x0] =	vst.idx.add.f32.msk $0xffff, v1  }
0x2b: {  	v2 =	vld [tilespmem:s11+$0x27C0];
	_ =	sdelay $0x7  }
0x2c: {  	[tilespmem:v2+s2+$0x0] =	vst.idx.add.f32.msk $0xffff, v1  }
0x2d: {  	v2 =	vld [tilespmem:s11+$0x27D0];
	_ =	sdelay $0x7  }
0x2e: {  	[tilespmem:v2+s2+$0x0] =	vst.idx.add.f32.msk $0xffff, v1  }
0x2f: {  	v2 =	vld [tilespmem:s11+$0x27E0];
	_ =	sdelay $0x7  }
0x30: {  	[tilespmem:v2+s2+$0x0] =	vst.idx.add.f32.msk $0xffff, v1  }
0x31: {  	v2 =	vld [tilespmem:s11+$0x27F0];
	_ =	sdelay $0x7  }
0x32: {  	[tilespmem:v2+s2+$0x0] =	vst.idx.add.f32.msk $0xffff, v1  }
0x33: {  	v2 =	vld [tilespmem:s11+$0x2800];
	_ =	sdelay $0x7  }
0x34: {  	[tilespmem:v2+s2+$0x0] =	vst.idx.add.f32.msk $0xffff, v1  }
0x35: {  	v2 =	vld [tilespmem:s11+$0x2810];
	_ =	sdelay $0x7  }
0x36: {  	[tilespmem:v2+s2+$0x0] =	vst.idx.add.f32.msk $0xffff, v1  }
0x37: {  	v2 =	vld [tilespmem:s11+$0x2820];
	_ =	sdelay $0x7  }
0x38: {  	[tilespmem:v2+s2+$0x0] =	vst.idx.add.f32.msk $0xffff, v1  }
0x39: {  	v2 =	vld [tilespmem:s11+$0x2830];
	_ =	sdelay $0x7  }
0x3a: {  	[tilespmem:v2+s2+$0x0] =	vst.idx.add.f32.msk $0xffff, v1  }
0x3b: {  	v2 =	vld [tilespmem:s11+$0x2840];
	_ =	sdelay $0x7  }
0x3c: {  	[tilespmem:v2+s2+$0x0] =	vst.idx.add.f32.msk $0xffff, v1  }
0x3d: {  	v2 =	vld [tilespmem:s11+$0x2850];
	_ =	sdelay $0x7  }
0x3e: {  	[tilespmem:v2+s2+$0x0] =	vst.idx.add.f32.msk $0xffff, v1  }
0x3f: {  	v2 =	vld [tilespmem:s11+$0x2860];
	_ =	sdelay $0x7  }
0x40: {  	[tilespmem:v2+s2+$0x0] =	vst.idx.add.f32.msk $0xffff, v1  }
0x41: {  	v2 =	vld [tilespmem:s11+$0x2870];
	_ =	sdelay $0x7  }
0x42: {  	[tilespmem:v2+s2+$0x0] =	vst.idx.add.f32.msk $0xffff, v1  }
0x43: {  	v2 =	vld [tilespmem:s11+$0x2880];
	_ =	sdelay $0x7  }
0x44: {  	[tilespmem:v2+s2+$0x0] =	vst.idx.add.f32.msk $0xffff, v1  }
0x45: {  	v2 =	vld [tilespmem:s11+$0x2890];
	_ =	sdelay $0x2  }
0x46: {  	p0 =	sne.s32 s10, $0x9600  }
.Ltmp1:
0x47: {  	_ = 	snop;
	(pc) =	sbr.rel @p0 .LBB2_4-.Ltmp1, $2  }
0x48: {  	_ =	sdelay $0x2  }
0x49: {  	s10 =	sadd.s32 $0x640, s10;
	[tilespmem:v2+s2+$0x0] =	vst.idx.add.f32.msk $0xffff, v1  }
0x4a: {  	s9 =	sadd.s32 $0x1, s9  }
0x4b: {  	p0 =	sne.s32 s9, s5  }
.Ltmp2:
0x4c: {  	_ = 	snop;
	(pc) =	sbr.rel @p0 .LBB2_1-.Ltmp2, $4  }
0x4d: {  	[hbm4b:s4+s2] =	stream.linear.scatter [tilespmem:s2], [sflag:$0x2], $0x2710, $0x38;
	[tilespmem:$0x4E20] =	vst v63  }
0x4e: {  	_ =	swait.ge [sflag:s8], $0x2710  }
0x4f: {  	[sflag:s8] =	ssyncset.done $0x0  }
0x50: {  	[sflag:s8] =	ssyncadd.s32 $0xFFFFD8F0  }
0x51: {  	_ =	sfence.sel $0x180000  }
0x52: {  	[bflag:$0x0] =	sbarrier.arrive $0xFFFF  }
0x53: {  	p0 =	sne.s32 s0, $0x0;
	_ =	strace $0x90000047  }
0x54: {  	s0 =	sadd.s32 @!p0 $0x100000, s1;
	[bflag:$0x2] =	sbarrier.arrive $0xFFFF  }
0x55: {  	[sflag:s0] =	ssyncadd.tile.s32 @!p0 $0x1;
	_ =	shalt  }
.Lfunc_end2:
_tile_overlayer_lowered:
.L_overlay_start_2:
0x56: {  	(tag) =	ssettag $0x2  }
0x57: {  	s0 =	rddreg [dreg:$0x0];
	s2 =	stileid.u32  }
0x58: {  	s1 =	rddreg [dreg:$0x1];
	p0 =	sne.s32 s2, $0x0  }
0x59: {  	s3 =	rddreg [dreg:$0x2];
	[bflag:$0x3] =	sbarrier.arrive $0xFFFF;
	s2 =	simm.s32 @!p0 $0x1C02  }
0x5a: {  	[timem:s3], [sflag:s2] =	dma.local @!p0 [hbm:s0], s1  }
0x5b: {  	s0 =	simm.s32 @!p0 $0x2  }
0x5c: {  	_ =	swait.ge @!p0 [sflag:s0], s1  }
0x5d: {  	s1 =	ssub.s32 @!p0 $0x0, s1;
	[sflag:s0] =	ssyncset.done @!p0 $0x0  }
0x5e: {  	[sflag:s0] =	ssyncadd.s32 @!p0 s1  }
0x5f: {  	[bflag:$0x3] =	sbarrier.arrive $0xFFFF  }
0x60: {  	_ =	shalt  }

</sc_bundles>
